<compile_context>
chip_gen: v7x
topology: tpu7x:2x2x1
jax: 0.10.2.dev20260603
libtpu: 0.0.44.dev20260713+nightly
codegen_flags: <defaults>
</compile_context>

<pallas_src>
import functools

import jax
import jax.numpy as jnp
from jax import lax
from jax.experimental import pallas as pl
from jax.experimental.pallas import tpu as pltpu
from jax.experimental.pallas import tpu_sc as plsc

NUM_ITEMS = 1000000
EMBED = 46
GENRE = 18
OUT_D = EMBED + GENRE
BATCH = 16384

_NC = 2
_NS = 16
_NW = _NC * _NS
_BPW = BATCH // _NW
_GRP = 8
_NPAIR = _BPW // (2 * _GRP)


def _body(idx_hbm, table_hbm, out_hbm, idx_v, buf_a, buf_b, out_v,
          sem_a, sem_b):
    wid = lax.axis_index("s") * _NC + lax.axis_index("c")
    base = pl.multiple_of(wid * _BPW, _BPW)

    pltpu.sync_copy(idx_hbm.at[pl.ds(base, _BPW)], idx_v)

    def issue(idx16, lane0, buf, sem):
        for k in range(_GRP):
            i = idx16[lane0 + k]
            t = pl.multiple_of((i // 8) * 8, 8)
            pltpu.async_copy(table_hbm.at[pl.ds(t, 8), :], buf.at[k], sem)

    def drain_consume(idx16, lane0, row0, buf, sem):
        for k in range(_GRP):
            pltpu.make_async_copy(table_hbm.at[pl.ds(0, 8), :], buf.at[k],
                                  sem).wait()
        z = jnp.zeros((16,), jnp.float32)
        for k in range(_GRP):
            i = idx16[lane0 + k]
            r = lax.rem(i, 8)
            g = row0 + k
            out_v[g, pl.ds(0, 16)] = buf[k, r, pl.ds(0, 16)]
            out_v[g, pl.ds(16, 16)] = buf[k, r, pl.ds(16, 16)]
            out_v[g, pl.ds(30, 16)] = buf[k, r, pl.ds(30, 16)]
            out_v[g, pl.ds(EMBED, 16)] = z
            out_v[g, pl.ds(OUT_D - 16, 16)] = z

    idx16_0 = idx_v[pl.ds(0, 16)]
    issue(idx16_0, 0, buf_a, sem_a)
    issue(idx16_0, _GRP, buf_b, sem_b)

    def pair(p, carry):
        row0 = p * 16
        idx16_cur = idx_v[pl.ds(row0, 16)]
        idx16_nxt = idx_v[pl.ds(row0 + 16, 16)]
        drain_consume(idx16_cur, 0, row0, buf_a, sem_a)
        issue(idx16_nxt, 0, buf_a, sem_a)
        drain_consume(idx16_cur, _GRP, row0 + _GRP, buf_b, sem_b)
        issue(idx16_nxt, _GRP, buf_b, sem_b)
        return carry

    lax.fori_loop(0, _NPAIR - 1, pair, 0)

    row0 = (_NPAIR - 1) * 16
    idx16_l = idx_v[pl.ds(row0, 16)]
    drain_consume(idx16_l, 0, row0, buf_a, sem_a)
    drain_consume(idx16_l, _GRP, row0 + _GRP, buf_b, sem_b)

    pltpu.sync_copy(out_v, out_hbm.at[pl.ds(base, _BPW), :])


@functools.partial(jax.jit)
def kernel(item_inputs, table):
    idx = item_inputs.astype(jnp.int32)
    run = pl.kernel(
        _body,
        out_type=jax.ShapeDtypeStruct((BATCH, OUT_D), jnp.float32),
        mesh=plsc.VectorSubcoreMesh(core_axis_name="c", subcore_axis_name="s"),
        scratch_types=[
            pltpu.VMEM((_BPW,), jnp.int32),
            pltpu.VMEM((_GRP, 8, EMBED), jnp.float32),
            pltpu.VMEM((_GRP, 8, EMBED), jnp.float32),
            pltpu.VMEM((_BPW, OUT_D), jnp.float32),
            pltpu.SemaphoreType.DMA,
            pltpu.SemaphoreType.DMA,
        ],
        compiler_params=pltpu.CompilerParams(use_tc_tiling_on_sc=True),
    )
    return run(idx, table)

# --- scband reference (transcript-rebuilt; emitter-appended) ---
"""Pipeline reference for scband-item-embedding-layer-48971217109156 (READ-ONLY COPY).

The authoritative reference and input builder live on the scoring server;
editing this copy changes nothing except your own understanding.
"""

import jax, jax.numpy as jnp
import numpy as np

NUM_ITEMS = 1000000
EMBED_DIM = 64
BATCH = 16384
GENRE_DIM = 18

def setup_inputs(seed: int = 0) -> dict:
    key = jax.random.key(seed)
    k1, k2 = jax.random.split(key)
    item_inputs = jax.random.randint(k1, (BATCH,), 0, NUM_ITEMS, dtype=jnp.int64 if jax.config.jax_enable_x64 else jnp.int32)
    # nn.Embedding(num_items, embedding_dim - 18) weight, default N(0,1) init
    table = jax.random.normal(k2, (NUM_ITEMS, EMBED_DIM - GENRE_DIM), dtype=jnp.float32)
    return {"item_inputs": item_inputs, "table": table}

def reference(item_inputs, table):
    # genres dict is empty -> all genre flags are 0 (the original loop writes 0 when
    # str(item_id) not in self.genres), so itemGenres is a zeros[B, 18] tensor.
    itemGenres = jnp.zeros((item_inputs.shape[0], GENRE_DIM), dtype=jnp.float32)
    # embedding lookup -> gather rows of the table
    item_embeds = jnp.take(table, item_inputs, axis=0)
    item_embedds = jnp.concatenate([item_embeds, itemGenres], axis=1)
    return item_embedds

if __name__ == "__main__":
    import jax
    _d = setup_inputs()
    print(jax.jit(kernel)(*tuple(_d.values())))

</pallas_src>

<mosaic_0001>
#map = affine_map<(d0, d1) -> (0)>
#map1 = affine_map<(d0, d1) -> (0, 0)>
module attributes {stable_mosaic.version = 14 : i64} {
  func.func @_body(%arg0: i32, %arg1: i32, %arg2: memref<16384xi32, #tpu.memory_space<hbm>>, %arg3: memref<1000000x46xf32, #tpu.memory_space<hbm>>, %arg4: memref<16384x64xf32, #tpu.memory_space<hbm>>, %arg5: memref<512xi32, #tpu.memory_space<vmem>>, %arg6: memref<8x8x46xf32, #tpu.memory_space<vmem>>, %arg7: memref<8x8x46xf32, #tpu.memory_space<vmem>>, %arg8: memref<512x64xf32, #tpu.memory_space<vmem>>, %arg9: memref<!tpu.dma_semaphore, #tpu.memory_space<semaphore_mem>>, %arg10: memref<!tpu.dma_semaphore, #tpu.memory_space<semaphore_mem>>) attributes {dimension_semantics = [#tpu.dimension_semantics<core_parallel>, #tpu.dimension_semantics<subcore_parallel>], iteration_bounds = array<i64: 2, 16>, scalar_prefetch = 0 : i64, scratch_operands = 6 : i64, tpu.core_type = #tpu.core_type<sc_vector_subcore>, window_params = [{transform_indices = #map}, {transform_indices = #map1}, {transform_indices = #map1}]} {
    %mul3A = arith.constant 2 : i32
    %mul3A_0 = arith.muli %arg1, %mul3A : i32
    %add3A = arith.addi %mul3A_0, %arg0 : i32
    %mul3A_1 = arith.constant 512 : i32
    %mul3A_2 = arith.muli %add3A, %mul3A_1 : i32
    %multiple_of3A = tpu.assume_multiple %mul3A_2, 512 : i32
    "tpu.region"() ({
      %run_scoped3A = tpu.sem_alloc : memref<!tpu.dma_semaphore, #tpu.memory_space<semaphore_mem>>
      %dma_start3A_1747 = tpu.memref_slice %arg2[%multiple_of3A] : memref<16384xi32, #tpu.memory_space<hbm>> -> memref<512xi32, #tpu.memory_space<hbm>>
      %dma_start3A_1748 = tpu.memref_slice %arg2[%multiple_of3A] : memref<16384xi32, #tpu.memory_space<hbm>> -> memref<512xi32, #tpu.memory_space<hbm>>
      tpu.enqueue_dma source(%dma_start3A_1748 : memref<512xi32, #tpu.memory_space<hbm>>) target(%arg5 : memref<512xi32, #tpu.memory_space<vmem>>) target_semaphore(%run_scoped3A : memref<!tpu.dma_semaphore, #tpu.memory_space<semaphore_mem>>)
      %dma_wait3A_1749 = tpu.memref_slice %arg2[%multiple_of3A] : memref<16384xi32, #tpu.memory_space<hbm>> -> memref<512xi32, #tpu.memory_space<hbm>>
      %dma_wait3A_1750 = tpu.memref_slice %arg2[%multiple_of3A] : memref<16384xi32, #tpu.memory_space<hbm>> -> memref<512xi32, #tpu.memory_space<hbm>>
      tpu.wait_dma2 semaphore(%run_scoped3A : memref<!tpu.dma_semaphore, #tpu.memory_space<semaphore_mem>>) src(%dma_wait3A_1750 : memref<512xi32, #tpu.memory_space<hbm>>) dst(%arg5 : memref<512xi32, #tpu.memory_space<vmem>>)
      tpu.yield
    }) : () -> ()
    %get3A = arith.constant 0 : index
    %get3A_3 = tpu.vector_load %arg5[%get3A] {strides = array<i32>} : memref<512xi32, #tpu.memory_space<vmem>>, vector<16xi32>,
    %get3A_4 = vector.shape_cast %get3A_3 : vector<16xi32> to vector<16xi32>
    %slice3A = vector.extract_strided_slice %get3A_4 {offsets = [0], sizes = [1], strides = [1]} : vector<16xi32> to vector<1xi32>
    %squeeze3A = vector.extract %slice3A[0] : i32 from vector<1xi32>
    %jit3A = arith.constant 8 : i32
    %div3A = arith.divsi %squeeze3A, %jit3A : i32
    %sign3A = arith.constant 0 : i32
    %sign3A_5 = arith.cmpi sgt, %squeeze3A, %sign3A : i32
    %sign3A_6 = arith.extui %sign3A_5 : i1 to i32
    %sign3A_7 = arith.constant 0 : i32
    %sign3A_8 = arith.cmpi slt, %squeeze3A, %sign3A_7 : i32
    %sign3A_9 = arith.extui %sign3A_8 : i1 to i32
    %sign3A_10 = arith.subi %sign3A_6, %sign3A_9 : i32
    %sign3A_11 = arith.constant 0 : i32
    %sign3A_12 = arith.cmpi sgt, %jit3A, %sign3A_11 : i32
    %sign3A_13 = arith.extui %sign3A_12 : i1 to i32
    %sign3A_14 = arith.constant 0 : i32
    %sign3A_15 = arith.cmpi slt, %jit3A, %sign3A_14 : i32
    %sign3A_16 = arith.extui %sign3A_15 : i1 to i32
    %sign3A_17 = arith.subi %sign3A_13, %sign3A_16 : i32
    %ne3A = arith.cmpi ne, %sign3A_10, %sign3A_17 : i32
    %rem3A = arith.remsi %squeeze3A, %jit3A : i32
    %ne3A_18 = arith.constant 0 : i32
    %ne3A_19 = arith.cmpi ne, %rem3A, %ne3A_18 : i32
    %and3A = arith.andi %ne3A, %ne3A_19 : i1
    %sub3A = arith.constant 1 : i32
    %sub3A_20 = arith.subi %div3A, %sub3A : i32
    %select_n3A = arith.select %and3A, %sub3A_20, %div3A : i32
    %mul3A_21 = arith.constant 8 : i32
    %mul3A_22 = arith.muli %select_n3A, %mul3A_21 : i32
    %multiple_of3A_23 = tpu.assume_multiple %mul3A_22, 8 : i32
    %dma_start3A = arith.constant 0 : i32
    %dma_start3A_24 = arith.constant 0 : i32
    %dma_start3A_25 = arith.constant 0 : i32
    %dma_start3A_26 = tpu.memref_slice %arg6[%dma_start3A, %dma_start3A_24, %dma_start3A_25] : memref<8x8x46xf32, #tpu.memory_space<vmem>> -> memref<1x8x46xf32, #tpu.memory_space<vmem>>
    %dma_start3A_27 = tpu.memref_squeeze %dma_start3A_26 : memref<1x8x46xf32, #tpu.memory_space<vmem>> -> memref<8x46xf32, #tpu.memory_space<vmem>>
    %dma_start3A_28 = arith.constant 0 : i32
    %dma_start3A_29 = tpu.memref_slice %arg3[%multiple_of3A_23, %dma_start3A_28] : memref<1000000x46xf32, #tpu.memory_space<hbm>> -> memref<8x46xf32, #tpu.memory_space<hbm>>
    %dma_start3A_30 = arith.constant 0 : i32
    %dma_start3A_31 = arith.constant 0 : i32
    %dma_start3A_32 = tpu.memref_slice %arg6[%dma_start3A, %dma_start3A_30, %dma_start3A_31] : memref<8x8x46xf32, #tpu.memory_space<vmem>> -> memref<1x8x46xf32, #tpu.memory_space<vmem>>
    %dma_start3A_33 = tpu.memref_squeeze %dma_start3A_32 : memref<1x8x46xf32, #tpu.memory_space<vmem>> -> memref<8x46xf32, #tpu.memory_space<vmem>>
    %dma_start3A_34 = arith.constant 0 : i32
    %dma_start3A_35 = tpu.memref_slice %arg3[%multiple_of3A_23, %dma_start3A_34] : memref<1000000x46xf32, #tpu.memory_space<hbm>> -> memref<8x46xf32, #tpu.memory_space<hbm>>
    tpu.enqueue_dma source(%dma_start3A_35 : memref<8x46xf32, #tpu.memory_space<hbm>>) target(%dma_start3A_33 : memref<8x46xf32, #tpu.memory_space<vmem>>) target_semaphore(%arg9 : memref<!tpu.dma_semaphore, #tpu.memory_space<semaphore_mem>>)
    %slice3A_36 = vector.extract_strided_slice %get3A_4 {offsets = [1], sizes = [1], strides = [1]} : vector<16xi32> to vector<1xi32>
    %squeeze3A_37 = vector.extract %slice3A_36[0] : i32 from vector<1xi32>
    %jit3A_38 = arith.constant 8 : i32
    %div3A_39 = arith.divsi %squeeze3A_37, %jit3A_38 : i32
    %sign3A_40 = arith.constant 0 : i32
    %sign3A_41 = arith.cmpi sgt, %squeeze3A_37, %sign3A_40 : i32
    %sign3A_42 = arith.extui %sign3A_41 : i1 to i32
    %sign3A_43 = arith.constant 0 : i32
    %sign3A_44 = arith.cmpi slt, %squeeze3A_37, %sign3A_43 : i32
    %sign3A_45 = arith.extui %sign3A_44 : i1 to i32
    %sign3A_46 = arith.subi %sign3A_42, %sign3A_45 : i32
    %sign3A_47 = arith.constant 0 : i32
    %sign3A_48 = arith.cmpi sgt, %jit3A_38, %sign3A_47 : i32
    %sign3A_49 = arith.extui %sign3A_48 : i1 to i32
    %sign3A_50 = arith.constant 0 : i32
    %sign3A_51 = arith.cmpi slt, %jit3A_38, %sign3A_50 : i32
    %sign3A_52 = arith.extui %sign3A_51 : i1 to i32
    %sign3A_53 = arith.subi %sign3A_49, %sign3A_52 : i32
    %ne3A_54 = arith.cmpi ne, %sign3A_46, %sign3A_53 : i32
    %rem3A_55 = arith.remsi %squeeze3A_37, %jit3A_38 : i32
    %ne3A_56 = arith.constant 0 : i32
    %ne3A_57 = arith.cmpi ne, %rem3A_55, %ne3A_56 : i32
    %and3A_58 = arith.andi %ne3A_54, %ne3A_57 : i1
    %sub3A_59 = arith.constant 1 : i32
    %sub3A_60 = arith.subi %div3A_39, %sub3A_59 : i32
    %select_n3A_61 = arith.select %and3A_58, %sub3A_60, %div3A_39 : i32
    %mul3A_62 = arith.constant 8 : i32
    %mul3A_63 = arith.muli %select_n3A_61, %mul3A_62 : i32
    %multiple_of3A_64 = tpu.assume_multiple %mul3A_63, 8 : i32
    %dma_start3A_65 = arith.constant 1 : i32
    %dma_start3A_66 = arith.constant 0 : i32
    %dma_start3A_67 = arith.constant 0 : i32
    %dma_start3A_68 = tpu.memref_slice %arg6[%dma_start3A_65, %dma_start3A_66, %dma_start3A_67] : memref<8x8x46xf32, #tpu.memory_space<vmem>> -> memref<1x8x46xf32, #tpu.memory_space<vmem>>
    %dma_start3A_69 = tpu.memref_squeeze %dma_start3A_68 : memref<1x8x46xf32, #tpu.memory_space<vmem>> -> memref<8x46xf32, #tpu.memory_space<vmem>>
    %dma_start3A_70 = arith.constant 0 : i32
    %dma_start3A_71 = tpu.memref_slice %arg3[%multiple_of3A_64, %dma_start3A_70] : memref<1000000x46xf32, #tpu.memory_space<hbm>> -> memref<8x46xf32, #tpu.memory_space<hbm>>
    %dma_start3A_72 = arith.constant 0 : i32
    %dma_start3A_73 = arith.constant 0 : i32
    %dma_start3A_74 = tpu.memref_slice %arg6[%dma_start3A_65, %dma_start3A_72, %dma_start3A_73] : memref<8x8x46xf32, #tpu.memory_space<vmem>> -> memref<1x8x46xf32, #tpu.memory_space<vmem>>
    %dma_start3A_75 = tpu.memref_squeeze %dma_start3A_74 : memref<1x8x46xf32, #tpu.memory_space<vmem>> -> memref<8x46xf32, #tpu.memory_space<vmem>>
    %dma_start3A_76 = arith.constant 0 : i32
    %dma_start3A_77 = tpu.memref_slice %arg3[%multiple_of3A_64, %dma_start3A_76] : memref<1000000x46xf32, #tpu.memory_space<hbm>> -> memref<8x46xf32, #tpu.memory_space<hbm>>
    tpu.enqueue_dma source(%dma_start3A_77 : memref<8x46xf32, #tpu.memory_space<hbm>>) target(%dma_start3A_75 : memref<8x46xf32, #tpu.memory_space<vmem>>) target_semaphore(%arg9 : memref<!tpu.dma_semaphore, #tpu.memory_space<semaphore_mem>>)
    %slice3A_78 = vector.extract_strided_slice %get3A_4 {offsets = [2], sizes = [1], strides = [1]} : vector<16xi32> to vector<1xi32>
    %squeeze3A_79 = vector.extract %slice3A_78[0] : i32 from vector<1xi32>
    %jit3A_80 = arith.constant 8 : i32
    %div3A_81 = arith.divsi %squeeze3A_79, %jit3A_80 : i32
    %sign3A_82 = arith.constant 0 : i32
    %sign3A_83 = arith.cmpi sgt, %squeeze3A_79, %sign3A_82 : i32
    %sign3A_84 = arith.extui %sign3A_83 : i1 to i32
    %sign3A_85 = arith.constant 0 : i32
    %sign3A_86 = arith.cmpi slt, %squeeze3A_79, %sign3A_85 : i32
    %sign3A_87 = arith.extui %sign3A_86 : i1 to i32
    %sign3A_88 = arith.subi %sign3A_84, %sign3A_87 : i32
    %sign3A_89 = arith.constant 0 : i32
    %sign3A_90 = arith.cmpi sgt, %jit3A_80, %sign3A_89 : i32
    %sign3A_91 = arith.extui %sign3A_90 : i1 to i32
    %sign3A_92 = arith.constant 0 : i32
    %sign3A_93 = arith.cmpi slt, %jit3A_80, %sign3A_92 : i32
    %sign3A_94 = arith.extui %sign3A_93 : i1 to i32
    %sign3A_95 = arith.subi %sign3A_91, %sign3A_94 : i32
    %ne3A_96 = arith.cmpi ne, %sign3A_88, %sign3A_95 : i32
    %rem3A_97 = arith.remsi %squeeze3A_79, %jit3A_80 : i32
    %ne3A_98 = arith.constant 0 : i32
    %ne3A_99 = arith.cmpi ne, %rem3A_97, %ne3A_98 : i32
    %and3A_100 = arith.andi %ne3A_96, %ne3A_99 : i1
    %sub3A_101 = arith.constant 1 : i32
    %sub3A_102 = arith.subi %div3A_81, %sub3A_101 : i32
    %select_n3A_103 = arith.select %and3A_100, %sub3A_102, %div3A_81 : i32
    %mul3A_104 = arith.constant 8 : i32
    %mul3A_105 = arith.muli %select_n3A_103, %mul3A_104 : i32
    %multiple_of3A_106 = tpu.assume_multiple %mul3A_105, 8 : i32
    %dma_start3A_107 = arith.constant 2 : i32
    %dma_start3A_108 = arith.constant 0 : i32
    %dma_start3A_109 = arith.constant 0 : i32
    %dma_start3A_110 = tpu.memref_slice %arg6[%dma_start3A_107, %dma_start3A_108, %dma_start3A_109] : memref<8x8x46xf32, #tpu.memory_space<vmem>> -> memref<1x8x46xf32, #tpu.memory_space<vmem>>
    %dma_start3A_111 = tpu.memref_squeeze %dma_start3A_110 : memref<1x8x46xf32, #tpu.memory_space<vmem>> -> memref<8x46xf32, #tpu.memory_space<vmem>>
    %dma_start3A_112 = arith.constant 0 : i32
    %dma_start3A_113 = tpu.memref_slice %arg3[%multiple_of3A_106, %dma_start3A_112] : memref<1000000x46xf32, #tpu.memory_space<hbm>> -> memref<8x46xf32, #tpu.memory_space<hbm>>
    %dma_start3A_114 = arith.constant 0 : i32
    %dma_start3A_115 = arith.constant 0 : i32
    %dma_start3A_116 = tpu.memref_slice %arg6[%dma_start3A_107, %dma_start3A_114, %dma_start3A_115] : memref<8x8x46xf32, #tpu.memory_space<vmem>> -> memref<1x8x46xf32, #tpu.memory_space<vmem>>
    %dma_start3A_117 = tpu.memref_squeeze %dma_start3A_116 : memref<1x8x46xf32, #tpu.memory_space<vmem>> -> memref<8x46xf32, #tpu.memory_space<vmem>>
    %dma_start3A_118 = arith.constant 0 : i32
    %dma_start3A_119 = tpu.memref_slice %arg3[%multiple_of3A_106, %dma_start3A_118] : memref<1000000x46xf32, #tpu.memory_space<hbm>> -> memref<8x46xf32, #tpu.memory_space<hbm>>
    tpu.enqueue_dma source(%dma_start3A_119 : memref<8x46xf32, #tpu.memory_space<hbm>>) target(%dma_start3A_117 : memref<8x46xf32, #tpu.memory_space<vmem>>) target_semaphore(%arg9 : memref<!tpu.dma_semaphore, #tpu.memory_space<semaphore_mem>>)
    %slice3A_120 = vector.extract_strided_slice %get3A_4 {offsets = [3], sizes = [1], strides = [1]} : vector<16xi32> to vector<1xi32>
    %squeeze3A_121 = vector.extract %slice3A_120[0] : i32 from vector<1xi32>
    %jit3A_122 = arith.constant 8 : i32
    %div3A_123 = arith.divsi %squeeze3A_121, %jit3A_122 : i32
    %sign3A_124 = arith.constant 0 : i32
    %sign3A_125 = arith.cmpi sgt, %squeeze3A_121, %sign3A_124 : i32
    %sign3A_126 = arith.extui %sign3A_125 : i1 to i32
    %sign3A_127 = arith.constant 0 : i32
    %sign3A_128 = arith.cmpi slt, %squeeze3A_121, %sign3A_127 : i32
    %sign3A_129 = arith.extui %sign3A_128 : i1 to i32
    %sign3A_130 = arith.subi %sign3A_126, %sign3A_129 : i32
    %sign3A_131 = arith.constant 0 : i32
    %sign3A_132 = arith.cmpi sgt, %jit3A_122, %sign3A_131 : i32
    %sign3A_133 = arith.extui %sign3A_132 : i1 to i32
    %sign3A_134 = arith.constant 0 : i32
    %sign3A_135 = arith.cmpi slt, %jit3A_122, %sign3A_134 : i32
    %sign3A_136 = arith.extui %sign3A_135 : i1 to i32
    %sign3A_137 = arith.subi %sign3A_133, %sign3A_136 : i32
    %ne3A_138 = arith.cmpi ne, %sign3A_130, %sign3A_137 : i32
    %rem3A_139 = arith.remsi %squeeze3A_121, %jit3A_122 : i32
    %ne3A_140 = arith.constant 0 : i32
    %ne3A_141 = arith.cmpi ne, %rem3A_139, %ne3A_140 : i32
    %and3A_142 = arith.andi %ne3A_138, %ne3A_141 : i1
    %sub3A_143 = arith.constant 1 : i32
    %sub3A_144 = arith.subi %div3A_123, %sub3A_143 : i32
    %select_n3A_145 = arith.select %and3A_142, %sub3A_144, %div3A_123 : i32
    %mul3A_146 = arith.constant 8 : i32
    %mul3A_147 = arith.muli %select_n3A_145, %mul3A_146 : i32
    %multiple_of3A_148 = tpu.assume_multiple %mul3A_147, 8 : i32
    %dma_start3A_149 = arith.constant 3 : i32
    %dma_start3A_150 = arith.constant 0 : i32
    %dma_start3A_151 = arith.constant 0 : i32
    %dma_start3A_152 = tpu.memref_slice %arg6[%dma_start3A_149, %dma_start3A_150, %dma_start3A_151] : memref<8x8x46xf32, #tpu.memory_space<vmem>> -> memref<1x8x46xf32, #tpu.memory_space<vmem>>
    %dma_start3A_153 = tpu.memref_squeeze %dma_start3A_152 : memref<1x8x46xf32, #tpu.memory_space<vmem>> -> memref<8x46xf32, #tpu.memory_space<vmem>>
    %dma_start3A_154 = arith.constant 0 : i32
    %dma_start3A_155 = tpu.memref_slice %arg3[%multiple_of3A_148, %dma_start3A_154] : memref<1000000x46xf32, #tpu.memory_space<hbm>> -> memref<8x46xf32, #tpu.memory_space<hbm>>
    %dma_start3A_156 = arith.constant 0 : i32
    %dma_start3A_157 = arith.constant 0 : i32
    %dma_start3A_158 = tpu.memref_slice %arg6[%dma_start3A_149, %dma_start3A_156, %dma_start3A_157] : memref<8x8x46xf32, #tpu.memory_space<vmem>> -> memref<1x8x46xf32, #tpu.memory_space<vmem>>
    %dma_start3A_159 = tpu.memref_squeeze %dma_start3A_158 : memref<1x8x46xf32, #tpu.memory_space<vmem>> -> memref<8x46xf32, #tpu.memory_space<vmem>>
    %dma_start3A_160 = arith.constant 0 : i32
    %dma_start3A_161 = tpu.memref_slice %arg3[%multiple_of3A_148, %dma_start3A_160] : memref<1000000x46xf32, #tpu.memory_space<hbm>> -> memref<8x46xf32, #tpu.memory_space<hbm>>
    tpu.enqueue_dma source(%dma_start3A_161 : memref<8x46xf32, #tpu.memory_space<hbm>>) target(%dma_start3A_159 : memref<8x46xf32, #tpu.memory_space<vmem>>) target_semaphore(%arg9 : memref<!tpu.dma_semaphore, #tpu.memory_space<semaphore_mem>>)
    %slice3A_162 = vector.extract_strided_slice %get3A_4 {offsets = [4], sizes = [1], strides = [1]} : vector<16xi32> to vector<1xi32>
    %squeeze3A_163 = vector.extract %slice3A_162[0] : i32 from vector<1xi32>
    %jit3A_164 = arith.constant 8 : i32
    %div3A_165 = arith.divsi %squeeze3A_163, %jit3A_164 : i32
    %sign3A_166 = arith.constant 0 : i32
    %sign3A_167 = arith.cmpi sgt, %squeeze3A_163, %sign3A_166 : i32
    %sign3A_168 = arith.extui %sign3A_167 : i1 to i32
    %sign3A_169 = arith.constant 0 : i32
    %sign3A_170 = arith.cmpi slt, %squeeze3A_163, %sign3A_169 : i32
    %sign3A_171 = arith.extui %sign3A_170 : i1 to i32
    %sign3A_172 = arith.subi %sign3A_168, %sign3A_171 : i32
    %sign3A_173 = arith.constant 0 : i32
    %sign3A_174 = arith.cmpi sgt, %jit3A_164, %sign3A_173 : i32
    %sign3A_175 = arith.extui %sign3A_174 : i1 to i32
    %sign3A_176 = arith.constant 0 : i32
    %sign3A_177 = arith.cmpi slt, %jit3A_164, %sign3A_176 : i32
    %sign3A_178 = arith.extui %sign3A_177 : i1 to i32
    %sign3A_179 = arith.subi %sign3A_175, %sign3A_178 : i32
    %ne3A_180 = arith.cmpi ne, %sign3A_172, %sign3A_179 : i32
    %rem3A_181 = arith.remsi %squeeze3A_163, %jit3A_164 : i32
    %ne3A_182 = arith.constant 0 : i32
    %ne3A_183 = arith.cmpi ne, %rem3A_181, %ne3A_182 : i32
    %and3A_184 = arith.andi %ne3A_180, %ne3A_183 : i1
    %sub3A_185 = arith.constant 1 : i32
    %sub3A_186 = arith.subi %div3A_165, %sub3A_185 : i32
    %select_n3A_187 = arith.select %and3A_184, %sub3A_186, %div3A_165 : i32
    %mul3A_188 = arith.constant 8 : i32
    %mul3A_189 = arith.muli %select_n3A_187, %mul3A_188 : i32
    %multiple_of3A_190 = tpu.assume_multiple %mul3A_189, 8 : i32
    %dma_start3A_191 = arith.constant 4 : i32
    %dma_start3A_192 = arith.constant 0 : i32
    %dma_start3A_193 = arith.constant 0 : i32
    %dma_start3A_194 = tpu.memref_slice %arg6[%dma_start3A_191, %dma_start3A_192, %dma_start3A_193] : memref<8x8x46xf32, #tpu.memory_space<vmem>> -> memref<1x8x46xf32, #tpu.memory_space<vmem>>
    %dma_start3A_195 = tpu.memref_squeeze %dma_start3A_194 : memref<1x8x46xf32, #tpu.memory_space<vmem>> -> memref<8x46xf32, #tpu.memory_space<vmem>>
    %dma_start3A_196 = arith.constant 0 : i32
    %dma_start3A_197 = tpu.memref_slice %arg3[%multiple_of3A_190, %dma_start3A_196] : memref<1000000x46xf32, #tpu.memory_space<hbm>> -> memref<8x46xf32, #tpu.memory_space<hbm>>
    %dma_start3A_198 = arith.constant 0 : i32
    %dma_start3A_199 = arith.constant 0 : i32
    %dma_start3A_200 = tpu.memref_slice %arg6[%dma_start3A_191, %dma_start3A_198, %dma_start3A_199] : memref<8x8x46xf32, #tpu.memory_space<vmem>> -> memref<1x8x46xf32, #tpu.memory_space<vmem>>
    %dma_start3A_201 = tpu.memref_squeeze %dma_start3A_200 : memref<1x8x46xf32, #tpu.memory_space<vmem>> -> memref<8x46xf32, #tpu.memory_space<vmem>>
    %dma_start3A_202 = arith.constant 0 : i32
    %dma_start3A_203 = tpu.memref_slice %arg3[%multiple_of3A_190, %dma_start3A_202] : memref<1000000x46xf32, #tpu.memory_space<hbm>> -> memref<8x46xf32, #tpu.memory_space<hbm>>
    tpu.enqueue_dma source(%dma_start3A_203 : memref<8x46xf32, #tpu.memory_space<hbm>>) target(%dma_start3A_201 : memref<8x46xf32, #tpu.memory_space<vmem>>) target_semaphore(%arg9 : memref<!tpu.dma_semaphore, #tpu.memory_space<semaphore_mem>>)
    %slice3A_204 = vector.extract_strided_slice %get3A_4 {offsets = [5], sizes = [1], strides = [1]} : vector<16xi32> to vector<1xi32>
    %squeeze3A_205 = vector.extract %slice3A_204[0] : i32 from vector<1xi32>
    %jit3A_206 = arith.constant 8 : i32
    %div3A_207 = arith.divsi %squeeze3A_205, %jit3A_206 : i32
    %sign3A_208 = arith.constant 0 : i32
    %sign3A_209 = arith.cmpi sgt, %squeeze3A_205, %sign3A_208 : i32
    %sign3A_210 = arith.extui %sign3A_209 : i1 to i32
    %sign3A_211 = arith.constant 0 : i32
    %sign3A_212 = arith.cmpi slt, %squeeze3A_205, %sign3A_211 : i32
    %sign3A_213 = arith.extui %sign3A_212 : i1 to i32
    %sign3A_214 = arith.subi %sign3A_210, %sign3A_213 : i32
    %sign3A_215 = arith.constant 0 : i32
    %sign3A_216 = arith.cmpi sgt, %jit3A_206, %sign3A_215 : i32
    %sign3A_217 = arith.extui %sign3A_216 : i1 to i32
    %sign3A_218 = arith.constant 0 : i32
    %sign3A_219 = arith.cmpi slt, %jit3A_206, %sign3A_218 : i32
    %sign3A_220 = arith.extui %sign3A_219 : i1 to i32
    %sign3A_221 = arith.subi %sign3A_217, %sign3A_220 : i32
    %ne3A_222 = arith.cmpi ne, %sign3A_214, %sign3A_221 : i32
    %rem3A_223 = arith.remsi %squeeze3A_205, %jit3A_206 : i32
    %ne3A_224 = arith.constant 0 : i32
    %ne3A_225 = arith.cmpi ne, %rem3A_223, %ne3A_224 : i32
    %and3A_226 = arith.andi %ne3A_222, %ne3A_225 : i1
    %sub3A_227 = arith.constant 1 : i32
    %sub3A_228 = arith.subi %div3A_207, %sub3A_227 : i32
    %select_n3A_229 = arith.select %and3A_226, %sub3A_228, %div3A_207 : i32
    %mul3A_230 = arith.constant 8 : i32
    %mul3A_231 = arith.muli %select_n3A_229, %mul3A_230 : i32
    %multiple_of3A_232 = tpu.assume_multiple %mul3A_231, 8 : i32
    %dma_start3A_233 = arith.constant 5 : i32
    %dma_start3A_234 = arith.constant 0 : i32
    %dma_start3A_235 = arith.constant 0 : i32
    %dma_start3A_236 = tpu.memref_slice %arg6[%dma_start3A_233, %dma_start3A_234, %dma_start3A_235] : memref<8x8x46xf32, #tpu.memory_space<vmem>> -> memref<1x8x46xf32, #tpu.memory_space<vmem>>
    %dma_start3A_237 = tpu.memref_squeeze %dma_start3A_236 : memref<1x8x46xf32, #tpu.memory_space<vmem>> -> memref<8x46xf32, #tpu.memory_space<vmem>>
    %dma_start3A_238 = arith.constant 0 : i32
    %dma_start3A_239 = tpu.memref_slice %arg3[%multiple_of3A_232, %dma_start3A_238] : memref<1000000x46xf32, #tpu.memory_space<hbm>> -> memref<8x46xf32, #tpu.memory_space<hbm>>
    %dma_start3A_240 = arith.constant 0 : i32
    %dma_start3A_241 = arith.constant 0 : i32
    %dma_start3A_242 = tpu.memref_slice %arg6[%dma_start3A_233, %dma_start3A_240, %dma_start3A_241] : memref<8x8x46xf32, #tpu.memory_space<vmem>> -> memref<1x8x46xf32, #tpu.memory_space<vmem>>
    %dma_start3A_243 = tpu.memref_squeeze %dma_start3A_242 : memref<1x8x46xf32, #tpu.memory_space<vmem>> -> memref<8x46xf32, #tpu.memory_space<vmem>>
    %dma_start3A_244 = arith.constant 0 : i32
    %dma_start3A_245 = tpu.memref_slice %arg3[%multiple_of3A_232, %dma_start3A_244] : memref<1000000x46xf32, #tpu.memory_space<hbm>> -> memref<8x46xf32, #tpu.memory_space<hbm>>
    tpu.enqueue_dma source(%dma_start3A_245 : memref<8x46xf32, #tpu.memory_space<hbm>>) target(%dma_start3A_243 : memref<8x46xf32, #tpu.memory_space<vmem>>) target_semaphore(%arg9 : memref<!tpu.dma_semaphore, #tpu.memory_space<semaphore_mem>>)
    %slice3A_246 = vector.extract_strided_slice %get3A_4 {offsets = [6], sizes = [1], strides = [1]} : vector<16xi32> to vector<1xi32>
    %squeeze3A_247 = vector.extract %slice3A_246[0] : i32 from vector<1xi32>
    %jit3A_248 = arith.constant 8 : i32
    %div3A_249 = arith.divsi %squeeze3A_247, %jit3A_248 : i32
    %sign3A_250 = arith.constant 0 : i32
    %sign3A_251 = arith.cmpi sgt, %squeeze3A_247, %sign3A_250 : i32
    %sign3A_252 = arith.extui %sign3A_251 : i1 to i32
    %sign3A_253 = arith.constant 0 : i32
    %sign3A_254 = arith.cmpi slt, %squeeze3A_247, %sign3A_253 : i32
    %sign3A_255 = arith.extui %sign3A_254 : i1 to i32
    %sign3A_256 = arith.subi %sign3A_252, %sign3A_255 : i32
    %sign3A_257 = arith.constant 0 : i32
    %sign3A_258 = arith.cmpi sgt, %jit3A_248, %sign3A_257 : i32
    %sign3A_259 = arith.extui %sign3A_258 : i1 to i32
    %sign3A_260 = arith.constant 0 : i32
    %sign3A_261 = arith.cmpi slt, %jit3A_248, %sign3A_260 : i32
    %sign3A_262 = arith.extui %sign3A_261 : i1 to i32
    %sign3A_263 = arith.subi %sign3A_259, %sign3A_262 : i32
    %ne3A_264 = arith.cmpi ne, %sign3A_256, %sign3A_263 : i32
    %rem3A_265 = arith.remsi %squeeze3A_247, %jit3A_248 : i32
    %ne3A_266 = arith.constant 0 : i32
    %ne3A_267 = arith.cmpi ne, %rem3A_265, %ne3A_266 : i32
    %and3A_268 = arith.andi %ne3A_264, %ne3A_267 : i1
    %sub3A_269 = arith.constant 1 : i32
    %sub3A_270 = arith.subi %div3A_249, %sub3A_269 : i32
    %select_n3A_271 = arith.select %and3A_268, %sub3A_270, %div3A_249 : i32
    %mul3A_272 = arith.constant 8 : i32
    %mul3A_273 = arith.muli %select_n3A_271, %mul3A_272 : i32
    %multiple_of3A_274 = tpu.assume_multiple %mul3A_273, 8 : i32
    %dma_start3A_275 = arith.constant 6 : i32
    %dma_start3A_276 = arith.constant 0 : i32
    %dma_start3A_277 = arith.constant 0 : i32
    %dma_start3A_278 = tpu.memref_slice %arg6[%dma_start3A_275, %dma_start3A_276, %dma_start3A_277] : memref<8x8x46xf32, #tpu.memory_space<vmem>> -> memref<1x8x46xf32, #tpu.memory_space<vmem>>
    %dma_start3A_279 = tpu.memref_squeeze %dma_start3A_278 : memref<1x8x46xf32, #tpu.memory_space<vmem>> -> memref<8x46xf32, #tpu.memory_space<vmem>>
    %dma_start3A_280 = arith.constant 0 : i32
    %dma_start3A_281 = tpu.memref_slice %arg3[%multiple_of3A_274, %dma_start3A_280] : memref<1000000x46xf32, #tpu.memory_space<hbm>> -> memref<8x46xf32, #tpu.memory_space<hbm>>
    %dma_start3A_282 = arith.constant 0 : i32
    %dma_start3A_283 = arith.constant 0 : i32
    %dma_start3A_284 = tpu.memref_slice %arg6[%dma_start3A_275, %dma_start3A_282, %dma_start3A_283] : memref<8x8x46xf32, #tpu.memory_space<vmem>> -> memref<1x8x46xf32, #tpu.memory_space<vmem>>
    %dma_start3A_285 = tpu.memref_squeeze %dma_start3A_284 : memref<1x8x46xf32, #tpu.memory_space<vmem>> -> memref<8x46xf32, #tpu.memory_space<vmem>>
    %dma_start3A_286 = arith.constant 0 : i32
    %dma_start3A_287 = tpu.memref_slice %arg3[%multiple_of3A_274, %dma_start3A_286] : memref<1000000x46xf32, #tpu.memory_space<hbm>> -> memref<8x46xf32, #tpu.memory_space<hbm>>
    tpu.enqueue_dma source(%dma_start3A_287 : memref<8x46xf32, #tpu.memory_space<hbm>>) target(%dma_start3A_285 : memref<8x46xf32, #tpu.memory_space<vmem>>) target_semaphore(%arg9 : memref<!tpu.dma_semaphore, #tpu.memory_space<semaphore_mem>>)
    %slice3A_288 = vector.extract_strided_slice %get3A_4 {offsets = [7], sizes = [1], strides = [1]} : vector<16xi32> to vector<1xi32>
    %squeeze3A_289 = vector.extract %slice3A_288[0] : i32 from vector<1xi32>
    %jit3A_290 = arith.constant 8 : i32
    %div3A_291 = arith.divsi %squeeze3A_289, %jit3A_290 : i32
    %sign3A_292 = arith.constant 0 : i32
    %sign3A_293 = arith.cmpi sgt, %squeeze3A_289, %sign3A_292 : i32
    %sign3A_294 = arith.extui %sign3A_293 : i1 to i32
    %sign3A_295 = arith.constant 0 : i32
    %sign3A_296 = arith.cmpi slt, %squeeze3A_289, %sign3A_295 : i32
    %sign3A_297 = arith.extui %sign3A_296 : i1 to i32
    %sign3A_298 = arith.subi %sign3A_294, %sign3A_297 : i32
    %sign3A_299 = arith.constant 0 : i32
    %sign3A_300 = arith.cmpi sgt, %jit3A_290, %sign3A_299 : i32
    %sign3A_301 = arith.extui %sign3A_300 : i1 to i32
    %sign3A_302 = arith.constant 0 : i32
    %sign3A_303 = arith.cmpi slt, %jit3A_290, %sign3A_302 : i32
    %sign3A_304 = arith.extui %sign3A_303 : i1 to i32
    %sign3A_305 = arith.subi %sign3A_301, %sign3A_304 : i32
    %ne3A_306 = arith.cmpi ne, %sign3A_298, %sign3A_305 : i32
    %rem3A_307 = arith.remsi %squeeze3A_289, %jit3A_290 : i32
    %ne3A_308 = arith.constant 0 : i32
    %ne3A_309 = arith.cmpi ne, %rem3A_307, %ne3A_308 : i32
    %and3A_310 = arith.andi %ne3A_306, %ne3A_309 : i1
    %sub3A_311 = arith.constant 1 : i32
    %sub3A_312 = arith.subi %div3A_291, %sub3A_311 : i32
    %select_n3A_313 = arith.select %and3A_310, %sub3A_312, %div3A_291 : i32
    %mul3A_314 = arith.constant 8 : i32
    %mul3A_315 = arith.muli %select_n3A_313, %mul3A_314 : i32
    %multiple_of3A_316 = tpu.assume_multiple %mul3A_315, 8 : i32
    %dma_start3A_317 = arith.constant 7 : i32
    %dma_start3A_318 = arith.constant 0 : i32
    %dma_start3A_319 = arith.constant 0 : i32
    %dma_start3A_320 = tpu.memref_slice %arg6[%dma_start3A_317, %dma_start3A_318, %dma_start3A_319] : memref<8x8x46xf32, #tpu.memory_space<vmem>> -> memref<1x8x46xf32, #tpu.memory_space<vmem>>
    %dma_start3A_321 = tpu.memref_squeeze %dma_start3A_320 : memref<1x8x46xf32, #tpu.memory_space<vmem>> -> memref<8x46xf32, #tpu.memory_space<vmem>>
    %dma_start3A_322 = arith.constant 0 : i32
    %dma_start3A_323 = tpu.memref_slice %arg3[%multiple_of3A_316, %dma_start3A_322] : memref<1000000x46xf32, #tpu.memory_space<hbm>> -> memref<8x46xf32, #tpu.memory_space<hbm>>
    %dma_start3A_324 = arith.constant 0 : i32
    %dma_start3A_325 = arith.constant 0 : i32
    %dma_start3A_326 = tpu.memref_slice %arg6[%dma_start3A_317, %dma_start3A_324, %dma_start3A_325] : memref<8x8x46xf32, #tpu.memory_space<vmem>> -> memref<1x8x46xf32, #tpu.memory_space<vmem>>
    %dma_start3A_327 = tpu.memref_squeeze %dma_start3A_326 : memref<1x8x46xf32, #tpu.memory_space<vmem>> -> memref<8x46xf32, #tpu.memory_space<vmem>>
    %dma_start3A_328 = arith.constant 0 : i32
    %dma_start3A_329 = tpu.memref_slice %arg3[%multiple_of3A_316, %dma_start3A_328] : memref<1000000x46xf32, #tpu.memory_space<hbm>> -> memref<8x46xf32, #tpu.memory_space<hbm>>
    tpu.enqueue_dma source(%dma_start3A_329 : memref<8x46xf32, #tpu.memory_space<hbm>>) target(%dma_start3A_327 : memref<8x46xf32, #tpu.memory_space<vmem>>) target_semaphore(%arg9 : memref<!tpu.dma_semaphore, #tpu.memory_space<semaphore_mem>>)
    %slice3A_330 = vector.extract_strided_slice %get3A_4 {offsets = [8], sizes = [1], strides = [1]} : vector<16xi32> to vector<1xi32>
    %squeeze3A_331 = vector.extract %slice3A_330[0] : i32 from vector<1xi32>
    %jit3A_332 = arith.constant 8 : i32
    %div3A_333 = arith.divsi %squeeze3A_331, %jit3A_332 : i32
    %sign3A_334 = arith.constant 0 : i32
    %sign3A_335 = arith.cmpi sgt, %squeeze3A_331, %sign3A_334 : i32
    %sign3A_336 = arith.extui %sign3A_335 : i1 to i32
    %sign3A_337 = arith.constant 0 : i32
    %sign3A_338 = arith.cmpi slt, %squeeze3A_331, %sign3A_337 : i32
    %sign3A_339 = arith.extui %sign3A_338 : i1 to i32
    %sign3A_340 = arith.subi %sign3A_336, %sign3A_339 : i32
    %sign3A_341 = arith.constant 0 : i32
    %sign3A_342 = arith.cmpi sgt, %jit3A_332, %sign3A_341 : i32
    %sign3A_343 = arith.extui %sign3A_342 : i1 to i32
    %sign3A_344 = arith.constant 0 : i32
    %sign3A_345 = arith.cmpi slt, %jit3A_332, %sign3A_344 : i32
    %sign3A_346 = arith.extui %sign3A_345 : i1 to i32
    %sign3A_347 = arith.subi %sign3A_343, %sign3A_346 : i32
    %ne3A_348 = arith.cmpi ne, %sign3A_340, %sign3A_347 : i32
    %rem3A_349 = arith.remsi %squeeze3A_331, %jit3A_332 : i32
    %ne3A_350 = arith.constant 0 : i32
    %ne3A_351 = arith.cmpi ne, %rem3A_349, %ne3A_350 : i32
    %and3A_352 = arith.andi %ne3A_348, %ne3A_351 : i1
    %sub3A_353 = arith.constant 1 : i32
    %sub3A_354 = arith.subi %div3A_333, %sub3A_353 : i32
    %select_n3A_355 = arith.select %and3A_352, %sub3A_354, %div3A_333 : i32
    %mul3A_356 = arith.constant 8 : i32
    %mul3A_357 = arith.muli %select_n3A_355, %mul3A_356 : i32
    %multiple_of3A_358 = tpu.assume_multiple %mul3A_357, 8 : i32
    %dma_start3A_359 = arith.constant 0 : i32
    %dma_start3A_360 = arith.constant 0 : i32
    %dma_start3A_361 = arith.constant 0 : i32
    %dma_start3A_362 = tpu.memref_slice %arg7[%dma_start3A_359, %dma_start3A_360, %dma_start3A_361] : memref<8x8x46xf32, #tpu.memory_space<vmem>> -> memref<1x8x46xf32, #tpu.memory_space<vmem>>
    %dma_start3A_363 = tpu.memref_squeeze %dma_start3A_362 : memref<1x8x46xf32, #tpu.memory_space<vmem>> -> memref<8x46xf32, #tpu.memory_space<vmem>>
    %dma_start3A_364 = arith.constant 0 : i32
    %dma_start3A_365 = tpu.memref_slice %arg3[%multiple_of3A_358, %dma_start3A_364] : memref<1000000x46xf32, #tpu.memory_space<hbm>> -> memref<8x46xf32, #tpu.memory_space<hbm>>
    %dma_start3A_366 = arith.constant 0 : i32
    %dma_start3A_367 = arith.constant 0 : i32
    %dma_start3A_368 = tpu.memref_slice %arg7[%dma_start3A_359, %dma_start3A_366, %dma_start3A_367] : memref<8x8x46xf32, #tpu.memory_space<vmem>> -> memref<1x8x46xf32, #tpu.memory_space<vmem>>
    %dma_start3A_369 = tpu.memref_squeeze %dma_start3A_368 : memref<1x8x46xf32, #tpu.memory_space<vmem>> -> memref<8x46xf32, #tpu.memory_space<vmem>>
    %dma_start3A_370 = arith.constant 0 : i32
    %dma_start3A_371 = tpu.memref_slice %arg3[%multiple_of3A_358, %dma_start3A_370] : memref<1000000x46xf32, #tpu.memory_space<hbm>> -> memref<8x46xf32, #tpu.memory_space<hbm>>
    tpu.enqueue_dma source(%dma_start3A_371 : memref<8x46xf32, #tpu.memory_space<hbm>>) target(%dma_start3A_369 : memref<8x46xf32, #tpu.memory_space<vmem>>) target_semaphore(%arg10 : memref<!tpu.dma_semaphore, #tpu.memory_space<semaphore_mem>>)
    %slice3A_372 = vector.extract_strided_slice %get3A_4 {offsets = [9], sizes = [1], strides = [1]} : vector<16xi32> to vector<1xi32>
    %squeeze3A_373 = vector.extract %slice3A_372[0] : i32 from vector<1xi32>
    %jit3A_374 = arith.constant 8 : i32
    %div3A_375 = arith.divsi %squeeze3A_373, %jit3A_374 : i32
    %sign3A_376 = arith.constant 0 : i32
    %sign3A_377 = arith.cmpi sgt, %squeeze3A_373, %sign3A_376 : i32
    %sign3A_378 = arith.extui %sign3A_377 : i1 to i32
    %sign3A_379 = arith.constant 0 : i32
    %sign3A_380 = arith.cmpi slt, %squeeze3A_373, %sign3A_379 : i32
    %sign3A_381 = arith.extui %sign3A_380 : i1 to i32
    %sign3A_382 = arith.subi %sign3A_378, %sign3A_381 : i32
    %sign3A_383 = arith.constant 0 : i32
    %sign3A_384 = arith.cmpi sgt, %jit3A_374, %sign3A_383 : i32
    %sign3A_385 = arith.extui %sign3A_384 : i1 to i32
    %sign3A_386 = arith.constant 0 : i32
    %sign3A_387 = arith.cmpi slt, %jit3A_374, %sign3A_386 : i32
    %sign3A_388 = arith.extui %sign3A_387 : i1 to i32
    %sign3A_389 = arith.subi %sign3A_385, %sign3A_388 : i32
    %ne3A_390 = arith.cmpi ne, %sign3A_382, %sign3A_389 : i32
    %rem3A_391 = arith.remsi %squeeze3A_373, %jit3A_374 : i32
    %ne3A_392 = arith.constant 0 : i32
    %ne3A_393 = arith.cmpi ne, %rem3A_391, %ne3A_392 : i32
    %and3A_394 = arith.andi %ne3A_390, %ne3A_393 : i1
    %sub3A_395 = arith.constant 1 : i32
    %sub3A_396 = arith.subi %div3A_375, %sub3A_395 : i32
    %select_n3A_397 = arith.select %and3A_394, %sub3A_396, %div3A_375 : i32
    %mul3A_398 = arith.constant 8 : i32
    %mul3A_399 = arith.muli %select_n3A_397, %mul3A_398 : i32
    %multiple_of3A_400 = tpu.assume_multiple %mul3A_399, 8 : i32
    %dma_start3A_401 = arith.constant 1 : i32
    %dma_start3A_402 = arith.constant 0 : i32
    %dma_start3A_403 = arith.constant 0 : i32
    %dma_start3A_404 = tpu.memref_slice %arg7[%dma_start3A_401, %dma_start3A_402, %dma_start3A_403] : memref<8x8x46xf32, #tpu.memory_space<vmem>> -> memref<1x8x46xf32, #tpu.memory_space<vmem>>
    %dma_start3A_405 = tpu.memref_squeeze %dma_start3A_404 : memref<1x8x46xf32, #tpu.memory_space<vmem>> -> memref<8x46xf32, #tpu.memory_space<vmem>>
    %dma_start3A_406 = arith.constant 0 : i32
    %dma_start3A_407 = tpu.memref_slice %arg3[%multiple_of3A_400, %dma_start3A_406] : memref<1000000x46xf32, #tpu.memory_space<hbm>> -> memref<8x46xf32, #tpu.memory_space<hbm>>
    %dma_start3A_408 = arith.constant 0 : i32
    %dma_start3A_409 = arith.constant 0 : i32
    %dma_start3A_410 = tpu.memref_slice %arg7[%dma_start3A_401, %dma_start3A_408, %dma_start3A_409] : memref<8x8x46xf32, #tpu.memory_space<vmem>> -> memref<1x8x46xf32, #tpu.memory_space<vmem>>
    %dma_start3A_411 = tpu.memref_squeeze %dma_start3A_410 : memref<1x8x46xf32, #tpu.memory_space<vmem>> -> memref<8x46xf32, #tpu.memory_space<vmem>>
    %dma_start3A_412 = arith.constant 0 : i32
    %dma_start3A_413 = tpu.memref_slice %arg3[%multiple_of3A_400, %dma_start3A_412] : memref<1000000x46xf32, #tpu.memory_space<hbm>> -> memref<8x46xf32, #tpu.memory_space<hbm>>
    tpu.enqueue_dma source(%dma_start3A_413 : memref<8x46xf32, #tpu.memory_space<hbm>>) target(%dma_start3A_411 : memref<8x46xf32, #tpu.memory_space<vmem>>) target_semaphore(%arg10 : memref<!tpu.dma_semaphore, #tpu.memory_space<semaphore_mem>>)
    %slice3A_414 = vector.extract_strided_slice %get3A_4 {offsets = [10], sizes = [1], strides = [1]} : vector<16xi32> to vector<1xi32>
    %squeeze3A_415 = vector.extract %slice3A_414[0] : i32 from vector<1xi32>
    %jit3A_416 = arith.constant 8 : i32
    %div3A_417 = arith.divsi %squeeze3A_415, %jit3A_416 : i32
    %sign3A_418 = arith.constant 0 : i32
    %sign3A_419 = arith.cmpi sgt, %squeeze3A_415, %sign3A_418 : i32
    %sign3A_420 = arith.extui %sign3A_419 : i1 to i32
    %sign3A_421 = arith.constant 0 : i32
    %sign3A_422 = arith.cmpi slt, %squeeze3A_415, %sign3A_421 : i32
    %sign3A_423 = arith.extui %sign3A_422 : i1 to i32
    %sign3A_424 = arith.subi %sign3A_420, %sign3A_423 : i32
    %sign3A_425 = arith.constant 0 : i32
    %sign3A_426 = arith.cmpi sgt, %jit3A_416, %sign3A_425 : i32
    %sign3A_427 = arith.extui %sign3A_426 : i1 to i32
    %sign3A_428 = arith.constant 0 : i32
    %sign3A_429 = arith.cmpi slt, %jit3A_416, %sign3A_428 : i32
    %sign3A_430 = arith.extui %sign3A_429 : i1 to i32
    %sign3A_431 = arith.subi %sign3A_427, %sign3A_430 : i32
    %ne3A_432 = arith.cmpi ne, %sign3A_424, %sign3A_431 : i32
    %rem3A_433 = arith.remsi %squeeze3A_415, %jit3A_416 : i32
    %ne3A_434 = arith.constant 0 : i32
    %ne3A_435 = arith.cmpi ne, %rem3A_433, %ne3A_434 : i32
    %and3A_436 = arith.andi %ne3A_432, %ne3A_435 : i1
    %sub3A_437 = arith.constant 1 : i32
    %sub3A_438 = arith.subi %div3A_417, %sub3A_437 : i32
    %select_n3A_439 = arith.select %and3A_436, %sub3A_438, %div3A_417 : i32
    %mul3A_440 = arith.constant 8 : i32
    %mul3A_441 = arith.muli %select_n3A_439, %mul3A_440 : i32
    %multiple_of3A_442 = tpu.assume_multiple %mul3A_441, 8 : i32
    %dma_start3A_443 = arith.constant 2 : i32
    %dma_start3A_444 = arith.constant 0 : i32
    %dma_start3A_445 = arith.constant 0 : i32
    %dma_start3A_446 = tpu.memref_slice %arg7[%dma_start3A_443, %dma_start3A_444, %dma_start3A_445] : memref<8x8x46xf32, #tpu.memory_space<vmem>> -> memref<1x8x46xf32, #tpu.memory_space<vmem>>
    %dma_start3A_447 = tpu.memref_squeeze %dma_start3A_446 : memref<1x8x46xf32, #tpu.memory_space<vmem>> -> memref<8x46xf32, #tpu.memory_space<vmem>>
    %dma_start3A_448 = arith.constant 0 : i32
    %dma_start3A_449 = tpu.memref_slice %arg3[%multiple_of3A_442, %dma_start3A_448] : memref<1000000x46xf32, #tpu.memory_space<hbm>> -> memref<8x46xf32, #tpu.memory_space<hbm>>
    %dma_start3A_450 = arith.constant 0 : i32
    %dma_start3A_451 = arith.constant 0 : i32
    %dma_start3A_452 = tpu.memref_slice %arg7[%dma_start3A_443, %dma_start3A_450, %dma_start3A_451] : memref<8x8x46xf32, #tpu.memory_space<vmem>> -> memref<1x8x46xf32, #tpu.memory_space<vmem>>
    %dma_start3A_453 = tpu.memref_squeeze %dma_start3A_452 : memref<1x8x46xf32, #tpu.memory_space<vmem>> -> memref<8x46xf32, #tpu.memory_space<vmem>>
    %dma_start3A_454 = arith.constant 0 : i32
    %dma_start3A_455 = tpu.memref_slice %arg3[%multiple_of3A_442, %dma_start3A_454] : memref<1000000x46xf32, #tpu.memory_space<hbm>> -> memref<8x46xf32, #tpu.memory_space<hbm>>
    tpu.enqueue_dma source(%dma_start3A_455 : memref<8x46xf32, #tpu.memory_space<hbm>>) target(%dma_start3A_453 : memref<8x46xf32, #tpu.memory_space<vmem>>) target_semaphore(%arg10 : memref<!tpu.dma_semaphore, #tpu.memory_space<semaphore_mem>>)
    %slice3A_456 = vector.extract_strided_slice %get3A_4 {offsets = [11], sizes = [1], strides = [1]} : vector<16xi32> to vector<1xi32>
    %squeeze3A_457 = vector.extract %slice3A_456[0] : i32 from vector<1xi32>
    %jit3A_458 = arith.constant 8 : i32
    %div3A_459 = arith.divsi %squeeze3A_457, %jit3A_458 : i32
    %sign3A_460 = arith.constant 0 : i32
    %sign3A_461 = arith.cmpi sgt, %squeeze3A_457, %sign3A_460 : i32
    %sign3A_462 = arith.extui %sign3A_461 : i1 to i32
    %sign3A_463 = arith.constant 0 : i32
    %sign3A_464 = arith.cmpi slt, %squeeze3A_457, %sign3A_463 : i32
    %sign3A_465 = arith.extui %sign3A_464 : i1 to i32
    %sign3A_466 = arith.subi %sign3A_462, %sign3A_465 : i32
    %sign3A_467 = arith.constant 0 : i32
    %sign3A_468 = arith.cmpi sgt, %jit3A_458, %sign3A_467 : i32
    %sign3A_469 = arith.extui %sign3A_468 : i1 to i32
    %sign3A_470 = arith.constant 0 : i32
    %sign3A_471 = arith.cmpi slt, %jit3A_458, %sign3A_470 : i32
    %sign3A_472 = arith.extui %sign3A_471 : i1 to i32
    %sign3A_473 = arith.subi %sign3A_469, %sign3A_472 : i32
    %ne3A_474 = arith.cmpi ne, %sign3A_466, %sign3A_473 : i32
    %rem3A_475 = arith.remsi %squeeze3A_457, %jit3A_458 : i32
    %ne3A_476 = arith.constant 0 : i32
    %ne3A_477 = arith.cmpi ne, %rem3A_475, %ne3A_476 : i32
    %and3A_478 = arith.andi %ne3A_474, %ne3A_477 : i1
    %sub3A_479 = arith.constant 1 : i32
    %sub3A_480 = arith.subi %div3A_459, %sub3A_479 : i32
    %select_n3A_481 = arith.select %and3A_478, %sub3A_480, %div3A_459 : i32
    %mul3A_482 = arith.constant 8 : i32
    %mul3A_483 = arith.muli %select_n3A_481, %mul3A_482 : i32
    %multiple_of3A_484 = tpu.assume_multiple %mul3A_483, 8 : i32
    %dma_start3A_485 = arith.constant 3 : i32
    %dma_start3A_486 = arith.constant 0 : i32
    %dma_start3A_487 = arith.constant 0 : i32
    %dma_start3A_488 = tpu.memref_slice %arg7[%dma_start3A_485, %dma_start3A_486, %dma_start3A_487] : memref<8x8x46xf32, #tpu.memory_space<vmem>> -> memref<1x8x46xf32, #tpu.memory_space<vmem>>
    %dma_start3A_489 = tpu.memref_squeeze %dma_start3A_488 : memref<1x8x46xf32, #tpu.memory_space<vmem>> -> memref<8x46xf32, #tpu.memory_space<vmem>>
    %dma_start3A_490 = arith.constant 0 : i32
    %dma_start3A_491 = tpu.memref_slice %arg3[%multiple_of3A_484, %dma_start3A_490] : memref<1000000x46xf32, #tpu.memory_space<hbm>> -> memref<8x46xf32, #tpu.memory_space<hbm>>
    %dma_start3A_492 = arith.constant 0 : i32
    %dma_start3A_493 = arith.constant 0 : i32
    %dma_start3A_494 = tpu.memref_slice %arg7[%dma_start3A_485, %dma_start3A_492, %dma_start3A_493] : memref<8x8x46xf32, #tpu.memory_space<vmem>> -> memref<1x8x46xf32, #tpu.memory_space<vmem>>
    %dma_start3A_495 = tpu.memref_squeeze %dma_start3A_494 : memref<1x8x46xf32, #tpu.memory_space<vmem>> -> memref<8x46xf32, #tpu.memory_space<vmem>>
    %dma_start3A_496 = arith.constant 0 : i32
    %dma_start3A_497 = tpu.memref_slice %arg3[%multiple_of3A_484, %dma_start3A_496] : memref<1000000x46xf32, #tpu.memory_space<hbm>> -> memref<8x46xf32, #tpu.memory_space<hbm>>
    tpu.enqueue_dma source(%dma_start3A_497 : memref<8x46xf32, #tpu.memory_space<hbm>>) target(%dma_start3A_495 : memref<8x46xf32, #tpu.memory_space<vmem>>) target_semaphore(%arg10 : memref<!tpu.dma_semaphore, #tpu.memory_space<semaphore_mem>>)
    %slice3A_498 = vector.extract_strided_slice %get3A_4 {offsets = [12], sizes = [1], strides = [1]} : vector<16xi32> to vector<1xi32>
    %squeeze3A_499 = vector.extract %slice3A_498[0] : i32 from vector<1xi32>
    %jit3A_500 = arith.constant 8 : i32
    %div3A_501 = arith.divsi %squeeze3A_499, %jit3A_500 : i32
    %sign3A_502 = arith.constant 0 : i32
    %sign3A_503 = arith.cmpi sgt, %squeeze3A_499, %sign3A_502 : i32
    %sign3A_504 = arith.extui %sign3A_503 : i1 to i32
    %sign3A_505 = arith.constant 0 : i32
    %sign3A_506 = arith.cmpi slt, %squeeze3A_499, %sign3A_505 : i32
    %sign3A_507 = arith.extui %sign3A_506 : i1 to i32
    %sign3A_508 = arith.subi %sign3A_504, %sign3A_507 : i32
    %sign3A_509 = arith.constant 0 : i32
    %sign3A_510 = arith.cmpi sgt, %jit3A_500, %sign3A_509 : i32
    %sign3A_511 = arith.extui %sign3A_510 : i1 to i32
    %sign3A_512 = arith.constant 0 : i32
    %sign3A_513 = arith.cmpi slt, %jit3A_500, %sign3A_512 : i32
    %sign3A_514 = arith.extui %sign3A_513 : i1 to i32
    %sign3A_515 = arith.subi %sign3A_511, %sign3A_514 : i32
    %ne3A_516 = arith.cmpi ne, %sign3A_508, %sign3A_515 : i32
    %rem3A_517 = arith.remsi %squeeze3A_499, %jit3A_500 : i32
    %ne3A_518 = arith.constant 0 : i32
    %ne3A_519 = arith.cmpi ne, %rem3A_517, %ne3A_518 : i32
    %and3A_520 = arith.andi %ne3A_516, %ne3A_519 : i1
    %sub3A_521 = arith.constant 1 : i32
    %sub3A_522 = arith.subi %div3A_501, %sub3A_521 : i32
    %select_n3A_523 = arith.select %and3A_520, %sub3A_522, %div3A_501 : i32
    %mul3A_524 = arith.constant 8 : i32
    %mul3A_525 = arith.muli %select_n3A_523, %mul3A_524 : i32
    %multiple_of3A_526 = tpu.assume_multiple %mul3A_525, 8 : i32
    %dma_start3A_527 = arith.constant 4 : i32
    %dma_start3A_528 = arith.constant 0 : i32
    %dma_start3A_529 = arith.constant 0 : i32
    %dma_start3A_530 = tpu.memref_slice %arg7[%dma_start3A_527, %dma_start3A_528, %dma_start3A_529] : memref<8x8x46xf32, #tpu.memory_space<vmem>> -> memref<1x8x46xf32, #tpu.memory_space<vmem>>
    %dma_start3A_531 = tpu.memref_squeeze %dma_start3A_530 : memref<1x8x46xf32, #tpu.memory_space<vmem>> -> memref<8x46xf32, #tpu.memory_space<vmem>>
    %dma_start3A_532 = arith.constant 0 : i32
    %dma_start3A_533 = tpu.memref_slice %arg3[%multiple_of3A_526, %dma_start3A_532] : memref<1000000x46xf32, #tpu.memory_space<hbm>> -> memref<8x46xf32, #tpu.memory_space<hbm>>
    %dma_start3A_534 = arith.constant 0 : i32
    %dma_start3A_535 = arith.constant 0 : i32
    %dma_start3A_536 = tpu.memref_slice %arg7[%dma_start3A_527, %dma_start3A_534, %dma_start3A_535] : memref<8x8x46xf32, #tpu.memory_space<vmem>> -> memref<1x8x46xf32, #tpu.memory_space<vmem>>
    %dma_start3A_537 = tpu.memref_squeeze %dma_start3A_536 : memref<1x8x46xf32, #tpu.memory_space<vmem>> -> memref<8x46xf32, #tpu.memory_space<vmem>>
    %dma_start3A_538 = arith.constant 0 : i32
    %dma_start3A_539 = tpu.memref_slice %arg3[%multiple_of3A_526, %dma_start3A_538] : memref<1000000x46xf32, #tpu.memory_space<hbm>> -> memref<8x46xf32, #tpu.memory_space<hbm>>
    tpu.enqueue_dma source(%dma_start3A_539 : memref<8x46xf32, #tpu.memory_space<hbm>>) target(%dma_start3A_537 : memref<8x46xf32, #tpu.memory_space<vmem>>) target_semaphore(%arg10 : memref<!tpu.dma_semaphore, #tpu.memory_space<semaphore_mem>>)
    %slice3A_540 = vector.extract_strided_slice %get3A_4 {offsets = [13], sizes = [1], strides = [1]} : vector<16xi32> to vector<1xi32>
    %squeeze3A_541 = vector.extract %slice3A_540[0] : i32 from vector<1xi32>
    %jit3A_542 = arith.constant 8 : i32
    %div3A_543 = arith.divsi %squeeze3A_541, %jit3A_542 : i32
    %sign3A_544 = arith.constant 0 : i32
    %sign3A_545 = arith.cmpi sgt, %squeeze3A_541, %sign3A_544 : i32
    %sign3A_546 = arith.extui %sign3A_545 : i1 to i32
    %sign3A_547 = arith.constant 0 : i32
    %sign3A_548 = arith.cmpi slt, %squeeze3A_541, %sign3A_547 : i32
    %sign3A_549 = arith.extui %sign3A_548 : i1 to i32
    %sign3A_550 = arith.subi %sign3A_546, %sign3A_549 : i32
    %sign3A_551 = arith.constant 0 : i32
    %sign3A_552 = arith.cmpi sgt, %jit3A_542, %sign3A_551 : i32
    %sign3A_553 = arith.extui %sign3A_552 : i1 to i32
    %sign3A_554 = arith.constant 0 : i32
    %sign3A_555 = arith.cmpi slt, %jit3A_542, %sign3A_554 : i32
    %sign3A_556 = arith.extui %sign3A_555 : i1 to i32
    %sign3A_557 = arith.subi %sign3A_553, %sign3A_556 : i32
    %ne3A_558 = arith.cmpi ne, %sign3A_550, %sign3A_557 : i32
    %rem3A_559 = arith.remsi %squeeze3A_541, %jit3A_542 : i32
    %ne3A_560 = arith.constant 0 : i32
    %ne3A_561 = arith.cmpi ne, %rem3A_559, %ne3A_560 : i32
    %and3A_562 = arith.andi %ne3A_558, %ne3A_561 : i1
    %sub3A_563 = arith.constant 1 : i32
    %sub3A_564 = arith.subi %div3A_543, %sub3A_563 : i32
    %select_n3A_565 = arith.select %and3A_562, %sub3A_564, %div3A_543 : i32
    %mul3A_566 = arith.constant 8 : i32
    %mul3A_567 = arith.muli %select_n3A_565, %mul3A_566 : i32
    %multiple_of3A_568 = tpu.assume_multiple %mul3A_567, 8 : i32
    %dma_start3A_569 = arith.constant 5 : i32
    %dma_start3A_570 = arith.constant 0 : i32
    %dma_start3A_571 = arith.constant 0 : i32
    %dma_start3A_572 = tpu.memref_slice %arg7[%dma_start3A_569, %dma_start3A_570, %dma_start3A_571] : memref<8x8x46xf32, #tpu.memory_space<vmem>> -> memref<1x8x46xf32, #tpu.memory_space<vmem>>
    %dma_start3A_573 = tpu.memref_squeeze %dma_start3A_572 : memref<1x8x46xf32, #tpu.memory_space<vmem>> -> memref<8x46xf32, #tpu.memory_space<vmem>>
    %dma_start3A_574 = arith.constant 0 : i32
    %dma_start3A_575 = tpu.memref_slice %arg3[%multiple_of3A_568, %dma_start3A_574] : memref<1000000x46xf32, #tpu.memory_space<hbm>> -> memref<8x46xf32, #tpu.memory_space<hbm>>
    %dma_start3A_576 = arith.constant 0 : i32
    %dma_start3A_577 = arith.constant 0 : i32
    %dma_start3A_578 = tpu.memref_slice %arg7[%dma_start3A_569, %dma_start3A_576, %dma_start3A_577] : memref<8x8x46xf32, #tpu.memory_space<vmem>> -> memref<1x8x46xf32, #tpu.memory_space<vmem>>
    %dma_start3A_579 = tpu.memref_squeeze %dma_start3A_578 : memref<1x8x46xf32, #tpu.memory_space<vmem>> -> memref<8x46xf32, #tpu.memory_space<vmem>>
    %dma_start3A_580 = arith.constant 0 : i32
    %dma_start3A_581 = tpu.memref_slice %arg3[%multiple_of3A_568, %dma_start3A_580] : memref<1000000x46xf32, #tpu.memory_space<hbm>> -> memref<8x46xf32, #tpu.memory_space<hbm>>
    tpu.enqueue_dma source(%dma_start3A_581 : memref<8x46xf32, #tpu.memory_space<hbm>>) target(%dma_start3A_579 : memref<8x46xf32, #tpu.memory_space<vmem>>) target_semaphore(%arg10 : memref<!tpu.dma_semaphore, #tpu.memory_space<semaphore_mem>>)
    %slice3A_582 = vector.extract_strided_slice %get3A_4 {offsets = [14], sizes = [1], strides = [1]} : vector<16xi32> to vector<1xi32>
    %squeeze3A_583 = vector.extract %slice3A_582[0] : i32 from vector<1xi32>
    %jit3A_584 = arith.constant 8 : i32
    %div3A_585 = arith.divsi %squeeze3A_583, %jit3A_584 : i32
    %sign3A_586 = arith.constant 0 : i32
    %sign3A_587 = arith.cmpi sgt, %squeeze3A_583, %sign3A_586 : i32
    %sign3A_588 = arith.extui %sign3A_587 : i1 to i32
    %sign3A_589 = arith.constant 0 : i32
    %sign3A_590 = arith.cmpi slt, %squeeze3A_583, %sign3A_589 : i32
    %sign3A_591 = arith.extui %sign3A_590 : i1 to i32
    %sign3A_592 = arith.subi %sign3A_588, %sign3A_591 : i32
    %sign3A_593 = arith.constant 0 : i32
    %sign3A_594 = arith.cmpi sgt, %jit3A_584, %sign3A_593 : i32
    %sign3A_595 = arith.extui %sign3A_594 : i1 to i32
    %sign3A_596 = arith.constant 0 : i32
    %sign3A_597 = arith.cmpi slt, %jit3A_584, %sign3A_596 : i32
    %sign3A_598 = arith.extui %sign3A_597 : i1 to i32
    %sign3A_599 = arith.subi %sign3A_595, %sign3A_598 : i32
    %ne3A_600 = arith.cmpi ne, %sign3A_592, %sign3A_599 : i32
    %rem3A_601 = arith.remsi %squeeze3A_583, %jit3A_584 : i32
    %ne3A_602 = arith.constant 0 : i32
    %ne3A_603 = arith.cmpi ne, %rem3A_601, %ne3A_602 : i32
    %and3A_604 = arith.andi %ne3A_600, %ne3A_603 : i1
    %sub3A_605 = arith.constant 1 : i32
    %sub3A_606 = arith.subi %div3A_585, %sub3A_605 : i32
    %select_n3A_607 = arith.select %and3A_604, %sub3A_606, %div3A_585 : i32
    %mul3A_608 = arith.constant 8 : i32
    %mul3A_609 = arith.muli %select_n3A_607, %mul3A_608 : i32
    %multiple_of3A_610 = tpu.assume_multiple %mul3A_609, 8 : i32
    %dma_start3A_611 = arith.constant 6 : i32
    %dma_start3A_612 = arith.constant 0 : i32
    %dma_start3A_613 = arith.constant 0 : i32
    %dma_start3A_614 = tpu.memref_slice %arg7[%dma_start3A_611, %dma_start3A_612, %dma_start3A_613] : memref<8x8x46xf32, #tpu.memory_space<vmem>> -> memref<1x8x46xf32, #tpu.memory_space<vmem>>
    %dma_start3A_615 = tpu.memref_squeeze %dma_start3A_614 : memref<1x8x46xf32, #tpu.memory_space<vmem>> -> memref<8x46xf32, #tpu.memory_space<vmem>>
    %dma_start3A_616 = arith.constant 0 : i32
    %dma_start3A_617 = tpu.memref_slice %arg3[%multiple_of3A_610, %dma_start3A_616] : memref<1000000x46xf32, #tpu.memory_space<hbm>> -> memref<8x46xf32, #tpu.memory_space<hbm>>
    %dma_start3A_618 = arith.constant 0 : i32
    %dma_start3A_619 = arith.constant 0 : i32
    %dma_start3A_620 = tpu.memref_slice %arg7[%dma_start3A_611, %dma_start3A_618, %dma_start3A_619] : memref<8x8x46xf32, #tpu.memory_space<vmem>> -> memref<1x8x46xf32, #tpu.memory_space<vmem>>
    %dma_start3A_621 = tpu.memref_squeeze %dma_start3A_620 : memref<1x8x46xf32, #tpu.memory_space<vmem>> -> memref<8x46xf32, #tpu.memory_space<vmem>>
    %dma_start3A_622 = arith.constant 0 : i32
    %dma_start3A_623 = tpu.memref_slice %arg3[%multiple_of3A_610, %dma_start3A_622] : memref<1000000x46xf32, #tpu.memory_space<hbm>> -> memref<8x46xf32, #tpu.memory_space<hbm>>
    tpu.enqueue_dma source(%dma_start3A_623 : memref<8x46xf32, #tpu.memory_space<hbm>>) target(%dma_start3A_621 : memref<8x46xf32, #tpu.memory_space<vmem>>) target_semaphore(%arg10 : memref<!tpu.dma_semaphore, #tpu.memory_space<semaphore_mem>>)
    %slice3A_624 = vector.extract_strided_slice %get3A_4 {offsets = [15], sizes = [1], strides = [1]} : vector<16xi32> to vector<1xi32>
    %squeeze3A_625 = vector.extract %slice3A_624[0] : i32 from vector<1xi32>
    %jit3A_626 = arith.constant 8 : i32
    %div3A_627 = arith.divsi %squeeze3A_625, %jit3A_626 : i32
    %sign3A_628 = arith.constant 0 : i32
    %sign3A_629 = arith.cmpi sgt, %squeeze3A_625, %sign3A_628 : i32
    %sign3A_630 = arith.extui %sign3A_629 : i1 to i32
    %sign3A_631 = arith.constant 0 : i32
    %sign3A_632 = arith.cmpi slt, %squeeze3A_625, %sign3A_631 : i32
    %sign3A_633 = arith.extui %sign3A_632 : i1 to i32
    %sign3A_634 = arith.subi %sign3A_630, %sign3A_633 : i32
    %sign3A_635 = arith.constant 0 : i32
    %sign3A_636 = arith.cmpi sgt, %jit3A_626, %sign3A_635 : i32
    %sign3A_637 = arith.extui %sign3A_636 : i1 to i32
    %sign3A_638 = arith.constant 0 : i32
    %sign3A_639 = arith.cmpi slt, %jit3A_626, %sign3A_638 : i32
    %sign3A_640 = arith.extui %sign3A_639 : i1 to i32
    %sign3A_641 = arith.subi %sign3A_637, %sign3A_640 : i32
    %ne3A_642 = arith.cmpi ne, %sign3A_634, %sign3A_641 : i32
    %rem3A_643 = arith.remsi %squeeze3A_625, %jit3A_626 : i32
    %ne3A_644 = arith.constant 0 : i32
    %ne3A_645 = arith.cmpi ne, %rem3A_643, %ne3A_644 : i32
    %and3A_646 = arith.andi %ne3A_642, %ne3A_645 : i1
    %sub3A_647 = arith.constant 1 : i32
    %sub3A_648 = arith.subi %div3A_627, %sub3A_647 : i32
    %select_n3A_649 = arith.select %and3A_646, %sub3A_648, %div3A_627 : i32
    %mul3A_650 = arith.constant 8 : i32
    %mul3A_651 = arith.muli %select_n3A_649, %mul3A_650 : i32
    %multiple_of3A_652 = tpu.assume_multiple %mul3A_651, 8 : i32
    %dma_start3A_653 = arith.constant 7 : i32
    %dma_start3A_654 = arith.constant 0 : i32
    %dma_start3A_655 = arith.constant 0 : i32
    %dma_start3A_656 = tpu.memref_slice %arg7[%dma_start3A_653, %dma_start3A_654, %dma_start3A_655] : memref<8x8x46xf32, #tpu.memory_space<vmem>> -> memref<1x8x46xf32, #tpu.memory_space<vmem>>
    %dma_start3A_657 = tpu.memref_squeeze %dma_start3A_656 : memref<1x8x46xf32, #tpu.memory_space<vmem>> -> memref<8x46xf32, #tpu.memory_space<vmem>>
    %dma_start3A_658 = arith.constant 0 : i32
    %dma_start3A_659 = tpu.memref_slice %arg3[%multiple_of3A_652, %dma_start3A_658] : memref<1000000x46xf32, #tpu.memory_space<hbm>> -> memref<8x46xf32, #tpu.memory_space<hbm>>
    %dma_start3A_660 = arith.constant 0 : i32
    %dma_start3A_661 = arith.constant 0 : i32
    %dma_start3A_662 = tpu.memref_slice %arg7[%dma_start3A_653, %dma_start3A_660, %dma_start3A_661] : memref<8x8x46xf32, #tpu.memory_space<vmem>> -> memref<1x8x46xf32, #tpu.memory_space<vmem>>
    %dma_start3A_663 = tpu.memref_squeeze %dma_start3A_662 : memref<1x8x46xf32, #tpu.memory_space<vmem>> -> memref<8x46xf32, #tpu.memory_space<vmem>>
    %dma_start3A_664 = arith.constant 0 : i32
    %dma_start3A_665 = tpu.memref_slice %arg3[%multiple_of3A_652, %dma_start3A_664] : memref<1000000x46xf32, #tpu.memory_space<hbm>> -> memref<8x46xf32, #tpu.memory_space<hbm>>
    tpu.enqueue_dma source(%dma_start3A_665 : memref<8x46xf32, #tpu.memory_space<hbm>>) target(%dma_start3A_663 : memref<8x46xf32, #tpu.memory_space<vmem>>) target_semaphore(%arg10 : memref<!tpu.dma_semaphore, #tpu.memory_space<semaphore_mem>>)
    %scan3A = arith.constant 0 : i32
    %scan3A_666 = arith.constant 0 : i32
    %scan3A_667 = arith.constant 31 : i32
    %scan3A_668 = arith.addi %scan3A_666, %scan3A_667 : i32
    %scan3A_669 = arith.constant 1 : i32
    scf.for %scan3A_1747 = %scan3A_666 to %scan3A_668 step %scan3A_669  : i32 {
      %mul3A_1748 = arith.constant 16 : i32
      %mul3A_1749 = arith.muli %scan3A_1747, %mul3A_1748 : i32
      %get3A_1750 = arith.index_cast %mul3A_1749 : i32 to index
      %get3A_1751 = tpu.vector_load %arg5[%get3A_1750] {strides = array<i32>} : memref<512xi32, #tpu.memory_space<vmem>>, vector<16xi32>,
      %get3A_1752 = vector.shape_cast %get3A_1751 : vector<16xi32> to vector<16xi32>
      %add3A_1753 = arith.constant 16 : i32
      %add3A_1754 = arith.addi %mul3A_1749, %add3A_1753 : i32
      %get3A_1755 = arith.index_cast %add3A_1754 : i32 to index
      %get3A_1756 = tpu.vector_load %arg5[%get3A_1755] {strides = array<i32>} : memref<512xi32, #tpu.memory_space<vmem>>, vector<16xi32>,
      %get3A_1757 = vector.shape_cast %get3A_1756 : vector<16xi32> to vector<16xi32>
      %dma_wait3A_1758 = arith.constant 0 : i32
      %dma_wait3A_1759 = arith.constant 0 : i32
      %dma_wait3A_1760 = arith.constant 0 : i32
      %dma_wait3A_1761 = tpu.memref_slice %arg6[%dma_wait3A_1758, %dma_wait3A_1759, %dma_wait3A_1760] : memref<8x8x46xf32, #tpu.memory_space<vmem>> -> memref<1x8x46xf32, #tpu.memory_space<vmem>>
      %dma_wait3A_1762 = tpu.memref_squeeze %dma_wait3A_1761 : memref<1x8x46xf32, #tpu.memory_space<vmem>> -> memref<8x46xf32, #tpu.memory_space<vmem>>
      %dma_wait3A_1763 = arith.constant 0 : i32
      %dma_wait3A_1764 = arith.constant 0 : i32
      %dma_wait3A_1765 = tpu.memref_slice %arg3[%dma_wait3A_1763, %dma_wait3A_1764] : memref<1000000x46xf32, #tpu.memory_space<hbm>> -> memref<8x46xf32, #tpu.memory_space<hbm>>
      %dma_wait3A_1766 = arith.constant 0 : i32
      %dma_wait3A_1767 = arith.constant 0 : i32
      %dma_wait3A_1768 = tpu.memref_slice %arg6[%dma_wait3A_1758, %dma_wait3A_1766, %dma_wait3A_1767] : memref<8x8x46xf32, #tpu.memory_space<vmem>> -> memref<1x8x46xf32, #tpu.memory_space<vmem>>
      %dma_wait3A_1769 = tpu.memref_squeeze %dma_wait3A_1768 : memref<1x8x46xf32, #tpu.memory_space<vmem>> -> memref<8x46xf32, #tpu.memory_space<vmem>>
      %dma_wait3A_1770 = arith.constant 0 : i32
      %dma_wait3A_1771 = arith.constant 0 : i32
      %dma_wait3A_1772 = tpu.memref_slice %arg3[%dma_wait3A_1770, %dma_wait3A_1771] : memref<1000000x46xf32, #tpu.memory_space<hbm>> -> memref<8x46xf32, #tpu.memory_space<hbm>>
      tpu.wait_dma2 semaphore(%arg9 : memref<!tpu.dma_semaphore, #tpu.memory_space<semaphore_mem>>) src(%dma_wait3A_1772 : memref<8x46xf32, #tpu.memory_space<hbm>>) dst(%dma_wait3A_1769 : memref<8x46xf32, #tpu.memory_space<vmem>>)
      %dma_wait3A_1773 = arith.constant 1 : i32
      %dma_wait3A_1774 = arith.constant 0 : i32
      %dma_wait3A_1775 = arith.constant 0 : i32
      %dma_wait3A_1776 = tpu.memref_slice %arg6[%dma_wait3A_1773, %dma_wait3A_1774, %dma_wait3A_1775] : memref<8x8x46xf32, #tpu.memory_space<vmem>> -> memref<1x8x46xf32, #tpu.memory_space<vmem>>
      %dma_wait3A_1777 = tpu.memref_squeeze %dma_wait3A_1776 : memref<1x8x46xf32, #tpu.memory_space<vmem>> -> memref<8x46xf32, #tpu.memory_space<vmem>>
      %dma_wait3A_1778 = arith.constant 0 : i32
      %dma_wait3A_1779 = arith.constant 0 : i32
      %dma_wait3A_1780 = tpu.memref_slice %arg3[%dma_wait3A_1778, %dma_wait3A_1779] : memref<1000000x46xf32, #tpu.memory_space<hbm>> -> memref<8x46xf32, #tpu.memory_space<hbm>>
      %dma_wait3A_1781 = arith.constant 0 : i32
      %dma_wait3A_1782 = arith.constant 0 : i32
      %dma_wait3A_1783 = tpu.memref_slice %arg6[%dma_wait3A_1773, %dma_wait3A_1781, %dma_wait3A_1782] : memref<8x8x46xf32, #tpu.memory_space<vmem>> -> memref<1x8x46xf32, #tpu.memory_space<vmem>>
      %dma_wait3A_1784 = tpu.memref_squeeze %dma_wait3A_1783 : memref<1x8x46xf32, #tpu.memory_space<vmem>> -> memref<8x46xf32, #tpu.memory_space<vmem>>
      %dma_wait3A_1785 = arith.constant 0 : i32
      %dma_wait3A_1786 = arith.constant 0 : i32
      %dma_wait3A_1787 = tpu.memref_slice %arg3[%dma_wait3A_1785, %dma_wait3A_1786] : memref<1000000x46xf32, #tpu.memory_space<hbm>> -> memref<8x46xf32, #tpu.memory_space<hbm>>
      tpu.wait_dma2 semaphore(%arg9 : memref<!tpu.dma_semaphore, #tpu.memory_space<semaphore_mem>>) src(%dma_wait3A_1787 : memref<8x46xf32, #tpu.memory_space<hbm>>) dst(%dma_wait3A_1784 : memref<8x46xf32, #tpu.memory_space<vmem>>)
      %dma_wait3A_1788 = arith.constant 2 : i32
      %dma_wait3A_1789 = arith.constant 0 : i32
      %dma_wait3A_1790 = arith.constant 0 : i32
      %dma_wait3A_1791 = tpu.memref_slice %arg6[%dma_wait3A_1788, %dma_wait3A_1789, %dma_wait3A_1790] : memref<8x8x46xf32, #tpu.memory_space<vmem>> -> memref<1x8x46xf32, #tpu.memory_space<vmem>>
      %dma_wait3A_1792 = tpu.memref_squeeze %dma_wait3A_1791 : memref<1x8x46xf32, #tpu.memory_space<vmem>> -> memref<8x46xf32, #tpu.memory_space<vmem>>
      %dma_wait3A_1793 = arith.constant 0 : i32
      %dma_wait3A_1794 = arith.constant 0 : i32
      %dma_wait3A_1795 = tpu.memref_slice %arg3[%dma_wait3A_1793, %dma_wait3A_1794] : memref<1000000x46xf32, #tpu.memory_space<hbm>> -> memref<8x46xf32, #tpu.memory_space<hbm>>
      %dma_wait3A_1796 = arith.constant 0 : i32
      %dma_wait3A_1797 = arith.constant 0 : i32
      %dma_wait3A_1798 = tpu.memref_slice %arg6[%dma_wait3A_1788, %dma_wait3A_1796, %dma_wait3A_1797] : memref<8x8x46xf32, #tpu.memory_space<vmem>> -> memref<1x8x46xf32, #tpu.memory_space<vmem>>
      %dma_wait3A_1799 = tpu.memref_squeeze %dma_wait3A_1798 : memref<1x8x46xf32, #tpu.memory_space<vmem>> -> memref<8x46xf32, #tpu.memory_space<vmem>>
      %dma_wait3A_1800 = arith.constant 0 : i32
      %dma_wait3A_1801 = arith.constant 0 : i32
      %dma_wait3A_1802 = tpu.memref_slice %arg3[%dma_wait3A_1800, %dma_wait3A_1801] : memref<1000000x46xf32, #tpu.memory_space<hbm>> -> memref<8x46xf32, #tpu.memory_space<hbm>>
      tpu.wait_dma2 semaphore(%arg9 : memref<!tpu.dma_semaphore, #tpu.memory_space<semaphore_mem>>) src(%dma_wait3A_1802 : memref<8x46xf32, #tpu.memory_space<hbm>>) dst(%dma_wait3A_1799 : memref<8x46xf32, #tpu.memory_space<vmem>>)
      %dma_wait3A_1803 = arith.constant 3 : i32
      %dma_wait3A_1804 = arith.constant 0 : i32
      %dma_wait3A_1805 = arith.constant 0 : i32
      %dma_wait3A_1806 = tpu.memref_slice %arg6[%dma_wait3A_1803, %dma_wait3A_1804, %dma_wait3A_1805] : memref<8x8x46xf32, #tpu.memory_space<vmem>> -> memref<1x8x46xf32, #tpu.memory_space<vmem>>
      %dma_wait3A_1807 = tpu.memref_squeeze %dma_wait3A_1806 : memref<1x8x46xf32, #tpu.memory_space<vmem>> -> memref<8x46xf32, #tpu.memory_space<vmem>>
      %dma_wait3A_1808 = arith.constant 0 : i32
      %dma_wait3A_1809 = arith.constant 0 : i32
      %dma_wait3A_1810 = tpu.memref_slice %arg3[%dma_wait3A_1808, %dma_wait3A_1809] : memref<1000000x46xf32, #tpu.memory_space<hbm>> -> memref<8x46xf32, #tpu.memory_space<hbm>>
      %dma_wait3A_1811 = arith.constant 0 : i32
      %dma_wait3A_1812 = arith.constant 0 : i32
      %dma_wait3A_1813 = tpu.memref_slice %arg6[%dma_wait3A_1803, %dma_wait3A_1811, %dma_wait3A_1812] : memref<8x8x46xf32, #tpu.memory_space<vmem>> -> memref<1x8x46xf32, #tpu.memory_space<vmem>>
      %dma_wait3A_1814 = tpu.memref_squeeze %dma_wait3A_1813 : memref<1x8x46xf32, #tpu.memory_space<vmem>> -> memref<8x46xf32, #tpu.memory_space<vmem>>
      %dma_wait3A_1815 = arith.constant 0 : i32
      %dma_wait3A_1816 = arith.constant 0 : i32
      %dma_wait3A_1817 = tpu.memref_slice %arg3[%dma_wait3A_1815, %dma_wait3A_1816] : memref<1000000x46xf32, #tpu.memory_space<hbm>> -> memref<8x46xf32, #tpu.memory_space<hbm>>
      tpu.wait_dma2 semaphore(%arg9 : memref<!tpu.dma_semaphore, #tpu.memory_space<semaphore_mem>>) src(%dma_wait3A_1817 : memref<8x46xf32, #tpu.memory_space<hbm>>) dst(%dma_wait3A_1814 : memref<8x46xf32, #tpu.memory_space<vmem>>)
      %dma_wait3A_1818 = arith.constant 4 : i32
      %dma_wait3A_1819 = arith.constant 0 : i32
      %dma_wait3A_1820 = arith.constant 0 : i32
      %dma_wait3A_1821 = tpu.memref_slice %arg6[%dma_wait3A_1818, %dma_wait3A_1819, %dma_wait3A_1820] : memref<8x8x46xf32, #tpu.memory_space<vmem>> -> memref<1x8x46xf32, #tpu.memory_space<vmem>>
      %dma_wait3A_1822 = tpu.memref_squeeze %dma_wait3A_1821 : memref<1x8x46xf32, #tpu.memory_space<vmem>> -> memref<8x46xf32, #tpu.memory_space<vmem>>
      %dma_wait3A_1823 = arith.constant 0 : i32
      %dma_wait3A_1824 = arith.constant 0 : i32
      %dma_wait3A_1825 = tpu.memref_slice %arg3[%dma_wait3A_1823, %dma_wait3A_1824] : memref<1000000x46xf32, #tpu.memory_space<hbm>> -> memref<8x46xf32, #tpu.memory_space<hbm>>
      %dma_wait3A_1826 = arith.constant 0 : i32
      %dma_wait3A_1827 = arith.constant 0 : i32
      %dma_wait3A_1828 = tpu.memref_slice %arg6[%dma_wait3A_1818, %dma_wait3A_1826, %dma_wait3A_1827] : memref<8x8x46xf32, #tpu.memory_space<vmem>> -> memref<1x8x46xf32, #tpu.memory_space<vmem>>
      %dma_wait3A_1829 = tpu.memref_squeeze %dma_wait3A_1828 : memref<1x8x46xf32, #tpu.memory_space<vmem>> -> memref<8x46xf32, #tpu.memory_space<vmem>>
      %dma_wait3A_1830 = arith.constant 0 : i32
      %dma_wait3A_1831 = arith.constant 0 : i32
      %dma_wait3A_1832 = tpu.memref_slice %arg3[%dma_wait3A_1830, %dma_wait3A_1831] : memref<1000000x46xf32, #tpu.memory_space<hbm>> -> memref<8x46xf32, #tpu.memory_space<hbm>>
      tpu.wait_dma2 semaphore(%arg9 : memref<!tpu.dma_semaphore, #tpu.memory_space<semaphore_mem>>) src(%dma_wait3A_1832 : memref<8x46xf32, #tpu.memory_space<hbm>>) dst(%dma_wait3A_1829 : memref<8x46xf32, #tpu.memory_space<vmem>>)
      %dma_wait3A_1833 = arith.constant 5 : i32
      %dma_wait3A_1834 = arith.constant 0 : i32
      %dma_wait3A_1835 = arith.constant 0 : i32
      %dma_wait3A_1836 = tpu.memref_slice %arg6[%dma_wait3A_1833, %dma_wait3A_1834, %dma_wait3A_1835] : memref<8x8x46xf32, #tpu.memory_space<vmem>> -> memref<1x8x46xf32, #tpu.memory_space<vmem>>
      %dma_wait3A_1837 = tpu.memref_squeeze %dma_wait3A_1836 : memref<1x8x46xf32, #tpu.memory_space<vmem>> -> memref<8x46xf32, #tpu.memory_space<vmem>>
      %dma_wait3A_1838 = arith.constant 0 : i32
      %dma_wait3A_1839 = arith.constant 0 : i32
      %dma_wait3A_1840 = tpu.memref_slice %arg3[%dma_wait3A_1838, %dma_wait3A_1839] : memref<1000000x46xf32, #tpu.memory_space<hbm>> -> memref<8x46xf32, #tpu.memory_space<hbm>>
      %dma_wait3A_1841 = arith.constant 0 : i32
      %dma_wait3A_1842 = arith.constant 0 : i32
      %dma_wait3A_1843 = tpu.memref_slice %arg6[%dma_wait3A_1833, %dma_wait3A_1841, %dma_wait3A_1842] : memref<8x8x46xf32, #tpu.memory_space<vmem>> -> memref<1x8x46xf32, #tpu.memory_space<vmem>>
      %dma_wait3A_1844 = tpu.memref_squeeze %dma_wait3A_1843 : memref<1x8x46xf32, #tpu.memory_space<vmem>> -> memref<8x46xf32, #tpu.memory_space<vmem>>
      %dma_wait3A_1845 = arith.constant 0 : i32
      %dma_wait3A_1846 = arith.constant 0 : i32
      %dma_wait3A_1847 = tpu.memref_slice %arg3[%dma_wait3A_1845, %dma_wait3A_1846] : memref<1000000x46xf32, #tpu.memory_space<hbm>> -> memref<8x46xf32, #tpu.memory_space<hbm>>
      tpu.wait_dma2 semaphore(%arg9 : memref<!tpu.dma_semaphore, #tpu.memory_space<semaphore_mem>>) src(%dma_wait3A_1847 : memref<8x46xf32, #tpu.memory_space<hbm>>) dst(%dma_wait3A_1844 : memref<8x46xf32, #tpu.memory_space<vmem>>)
      %dma_wait3A_1848 = arith.constant 6 : i32
      %dma_wait3A_1849 = arith.constant 0 : i32
      %dma_wait3A_1850 = arith.constant 0 : i32
      %dma_wait3A_1851 = tpu.memref_slice %arg6[%dma_wait3A_1848, %dma_wait3A_1849, %dma_wait3A_1850] : memref<8x8x46xf32, #tpu.memory_space<vmem>> -> memref<1x8x46xf32, #tpu.memory_space<vmem>>
      %dma_wait3A_1852 = tpu.memref_squeeze %dma_wait3A_1851 : memref<1x8x46xf32, #tpu.memory_space<vmem>> -> memref<8x46xf32, #tpu.memory_space<vmem>>
      %dma_wait3A_1853 = arith.constant 0 : i32
      %dma_wait3A_1854 = arith.constant 0 : i32
      %dma_wait3A_1855 = tpu.memref_slice %arg3[%dma_wait3A_1853, %dma_wait3A_1854] : memref<1000000x46xf32, #tpu.memory_space<hbm>> -> memref<8x46xf32, #tpu.memory_space<hbm>>
      %dma_wait3A_1856 = arith.constant 0 : i32
      %dma_wait3A_1857 = arith.constant 0 : i32
      %dma_wait3A_1858 = tpu.memref_slice %arg6[%dma_wait3A_1848, %dma_wait3A_1856, %dma_wait3A_1857] : memref<8x8x46xf32, #tpu.memory_space<vmem>> -> memref<1x8x46xf32, #tpu.memory_space<vmem>>
      %dma_wait3A_1859 = tpu.memref_squeeze %dma_wait3A_1858 : memref<1x8x46xf32, #tpu.memory_space<vmem>> -> memref<8x46xf32, #tpu.memory_space<vmem>>
      %dma_wait3A_1860 = arith.constant 0 : i32
      %dma_wait3A_1861 = arith.constant 0 : i32
      %dma_wait3A_1862 = tpu.memref_slice %arg3[%dma_wait3A_1860, %dma_wait3A_1861] : memref<1000000x46xf32, #tpu.memory_space<hbm>> -> memref<8x46xf32, #tpu.memory_space<hbm>>
      tpu.wait_dma2 semaphore(%arg9 : memref<!tpu.dma_semaphore, #tpu.memory_space<semaphore_mem>>) src(%dma_wait3A_1862 : memref<8x46xf32, #tpu.memory_space<hbm>>) dst(%dma_wait3A_1859 : memref<8x46xf32, #tpu.memory_space<vmem>>)
      %dma_wait3A_1863 = arith.constant 7 : i32
      %dma_wait3A_1864 = arith.constant 0 : i32
      %dma_wait3A_1865 = arith.constant 0 : i32
      %dma_wait3A_1866 = tpu.memref_slice %arg6[%dma_wait3A_1863, %dma_wait3A_1864, %dma_wait3A_1865] : memref<8x8x46xf32, #tpu.memory_space<vmem>> -> memref<1x8x46xf32, #tpu.memory_space<vmem>>
      %dma_wait3A_1867 = tpu.memref_squeeze %dma_wait3A_1866 : memref<1x8x46xf32, #tpu.memory_space<vmem>> -> memref<8x46xf32, #tpu.memory_space<vmem>>
      %dma_wait3A_1868 = arith.constant 0 : i32
      %dma_wait3A_1869 = arith.constant 0 : i32
      %dma_wait3A_1870 = tpu.memref_slice %arg3[%dma_wait3A_1868, %dma_wait3A_1869] : memref<1000000x46xf32, #tpu.memory_space<hbm>> -> memref<8x46xf32, #tpu.memory_space<hbm>>
      %dma_wait3A_1871 = arith.constant 0 : i32
      %dma_wait3A_1872 = arith.constant 0 : i32
      %dma_wait3A_1873 = tpu.memref_slice %arg6[%dma_wait3A_1863, %dma_wait3A_1871, %dma_wait3A_1872] : memref<8x8x46xf32, #tpu.memory_space<vmem>> -> memref<1x8x46xf32, #tpu.memory_space<vmem>>
      %dma_wait3A_1874 = tpu.memref_squeeze %dma_wait3A_1873 : memref<1x8x46xf32, #tpu.memory_space<vmem>> -> memref<8x46xf32, #tpu.memory_space<vmem>>
      %dma_wait3A_1875 = arith.constant 0 : i32
      %dma_wait3A_1876 = arith.constant 0 : i32
      %dma_wait3A_1877 = tpu.memref_slice %arg3[%dma_wait3A_1875, %dma_wait3A_1876] : memref<1000000x46xf32, #tpu.memory_space<hbm>> -> memref<8x46xf32, #tpu.memory_space<hbm>>
      tpu.wait_dma2 semaphore(%arg9 : memref<!tpu.dma_semaphore, #tpu.memory_space<semaphore_mem>>) src(%dma_wait3A_1877 : memref<8x46xf32, #tpu.memory_space<hbm>>) dst(%dma_wait3A_1874 : memref<8x46xf32, #tpu.memory_space<vmem>>)
      %broadcast_in_dim3A_1878 = arith.constant 0.000000e+00 : f32
      %broadcast_in_dim3A_1879 = vector.broadcast %broadcast_in_dim3A_1878 : f32 to vector<16xf32>
      %slice3A_1880 = vector.extract_strided_slice %get3A_1752 {offsets = [0], sizes = [1], strides = [1]} : vector<16xi32> to vector<1xi32>
      %squeeze3A_1881 = vector.extract %slice3A_1880[0] : i32 from vector<1xi32>
      %rem3A_1882 = arith.constant 8 : i32
      %rem3A_1883 = arith.remsi %squeeze3A_1881, %rem3A_1882 : i32
      %add3A_1884 = arith.constant 0 : i32
      %add3A_1885 = arith.addi %mul3A_1749, %add3A_1884 : i32
      %get3A_1886 = arith.constant 0 : i32
      %get3A_1887 = arith.index_cast %get3A_1886 : i32 to index
      %get3A_1888 = arith.index_cast %rem3A_1883 : i32 to index
      %get3A_1889 = arith.constant 0 : index
      %get3A_1890 = tpu.vector_load %arg6[%get3A_1887, %get3A_1888, %get3A_1889] {strides = array<i32>} : memref<8x8x46xf32, #tpu.memory_space<vmem>>, vector<1x1x16xf32>,
      %get3A_1891 = vector.shape_cast %get3A_1890 : vector<1x1x16xf32> to vector<16xf32>
      %swap3A_1892 = arith.index_cast %add3A_1885 : i32 to index
      %swap3A_1893 = arith.constant 0 : index
      %swap3A_1894 = tpu.vector_load %arg8[%swap3A_1892, %swap3A_1893] {strides = array<i32>} : memref<512x64xf32, #tpu.memory_space<vmem>>, vector<1x16xf32>,
      %swap3A_1895 = vector.shape_cast %swap3A_1894 : vector<1x16xf32> to vector<16xf32>
      %swap3A_1896 = vector.shape_cast %get3A_1891 : vector<16xf32> to vector<1x16xf32>
      tpu.vector_store %arg8[%swap3A_1892, %swap3A_1893], %swap3A_1896 {strides = array<i32>} : memref<512x64xf32, #tpu.memory_space<vmem>>, vector<1x16xf32>,
      %get3A_1897 = arith.constant 0 : i32
      %get3A_1898 = arith.index_cast %get3A_1897 : i32 to index
      %get3A_1899 = arith.index_cast %rem3A_1883 : i32 to index
      %get3A_1900 = arith.constant 16 : index
      %get3A_1901 = tpu.vector_load %arg6[%get3A_1898, %get3A_1899, %get3A_1900] {strides = array<i32>} : memref<8x8x46xf32, #tpu.memory_space<vmem>>, vector<1x1x16xf32>,
      %get3A_1902 = vector.shape_cast %get3A_1901 : vector<1x1x16xf32> to vector<16xf32>
      %swap3A_1903 = arith.index_cast %add3A_1885 : i32 to index
      %swap3A_1904 = arith.constant 16 : index
      %swap3A_1905 = tpu.vector_load %arg8[%swap3A_1903, %swap3A_1904] {strides = array<i32>} : memref<512x64xf32, #tpu.memory_space<vmem>>, vector<1x16xf32>,
      %swap3A_1906 = vector.shape_cast %swap3A_1905 : vector<1x16xf32> to vector<16xf32>
      %swap3A_1907 = vector.shape_cast %get3A_1902 : vector<16xf32> to vector<1x16xf32>
      tpu.vector_store %arg8[%swap3A_1903, %swap3A_1904], %swap3A_1907 {strides = array<i32>} : memref<512x64xf32, #tpu.memory_space<vmem>>, vector<1x16xf32>,
      %get3A_1908 = arith.constant 0 : i32
      %get3A_1909 = arith.index_cast %get3A_1908 : i32 to index
      %get3A_1910 = arith.index_cast %rem3A_1883 : i32 to index
      %get3A_1911 = arith.constant 30 : index
      %get3A_1912 = tpu.vector_load %arg6[%get3A_1909, %get3A_1910, %get3A_1911] {strides = array<i32>} : memref<8x8x46xf32, #tpu.memory_space<vmem>>, vector<1x1x16xf32>,
      %get3A_1913 = vector.shape_cast %get3A_1912 : vector<1x1x16xf32> to vector<16xf32>
      %swap3A_1914 = arith.index_cast %add3A_1885 : i32 to index
      %swap3A_1915 = arith.constant 30 : index
      %swap3A_1916 = tpu.vector_load %arg8[%swap3A_1914, %swap3A_1915] {strides = array<i32>} : memref<512x64xf32, #tpu.memory_space<vmem>>, vector<1x16xf32>,
      %swap3A_1917 = vector.shape_cast %swap3A_1916 : vector<1x16xf32> to vector<16xf32>
      %swap3A_1918 = vector.shape_cast %get3A_1913 : vector<16xf32> to vector<1x16xf32>
      tpu.vector_store %arg8[%swap3A_1914, %swap3A_1915], %swap3A_1918 {strides = array<i32>} : memref<512x64xf32, #tpu.memory_space<vmem>>, vector<1x16xf32>,
      %swap3A_1919 = arith.index_cast %add3A_1885 : i32 to index
      %swap3A_1920 = arith.constant 46 : index
      %swap3A_1921 = tpu.vector_load %arg8[%swap3A_1919, %swap3A_1920] {strides = array<i32>} : memref<512x64xf32, #tpu.memory_space<vmem>>, vector<1x16xf32>,
      %swap3A_1922 = vector.shape_cast %swap3A_1921 : vector<1x16xf32> to vector<16xf32>
      %swap3A_1923 = vector.shape_cast %broadcast_in_dim3A_1879 : vector<16xf32> to vector<1x16xf32>
      tpu.vector_store %arg8[%swap3A_1919, %swap3A_1920], %swap3A_1923 {strides = array<i32>} : memref<512x64xf32, #tpu.memory_space<vmem>>, vector<1x16xf32>,
      %swap3A_1924 = arith.index_cast %add3A_1885 : i32 to index
      %swap3A_1925 = arith.constant 48 : index
      %swap3A_1926 = tpu.vector_load %arg8[%swap3A_1924, %swap3A_1925] {strides = array<i32>} : memref<512x64xf32, #tpu.memory_space<vmem>>, vector<1x16xf32>,
      %swap3A_1927 = vector.shape_cast %swap3A_1926 : vector<1x16xf32> to vector<16xf32>
      %swap3A_1928 = vector.shape_cast %broadcast_in_dim3A_1879 : vector<16xf32> to vector<1x16xf32>
      tpu.vector_store %arg8[%swap3A_1924, %swap3A_1925], %swap3A_1928 {strides = array<i32>} : memref<512x64xf32, #tpu.memory_space<vmem>>, vector<1x16xf32>,
      %slice3A_1929 = vector.extract_strided_slice %get3A_1752 {offsets = [1], sizes = [1], strides = [1]} : vector<16xi32> to vector<1xi32>
      %squeeze3A_1930 = vector.extract %slice3A_1929[0] : i32 from vector<1xi32>
      %rem3A_1931 = arith.constant 8 : i32
      %rem3A_1932 = arith.remsi %squeeze3A_1930, %rem3A_1931 : i32
      %add3A_1933 = arith.constant 1 : i32
      %add3A_1934 = arith.addi %mul3A_1749, %add3A_1933 : i32
      %get3A_1935 = arith.constant 1 : i32
      %get3A_1936 = arith.index_cast %get3A_1935 : i32 to index
      %get3A_1937 = arith.index_cast %rem3A_1932 : i32 to index
      %get3A_1938 = arith.constant 0 : index
      %get3A_1939 = tpu.vector_load %arg6[%get3A_1936, %get3A_1937, %get3A_1938] {strides = array<i32>} : memref<8x8x46xf32, #tpu.memory_space<vmem>>, vector<1x1x16xf32>,
      %get3A_1940 = vector.shape_cast %get3A_1939 : vector<1x1x16xf32> to vector<16xf32>
      %swap3A_1941 = arith.index_cast %add3A_1934 : i32 to index
      %swap3A_1942 = arith.constant 0 : index
      %swap3A_1943 = tpu.vector_load %arg8[%swap3A_1941, %swap3A_1942] {strides = array<i32>} : memref<512x64xf32, #tpu.memory_space<vmem>>, vector<1x16xf32>,
      %swap3A_1944 = vector.shape_cast %swap3A_1943 : vector<1x16xf32> to vector<16xf32>
      %swap3A_1945 = vector.shape_cast %get3A_1940 : vector<16xf32> to vector<1x16xf32>
      tpu.vector_store %arg8[%swap3A_1941, %swap3A_1942], %swap3A_1945 {strides = array<i32>} : memref<512x64xf32, #tpu.memory_space<vmem>>, vector<1x16xf32>,
      %get3A_1946 = arith.constant 1 : i32
      %get3A_1947 = arith.index_cast %get3A_1946 : i32 to index
      %get3A_1948 = arith.index_cast %rem3A_1932 : i32 to index
      %get3A_1949 = arith.constant 16 : index
      %get3A_1950 = tpu.vector_load %arg6[%get3A_1947, %get3A_1948, %get3A_1949] {strides = array<i32>} : memref<8x8x46xf32, #tpu.memory_space<vmem>>, vector<1x1x16xf32>,
      %get3A_1951 = vector.shape_cast %get3A_1950 : vector<1x1x16xf32> to vector<16xf32>
      %swap3A_1952 = arith.index_cast %add3A_1934 : i32 to index
      %swap3A_1953 = arith.constant 16 : index
      %swap3A_1954 = tpu.vector_load %arg8[%swap3A_1952, %swap3A_1953] {strides = array<i32>} : memref<512x64xf32, #tpu.memory_space<vmem>>, vector<1x16xf32>,
      %swap3A_1955 = vector.shape_cast %swap3A_1954 : vector<1x16xf32> to vector<16xf32>
      %swap3A_1956 = vector.shape_cast %get3A_1951 : vector<16xf32> to vector<1x16xf32>
      tpu.vector_store %arg8[%swap3A_1952, %swap3A_1953], %swap3A_1956 {strides = array<i32>} : memref<512x64xf32, #tpu.memory_space<vmem>>, vector<1x16xf32>,
      %get3A_1957 = arith.constant 1 : i32
      %get3A_1958 = arith.index_cast %get3A_1957 : i32 to index
      %get3A_1959 = arith.index_cast %rem3A_1932 : i32 to index
      %get3A_1960 = arith.constant 30 : index
      %get3A_1961 = tpu.vector_load %arg6[%get3A_1958, %get3A_1959, %get3A_1960] {strides = array<i32>} : memref<8x8x46xf32, #tpu.memory_space<vmem>>, vector<1x1x16xf32>,
      %get3A_1962 = vector.shape_cast %get3A_1961 : vector<1x1x16xf32> to vector<16xf32>
      %swap3A_1963 = arith.index_cast %add3A_1934 : i32 to index
      %swap3A_1964 = arith.constant 30 : index
      %swap3A_1965 = tpu.vector_load %arg8[%swap3A_1963, %swap3A_1964] {strides = array<i32>} : memref<512x64xf32, #tpu.memory_space<vmem>>, vector<1x16xf32>,
      %swap3A_1966 = vector.shape_cast %swap3A_1965 : vector<1x16xf32> to vector<16xf32>
      %swap3A_1967 = vector.shape_cast %get3A_1962 : vector<16xf32> to vector<1x16xf32>
      tpu.vector_store %arg8[%swap3A_1963, %swap3A_1964], %swap3A_1967 {strides = array<i32>} : memref<512x64xf32, #tpu.memory_space<vmem>>, vector<1x16xf32>,
      %swap3A_1968 = arith.index_cast %add3A_1934 : i32 to index
      %swap3A_1969 = arith.constant 46 : index
      %swap3A_1970 = tpu.vector_load %arg8[%swap3A_1968, %swap3A_1969] {strides = array<i32>} : memref<512x64xf32, #tpu.memory_space<vmem>>, vector<1x16xf32>,
      %swap3A_1971 = vector.shape_cast %swap3A_1970 : vector<1x16xf32> to vector<16xf32>
      %swap3A_1972 = vector.shape_cast %broadcast_in_dim3A_1879 : vector<16xf32> to vector<1x16xf32>
      tpu.vector_store %arg8[%swap3A_1968, %swap3A_1969], %swap3A_1972 {strides = array<i32>} : memref<512x64xf32, #tpu.memory_space<vmem>>, vector<1x16xf32>,
      %swap3A_1973 = arith.index_cast %add3A_1934 : i32 to index
      %swap3A_1974 = arith.constant 48 : index
      %swap3A_1975 = tpu.vector_load %arg8[%swap3A_1973, %swap3A_1974] {strides = array<i32>} : memref<512x64xf32, #tpu.memory_space<vmem>>, vector<1x16xf32>,
      %swap3A_1976 = vector.shape_cast %swap3A_1975 : vector<1x16xf32> to vector<16xf32>
      %swap3A_1977 = vector.shape_cast %broadcast_in_dim3A_1879 : vector<16xf32> to vector<1x16xf32>
      tpu.vector_store %arg8[%swap3A_1973, %swap3A_1974], %swap3A_1977 {strides = array<i32>} : memref<512x64xf32, #tpu.memory_space<vmem>>, vector<1x16xf32>,
      %slice3A_1978 = vector.extract_strided_slice %get3A_1752 {offsets = [2], sizes = [1], strides = [1]} : vector<16xi32> to vector<1xi32>
      %squeeze3A_1979 = vector.extract %slice3A_1978[0] : i32 from vector<1xi32>
      %rem3A_1980 = arith.constant 8 : i32
      %rem3A_1981 = arith.remsi %squeeze3A_1979, %rem3A_1980 : i32
      %add3A_1982 = arith.constant 2 : i32
      %add3A_1983 = arith.addi %mul3A_1749, %add3A_1982 : i32
      %get3A_1984 = arith.constant 2 : i32
      %get3A_1985 = arith.index_cast %get3A_1984 : i32 to index
      %get3A_1986 = arith.index_cast %rem3A_1981 : i32 to index
      %get3A_1987 = arith.constant 0 : index
      %get3A_1988 = tpu.vector_load %arg6[%get3A_1985, %get3A_1986, %get3A_1987] {strides = array<i32>} : memref<8x8x46xf32, #tpu.memory_space<vmem>>, vector<1x1x16xf32>,
      %get3A_1989 = vector.shape_cast %get3A_1988 : vector<1x1x16xf32> to vector<16xf32>
      %swap3A_1990 = arith.index_cast %add3A_1983 : i32 to index
      %swap3A_1991 = arith.constant 0 : index
      %swap3A_1992 = tpu.vector_load %arg8[%swap3A_1990, %swap3A_1991] {strides = array<i32>} : memref<512x64xf32, #tpu.memory_space<vmem>>, vector<1x16xf32>,
      %swap3A_1993 = vector.shape_cast %swap3A_1992 : vector<1x16xf32> to vector<16xf32>
      %swap3A_1994 = vector.shape_cast %get3A_1989 : vector<16xf32> to vector<1x16xf32>
      tpu.vector_store %arg8[%swap3A_1990, %swap3A_1991], %swap3A_1994 {strides = array<i32>} : memref<512x64xf32, #tpu.memory_space<vmem>>, vector<1x16xf32>,
      %get3A_1995 = arith.constant 2 : i32
      %get3A_1996 = arith.index_cast %get3A_1995 : i32 to index
      %get3A_1997 = arith.index_cast %rem3A_1981 : i32 to index
      %get3A_1998 = arith.constant 16 : index
      %get3A_1999 = tpu.vector_load %arg6[%get3A_1996, %get3A_1997, %get3A_1998] {strides = array<i32>} : memref<8x8x46xf32, #tpu.memory_space<vmem>>, vector<1x1x16xf32>,
      %get3A_2000 = vector.shape_cast %get3A_1999 : vector<1x1x16xf32> to vector<16xf32>
      %swap3A_2001 = arith.index_cast %add3A_1983 : i32 to index
      %swap3A_2002 = arith.constant 16 : index
      %swap3A_2003 = tpu.vector_load %arg8[%swap3A_2001, %swap3A_2002] {strides = array<i32>} : memref<512x64xf32, #tpu.memory_space<vmem>>, vector<1x16xf32>,
      %swap3A_2004 = vector.shape_cast %swap3A_2003 : vector<1x16xf32> to vector<16xf32>
      %swap3A_2005 = vector.shape_cast %get3A_2000 : vector<16xf32> to vector<1x16xf32>
      tpu.vector_store %arg8[%swap3A_2001, %swap3A_2002], %swap3A_2005 {strides = array<i32>} : memref<512x64xf32, #tpu.memory_space<vmem>>, vector<1x16xf32>,
      %get3A_2006 = arith.constant 2 : i32
      %get3A_2007 = arith.index_cast %get3A_2006 : i32 to index
      %get3A_2008 = arith.index_cast %rem3A_1981 : i32 to index
      %get3A_2009 = arith.constant 30 : index
      %get3A_2010 = tpu.vector_load %arg6[%get3A_2007, %get3A_2008, %get3A_2009] {strides = array<i32>} : memref<8x8x46xf32, #tpu.memory_space<vmem>>, vector<1x1x16xf32>,
      %get3A_2011 = vector.shape_cast %get3A_2010 : vector<1x1x16xf32> to vector<16xf32>
      %swap3A_2012 = arith.index_cast %add3A_1983 : i32 to index
      %swap3A_2013 = arith.constant 30 : index
      %swap3A_2014 = tpu.vector_load %arg8[%swap3A_2012, %swap3A_2013] {strides = array<i32>} : memref<512x64xf32, #tpu.memory_space<vmem>>, vector<1x16xf32>,
      %swap3A_2015 = vector.shape_cast %swap3A_2014 : vector<1x16xf32> to vector<16xf32>
      %swap3A_2016 = vector.shape_cast %get3A_2011 : vector<16xf32> to vector<1x16xf32>
      tpu.vector_store %arg8[%swap3A_2012, %swap3A_2013], %swap3A_2016 {strides = array<i32>} : memref<512x64xf32, #tpu.memory_space<vmem>>, vector<1x16xf32>,
      %swap3A_2017 = arith.index_cast %add3A_1983 : i32 to index
      %swap3A_2018 = arith.constant 46 : index
      %swap3A_2019 = tpu.vector_load %arg8[%swap3A_2017, %swap3A_2018] {strides = array<i32>} : memref<512x64xf32, #tpu.memory_space<vmem>>, vector<1x16xf32>,
      %swap3A_2020 = vector.shape_cast %swap3A_2019 : vector<1x16xf32> to vector<16xf32>
      %swap3A_2021 = vector.shape_cast %broadcast_in_dim3A_1879 : vector<16xf32> to vector<1x16xf32>
      tpu.vector_store %arg8[%swap3A_2017, %swap3A_2018], %swap3A_2021 {strides = array<i32>} : memref<512x64xf32, #tpu.memory_space<vmem>>, vector<1x16xf32>,
      %swap3A_2022 = arith.index_cast %add3A_1983 : i32 to index
      %swap3A_2023 = arith.constant 48 : index
      %swap3A_2024 = tpu.vector_load %arg8[%swap3A_2022, %swap3A_2023] {strides = array<i32>} : memref<512x64xf32, #tpu.memory_space<vmem>>, vector<1x16xf32>,
      %swap3A_2025 = vector.shape_cast %swap3A_2024 : vector<1x16xf32> to vector<16xf32>
      %swap3A_2026 = vector.shape_cast %broadcast_in_dim3A_1879 : vector<16xf32> to vector<1x16xf32>
      tpu.vector_store %arg8[%swap3A_2022, %swap3A_2023], %swap3A_2026 {strides = array<i32>} : memref<512x64xf32, #tpu.memory_space<vmem>>, vector<1x16xf32>,
      %slice3A_2027 = vector.extract_strided_slice %get3A_1752 {offsets = [3], sizes = [1], strides = [1]} : vector<16xi32> to vector<1xi32>
      %squeeze3A_2028 = vector.extract %slice3A_2027[0] : i32 from vector<1xi32>
      %rem3A_2029 = arith.constant 8 : i32
      %rem3A_2030 = arith.remsi %squeeze3A_2028, %rem3A_2029 : i32
      %add3A_2031 = arith.constant 3 : i32
      %add3A_2032 = arith.addi %mul3A_1749, %add3A_2031 : i32
      %get3A_2033 = arith.constant 3 : i32
      %get3A_2034 = arith.index_cast %get3A_2033 : i32 to index
      %get3A_2035 = arith.index_cast %rem3A_2030 : i32 to index
      %get3A_2036 = arith.constant 0 : index
      %get3A_2037 = tpu.vector_load %arg6[%get3A_2034, %get3A_2035, %get3A_2036] {strides = array<i32>} : memref<8x8x46xf32, #tpu.memory_space<vmem>>, vector<1x1x16xf32>,
      %get3A_2038 = vector.shape_cast %get3A_2037 : vector<1x1x16xf32> to vector<16xf32>
      %swap3A_2039 = arith.index_cast %add3A_2032 : i32 to index
      %swap3A_2040 = arith.constant 0 : index
      %swap3A_2041 = tpu.vector_load %arg8[%swap3A_2039, %swap3A_2040] {strides = array<i32>} : memref<512x64xf32, #tpu.memory_space<vmem>>, vector<1x16xf32>,
      %swap3A_2042 = vector.shape_cast %swap3A_2041 : vector<1x16xf32> to vector<16xf32>
      %swap3A_2043 = vector.shape_cast %get3A_2038 : vector<16xf32> to vector<1x16xf32>
      tpu.vector_store %arg8[%swap3A_2039, %swap3A_2040], %swap3A_2043 {strides = array<i32>} : memref<512x64xf32, #tpu.memory_space<vmem>>, vector<1x16xf32>,
      %get3A_2044 = arith.constant 3 : i32
      %get3A_2045 = arith.index_cast %get3A_2044 : i32 to index
      %get3A_2046 = arith.index_cast %rem3A_2030 : i32 to index
      %get3A_2047 = arith.constant 16 : index
      %get3A_2048 = tpu.vector_load %arg6[%get3A_2045, %get3A_2046, %get3A_2047] {strides = array<i32>} : memref<8x8x46xf32, #tpu.memory_space<vmem>>, vector<1x1x16xf32>,
      %get3A_2049 = vector.shape_cast %get3A_2048 : vector<1x1x16xf32> to vector<16xf32>
      %swap3A_2050 = arith.index_cast %add3A_2032 : i32 to index
      %swap3A_2051 = arith.constant 16 : index
      %swap3A_2052 = tpu.vector_load %arg8[%swap3A_2050, %swap3A_2051] {strides = array<i32>} : memref<512x64xf32, #tpu.memory_space<vmem>>, vector<1x16xf32>,
      %swap3A_2053 = vector.shape_cast %swap3A_2052 : vector<1x16xf32> to vector<16xf32>
      %swap3A_2054 = vector.shape_cast %get3A_2049 : vector<16xf32> to vector<1x16xf32>
      tpu.vector_store %arg8[%swap3A_2050, %swap3A_2051], %swap3A_2054 {strides = array<i32>} : memref<512x64xf32, #tpu.memory_space<vmem>>, vector<1x16xf32>,
      %get3A_2055 = arith.constant 3 : i32
      %get3A_2056 = arith.index_cast %get3A_2055 : i32 to index
      %get3A_2057 = arith.index_cast %rem3A_2030 : i32 to index
      %get3A_2058 = arith.constant 30 : index
      %get3A_2059 = tpu.vector_load %arg6[%get3A_2056, %get3A_2057, %get3A_2058] {strides = array<i32>} : memref<8x8x46xf32, #tpu.memory_space<vmem>>, vector<1x1x16xf32>,
      %get3A_2060 = vector.shape_cast %get3A_2059 : vector<1x1x16xf32> to vector<16xf32>
      %swap3A_2061 = arith.index_cast %add3A_2032 : i32 to index
      %swap3A_2062 = arith.constant 30 : index
      %swap3A_2063 = tpu.vector_load %arg8[%swap3A_2061, %swap3A_2062] {strides = array<i32>} : memref<512x64xf32, #tpu.memory_space<vmem>>, vector<1x16xf32>,
      %swap3A_2064 = vector.shape_cast %swap3A_2063 : vector<1x16xf32> to vector<16xf32>
      %swap3A_2065 = vector.shape_cast %get3A_2060 : vector<16xf32> to vector<1x16xf32>
      tpu.vector_store %arg8[%swap3A_2061, %swap3A_2062], %swap3A_2065 {strides = array<i32>} : memref<512x64xf32, #tpu.memory_space<vmem>>, vector<1x16xf32>,
      %swap3A_2066 = arith.index_cast %add3A_2032 : i32 to index
      %swap3A_2067 = arith.constant 46 : index
      %swap3A_2068 = tpu.vector_load %arg8[%swap3A_2066, %swap3A_2067] {strides = array<i32>} : memref<512x64xf32, #tpu.memory_space<vmem>>, vector<1x16xf32>,
      %swap3A_2069 = vector.shape_cast %swap3A_2068 : vector<1x16xf32> to vector<16xf32>
      %swap3A_2070 = vector.shape_cast %broadcast_in_dim3A_1879 : vector<16xf32> to vector<1x16xf32>
      tpu.vector_store %arg8[%swap3A_2066, %swap3A_2067], %swap3A_2070 {strides = array<i32>} : memref<512x64xf32, #tpu.memory_space<vmem>>, vector<1x16xf32>,
      %swap3A_2071 = arith.index_cast %add3A_2032 : i32 to index
      %swap3A_2072 = arith.constant 48 : index
      %swap3A_2073 = tpu.vector_load %arg8[%swap3A_2071, %swap3A_2072] {strides = array<i32>} : memref<512x64xf32, #tpu.memory_space<vmem>>, vector<1x16xf32>,
      %swap3A_2074 = vector.shape_cast %swap3A_2073 : vector<1x16xf32> to vector<16xf32>
      %swap3A_2075 = vector.shape_cast %broadcast_in_dim3A_1879 : vector<16xf32> to vector<1x16xf32>
      tpu.vector_store %arg8[%swap3A_2071, %swap3A_2072], %swap3A_2075 {strides = array<i32>} : memref<512x64xf32, #tpu.memory_space<vmem>>, vector<1x16xf32>,
      %slice3A_2076 = vector.extract_strided_slice %get3A_1752 {offsets = [4], sizes = [1], strides = [1]} : vector<16xi32> to vector<1xi32>
      %squeeze3A_2077 = vector.extract %slice3A_2076[0] : i32 from vector<1xi32>
      %rem3A_2078 = arith.constant 8 : i32
      %rem3A_2079 = arith.remsi %squeeze3A_2077, %rem3A_2078 : i32
      %add3A_2080 = arith.constant 4 : i32
      %add3A_2081 = arith.addi %mul3A_1749, %add3A_2080 : i32
      %get3A_2082 = arith.constant 4 : i32
      %get3A_2083 = arith.index_cast %get3A_2082 : i32 to index
      %get3A_2084 = arith.index_cast %rem3A_2079 : i32 to index
      %get3A_2085 = arith.constant 0 : index
      %get3A_2086 = tpu.vector_load %arg6[%get3A_2083, %get3A_2084, %get3A_2085] {strides = array<i32>} : memref<8x8x46xf32, #tpu.memory_space<vmem>>, vector<1x1x16xf32>,
      %get3A_2087 = vector.shape_cast %get3A_2086 : vector<1x1x16xf32> to vector<16xf32>
      %swap3A_2088 = arith.index_cast %add3A_2081 : i32 to index
      %swap3A_2089 = arith.constant 0 : index
      %swap3A_2090 = tpu.vector_load %arg8[%swap3A_2088, %swap3A_2089] {strides = array<i32>} : memref<512x64xf32, #tpu.memory_space<vmem>>, vector<1x16xf32>,
      %swap3A_2091 = vector.shape_cast %swap3A_2090 : vector<1x16xf32> to vector<16xf32>
      %swap3A_2092 = vector.shape_cast %get3A_2087 : vector<16xf32> to vector<1x16xf32>
      tpu.vector_store %arg8[%swap3A_2088, %swap3A_2089], %swap3A_2092 {strides = array<i32>} : memref<512x64xf32, #tpu.memory_space<vmem>>, vector<1x16xf32>,
      %get3A_2093 = arith.constant 4 : i32
      %get3A_2094 = arith.index_cast %get3A_2093 : i32 to index
      %get3A_2095 = arith.index_cast %rem3A_2079 : i32 to index
      %get3A_2096 = arith.constant 16 : index
      %get3A_2097 = tpu.vector_load %arg6[%get3A_2094, %get3A_2095, %get3A_2096] {strides = array<i32>} : memref<8x8x46xf32, #tpu.memory_space<vmem>>, vector<1x1x16xf32>,
      %get3A_2098 = vector.shape_cast %get3A_2097 : vector<1x1x16xf32> to vector<16xf32>
      %swap3A_2099 = arith.index_cast %add3A_2081 : i32 to index
      %swap3A_2100 = arith.constant 16 : index
      %swap3A_2101 = tpu.vector_load %arg8[%swap3A_2099, %swap3A_2100] {strides = array<i32>} : memref<512x64xf32, #tpu.memory_space<vmem>>, vector<1x16xf32>,
      %swap3A_2102 = vector.shape_cast %swap3A_2101 : vector<1x16xf32> to vector<16xf32>
      %swap3A_2103 = vector.shape_cast %get3A_2098 : vector<16xf32> to vector<1x16xf32>
      tpu.vector_store %arg8[%swap3A_2099, %swap3A_2100], %swap3A_2103 {strides = array<i32>} : memref<512x64xf32, #tpu.memory_space<vmem>>, vector<1x16xf32>,
      %get3A_2104 = arith.constant 4 : i32
      %get3A_2105 = arith.index_cast %get3A_2104 : i32 to index
      %get3A_2106 = arith.index_cast %rem3A_2079 : i32 to index
      %get3A_2107 = arith.constant 30 : index
      %get3A_2108 = tpu.vector_load %arg6[%get3A_2105, %get3A_2106, %get3A_2107] {strides = array<i32>} : memref<8x8x46xf32, #tpu.memory_space<vmem>>, vector<1x1x16xf32>,
      %get3A_2109 = vector.shape_cast %get3A_2108 : vector<1x1x16xf32> to vector<16xf32>
      %swap3A_2110 = arith.index_cast %add3A_2081 : i32 to index
      %swap3A_2111 = arith.constant 30 : index
      %swap3A_2112 = tpu.vector_load %arg8[%swap3A_2110, %swap3A_2111] {strides = array<i32>} : memref<512x64xf32, #tpu.memory_space<vmem>>, vector<1x16xf32>,
      %swap3A_2113 = vector.shape_cast %swap3A_2112 : vector<1x16xf32> to vector<16xf32>
      %swap3A_2114 = vector.shape_cast %get3A_2109 : vector<16xf32> to vector<1x16xf32>
      tpu.vector_store %arg8[%swap3A_2110, %swap3A_2111], %swap3A_2114 {strides = array<i32>} : memref<512x64xf32, #tpu.memory_space<vmem>>, vector<1x16xf32>,
      %swap3A_2115 = arith.index_cast %add3A_2081 : i32 to index
      %swap3A_2116 = arith.constant 46 : index
      %swap3A_2117 = tpu.vector_load %arg8[%swap3A_2115, %swap3A_2116] {strides = array<i32>} : memref<512x64xf32, #tpu.memory_space<vmem>>, vector<1x16xf32>,
      %swap3A_2118 = vector.shape_cast %swap3A_2117 : vector<1x16xf32> to vector<16xf32>
      %swap3A_2119 = vector.shape_cast %broadcast_in_dim3A_1879 : vector<16xf32> to vector<1x16xf32>
      tpu.vector_store %arg8[%swap3A_2115, %swap3A_2116], %swap3A_2119 {strides = array<i32>} : memref<512x64xf32, #tpu.memory_space<vmem>>, vector<1x16xf32>,
      %swap3A_2120 = arith.index_cast %add3A_2081 : i32 to index
      %swap3A_2121 = arith.constant 48 : index
      %swap3A_2122 = tpu.vector_load %arg8[%swap3A_2120, %swap3A_2121] {strides = array<i32>} : memref<512x64xf32, #tpu.memory_space<vmem>>, vector<1x16xf32>,
      %swap3A_2123 = vector.shape_cast %swap3A_2122 : vector<1x16xf32> to vector<16xf32>
      %swap3A_2124 = vector.shape_cast %broadcast_in_dim3A_1879 : vector<16xf32> to vector<1x16xf32>
      tpu.vector_store %arg8[%swap3A_2120, %swap3A_2121], %swap3A_2124 {strides = array<i32>} : memref<512x64xf32, #tpu.memory_space<vmem>>, vector<1x16xf32>,
      %slice3A_2125 = vector.extract_strided_slice %get3A_1752 {offsets = [5], sizes = [1], strides = [1]} : vector<16xi32> to vector<1xi32>
      %squeeze3A_2126 = vector.extract %slice3A_2125[0] : i32 from vector<1xi32>
      %rem3A_2127 = arith.constant 8 : i32
      %rem3A_2128 = arith.remsi %squeeze3A_2126, %rem3A_2127 : i32
      %add3A_2129 = arith.constant 5 : i32
      %add3A_2130 = arith.addi %mul3A_1749, %add3A_2129 : i32
      %get3A_2131 = arith.constant 5 : i32
      %get3A_2132 = arith.index_cast %get3A_2131 : i32 to index
      %get3A_2133 = arith.index_cast %rem3A_2128 : i32 to index
      %get3A_2134 = arith.constant 0 : index
      %get3A_2135 = tpu.vector_load %arg6[%get3A_2132, %get3A_2133, %get3A_2134] {strides = array<i32>} : memref<8x8x46xf32, #tpu.memory_space<vmem>>, vector<1x1x16xf32>,
      %get3A_2136 = vector.shape_cast %get3A_2135 : vector<1x1x16xf32> to vector<16xf32>
      %swap3A_2137 = arith.index_cast %add3A_2130 : i32 to index
      %swap3A_2138 = arith.constant 0 : index
      %swap3A_2139 = tpu.vector_load %arg8[%swap3A_2137, %swap3A_2138] {strides = array<i32>} : memref<512x64xf32, #tpu.memory_space<vmem>>, vector<1x16xf32>,
      %swap3A_2140 = vector.shape_cast %swap3A_2139 : vector<1x16xf32> to vector<16xf32>
      %swap3A_2141 = vector.shape_cast %get3A_2136 : vector<16xf32> to vector<1x16xf32>
      tpu.vector_store %arg8[%swap3A_2137, %swap3A_2138], %swap3A_2141 {strides = array<i32>} : memref<512x64xf32, #tpu.memory_space<vmem>>, vector<1x16xf32>,
      %get3A_2142 = arith.constant 5 : i32
      %get3A_2143 = arith.index_cast %get3A_2142 : i32 to index
      %get3A_2144 = arith.index_cast %rem3A_2128 : i32 to index
      %get3A_2145 = arith.constant 16 : index
      %get3A_2146 = tpu.vector_load %arg6[%get3A_2143, %get3A_2144, %get3A_2145] {strides = array<i32>} : memref<8x8x46xf32, #tpu.memory_space<vmem>>, vector<1x1x16xf32>,
      %get3A_2147 = vector.shape_cast %get3A_2146 : vector<1x1x16xf32> to vector<16xf32>
      %swap3A_2148 = arith.index_cast %add3A_2130 : i32 to index
      %swap3A_2149 = arith.constant 16 : index
      %swap3A_2150 = tpu.vector_load %arg8[%swap3A_2148, %swap3A_2149] {strides = array<i32>} : memref<512x64xf32, #tpu.memory_space<vmem>>, vector<1x16xf32>,
      %swap3A_2151 = vector.shape_cast %swap3A_2150 : vector<1x16xf32> to vector<16xf32>
      %swap3A_2152 = vector.shape_cast %get3A_2147 : vector<16xf32> to vector<1x16xf32>
      tpu.vector_store %arg8[%swap3A_2148, %swap3A_2149], %swap3A_2152 {strides = array<i32>} : memref<512x64xf32, #tpu.memory_space<vmem>>, vector<1x16xf32>,
      %get3A_2153 = arith.constant 5 : i32
      %get3A_2154 = arith.index_cast %get3A_2153 : i32 to index
      %get3A_2155 = arith.index_cast %rem3A_2128 : i32 to index
      %get3A_2156 = arith.constant 30 : index
      %get3A_2157 = tpu.vector_load %arg6[%get3A_2154, %get3A_2155, %get3A_2156] {strides = array<i32>} : memref<8x8x46xf32, #tpu.memory_space<vmem>>, vector<1x1x16xf32>,
      %get3A_2158 = vector.shape_cast %get3A_2157 : vector<1x1x16xf32> to vector<16xf32>
      %swap3A_2159 = arith.index_cast %add3A_2130 : i32 to index
      %swap3A_2160 = arith.constant 30 : index
      %swap3A_2161 = tpu.vector_load %arg8[%swap3A_2159, %swap3A_2160] {strides = array<i32>} : memref<512x64xf32, #tpu.memory_space<vmem>>, vector<1x16xf32>,
      %swap3A_2162 = vector.shape_cast %swap3A_2161 : vector<1x16xf32> to vector<16xf32>
      %swap3A_2163 = vector.shape_cast %get3A_2158 : vector<16xf32> to vector<1x16xf32>
      tpu.vector_store %arg8[%swap3A_2159, %swap3A_2160], %swap3A_2163 {strides = array<i32>} : memref<512x64xf32, #tpu.memory_space<vmem>>, vector<1x16xf32>,
      %swap3A_2164 = arith.index_cast %add3A_2130 : i32 to index
      %swap3A_2165 = arith.constant 46 : index
      %swap3A_2166 = tpu.vector_load %arg8[%swap3A_2164, %swap3A_2165] {strides = array<i32>} : memref<512x64xf32, #tpu.memory_space<vmem>>, vector<1x16xf32>,
      %swap3A_2167 = vector.shape_cast %swap3A_2166 : vector<1x16xf32> to vector<16xf32>
      %swap3A_2168 = vector.shape_cast %broadcast_in_dim3A_1879 : vector<16xf32> to vector<1x16xf32>
      tpu.vector_store %arg8[%swap3A_2164, %swap3A_2165], %swap3A_2168 {strides = array<i32>} : memref<512x64xf32, #tpu.memory_space<vmem>>, vector<1x16xf32>,
      %swap3A_2169 = arith.index_cast %add3A_2130 : i32 to index
      %swap3A_2170 = arith.constant 48 : index
      %swap3A_2171 = tpu.vector_load %arg8[%swap3A_2169, %swap3A_2170] {strides = array<i32>} : memref<512x64xf32, #tpu.memory_space<vmem>>, vector<1x16xf32>,
      %swap3A_2172 = vector.shape_cast %swap3A_2171 : vector<1x16xf32> to vector<16xf32>
      %swap3A_2173 = vector.shape_cast %broadcast_in_dim3A_1879 : vector<16xf32> to vector<1x16xf32>
      tpu.vector_store %arg8[%swap3A_2169, %swap3A_2170], %swap3A_2173 {strides = array<i32>} : memref<512x64xf32, #tpu.memory_space<vmem>>, vector<1x16xf32>,
      %slice3A_2174 = vector.extract_strided_slice %get3A_1752 {offsets = [6], sizes = [1], strides = [1]} : vector<16xi32> to vector<1xi32>
      %squeeze3A_2175 = vector.extract %slice3A_2174[0] : i32 from vector<1xi32>
      %rem3A_2176 = arith.constant 8 : i32
      %rem3A_2177 = arith.remsi %squeeze3A_2175, %rem3A_2176 : i32
      %add3A_2178 = arith.constant 6 : i32
      %add3A_2179 = arith.addi %mul3A_1749, %add3A_2178 : i32
      %get3A_2180 = arith.constant 6 : i32
      %get3A_2181 = arith.index_cast %get3A_2180 : i32 to index
      %get3A_2182 = arith.index_cast %rem3A_2177 : i32 to index
      %get3A_2183 = arith.constant 0 : index
      %get3A_2184 = tpu.vector_load %arg6[%get3A_2181, %get3A_2182, %get3A_2183] {strides = array<i32>} : memref<8x8x46xf32, #tpu.memory_space<vmem>>, vector<1x1x16xf32>,
      %get3A_2185 = vector.shape_cast %get3A_2184 : vector<1x1x16xf32> to vector<16xf32>
      %swap3A_2186 = arith.index_cast %add3A_2179 : i32 to index
      %swap3A_2187 = arith.constant 0 : index
      %swap3A_2188 = tpu.vector_load %arg8[%swap3A_2186, %swap3A_2187] {strides = array<i32>} : memref<512x64xf32, #tpu.memory_space<vmem>>, vector<1x16xf32>,
      %swap3A_2189 = vector.shape_cast %swap3A_2188 : vector<1x16xf32> to vector<16xf32>
      %swap3A_2190 = vector.shape_cast %get3A_2185 : vector<16xf32> to vector<1x16xf32>
      tpu.vector_store %arg8[%swap3A_2186, %swap3A_2187], %swap3A_2190 {strides = array<i32>} : memref<512x64xf32, #tpu.memory_space<vmem>>, vector<1x16xf32>,
      %get3A_2191 = arith.constant 6 : i32
      %get3A_2192 = arith.index_cast %get3A_2191 : i32 to index
      %get3A_2193 = arith.index_cast %rem3A_2177 : i32 to index
      %get3A_2194 = arith.constant 16 : index
      %get3A_2195 = tpu.vector_load %arg6[%get3A_2192, %get3A_2193, %get3A_2194] {strides = array<i32>} : memref<8x8x46xf32, #tpu.memory_space<vmem>>, vector<1x1x16xf32>,
      %get3A_2196 = vector.shape_cast %get3A_2195 : vector<1x1x16xf32> to vector<16xf32>
      %swap3A_2197 = arith.index_cast %add3A_2179 : i32 to index
      %swap3A_2198 = arith.constant 16 : index
      %swap3A_2199 = tpu.vector_load %arg8[%swap3A_2197, %swap3A_2198] {strides = array<i32>} : memref<512x64xf32, #tpu.memory_space<vmem>>, vector<1x16xf32>,
      %swap3A_2200 = vector.shape_cast %swap3A_2199 : vector<1x16xf32> to vector<16xf32>
      %swap3A_2201 = vector.shape_cast %get3A_2196 : vector<16xf32> to vector<1x16xf32>
      tpu.vector_store %arg8[%swap3A_2197, %swap3A_2198], %swap3A_2201 {strides = array<i32>} : memref<512x64xf32, #tpu.memory_space<vmem>>, vector<1x16xf32>,
      %get3A_2202 = arith.constant 6 : i32
      %get3A_2203 = arith.index_cast %get3A_2202 : i32 to index
      %get3A_2204 = arith.index_cast %rem3A_2177 : i32 to index
      %get3A_2205 = arith.constant 30 : index
      %get3A_2206 = tpu.vector_load %arg6[%get3A_2203, %get3A_2204, %get3A_2205] {strides = array<i32>} : memref<8x8x46xf32, #tpu.memory_space<vmem>>, vector<1x1x16xf32>,
      %get3A_2207 = vector.shape_cast %get3A_2206 : vector<1x1x16xf32> to vector<16xf32>
      %swap3A_2208 = arith.index_cast %add3A_2179 : i32 to index
      %swap3A_2209 = arith.constant 30 : index
      %swap3A_2210 = tpu.vector_load %arg8[%swap3A_2208, %swap3A_2209] {strides = array<i32>} : memref<512x64xf32, #tpu.memory_space<vmem>>, vector<1x16xf32>,
      %swap3A_2211 = vector.shape_cast %swap3A_2210 : vector<1x16xf32> to vector<16xf32>
      %swap3A_2212 = vector.shape_cast %get3A_2207 : vector<16xf32> to vector<1x16xf32>
      tpu.vector_store %arg8[%swap3A_2208, %swap3A_2209], %swap3A_2212 {strides = array<i32>} : memref<512x64xf32, #tpu.memory_space<vmem>>, vector<1x16xf32>,
      %swap3A_2213 = arith.index_cast %add3A_2179 : i32 to index
      %swap3A_2214 = arith.constant 46 : index
      %swap3A_2215 = tpu.vector_load %arg8[%swap3A_2213, %swap3A_2214] {strides = array<i32>} : memref<512x64xf32, #tpu.memory_space<vmem>>, vector<1x16xf32>,
      %swap3A_2216 = vector.shape_cast %swap3A_2215 : vector<1x16xf32> to vector<16xf32>
      %swap3A_2217 = vector.shape_cast %broadcast_in_dim3A_1879 : vector<16xf32> to vector<1x16xf32>
      tpu.vector_store %arg8[%swap3A_2213, %swap3A_2214], %swap3A_2217 {strides = array<i32>} : memref<512x64xf32, #tpu.memory_space<vmem>>, vector<1x16xf32>,
      %swap3A_2218 = arith.index_cast %add3A_2179 : i32 to index
      %swap3A_2219 = arith.constant 48 : index
      %swap3A_2220 = tpu.vector_load %arg8[%swap3A_2218, %swap3A_2219] {strides = array<i32>} : memref<512x64xf32, #tpu.memory_space<vmem>>, vector<1x16xf32>,
      %swap3A_2221 = vector.shape_cast %swap3A_2220 : vector<1x16xf32> to vector<16xf32>
      %swap3A_2222 = vector.shape_cast %broadcast_in_dim3A_1879 : vector<16xf32> to vector<1x16xf32>
      tpu.vector_store %arg8[%swap3A_2218, %swap3A_2219], %swap3A_2222 {strides = array<i32>} : memref<512x64xf32, #tpu.memory_space<vmem>>, vector<1x16xf32>,
      %slice3A_2223 = vector.extract_strided_slice %get3A_1752 {offsets = [7], sizes = [1], strides = [1]} : vector<16xi32> to vector<1xi32>
      %squeeze3A_2224 = vector.extract %slice3A_2223[0] : i32 from vector<1xi32>
      %rem3A_2225 = arith.constant 8 : i32
      %rem3A_2226 = arith.remsi %squeeze3A_2224, %rem3A_2225 : i32
      %add3A_2227 = arith.constant 7 : i32
      %add3A_2228 = arith.addi %mul3A_1749, %add3A_2227 : i32
      %get3A_2229 = arith.constant 7 : i32
      %get3A_2230 = arith.index_cast %get3A_2229 : i32 to index
      %get3A_2231 = arith.index_cast %rem3A_2226 : i32 to index
      %get3A_2232 = arith.constant 0 : index
      %get3A_2233 = tpu.vector_load %arg6[%get3A_2230, %get3A_2231, %get3A_2232] {strides = array<i32>} : memref<8x8x46xf32, #tpu.memory_space<vmem>>, vector<1x1x16xf32>,
      %get3A_2234 = vector.shape_cast %get3A_2233 : vector<1x1x16xf32> to vector<16xf32>
      %swap3A_2235 = arith.index_cast %add3A_2228 : i32 to index
      %swap3A_2236 = arith.constant 0 : index
      %swap3A_2237 = tpu.vector_load %arg8[%swap3A_2235, %swap3A_2236] {strides = array<i32>} : memref<512x64xf32, #tpu.memory_space<vmem>>, vector<1x16xf32>,
      %swap3A_2238 = vector.shape_cast %swap3A_2237 : vector<1x16xf32> to vector<16xf32>
      %swap3A_2239 = vector.shape_cast %get3A_2234 : vector<16xf32> to vector<1x16xf32>
      tpu.vector_store %arg8[%swap3A_2235, %swap3A_2236], %swap3A_2239 {strides = array<i32>} : memref<512x64xf32, #tpu.memory_space<vmem>>, vector<1x16xf32>,
      %get3A_2240 = arith.constant 7 : i32
      %get3A_2241 = arith.index_cast %get3A_2240 : i32 to index
      %get3A_2242 = arith.index_cast %rem3A_2226 : i32 to index
      %get3A_2243 = arith.constant 16 : index
      %get3A_2244 = tpu.vector_load %arg6[%get3A_2241, %get3A_2242, %get3A_2243] {strides = array<i32>} : memref<8x8x46xf32, #tpu.memory_space<vmem>>, vector<1x1x16xf32>,
      %get3A_2245 = vector.shape_cast %get3A_2244 : vector<1x1x16xf32> to vector<16xf32>
      %swap3A_2246 = arith.index_cast %add3A_2228 : i32 to index
      %swap3A_2247 = arith.constant 16 : index
      %swap3A_2248 = tpu.vector_load %arg8[%swap3A_2246, %swap3A_2247] {strides = array<i32>} : memref<512x64xf32, #tpu.memory_space<vmem>>, vector<1x16xf32>,
      %swap3A_2249 = vector.shape_cast %swap3A_2248 : vector<1x16xf32> to vector<16xf32>
      %swap3A_2250 = vector.shape_cast %get3A_2245 : vector<16xf32> to vector<1x16xf32>
      tpu.vector_store %arg8[%swap3A_2246, %swap3A_2247], %swap3A_2250 {strides = array<i32>} : memref<512x64xf32, #tpu.memory_space<vmem>>, vector<1x16xf32>,
      %get3A_2251 = arith.constant 7 : i32
      %get3A_2252 = arith.index_cast %get3A_2251 : i32 to index
      %get3A_2253 = arith.index_cast %rem3A_2226 : i32 to index
      %get3A_2254 = arith.constant 30 : index
      %get3A_2255 = tpu.vector_load %arg6[%get3A_2252, %get3A_2253, %get3A_2254] {strides = array<i32>} : memref<8x8x46xf32, #tpu.memory_space<vmem>>, vector<1x1x16xf32>,
      %get3A_2256 = vector.shape_cast %get3A_2255 : vector<1x1x16xf32> to vector<16xf32>
      %swap3A_2257 = arith.index_cast %add3A_2228 : i32 to index
      %swap3A_2258 = arith.constant 30 : index
      %swap3A_2259 = tpu.vector_load %arg8[%swap3A_2257, %swap3A_2258] {strides = array<i32>} : memref<512x64xf32, #tpu.memory_space<vmem>>, vector<1x16xf32>,
      %swap3A_2260 = vector.shape_cast %swap3A_2259 : vector<1x16xf32> to vector<16xf32>
      %swap3A_2261 = vector.shape_cast %get3A_2256 : vector<16xf32> to vector<1x16xf32>
      tpu.vector_store %arg8[%swap3A_2257, %swap3A_2258], %swap3A_2261 {strides = array<i32>} : memref<512x64xf32, #tpu.memory_space<vmem>>, vector<1x16xf32>,
      %swap3A_2262 = arith.index_cast %add3A_2228 : i32 to index
      %swap3A_2263 = arith.constant 46 : index
      %swap3A_2264 = tpu.vector_load %arg8[%swap3A_2262, %swap3A_2263] {strides = array<i32>} : memref<512x64xf32, #tpu.memory_space<vmem>>, vector<1x16xf32>,
      %swap3A_2265 = vector.shape_cast %swap3A_2264 : vector<1x16xf32> to vector<16xf32>
      %swap3A_2266 = vector.shape_cast %broadcast_in_dim3A_1879 : vector<16xf32> to vector<1x16xf32>
      tpu.vector_store %arg8[%swap3A_2262, %swap3A_2263], %swap3A_2266 {strides = array<i32>} : memref<512x64xf32, #tpu.memory_space<vmem>>, vector<1x16xf32>,
      %swap3A_2267 = arith.index_cast %add3A_2228 : i32 to index
      %swap3A_2268 = arith.constant 48 : index
      %swap3A_2269 = tpu.vector_load %arg8[%swap3A_2267, %swap3A_2268] {strides = array<i32>} : memref<512x64xf32, #tpu.memory_space<vmem>>, vector<1x16xf32>,
      %swap3A_2270 = vector.shape_cast %swap3A_2269 : vector<1x16xf32> to vector<16xf32>
      %swap3A_2271 = vector.shape_cast %broadcast_in_dim3A_1879 : vector<16xf32> to vector<1x16xf32>
      tpu.vector_store %arg8[%swap3A_2267, %swap3A_2268], %swap3A_2271 {strides = array<i32>} : memref<512x64xf32, #tpu.memory_space<vmem>>, vector<1x16xf32>,
      %slice3A_2272 = vector.extract_strided_slice %get3A_1757 {offsets = [0], sizes = [1], strides = [1]} : vector<16xi32> to vector<1xi32>
      %squeeze3A_2273 = vector.extract %slice3A_2272[0] : i32 from vector<1xi32>
      %jit3A_2274 = arith.constant 8 : i32
      %div3A_2275 = arith.divsi %squeeze3A_2273, %jit3A_2274 : i32
      %sign3A_2276 = arith.constant 0 : i32
      %sign3A_2277 = arith.cmpi sgt, %squeeze3A_2273, %sign3A_2276 : i32
      %sign3A_2278 = arith.extui %sign3A_2277 : i1 to i32
      %sign3A_2279 = arith.constant 0 : i32
      %sign3A_2280 = arith.cmpi slt, %squeeze3A_2273, %sign3A_2279 : i32
      %sign3A_2281 = arith.extui %sign3A_2280 : i1 to i32
      %sign3A_2282 = arith.subi %sign3A_2278, %sign3A_2281 : i32
      %sign3A_2283 = arith.constant 0 : i32
      %sign3A_2284 = arith.cmpi sgt, %jit3A_2274, %sign3A_2283 : i32
      %sign3A_2285 = arith.extui %sign3A_2284 : i1 to i32
      %sign3A_2286 = arith.constant 0 : i32
      %sign3A_2287 = arith.cmpi slt, %jit3A_2274, %sign3A_2286 : i32
      %sign3A_2288 = arith.extui %sign3A_2287 : i1 to i32
      %sign3A_2289 = arith.subi %sign3A_2285, %sign3A_2288 : i32
      %ne3A_2290 = arith.cmpi ne, %sign3A_2282, %sign3A_2289 : i32
      %rem3A_2291 = arith.remsi %squeeze3A_2273, %jit3A_2274 : i32
      %ne3A_2292 = arith.constant 0 : i32
      %ne3A_2293 = arith.cmpi ne, %rem3A_2291, %ne3A_2292 : i32
      %and3A_2294 = arith.andi %ne3A_2290, %ne3A_2293 : i1
      %sub3A_2295 = arith.constant 1 : i32
      %sub3A_2296 = arith.subi %div3A_2275, %sub3A_2295 : i32
      %select_n3A_2297 = arith.select %and3A_2294, %sub3A_2296, %div3A_2275 : i32
      %mul3A_2298 = arith.constant 8 : i32
      %mul3A_2299 = arith.muli %select_n3A_2297, %mul3A_2298 : i32
      %multiple_of3A_2300 = tpu.assume_multiple %mul3A_2299, 8 : i32
      %dma_start3A_2301 = arith.constant 0 : i32
      %dma_start3A_2302 = arith.constant 0 : i32
      %dma_start3A_2303 = arith.constant 0 : i32
      %dma_start3A_2304 = tpu.memref_slice %arg6[%dma_start3A_2301, %dma_start3A_2302, %dma_start3A_2303] : memref<8x8x46xf32, #tpu.memory_space<vmem>> -> memref<1x8x46xf32, #tpu.memory_space<vmem>>
      %dma_start3A_2305 = tpu.memref_squeeze %dma_start3A_2304 : memref<1x8x46xf32, #tpu.memory_space<vmem>> -> memref<8x46xf32, #tpu.memory_space<vmem>>
      %dma_start3A_2306 = arith.constant 0 : i32
      %dma_start3A_2307 = tpu.memref_slice %arg3[%multiple_of3A_2300, %dma_start3A_2306] : memref<1000000x46xf32, #tpu.memory_space<hbm>> -> memref<8x46xf32, #tpu.memory_space<hbm>>
      %dma_start3A_2308 = arith.constant 0 : i32
      %dma_start3A_2309 = arith.constant 0 : i32
      %dma_start3A_2310 = tpu.memref_slice %arg6[%dma_start3A_2301, %dma_start3A_2308, %dma_start3A_2309] : memref<8x8x46xf32, #tpu.memory_space<vmem>> -> memref<1x8x46xf32, #tpu.memory_space<vmem>>
      %dma_start3A_2311 = tpu.memref_squeeze %dma_start3A_2310 : memref<1x8x46xf32, #tpu.memory_space<vmem>> -> memref<8x46xf32, #tpu.memory_space<vmem>>
      %dma_start3A_2312 = arith.constant 0 : i32
      %dma_start3A_2313 = tpu.memref_slice %arg3[%multiple_of3A_2300, %dma_start3A_2312] : memref<1000000x46xf32, #tpu.memory_space<hbm>> -> memref<8x46xf32, #tpu.memory_space<hbm>>
      tpu.enqueue_dma source(%dma_start3A_2313 : memref<8x46xf32, #tpu.memory_space<hbm>>) target(%dma_start3A_2311 : memref<8x46xf32, #tpu.memory_space<vmem>>) target_semaphore(%arg9 : memref<!tpu.dma_semaphore, #tpu.memory_space<semaphore_mem>>)
      %slice3A_2314 = vector.extract_strided_slice %get3A_1757 {offsets = [1], sizes = [1], strides = [1]} : vector<16xi32> to vector<1xi32>
      %squeeze3A_2315 = vector.extract %slice3A_2314[0] : i32 from vector<1xi32>
      %jit3A_2316 = arith.constant 8 : i32
      %div3A_2317 = arith.divsi %squeeze3A_2315, %jit3A_2316 : i32
      %sign3A_2318 = arith.constant 0 : i32
      %sign3A_2319 = arith.cmpi sgt, %squeeze3A_2315, %sign3A_2318 : i32
      %sign3A_2320 = arith.extui %sign3A_2319 : i1 to i32
      %sign3A_2321 = arith.constant 0 : i32
      %sign3A_2322 = arith.cmpi slt, %squeeze3A_2315, %sign3A_2321 : i32
      %sign3A_2323 = arith.extui %sign3A_2322 : i1 to i32
      %sign3A_2324 = arith.subi %sign3A_2320, %sign3A_2323 : i32
      %sign3A_2325 = arith.constant 0 : i32
      %sign3A_2326 = arith.cmpi sgt, %jit3A_2316, %sign3A_2325 : i32
      %sign3A_2327 = arith.extui %sign3A_2326 : i1 to i32
      %sign3A_2328 = arith.constant 0 : i32
      %sign3A_2329 = arith.cmpi slt, %jit3A_2316, %sign3A_2328 : i32
      %sign3A_2330 = arith.extui %sign3A_2329 : i1 to i32
      %sign3A_2331 = arith.subi %sign3A_2327, %sign3A_2330 : i32
      %ne3A_2332 = arith.cmpi ne, %sign3A_2324, %sign3A_2331 : i32
      %rem3A_2333 = arith.remsi %squeeze3A_2315, %jit3A_2316 : i32
      %ne3A_2334 = arith.constant 0 : i32
      %ne3A_2335 = arith.cmpi ne, %rem3A_2333, %ne3A_2334 : i32
      %and3A_2336 = arith.andi %ne3A_2332, %ne3A_2335 : i1
      %sub3A_2337 = arith.constant 1 : i32
      %sub3A_2338 = arith.subi %div3A_2317, %sub3A_2337 : i32
      %select_n3A_2339 = arith.select %and3A_2336, %sub3A_2338, %div3A_2317 : i32
      %mul3A_2340 = arith.constant 8 : i32
      %mul3A_2341 = arith.muli %select_n3A_2339, %mul3A_2340 : i32
      %multiple_of3A_2342 = tpu.assume_multiple %mul3A_2341, 8 : i32
      %dma_start3A_2343 = arith.constant 1 : i32
      %dma_start3A_2344 = arith.constant 0 : i32
      %dma_start3A_2345 = arith.constant 0 : i32
      %dma_start3A_2346 = tpu.memref_slice %arg6[%dma_start3A_2343, %dma_start3A_2344, %dma_start3A_2345] : memref<8x8x46xf32, #tpu.memory_space<vmem>> -> memref<1x8x46xf32, #tpu.memory_space<vmem>>
      %dma_start3A_2347 = tpu.memref_squeeze %dma_start3A_2346 : memref<1x8x46xf32, #tpu.memory_space<vmem>> -> memref<8x46xf32, #tpu.memory_space<vmem>>
      %dma_start3A_2348 = arith.constant 0 : i32
      %dma_start3A_2349 = tpu.memref_slice %arg3[%multiple_of3A_2342, %dma_start3A_2348] : memref<1000000x46xf32, #tpu.memory_space<hbm>> -> memref<8x46xf32, #tpu.memory_space<hbm>>
      %dma_start3A_2350 = arith.constant 0 : i32
      %dma_start3A_2351 = arith.constant 0 : i32
      %dma_start3A_2352 = tpu.memref_slice %arg6[%dma_start3A_2343, %dma_start3A_2350, %dma_start3A_2351] : memref<8x8x46xf32, #tpu.memory_space<vmem>> -> memref<1x8x46xf32, #tpu.memory_space<vmem>>
      %dma_start3A_2353 = tpu.memref_squeeze %dma_start3A_2352 : memref<1x8x46xf32, #tpu.memory_space<vmem>> -> memref<8x46xf32, #tpu.memory_space<vmem>>
      %dma_start3A_2354 = arith.constant 0 : i32
      %dma_start3A_2355 = tpu.memref_slice %arg3[%multiple_of3A_2342, %dma_start3A_2354] : memref<1000000x46xf32, #tpu.memory_space<hbm>> -> memref<8x46xf32, #tpu.memory_space<hbm>>
      tpu.enqueue_dma source(%dma_start3A_2355 : memref<8x46xf32, #tpu.memory_space<hbm>>) target(%dma_start3A_2353 : memref<8x46xf32, #tpu.memory_space<vmem>>) target_semaphore(%arg9 : memref<!tpu.dma_semaphore, #tpu.memory_space<semaphore_mem>>)
      %slice3A_2356 = vector.extract_strided_slice %get3A_1757 {offsets = [2], sizes = [1], strides = [1]} : vector<16xi32> to vector<1xi32>
      %squeeze3A_2357 = vector.extract %slice3A_2356[0] : i32 from vector<1xi32>
      %jit3A_2358 = arith.constant 8 : i32
      %div3A_2359 = arith.divsi %squeeze3A_2357, %jit3A_2358 : i32
      %sign3A_2360 = arith.constant 0 : i32
      %sign3A_2361 = arith.cmpi sgt, %squeeze3A_2357, %sign3A_2360 : i32
      %sign3A_2362 = arith.extui %sign3A_2361 : i1 to i32
      %sign3A_2363 = arith.constant 0 : i32
      %sign3A_2364 = arith.cmpi slt, %squeeze3A_2357, %sign3A_2363 : i32
      %sign3A_2365 = arith.extui %sign3A_2364 : i1 to i32
      %sign3A_2366 = arith.subi %sign3A_2362, %sign3A_2365 : i32
      %sign3A_2367 = arith.constant 0 : i32
      %sign3A_2368 = arith.cmpi sgt, %jit3A_2358, %sign3A_2367 : i32
      %sign3A_2369 = arith.extui %sign3A_2368 : i1 to i32
      %sign3A_2370 = arith.constant 0 : i32
      %sign3A_2371 = arith.cmpi slt, %jit3A_2358, %sign3A_2370 : i32
      %sign3A_2372 = arith.extui %sign3A_2371 : i1 to i32
      %sign3A_2373 = arith.subi %sign3A_2369, %sign3A_2372 : i32
      %ne3A_2374 = arith.cmpi ne, %sign3A_2366, %sign3A_2373 : i32
      %rem3A_2375 = arith.remsi %squeeze3A_2357, %jit3A_2358 : i32
      %ne3A_2376 = arith.constant 0 : i32
      %ne3A_2377 = arith.cmpi ne, %rem3A_2375, %ne3A_2376 : i32
      %and3A_2378 = arith.andi %ne3A_2374, %ne3A_2377 : i1
      %sub3A_2379 = arith.constant 1 : i32
      %sub3A_2380 = arith.subi %div3A_2359, %sub3A_2379 : i32
      %select_n3A_2381 = arith.select %and3A_2378, %sub3A_2380, %div3A_2359 : i32
      %mul3A_2382 = arith.constant 8 : i32
      %mul3A_2383 = arith.muli %select_n3A_2381, %mul3A_2382 : i32
      %multiple_of3A_2384 = tpu.assume_multiple %mul3A_2383, 8 : i32
      %dma_start3A_2385 = arith.constant 2 : i32
      %dma_start3A_2386 = arith.constant 0 : i32
      %dma_start3A_2387 = arith.constant 0 : i32
      %dma_start3A_2388 = tpu.memref_slice %arg6[%dma_start3A_2385, %dma_start3A_2386, %dma_start3A_2387] : memref<8x8x46xf32, #tpu.memory_space<vmem>> -> memref<1x8x46xf32, #tpu.memory_space<vmem>>
      %dma_start3A_2389 = tpu.memref_squeeze %dma_start3A_2388 : memref<1x8x46xf32, #tpu.memory_space<vmem>> -> memref<8x46xf32, #tpu.memory_space<vmem>>
      %dma_start3A_2390 = arith.constant 0 : i32
      %dma_start3A_2391 = tpu.memref_slice %arg3[%multiple_of3A_2384, %dma_start3A_2390] : memref<1000000x46xf32, #tpu.memory_space<hbm>> -> memref<8x46xf32, #tpu.memory_space<hbm>>
      %dma_start3A_2392 = arith.constant 0 : i32
      %dma_start3A_2393 = arith.constant 0 : i32
      %dma_start3A_2394 = tpu.memref_slice %arg6[%dma_start3A_2385, %dma_start3A_2392, %dma_start3A_2393] : memref<8x8x46xf32, #tpu.memory_space<vmem>> -> memref<1x8x46xf32, #tpu.memory_space<vmem>>
      %dma_start3A_2395 = tpu.memref_squeeze %dma_start3A_2394 : memref<1x8x46xf32, #tpu.memory_space<vmem>> -> memref<8x46xf32, #tpu.memory_space<vmem>>
      %dma_start3A_2396 = arith.constant 0 : i32
      %dma_start3A_2397 = tpu.memref_slice %arg3[%multiple_of3A_2384, %dma_start3A_2396] : memref<1000000x46xf32, #tpu.memory_space<hbm>> -> memref<8x46xf32, #tpu.memory_space<hbm>>
      tpu.enqueue_dma source(%dma_start3A_2397 : memref<8x46xf32, #tpu.memory_space<hbm>>) target(%dma_start3A_2395 : memref<8x46xf32, #tpu.memory_space<vmem>>) target_semaphore(%arg9 : memref<!tpu.dma_semaphore, #tpu.memory_space<semaphore_mem>>)
      %slice3A_2398 = vector.extract_strided_slice %get3A_1757 {offsets = [3], sizes = [1], strides = [1]} : vector<16xi32> to vector<1xi32>
      %squeeze3A_2399 = vector.extract %slice3A_2398[0] : i32 from vector<1xi32>
      %jit3A_2400 = arith.constant 8 : i32
      %div3A_2401 = arith.divsi %squeeze3A_2399, %jit3A_2400 : i32
      %sign3A_2402 = arith.constant 0 : i32
      %sign3A_2403 = arith.cmpi sgt, %squeeze3A_2399, %sign3A_2402 : i32
      %sign3A_2404 = arith.extui %sign3A_2403 : i1 to i32
      %sign3A_2405 = arith.constant 0 : i32
      %sign3A_2406 = arith.cmpi slt, %squeeze3A_2399, %sign3A_2405 : i32
      %sign3A_2407 = arith.extui %sign3A_2406 : i1 to i32
      %sign3A_2408 = arith.subi %sign3A_2404, %sign3A_2407 : i32
      %sign3A_2409 = arith.constant 0 : i32
      %sign3A_2410 = arith.cmpi sgt, %jit3A_2400, %sign3A_2409 : i32
      %sign3A_2411 = arith.extui %sign3A_2410 : i1 to i32
      %sign3A_2412 = arith.constant 0 : i32
      %sign3A_2413 = arith.cmpi slt, %jit3A_2400, %sign3A_2412 : i32
      %sign3A_2414 = arith.extui %sign3A_2413 : i1 to i32
      %sign3A_2415 = arith.subi %sign3A_2411, %sign3A_2414 : i32
      %ne3A_2416 = arith.cmpi ne, %sign3A_2408, %sign3A_2415 : i32
      %rem3A_2417 = arith.remsi %squeeze3A_2399, %jit3A_2400 : i32
      %ne3A_2418 = arith.constant 0 : i32
      %ne3A_2419 = arith.cmpi ne, %rem3A_2417, %ne3A_2418 : i32
      %and3A_2420 = arith.andi %ne3A_2416, %ne3A_2419 : i1
      %sub3A_2421 = arith.constant 1 : i32
      %sub3A_2422 = arith.subi %div3A_2401, %sub3A_2421 : i32
      %select_n3A_2423 = arith.select %and3A_2420, %sub3A_2422, %div3A_2401 : i32
      %mul3A_2424 = arith.constant 8 : i32
      %mul3A_2425 = arith.muli %select_n3A_2423, %mul3A_2424 : i32
      %multiple_of3A_2426 = tpu.assume_multiple %mul3A_2425, 8 : i32
      %dma_start3A_2427 = arith.constant 3 : i32
      %dma_start3A_2428 = arith.constant 0 : i32
      %dma_start3A_2429 = arith.constant 0 : i32
      %dma_start3A_2430 = tpu.memref_slice %arg6[%dma_start3A_2427, %dma_start3A_2428, %dma_start3A_2429] : memref<8x8x46xf32, #tpu.memory_space<vmem>> -> memref<1x8x46xf32, #tpu.memory_space<vmem>>
      %dma_start3A_2431 = tpu.memref_squeeze %dma_start3A_2430 : memref<1x8x46xf32, #tpu.memory_space<vmem>> -> memref<8x46xf32, #tpu.memory_space<vmem>>
      %dma_start3A_2432 = arith.constant 0 : i32
      %dma_start3A_2433 = tpu.memref_slice %arg3[%multiple_of3A_2426, %dma_start3A_2432] : memref<1000000x46xf32, #tpu.memory_space<hbm>> -> memref<8x46xf32, #tpu.memory_space<hbm>>
      %dma_start3A_2434 = arith.constant 0 : i32
      %dma_start3A_2435 = arith.constant 0 : i32
      %dma_start3A_2436 = tpu.memref_slice %arg6[%dma_start3A_2427, %dma_start3A_2434, %dma_start3A_2435] : memref<8x8x46xf32, #tpu.memory_space<vmem>> -> memref<1x8x46xf32, #tpu.memory_space<vmem>>
      %dma_start3A_2437 = tpu.memref_squeeze %dma_start3A_2436 : memref<1x8x46xf32, #tpu.memory_space<vmem>> -> memref<8x46xf32, #tpu.memory_space<vmem>>
      %dma_start3A_2438 = arith.constant 0 : i32
      %dma_start3A_2439 = tpu.memref_slice %arg3[%multiple_of3A_2426, %dma_start3A_2438] : memref<1000000x46xf32, #tpu.memory_space<hbm>> -> memref<8x46xf32, #tpu.memory_space<hbm>>
      tpu.enqueue_dma source(%dma_start3A_2439 : memref<8x46xf32, #tpu.memory_space<hbm>>) target(%dma_start3A_2437 : memref<8x46xf32, #tpu.memory_space<vmem>>) target_semaphore(%arg9 : memref<!tpu.dma_semaphore, #tpu.memory_space<semaphore_mem>>)
      %slice3A_2440 = vector.extract_strided_slice %get3A_1757 {offsets = [4], sizes = [1], strides = [1]} : vector<16xi32> to vector<1xi32>
      %squeeze3A_2441 = vector.extract %slice3A_2440[0] : i32 from vector<1xi32>
      %jit3A_2442 = arith.constant 8 : i32
      %div3A_2443 = arith.divsi %squeeze3A_2441, %jit3A_2442 : i32
      %sign3A_2444 = arith.constant 0 : i32
      %sign3A_2445 = arith.cmpi sgt, %squeeze3A_2441, %sign3A_2444 : i32
      %sign3A_2446 = arith.extui %sign3A_2445 : i1 to i32
      %sign3A_2447 = arith.constant 0 : i32
      %sign3A_2448 = arith.cmpi slt, %squeeze3A_2441, %sign3A_2447 : i32
      %sign3A_2449 = arith.extui %sign3A_2448 : i1 to i32
      %sign3A_2450 = arith.subi %sign3A_2446, %sign3A_2449 : i32
      %sign3A_2451 = arith.constant 0 : i32
      %sign3A_2452 = arith.cmpi sgt, %jit3A_2442, %sign3A_2451 : i32
      %sign3A_2453 = arith.extui %sign3A_2452 : i1 to i32
      %sign3A_2454 = arith.constant 0 : i32
      %sign3A_2455 = arith.cmpi slt, %jit3A_2442, %sign3A_2454 : i32
      %sign3A_2456 = arith.extui %sign3A_2455 : i1 to i32
      %sign3A_2457 = arith.subi %sign3A_2453, %sign3A_2456 : i32
      %ne3A_2458 = arith.cmpi ne, %sign3A_2450, %sign3A_2457 : i32
      %rem3A_2459 = arith.remsi %squeeze3A_2441, %jit3A_2442 : i32
      %ne3A_2460 = arith.constant 0 : i32
      %ne3A_2461 = arith.cmpi ne, %rem3A_2459, %ne3A_2460 : i32
      %and3A_2462 = arith.andi %ne3A_2458, %ne3A_2461 : i1
      %sub3A_2463 = arith.constant 1 : i32
      %sub3A_2464 = arith.subi %div3A_2443, %sub3A_2463 : i32
      %select_n3A_2465 = arith.select %and3A_2462, %sub3A_2464, %div3A_2443 : i32
      %mul3A_2466 = arith.constant 8 : i32
      %mul3A_2467 = arith.muli %select_n3A_2465, %mul3A_2466 : i32
      %multiple_of3A_2468 = tpu.assume_multiple %mul3A_2467, 8 : i32
      %dma_start3A_2469 = arith.constant 4 : i32
      %dma_start3A_2470 = arith.constant 0 : i32
      %dma_start3A_2471 = arith.constant 0 : i32
      %dma_start3A_2472 = tpu.memref_slice %arg6[%dma_start3A_2469, %dma_start3A_2470, %dma_start3A_2471] : memref<8x8x46xf32, #tpu.memory_space<vmem>> -> memref<1x8x46xf32, #tpu.memory_space<vmem>>
      %dma_start3A_2473 = tpu.memref_squeeze %dma_start3A_2472 : memref<1x8x46xf32, #tpu.memory_space<vmem>> -> memref<8x46xf32, #tpu.memory_space<vmem>>
      %dma_start3A_2474 = arith.constant 0 : i32
      %dma_start3A_2475 = tpu.memref_slice %arg3[%multiple_of3A_2468, %dma_start3A_2474] : memref<1000000x46xf32, #tpu.memory_space<hbm>> -> memref<8x46xf32, #tpu.memory_space<hbm>>
      %dma_start3A_2476 = arith.constant 0 : i32
      %dma_start3A_2477 = arith.constant 0 : i32
      %dma_start3A_2478 = tpu.memref_slice %arg6[%dma_start3A_2469, %dma_start3A_2476, %dma_start3A_2477] : memref<8x8x46xf32, #tpu.memory_space<vmem>> -> memref<1x8x46xf32, #tpu.memory_space<vmem>>
      %dma_start3A_2479 = tpu.memref_squeeze %dma_start3A_2478 : memref<1x8x46xf32, #tpu.memory_space<vmem>> -> memref<8x46xf32, #tpu.memory_space<vmem>>
      %dma_start3A_2480 = arith.constant 0 : i32
      %dma_start3A_2481 = tpu.memref_slice %arg3[%multiple_of3A_2468, %dma_start3A_2480] : memref<1000000x46xf32, #tpu.memory_space<hbm>> -> memref<8x46xf32, #tpu.memory_space<hbm>>
      tpu.enqueue_dma source(%dma_start3A_2481 : memref<8x46xf32, #tpu.memory_space<hbm>>) target(%dma_start3A_2479 : memref<8x46xf32, #tpu.memory_space<vmem>>) target_semaphore(%arg9 : memref<!tpu.dma_semaphore, #tpu.memory_space<semaphore_mem>>)
      %slice3A_2482 = vector.extract_strided_slice %get3A_1757 {offsets = [5], sizes = [1], strides = [1]} : vector<16xi32> to vector<1xi32>
      %squeeze3A_2483 = vector.extract %slice3A_2482[0] : i32 from vector<1xi32>
      %jit3A_2484 = arith.constant 8 : i32
      %div3A_2485 = arith.divsi %squeeze3A_2483, %jit3A_2484 : i32
      %sign3A_2486 = arith.constant 0 : i32
      %sign3A_2487 = arith.cmpi sgt, %squeeze3A_2483, %sign3A_2486 : i32
      %sign3A_2488 = arith.extui %sign3A_2487 : i1 to i32
      %sign3A_2489 = arith.constant 0 : i32
      %sign3A_2490 = arith.cmpi slt, %squeeze3A_2483, %sign3A_2489 : i32
      %sign3A_2491 = arith.extui %sign3A_2490 : i1 to i32
      %sign3A_2492 = arith.subi %sign3A_2488, %sign3A_2491 : i32
      %sign3A_2493 = arith.constant 0 : i32
      %sign3A_2494 = arith.cmpi sgt, %jit3A_2484, %sign3A_2493 : i32
      %sign3A_2495 = arith.extui %sign3A_2494 : i1 to i32
      %sign3A_2496 = arith.constant 0 : i32
      %sign3A_2497 = arith.cmpi slt, %jit3A_2484, %sign3A_2496 : i32
      %sign3A_2498 = arith.extui %sign3A_2497 : i1 to i32
      %sign3A_2499 = arith.subi %sign3A_2495, %sign3A_2498 : i32
      %ne3A_2500 = arith.cmpi ne, %sign3A_2492, %sign3A_2499 : i32
      %rem3A_2501 = arith.remsi %squeeze3A_2483, %jit3A_2484 : i32
      %ne3A_2502 = arith.constant 0 : i32
      %ne3A_2503 = arith.cmpi ne, %rem3A_2501, %ne3A_2502 : i32
      %and3A_2504 = arith.andi %ne3A_2500, %ne3A_2503 : i1
      %sub3A_2505 = arith.constant 1 : i32
      %sub3A_2506 = arith.subi %div3A_2485, %sub3A_2505 : i32
      %select_n3A_2507 = arith.select %and3A_2504, %sub3A_2506, %div3A_2485 : i32
      %mul3A_2508 = arith.constant 8 : i32
      %mul3A_2509 = arith.muli %select_n3A_2507, %mul3A_2508 : i32
      %multiple_of3A_2510 = tpu.assume_multiple %mul3A_2509, 8 : i32
      %dma_start3A_2511 = arith.constant 5 : i32
      %dma_start3A_2512 = arith.constant 0 : i32
      %dma_start3A_2513 = arith.constant 0 : i32
      %dma_start3A_2514 = tpu.memref_slice %arg6[%dma_start3A_2511, %dma_start3A_2512, %dma_start3A_2513] : memref<8x8x46xf32, #tpu.memory_space<vmem>> -> memref<1x8x46xf32, #tpu.memory_space<vmem>>
      %dma_start3A_2515 = tpu.memref_squeeze %dma_start3A_2514 : memref<1x8x46xf32, #tpu.memory_space<vmem>> -> memref<8x46xf32, #tpu.memory_space<vmem>>
      %dma_start3A_2516 = arith.constant 0 : i32
      %dma_start3A_2517 = tpu.memref_slice %arg3[%multiple_of3A_2510, %dma_start3A_2516] : memref<1000000x46xf32, #tpu.memory_space<hbm>> -> memref<8x46xf32, #tpu.memory_space<hbm>>
      %dma_start3A_2518 = arith.constant 0 : i32
      %dma_start3A_2519 = arith.constant 0 : i32
      %dma_start3A_2520 = tpu.memref_slice %arg6[%dma_start3A_2511, %dma_start3A_2518, %dma_start3A_2519] : memref<8x8x46xf32, #tpu.memory_space<vmem>> -> memref<1x8x46xf32, #tpu.memory_space<vmem>>
      %dma_start3A_2521 = tpu.memref_squeeze %dma_start3A_2520 : memref<1x8x46xf32, #tpu.memory_space<vmem>> -> memref<8x46xf32, #tpu.memory_space<vmem>>
      %dma_start3A_2522 = arith.constant 0 : i32
      %dma_start3A_2523 = tpu.memref_slice %arg3[%multiple_of3A_2510, %dma_start3A_2522] : memref<1000000x46xf32, #tpu.memory_space<hbm>> -> memref<8x46xf32, #tpu.memory_space<hbm>>
      tpu.enqueue_dma source(%dma_start3A_2523 : memref<8x46xf32, #tpu.memory_space<hbm>>) target(%dma_start3A_2521 : memref<8x46xf32, #tpu.memory_space<vmem>>) target_semaphore(%arg9 : memref<!tpu.dma_semaphore, #tpu.memory_space<semaphore_mem>>)
      %slice3A_2524 = vector.extract_strided_slice %get3A_1757 {offsets = [6], sizes = [1], strides = [1]} : vector<16xi32> to vector<1xi32>
      %squeeze3A_2525 = vector.extract %slice3A_2524[0] : i32 from vector<1xi32>
      %jit3A_2526 = arith.constant 8 : i32
      %div3A_2527 = arith.divsi %squeeze3A_2525, %jit3A_2526 : i32
      %sign3A_2528 = arith.constant 0 : i32
      %sign3A_2529 = arith.cmpi sgt, %squeeze3A_2525, %sign3A_2528 : i32
      %sign3A_2530 = arith.extui %sign3A_2529 : i1 to i32
      %sign3A_2531 = arith.constant 0 : i32
      %sign3A_2532 = arith.cmpi slt, %squeeze3A_2525, %sign3A_2531 : i32
      %sign3A_2533 = arith.extui %sign3A_2532 : i1 to i32
      %sign3A_2534 = arith.subi %sign3A_2530, %sign3A_2533 : i32
      %sign3A_2535 = arith.constant 0 : i32
      %sign3A_2536 = arith.cmpi sgt, %jit3A_2526, %sign3A_2535 : i32
      %sign3A_2537 = arith.extui %sign3A_2536 : i1 to i32
      %sign3A_2538 = arith.constant 0 : i32
      %sign3A_2539 = arith.cmpi slt, %jit3A_2526, %sign3A_2538 : i32
      %sign3A_2540 = arith.extui %sign3A_2539 : i1 to i32
      %sign3A_2541 = arith.subi %sign3A_2537, %sign3A_2540 : i32
      %ne3A_2542 = arith.cmpi ne, %sign3A_2534, %sign3A_2541 : i32
      %rem3A_2543 = arith.remsi %squeeze3A_2525, %jit3A_2526 : i32
      %ne3A_2544 = arith.constant 0 : i32
      %ne3A_2545 = arith.cmpi ne, %rem3A_2543, %ne3A_2544 : i32
      %and3A_2546 = arith.andi %ne3A_2542, %ne3A_2545 : i1
      %sub3A_2547 = arith.constant 1 : i32
      %sub3A_2548 = arith.subi %div3A_2527, %sub3A_2547 : i32
      %select_n3A_2549 = arith.select %and3A_2546, %sub3A_2548, %div3A_2527 : i32
      %mul3A_2550 = arith.constant 8 : i32
      %mul3A_2551 = arith.muli %select_n3A_2549, %mul3A_2550 : i32
      %multiple_of3A_2552 = tpu.assume_multiple %mul3A_2551, 8 : i32
      %dma_start3A_2553 = arith.constant 6 : i32
      %dma_start3A_2554 = arith.constant 0 : i32
      %dma_start3A_2555 = arith.constant 0 : i32
      %dma_start3A_2556 = tpu.memref_slice %arg6[%dma_start3A_2553, %dma_start3A_2554, %dma_start3A_2555] : memref<8x8x46xf32, #tpu.memory_space<vmem>> -> memref<1x8x46xf32, #tpu.memory_space<vmem>>
      %dma_start3A_2557 = tpu.memref_squeeze %dma_start3A_2556 : memref<1x8x46xf32, #tpu.memory_space<vmem>> -> memref<8x46xf32, #tpu.memory_space<vmem>>
      %dma_start3A_2558 = arith.constant 0 : i32
      %dma_start3A_2559 = tpu.memref_slice %arg3[%multiple_of3A_2552, %dma_start3A_2558] : memref<1000000x46xf32, #tpu.memory_space<hbm>> -> memref<8x46xf32, #tpu.memory_space<hbm>>
      %dma_start3A_2560 = arith.constant 0 : i32
      %dma_start3A_2561 = arith.constant 0 : i32
      %dma_start3A_2562 = tpu.memref_slice %arg6[%dma_start3A_2553, %dma_start3A_2560, %dma_start3A_2561] : memref<8x8x46xf32, #tpu.memory_space<vmem>> -> memref<1x8x46xf32, #tpu.memory_space<vmem>>
      %dma_start3A_2563 = tpu.memref_squeeze %dma_start3A_2562 : memref<1x8x46xf32, #tpu.memory_space<vmem>> -> memref<8x46xf32, #tpu.memory_space<vmem>>
      %dma_start3A_2564 = arith.constant 0 : i32
      %dma_start3A_2565 = tpu.memref_slice %arg3[%multiple_of3A_2552, %dma_start3A_2564] : memref<1000000x46xf32, #tpu.memory_space<hbm>> -> memref<8x46xf32, #tpu.memory_space<hbm>>
      tpu.enqueue_dma source(%dma_start3A_2565 : memref<8x46xf32, #tpu.memory_space<hbm>>) target(%dma_start3A_2563 : memref<8x46xf32, #tpu.memory_space<vmem>>) target_semaphore(%arg9 : memref<!tpu.dma_semaphore, #tpu.memory_space<semaphore_mem>>)
      %slice3A_2566 = vector.extract_strided_slice %get3A_1757 {offsets = [7], sizes = [1], strides = [1]} : vector<16xi32> to vector<1xi32>
      %squeeze3A_2567 = vector.extract %slice3A_2566[0] : i32 from vector<1xi32>
      %jit3A_2568 = arith.constant 8 : i32
      %div3A_2569 = arith.divsi %squeeze3A_2567, %jit3A_2568 : i32
      %sign3A_2570 = arith.constant 0 : i32
      %sign3A_2571 = arith.cmpi sgt, %squeeze3A_2567, %sign3A_2570 : i32
      %sign3A_2572 = arith.extui %sign3A_2571 : i1 to i32
      %sign3A_2573 = arith.constant 0 : i32
      %sign3A_2574 = arith.cmpi slt, %squeeze3A_2567, %sign3A_2573 : i32
      %sign3A_2575 = arith.extui %sign3A_2574 : i1 to i32
      %sign3A_2576 = arith.subi %sign3A_2572, %sign3A_2575 : i32
      %sign3A_2577 = arith.constant 0 : i32
      %sign3A_2578 = arith.cmpi sgt, %jit3A_2568, %sign3A_2577 : i32
      %sign3A_2579 = arith.extui %sign3A_2578 : i1 to i32
      %sign3A_2580 = arith.constant 0 : i32
      %sign3A_2581 = arith.cmpi slt, %jit3A_2568, %sign3A_2580 : i32
      %sign3A_2582 = arith.extui %sign3A_2581 : i1 to i32
      %sign3A_2583 = arith.subi %sign3A_2579, %sign3A_2582 : i32
      %ne3A_2584 = arith.cmpi ne, %sign3A_2576, %sign3A_2583 : i32
      %rem3A_2585 = arith.remsi %squeeze3A_2567, %jit3A_2568 : i32
      %ne3A_2586 = arith.constant 0 : i32
      %ne3A_2587 = arith.cmpi ne, %rem3A_2585, %ne3A_2586 : i32
      %and3A_2588 = arith.andi %ne3A_2584, %ne3A_2587 : i1
      %sub3A_2589 = arith.constant 1 : i32
      %sub3A_2590 = arith.subi %div3A_2569, %sub3A_2589 : i32
      %select_n3A_2591 = arith.select %and3A_2588, %sub3A_2590, %div3A_2569 : i32
      %mul3A_2592 = arith.constant 8 : i32
      %mul3A_2593 = arith.muli %select_n3A_2591, %mul3A_2592 : i32
      %multiple_of3A_2594 = tpu.assume_multiple %mul3A_2593, 8 : i32
      %dma_start3A_2595 = arith.constant 7 : i32
      %dma_start3A_2596 = arith.constant 0 : i32
      %dma_start3A_2597 = arith.constant 0 : i32
      %dma_start3A_2598 = tpu.memref_slice %arg6[%dma_start3A_2595, %dma_start3A_2596, %dma_start3A_2597] : memref<8x8x46xf32, #tpu.memory_space<vmem>> -> memref<1x8x46xf32, #tpu.memory_space<vmem>>
      %dma_start3A_2599 = tpu.memref_squeeze %dma_start3A_2598 : memref<1x8x46xf32, #tpu.memory_space<vmem>> -> memref<8x46xf32, #tpu.memory_space<vmem>>
      %dma_start3A_2600 = arith.constant 0 : i32
      %dma_start3A_2601 = tpu.memref_slice %arg3[%multiple_of3A_2594, %dma_start3A_2600] : memref<1000000x46xf32, #tpu.memory_space<hbm>> -> memref<8x46xf32, #tpu.memory_space<hbm>>
      %dma_start3A_2602 = arith.constant 0 : i32
      %dma_start3A_2603 = arith.constant 0 : i32
      %dma_start3A_2604 = tpu.memref_slice %arg6[%dma_start3A_2595, %dma_start3A_2602, %dma_start3A_2603] : memref<8x8x46xf32, #tpu.memory_space<vmem>> -> memref<1x8x46xf32, #tpu.memory_space<vmem>>
      %dma_start3A_2605 = tpu.memref_squeeze %dma_start3A_2604 : memref<1x8x46xf32, #tpu.memory_space<vmem>> -> memref<8x46xf32, #tpu.memory_space<vmem>>
      %dma_start3A_2606 = arith.constant 0 : i32
      %dma_start3A_2607 = tpu.memref_slice %arg3[%multiple_of3A_2594, %dma_start3A_2606] : memref<1000000x46xf32, #tpu.memory_space<hbm>> -> memref<8x46xf32, #tpu.memory_space<hbm>>
      tpu.enqueue_dma source(%dma_start3A_2607 : memref<8x46xf32, #tpu.memory_space<hbm>>) target(%dma_start3A_2605 : memref<8x46xf32, #tpu.memory_space<vmem>>) target_semaphore(%arg9 : memref<!tpu.dma_semaphore, #tpu.memory_space<semaphore_mem>>)
      %add3A_2608 = arith.constant 8 : i32
      %add3A_2609 = arith.addi %mul3A_1749, %add3A_2608 : i32
      %dma_wait3A_2610 = arith.constant 0 : i32
      %dma_wait3A_2611 = arith.constant 0 : i32
      %dma_wait3A_2612 = arith.constant 0 : i32
      %dma_wait3A_2613 = tpu.memref_slice %arg7[%dma_wait3A_2610, %dma_wait3A_2611, %dma_wait3A_2612] : memref<8x8x46xf32, #tpu.memory_space<vmem>> -> memref<1x8x46xf32, #tpu.memory_space<vmem>>
      %dma_wait3A_2614 = tpu.memref_squeeze %dma_wait3A_2613 : memref<1x8x46xf32, #tpu.memory_space<vmem>> -> memref<8x46xf32, #tpu.memory_space<vmem>>
      %dma_wait3A_2615 = arith.constant 0 : i32
      %dma_wait3A_2616 = arith.constant 0 : i32
      %dma_wait3A_2617 = tpu.memref_slice %arg3[%dma_wait3A_2615, %dma_wait3A_2616] : memref<1000000x46xf32, #tpu.memory_space<hbm>> -> memref<8x46xf32, #tpu.memory_space<hbm>>
      %dma_wait3A_2618 = arith.constant 0 : i32
      %dma_wait3A_2619 = arith.constant 0 : i32
      %dma_wait3A_2620 = tpu.memref_slice %arg7[%dma_wait3A_2610, %dma_wait3A_2618, %dma_wait3A_2619] : memref<8x8x46xf32, #tpu.memory_space<vmem>> -> memref<1x8x46xf32, #tpu.memory_space<vmem>>
      %dma_wait3A_2621 = tpu.memref_squeeze %dma_wait3A_2620 : memref<1x8x46xf32, #tpu.memory_space<vmem>> -> memref<8x46xf32, #tpu.memory_space<vmem>>
      %dma_wait3A_2622 = arith.constant 0 : i32
      %dma_wait3A_2623 = arith.constant 0 : i32
      %dma_wait3A_2624 = tpu.memref_slice %arg3[%dma_wait3A_2622, %dma_wait3A_2623] : memref<1000000x46xf32, #tpu.memory_space<hbm>> -> memref<8x46xf32, #tpu.memory_space<hbm>>
      tpu.wait_dma2 semaphore(%arg10 : memref<!tpu.dma_semaphore, #tpu.memory_space<semaphore_mem>>) src(%dma_wait3A_2624 : memref<8x46xf32, #tpu.memory_space<hbm>>) dst(%dma_wait3A_2621 : memref<8x46xf32, #tpu.memory_space<vmem>>)
      %dma_wait3A_2625 = arith.constant 1 : i32
      %dma_wait3A_2626 = arith.constant 0 : i32
      %dma_wait3A_2627 = arith.constant 0 : i32
      %dma_wait3A_2628 = tpu.memref_slice %arg7[%dma_wait3A_2625, %dma_wait3A_2626, %dma_wait3A_2627] : memref<8x8x46xf32, #tpu.memory_space<vmem>> -> memref<1x8x46xf32, #tpu.memory_space<vmem>>
      %dma_wait3A_2629 = tpu.memref_squeeze %dma_wait3A_2628 : memref<1x8x46xf32, #tpu.memory_space<vmem>> -> memref<8x46xf32, #tpu.memory_space<vmem>>
      %dma_wait3A_2630 = arith.constant 0 : i32
      %dma_wait3A_2631 = arith.constant 0 : i32
      %dma_wait3A_2632 = tpu.memref_slice %arg3[%dma_wait3A_2630, %dma_wait3A_2631] : memref<1000000x46xf32, #tpu.memory_space<hbm>> -> memref<8x46xf32, #tpu.memory_space<hbm>>
      %dma_wait3A_2633 = arith.constant 0 : i32
      %dma_wait3A_2634 = arith.constant 0 : i32
      %dma_wait3A_2635 = tpu.memref_slice %arg7[%dma_wait3A_2625, %dma_wait3A_2633, %dma_wait3A_2634] : memref<8x8x46xf32, #tpu.memory_space<vmem>> -> memref<1x8x46xf32, #tpu.memory_space<vmem>>
      %dma_wait3A_2636 = tpu.memref_squeeze %dma_wait3A_2635 : memref<1x8x46xf32, #tpu.memory_space<vmem>> -> memref<8x46xf32, #tpu.memory_space<vmem>>
      %dma_wait3A_2637 = arith.constant 0 : i32
      %dma_wait3A_2638 = arith.constant 0 : i32
      %dma_wait3A_2639 = tpu.memref_slice %arg3[%dma_wait3A_2637, %dma_wait3A_2638] : memref<1000000x46xf32, #tpu.memory_space<hbm>> -> memref<8x46xf32, #tpu.memory_space<hbm>>
      tpu.wait_dma2 semaphore(%arg10 : memref<!tpu.dma_semaphore, #tpu.memory_space<semaphore_mem>>) src(%dma_wait3A_2639 : memref<8x46xf32, #tpu.memory_space<hbm>>) dst(%dma_wait3A_2636 : memref<8x46xf32, #tpu.memory_space<vmem>>)
      %dma_wait3A_2640 = arith.constant 2 : i32
      %dma_wait3A_2641 = arith.constant 0 : i32
      %dma_wait3A_2642 = arith.constant 0 : i32
      %dma_wait3A_2643 = tpu.memref_slice %arg7[%dma_wait3A_2640, %dma_wait3A_2641, %dma_wait3A_2642] : memref<8x8x46xf32, #tpu.memory_space<vmem>> -> memref<1x8x46xf32, #tpu.memory_space<vmem>>
      %dma_wait3A_2644 = tpu.memref_squeeze %dma_wait3A_2643 : memref<1x8x46xf32, #tpu.memory_space<vmem>> -> memref<8x46xf32, #tpu.memory_space<vmem>>
      %dma_wait3A_2645 = arith.constant 0 : i32
      %dma_wait3A_2646 = arith.constant 0 : i32
      %dma_wait3A_2647 = tpu.memref_slice %arg3[%dma_wait3A_2645, %dma_wait3A_2646] : memref<1000000x46xf32, #tpu.memory_space<hbm>> -> memref<8x46xf32, #tpu.memory_space<hbm>>
      %dma_wait3A_2648 = arith.constant 0 : i32
      %dma_wait3A_2649 = arith.constant 0 : i32
      %dma_wait3A_2650 = tpu.memref_slice %arg7[%dma_wait3A_2640, %dma_wait3A_2648, %dma_wait3A_2649] : memref<8x8x46xf32, #tpu.memory_space<vmem>> -> memref<1x8x46xf32, #tpu.memory_space<vmem>>
      %dma_wait3A_2651 = tpu.memref_squeeze %dma_wait3A_2650 : memref<1x8x46xf32, #tpu.memory_space<vmem>> -> memref<8x46xf32, #tpu.memory_space<vmem>>
      %dma_wait3A_2652 = arith.constant 0 : i32
      %dma_wait3A_2653 = arith.constant 0 : i32
      %dma_wait3A_2654 = tpu.memref_slice %arg3[%dma_wait3A_2652, %dma_wait3A_2653] : memref<1000000x46xf32, #tpu.memory_space<hbm>> -> memref<8x46xf32, #tpu.memory_space<hbm>>
      tpu.wait_dma2 semaphore(%arg10 : memref<!tpu.dma_semaphore, #tpu.memory_space<semaphore_mem>>) src(%dma_wait3A_2654 : memref<8x46xf32, #tpu.memory_space<hbm>>) dst(%dma_wait3A_2651 : memref<8x46xf32, #tpu.memory_space<vmem>>)
      %dma_wait3A_2655 = arith.constant 3 : i32
      %dma_wait3A_2656 = arith.constant 0 : i32
      %dma_wait3A_2657 = arith.constant 0 : i32
      %dma_wait3A_2658 = tpu.memref_slice %arg7[%dma_wait3A_2655, %dma_wait3A_2656, %dma_wait3A_2657] : memref<8x8x46xf32, #tpu.memory_space<vmem>> -> memref<1x8x46xf32, #tpu.memory_space<vmem>>
      %dma_wait3A_2659 = tpu.memref_squeeze %dma_wait3A_2658 : memref<1x8x46xf32, #tpu.memory_space<vmem>> -> memref<8x46xf32, #tpu.memory_space<vmem>>
      %dma_wait3A_2660 = arith.constant 0 : i32
      %dma_wait3A_2661 = arith.constant 0 : i32
      %dma_wait3A_2662 = tpu.memref_slice %arg3[%dma_wait3A_2660, %dma_wait3A_2661] : memref<1000000x46xf32, #tpu.memory_space<hbm>> -> memref<8x46xf32, #tpu.memory_space<hbm>>
      %dma_wait3A_2663 = arith.constant 0 : i32
      %dma_wait3A_2664 = arith.constant 0 : i32
      %dma_wait3A_2665 = tpu.memref_slice %arg7[%dma_wait3A_2655, %dma_wait3A_2663, %dma_wait3A_2664] : memref<8x8x46xf32, #tpu.memory_space<vmem>> -> memref<1x8x46xf32, #tpu.memory_space<vmem>>
      %dma_wait3A_2666 = tpu.memref_squeeze %dma_wait3A_2665 : memref<1x8x46xf32, #tpu.memory_space<vmem>> -> memref<8x46xf32, #tpu.memory_space<vmem>>
      %dma_wait3A_2667 = arith.constant 0 : i32
      %dma_wait3A_2668 = arith.constant 0 : i32
      %dma_wait3A_2669 = tpu.memref_slice %arg3[%dma_wait3A_2667, %dma_wait3A_2668] : memref<1000000x46xf32, #tpu.memory_space<hbm>> -> memref<8x46xf32, #tpu.memory_space<hbm>>
      tpu.wait_dma2 semaphore(%arg10 : memref<!tpu.dma_semaphore, #tpu.memory_space<semaphore_mem>>) src(%dma_wait3A_2669 : memref<8x46xf32, #tpu.memory_space<hbm>>) dst(%dma_wait3A_2666 : memref<8x46xf32, #tpu.memory_space<vmem>>)
      %dma_wait3A_2670 = arith.constant 4 : i32
      %dma_wait3A_2671 = arith.constant 0 : i32
      %dma_wait3A_2672 = arith.constant 0 : i32
      %dma_wait3A_2673 = tpu.memref_slice %arg7[%dma_wait3A_2670, %dma_wait3A_2671, %dma_wait3A_2672] : memref<8x8x46xf32, #tpu.memory_space<vmem>> -> memref<1x8x46xf32, #tpu.memory_space<vmem>>
      %dma_wait3A_2674 = tpu.memref_squeeze %dma_wait3A_2673 : memref<1x8x46xf32, #tpu.memory_space<vmem>> -> memref<8x46xf32, #tpu.memory_space<vmem>>
      %dma_wait3A_2675 = arith.constant 0 : i32
      %dma_wait3A_2676 = arith.constant 0 : i32
      %dma_wait3A_2677 = tpu.memref_slice %arg3[%dma_wait3A_2675, %dma_wait3A_2676] : memref<1000000x46xf32, #tpu.memory_space<hbm>> -> memref<8x46xf32, #tpu.memory_space<hbm>>
      %dma_wait3A_2678 = arith.constant 0 : i32
      %dma_wait3A_2679 = arith.constant 0 : i32
      %dma_wait3A_2680 = tpu.memref_slice %arg7[%dma_wait3A_2670, %dma_wait3A_2678, %dma_wait3A_2679] : memref<8x8x46xf32, #tpu.memory_space<vmem>> -> memref<1x8x46xf32, #tpu.memory_space<vmem>>
      %dma_wait3A_2681 = tpu.memref_squeeze %dma_wait3A_2680 : memref<1x8x46xf32, #tpu.memory_space<vmem>> -> memref<8x46xf32, #tpu.memory_space<vmem>>
      %dma_wait3A_2682 = arith.constant 0 : i32
      %dma_wait3A_2683 = arith.constant 0 : i32
      %dma_wait3A_2684 = tpu.memref_slice %arg3[%dma_wait3A_2682, %dma_wait3A_2683] : memref<1000000x46xf32, #tpu.memory_space<hbm>> -> memref<8x46xf32, #tpu.memory_space<hbm>>
      tpu.wait_dma2 semaphore(%arg10 : memref<!tpu.dma_semaphore, #tpu.memory_space<semaphore_mem>>) src(%dma_wait3A_2684 : memref<8x46xf32, #tpu.memory_space<hbm>>) dst(%dma_wait3A_2681 : memref<8x46xf32, #tpu.memory_space<vmem>>)
      %dma_wait3A_2685 = arith.constant 5 : i32
      %dma_wait3A_2686 = arith.constant 0 : i32
      %dma_wait3A_2687 = arith.constant 0 : i32
      %dma_wait3A_2688 = tpu.memref_slice %arg7[%dma_wait3A_2685, %dma_wait3A_2686, %dma_wait3A_2687] : memref<8x8x46xf32, #tpu.memory_space<vmem>> -> memref<1x8x46xf32, #tpu.memory_space<vmem>>
      %dma_wait3A_2689 = tpu.memref_squeeze %dma_wait3A_2688 : memref<1x8x46xf32, #tpu.memory_space<vmem>> -> memref<8x46xf32, #tpu.memory_space<vmem>>
      %dma_wait3A_2690 = arith.constant 0 : i32
      %dma_wait3A_2691 = arith.constant 0 : i32
      %dma_wait3A_2692 = tpu.memref_slice %arg3[%dma_wait3A_2690, %dma_wait3A_2691] : memref<1000000x46xf32, #tpu.memory_space<hbm>> -> memref<8x46xf32, #tpu.memory_space<hbm>>
      %dma_wait3A_2693 = arith.constant 0 : i32
      %dma_wait3A_2694 = arith.constant 0 : i32
      %dma_wait3A_2695 = tpu.memref_slice %arg7[%dma_wait3A_2685, %dma_wait3A_2693, %dma_wait3A_2694] : memref<8x8x46xf32, #tpu.memory_space<vmem>> -> memref<1x8x46xf32, #tpu.memory_space<vmem>>
      %dma_wait3A_2696 = tpu.memref_squeeze %dma_wait3A_2695 : memref<1x8x46xf32, #tpu.memory_space<vmem>> -> memref<8x46xf32, #tpu.memory_space<vmem>>
      %dma_wait3A_2697 = arith.constant 0 : i32
      %dma_wait3A_2698 = arith.constant 0 : i32
      %dma_wait3A_2699 = tpu.memref_slice %arg3[%dma_wait3A_2697, %dma_wait3A_2698] : memref<1000000x46xf32, #tpu.memory_space<hbm>> -> memref<8x46xf32, #tpu.memory_space<hbm>>
      tpu.wait_dma2 semaphore(%arg10 : memref<!tpu.dma_semaphore, #tpu.memory_space<semaphore_mem>>) src(%dma_wait3A_2699 : memref<8x46xf32, #tpu.memory_space<hbm>>) dst(%dma_wait3A_2696 : memref<8x46xf32, #tpu.memory_space<vmem>>)
      %dma_wait3A_2700 = arith.constant 6 : i32
      %dma_wait3A_2701 = arith.constant 0 : i32
      %dma_wait3A_2702 = arith.constant 0 : i32
      %dma_wait3A_2703 = tpu.memref_slice %arg7[%dma_wait3A_2700, %dma_wait3A_2701, %dma_wait3A_2702] : memref<8x8x46xf32, #tpu.memory_space<vmem>> -> memref<1x8x46xf32, #tpu.memory_space<vmem>>
      %dma_wait3A_2704 = tpu.memref_squeeze %dma_wait3A_2703 : memref<1x8x46xf32, #tpu.memory_space<vmem>> -> memref<8x46xf32, #tpu.memory_space<vmem>>
      %dma_wait3A_2705 = arith.constant 0 : i32
      %dma_wait3A_2706 = arith.constant 0 : i32
      %dma_wait3A_2707 = tpu.memref_slice %arg3[%dma_wait3A_2705, %dma_wait3A_2706] : memref<1000000x46xf32, #tpu.memory_space<hbm>> -> memref<8x46xf32, #tpu.memory_space<hbm>>
      %dma_wait3A_2708 = arith.constant 0 : i32
      %dma_wait3A_2709 = arith.constant 0 : i32
      %dma_wait3A_2710 = tpu.memref_slice %arg7[%dma_wait3A_2700, %dma_wait3A_2708, %dma_wait3A_2709] : memref<8x8x46xf32, #tpu.memory_space<vmem>> -> memref<1x8x46xf32, #tpu.memory_space<vmem>>
      %dma_wait3A_2711 = tpu.memref_squeeze %dma_wait3A_2710 : memref<1x8x46xf32, #tpu.memory_space<vmem>> -> memref<8x46xf32, #tpu.memory_space<vmem>>
      %dma_wait3A_2712 = arith.constant 0 : i32
      %dma_wait3A_2713 = arith.constant 0 : i32
      %dma_wait3A_2714 = tpu.memref_slice %arg3[%dma_wait3A_2712, %dma_wait3A_2713] : memref<1000000x46xf32, #tpu.memory_space<hbm>> -> memref<8x46xf32, #tpu.memory_space<hbm>>
      tpu.wait_dma2 semaphore(%arg10 : memref<!tpu.dma_semaphore, #tpu.memory_space<semaphore_mem>>) src(%dma_wait3A_2714 : memref<8x46xf32, #tpu.memory_space<hbm>>) dst(%dma_wait3A_2711 : memref<8x46xf32, #tpu.memory_space<vmem>>)
      %dma_wait3A_2715 = arith.constant 7 : i32
      %dma_wait3A_2716 = arith.constant 0 : i32
      %dma_wait3A_2717 = arith.constant 0 : i32
      %dma_wait3A_2718 = tpu.memref_slice %arg7[%dma_wait3A_2715, %dma_wait3A_2716, %dma_wait3A_2717] : memref<8x8x46xf32, #tpu.memory_space<vmem>> -> memref<1x8x46xf32, #tpu.memory_space<vmem>>
      %dma_wait3A_2719 = tpu.memref_squeeze %dma_wait3A_2718 : memref<1x8x46xf32, #tpu.memory_space<vmem>> -> memref<8x46xf32, #tpu.memory_space<vmem>>
      %dma_wait3A_2720 = arith.constant 0 : i32
      %dma_wait3A_2721 = arith.constant 0 : i32
      %dma_wait3A_2722 = tpu.memref_slice %arg3[%dma_wait3A_2720, %dma_wait3A_2721] : memref<1000000x46xf32, #tpu.memory_space<hbm>> -> memref<8x46xf32, #tpu.memory_space<hbm>>
      %dma_wait3A_2723 = arith.constant 0 : i32
      %dma_wait3A_2724 = arith.constant 0 : i32
      %dma_wait3A_2725 = tpu.memref_slice %arg7[%dma_wait3A_2715, %dma_wait3A_2723, %dma_wait3A_2724] : memref<8x8x46xf32, #tpu.memory_space<vmem>> -> memref<1x8x46xf32, #tpu.memory_space<vmem>>
      %dma_wait3A_2726 = tpu.memref_squeeze %dma_wait3A_2725 : memref<1x8x46xf32, #tpu.memory_space<vmem>> -> memref<8x46xf32, #tpu.memory_space<vmem>>
      %dma_wait3A_2727 = arith.constant 0 : i32
      %dma_wait3A_2728 = arith.constant 0 : i32
      %dma_wait3A_2729 = tpu.memref_slice %arg3[%dma_wait3A_2727, %dma_wait3A_2728] : memref<1000000x46xf32, #tpu.memory_space<hbm>> -> memref<8x46xf32, #tpu.memory_space<hbm>>
      tpu.wait_dma2 semaphore(%arg10 : memref<!tpu.dma_semaphore, #tpu.memory_space<semaphore_mem>>) src(%dma_wait3A_2729 : memref<8x46xf32, #tpu.memory_space<hbm>>) dst(%dma_wait3A_2726 : memref<8x46xf32, #tpu.memory_space<vmem>>)
      %broadcast_in_dim3A_2730 = arith.constant 0.000000e+00 : f32
      %broadcast_in_dim3A_2731 = vector.broadcast %broadcast_in_dim3A_2730 : f32 to vector<16xf32>
      %slice3A_2732 = vector.extract_strided_slice %get3A_1752 {offsets = [8], sizes = [1], strides = [1]} : vector<16xi32> to vector<1xi32>
      %squeeze3A_2733 = vector.extract %slice3A_2732[0] : i32 from vector<1xi32>
      %rem3A_2734 = arith.constant 8 : i32
      %rem3A_2735 = arith.remsi %squeeze3A_2733, %rem3A_2734 : i32
      %add3A_2736 = arith.constant 0 : i32
      %add3A_2737 = arith.addi %add3A_2609, %add3A_2736 : i32
      %get3A_2738 = arith.constant 0 : i32
      %get3A_2739 = arith.index_cast %get3A_2738 : i32 to index
      %get3A_2740 = arith.index_cast %rem3A_2735 : i32 to index
      %get3A_2741 = arith.constant 0 : index
      %get3A_2742 = tpu.vector_load %arg7[%get3A_2739, %get3A_2740, %get3A_2741] {strides = array<i32>} : memref<8x8x46xf32, #tpu.memory_space<vmem>>, vector<1x1x16xf32>,
      %get3A_2743 = vector.shape_cast %get3A_2742 : vector<1x1x16xf32> to vector<16xf32>
      %swap3A_2744 = arith.index_cast %add3A_2737 : i32 to index
      %swap3A_2745 = arith.constant 0 : index
      %swap3A_2746 = tpu.vector_load %arg8[%swap3A_2744, %swap3A_2745] {strides = array<i32>} : memref<512x64xf32, #tpu.memory_space<vmem>>, vector<1x16xf32>,
      %swap3A_2747 = vector.shape_cast %swap3A_2746 : vector<1x16xf32> to vector<16xf32>
      %swap3A_2748 = vector.shape_cast %get3A_2743 : vector<16xf32> to vector<1x16xf32>
      tpu.vector_store %arg8[%swap3A_2744, %swap3A_2745], %swap3A_2748 {strides = array<i32>} : memref<512x64xf32, #tpu.memory_space<vmem>>, vector<1x16xf32>,
      %get3A_2749 = arith.constant 0 : i32
      %get3A_2750 = arith.index_cast %get3A_2749 : i32 to index
      %get3A_2751 = arith.index_cast %rem3A_2735 : i32 to index
      %get3A_2752 = arith.constant 16 : index
      %get3A_2753 = tpu.vector_load %arg7[%get3A_2750, %get3A_2751, %get3A_2752] {strides = array<i32>} : memref<8x8x46xf32, #tpu.memory_space<vmem>>, vector<1x1x16xf32>,
      %get3A_2754 = vector.shape_cast %get3A_2753 : vector<1x1x16xf32> to vector<16xf32>
      %swap3A_2755 = arith.index_cast %add3A_2737 : i32 to index
      %swap3A_2756 = arith.constant 16 : index
      %swap3A_2757 = tpu.vector_load %arg8[%swap3A_2755, %swap3A_2756] {strides = array<i32>} : memref<512x64xf32, #tpu.memory_space<vmem>>, vector<1x16xf32>,
      %swap3A_2758 = vector.shape_cast %swap3A_2757 : vector<1x16xf32> to vector<16xf32>
      %swap3A_2759 = vector.shape_cast %get3A_2754 : vector<16xf32> to vector<1x16xf32>
      tpu.vector_store %arg8[%swap3A_2755, %swap3A_2756], %swap3A_2759 {strides = array<i32>} : memref<512x64xf32, #tpu.memory_space<vmem>>, vector<1x16xf32>,
      %get3A_2760 = arith.constant 0 : i32
      %get3A_2761 = arith.index_cast %get3A_2760 : i32 to index
      %get3A_2762 = arith.index_cast %rem3A_2735 : i32 to index
      %get3A_2763 = arith.constant 30 : index
      %get3A_2764 = tpu.vector_load %arg7[%get3A_2761, %get3A_2762, %get3A_2763] {strides = array<i32>} : memref<8x8x46xf32, #tpu.memory_space<vmem>>, vector<1x1x16xf32>,
      %get3A_2765 = vector.shape_cast %get3A_2764 : vector<1x1x16xf32> to vector<16xf32>
      %swap3A_2766 = arith.index_cast %add3A_2737 : i32 to index
      %swap3A_2767 = arith.constant 30 : index
      %swap3A_2768 = tpu.vector_load %arg8[%swap3A_2766, %swap3A_2767] {strides = array<i32>} : memref<512x64xf32, #tpu.memory_space<vmem>>, vector<1x16xf32>,
      %swap3A_2769 = vector.shape_cast %swap3A_2768 : vector<1x16xf32> to vector<16xf32>
      %swap3A_2770 = vector.shape_cast %get3A_2765 : vector<16xf32> to vector<1x16xf32>
      tpu.vector_store %arg8[%swap3A_2766, %swap3A_2767], %swap3A_2770 {strides = array<i32>} : memref<512x64xf32, #tpu.memory_space<vmem>>, vector<1x16xf32>,
      %swap3A_2771 = arith.index_cast %add3A_2737 : i32 to index
      %swap3A_2772 = arith.constant 46 : index
      %swap3A_2773 = tpu.vector_load %arg8[%swap3A_2771, %swap3A_2772] {strides = array<i32>} : memref<512x64xf32, #tpu.memory_space<vmem>>, vector<1x16xf32>,
      %swap3A_2774 = vector.shape_cast %swap3A_2773 : vector<1x16xf32> to vector<16xf32>
      %swap3A_2775 = vector.shape_cast %broadcast_in_dim3A_2731 : vector<16xf32> to vector<1x16xf32>
      tpu.vector_store %arg8[%swap3A_2771, %swap3A_2772], %swap3A_2775 {strides = array<i32>} : memref<512x64xf32, #tpu.memory_space<vmem>>, vector<1x16xf32>,
      %swap3A_2776 = arith.index_cast %add3A_2737 : i32 to index
      %swap3A_2777 = arith.constant 48 : index
      %swap3A_2778 = tpu.vector_load %arg8[%swap3A_2776, %swap3A_2777] {strides = array<i32>} : memref<512x64xf32, #tpu.memory_space<vmem>>, vector<1x16xf32>,
      %swap3A_2779 = vector.shape_cast %swap3A_2778 : vector<1x16xf32> to vector<16xf32>
      %swap3A_2780 = vector.shape_cast %broadcast_in_dim3A_2731 : vector<16xf32> to vector<1x16xf32>
      tpu.vector_store %arg8[%swap3A_2776, %swap3A_2777], %swap3A_2780 {strides = array<i32>} : memref<512x64xf32, #tpu.memory_space<vmem>>, vector<1x16xf32>,
      %slice3A_2781 = vector.extract_strided_slice %get3A_1752 {offsets = [9], sizes = [1], strides = [1]} : vector<16xi32> to vector<1xi32>
      %squeeze3A_2782 = vector.extract %slice3A_2781[0] : i32 from vector<1xi32>
      %rem3A_2783 = arith.constant 8 : i32
      %rem3A_2784 = arith.remsi %squeeze3A_2782, %rem3A_2783 : i32
      %add3A_2785 = arith.constant 1 : i32
      %add3A_2786 = arith.addi %add3A_2609, %add3A_2785 : i32
      %get3A_2787 = arith.constant 1 : i32
      %get3A_2788 = arith.index_cast %get3A_2787 : i32 to index
      %get3A_2789 = arith.index_cast %rem3A_2784 : i32 to index
      %get3A_2790 = arith.constant 0 : index
      %get3A_2791 = tpu.vector_load %arg7[%get3A_2788, %get3A_2789, %get3A_2790] {strides = array<i32>} : memref<8x8x46xf32, #tpu.memory_space<vmem>>, vector<1x1x16xf32>,
      %get3A_2792 = vector.shape_cast %get3A_2791 : vector<1x1x16xf32> to vector<16xf32>
      %swap3A_2793 = arith.index_cast %add3A_2786 : i32 to index
      %swap3A_2794 = arith.constant 0 : index
      %swap3A_2795 = tpu.vector_load %arg8[%swap3A_2793, %swap3A_2794] {strides = array<i32>} : memref<512x64xf32, #tpu.memory_space<vmem>>, vector<1x16xf32>,
      %swap3A_2796 = vector.shape_cast %swap3A_2795 : vector<1x16xf32> to vector<16xf32>
      %swap3A_2797 = vector.shape_cast %get3A_2792 : vector<16xf32> to vector<1x16xf32>
      tpu.vector_store %arg8[%swap3A_2793, %swap3A_2794], %swap3A_2797 {strides = array<i32>} : memref<512x64xf32, #tpu.memory_space<vmem>>, vector<1x16xf32>,
      %get3A_2798 = arith.constant 1 : i32
      %get3A_2799 = arith.index_cast %get3A_2798 : i32 to index
      %get3A_2800 = arith.index_cast %rem3A_2784 : i32 to index
      %get3A_2801 = arith.constant 16 : index
      %get3A_2802 = tpu.vector_load %arg7[%get3A_2799, %get3A_2800, %get3A_2801] {strides = array<i32>} : memref<8x8x46xf32, #tpu.memory_space<vmem>>, vector<1x1x16xf32>,
      %get3A_2803 = vector.shape_cast %get3A_2802 : vector<1x1x16xf32> to vector<16xf32>
      %swap3A_2804 = arith.index_cast %add3A_2786 : i32 to index
      %swap3A_2805 = arith.constant 16 : index
      %swap3A_2806 = tpu.vector_load %arg8[%swap3A_2804, %swap3A_2805] {strides = array<i32>} : memref<512x64xf32, #tpu.memory_space<vmem>>, vector<1x16xf32>,
      %swap3A_2807 = vector.shape_cast %swap3A_2806 : vector<1x16xf32> to vector<16xf32>
      %swap3A_2808 = vector.shape_cast %get3A_2803 : vector<16xf32> to vector<1x16xf32>
      tpu.vector_store %arg8[%swap3A_2804, %swap3A_2805], %swap3A_2808 {strides = array<i32>} : memref<512x64xf32, #tpu.memory_space<vmem>>, vector<1x16xf32>,
      %get3A_2809 = arith.constant 1 : i32
      %get3A_2810 = arith.index_cast %get3A_2809 : i32 to index
      %get3A_2811 = arith.index_cast %rem3A_2784 : i32 to index
      %get3A_2812 = arith.constant 30 : index
      %get3A_2813 = tpu.vector_load %arg7[%get3A_2810, %get3A_2811, %get3A_2812] {strides = array<i32>} : memref<8x8x46xf32, #tpu.memory_space<vmem>>, vector<1x1x16xf32>,
      %get3A_2814 = vector.shape_cast %get3A_2813 : vector<1x1x16xf32> to vector<16xf32>
      %swap3A_2815 = arith.index_cast %add3A_2786 : i32 to index
      %swap3A_2816 = arith.constant 30 : index
      %swap3A_2817 = tpu.vector_load %arg8[%swap3A_2815, %swap3A_2816] {strides = array<i32>} : memref<512x64xf32, #tpu.memory_space<vmem>>, vector<1x16xf32>,
      %swap3A_2818 = vector.shape_cast %swap3A_2817 : vector<1x16xf32> to vector<16xf32>
      %swap3A_2819 = vector.shape_cast %get3A_2814 : vector<16xf32> to vector<1x16xf32>
      tpu.vector_store %arg8[%swap3A_2815, %swap3A_2816], %swap3A_2819 {strides = array<i32>} : memref<512x64xf32, #tpu.memory_space<vmem>>, vector<1x16xf32>,
      %swap3A_2820 = arith.index_cast %add3A_2786 : i32 to index
      %swap3A_2821 = arith.constant 46 : index
      %swap3A_2822 = tpu.vector_load %arg8[%swap3A_2820, %swap3A_2821] {strides = array<i32>} : memref<512x64xf32, #tpu.memory_space<vmem>>, vector<1x16xf32>,
      %swap3A_2823 = vector.shape_cast %swap3A_2822 : vector<1x16xf32> to vector<16xf32>
      %swap3A_2824 = vector.shape_cast %broadcast_in_dim3A_2731 : vector<16xf32> to vector<1x16xf32>
      tpu.vector_store %arg8[%swap3A_2820, %swap3A_2821], %swap3A_2824 {strides = array<i32>} : memref<512x64xf32, #tpu.memory_space<vmem>>, vector<1x16xf32>,
      %swap3A_2825 = arith.index_cast %add3A_2786 : i32 to index
      %swap3A_2826 = arith.constant 48 : index
      %swap3A_2827 = tpu.vector_load %arg8[%swap3A_2825, %swap3A_2826] {strides = array<i32>} : memref<512x64xf32, #tpu.memory_space<vmem>>, vector<1x16xf32>,
      %swap3A_2828 = vector.shape_cast %swap3A_2827 : vector<1x16xf32> to vector<16xf32>
      %swap3A_2829 = vector.shape_cast %broadcast_in_dim3A_2731 : vector<16xf32> to vector<1x16xf32>
      tpu.vector_store %arg8[%swap3A_2825, %swap3A_2826], %swap3A_2829 {strides = array<i32>} : memref<512x64xf32, #tpu.memory_space<vmem>>, vector<1x16xf32>,
      %slice3A_2830 = vector.extract_strided_slice %get3A_1752 {offsets = [10], sizes = [1], strides = [1]} : vector<16xi32> to vector<1xi32>
      %squeeze3A_2831 = vector.extract %slice3A_2830[0] : i32 from vector<1xi32>
      %rem3A_2832 = arith.constant 8 : i32
      %rem3A_2833 = arith.remsi %squeeze3A_2831, %rem3A_2832 : i32
      %add3A_2834 = arith.constant 2 : i32
      %add3A_2835 = arith.addi %add3A_2609, %add3A_2834 : i32
      %get3A_2836 = arith.constant 2 : i32
      %get3A_2837 = arith.index_cast %get3A_2836 : i32 to index
      %get3A_2838 = arith.index_cast %rem3A_2833 : i32 to index
      %get3A_2839 = arith.constant 0 : index
      %get3A_2840 = tpu.vector_load %arg7[%get3A_2837, %get3A_2838, %get3A_2839] {strides = array<i32>} : memref<8x8x46xf32, #tpu.memory_space<vmem>>, vector<1x1x16xf32>,
      %get3A_2841 = vector.shape_cast %get3A_2840 : vector<1x1x16xf32> to vector<16xf32>
      %swap3A_2842 = arith.index_cast %add3A_2835 : i32 to index
      %swap3A_2843 = arith.constant 0 : index
      %swap3A_2844 = tpu.vector_load %arg8[%swap3A_2842, %swap3A_2843] {strides = array<i32>} : memref<512x64xf32, #tpu.memory_space<vmem>>, vector<1x16xf32>,
      %swap3A_2845 = vector.shape_cast %swap3A_2844 : vector<1x16xf32> to vector<16xf32>
      %swap3A_2846 = vector.shape_cast %get3A_2841 : vector<16xf32> to vector<1x16xf32>
      tpu.vector_store %arg8[%swap3A_2842, %swap3A_2843], %swap3A_2846 {strides = array<i32>} : memref<512x64xf32, #tpu.memory_space<vmem>>, vector<1x16xf32>,
      %get3A_2847 = arith.constant 2 : i32
      %get3A_2848 = arith.index_cast %get3A_2847 : i32 to index
      %get3A_2849 = arith.index_cast %rem3A_2833 : i32 to index
      %get3A_2850 = arith.constant 16 : index
      %get3A_2851 = tpu.vector_load %arg7[%get3A_2848, %get3A_2849, %get3A_2850] {strides = array<i32>} : memref<8x8x46xf32, #tpu.memory_space<vmem>>, vector<1x1x16xf32>,
      %get3A_2852 = vector.shape_cast %get3A_2851 : vector<1x1x16xf32> to vector<16xf32>
      %swap3A_2853 = arith.index_cast %add3A_2835 : i32 to index
      %swap3A_2854 = arith.constant 16 : index
      %swap3A_2855 = tpu.vector_load %arg8[%swap3A_2853, %swap3A_2854] {strides = array<i32>} : memref<512x64xf32, #tpu.memory_space<vmem>>, vector<1x16xf32>,
      %swap3A_2856 = vector.shape_cast %swap3A_2855 : vector<1x16xf32> to vector<16xf32>
      %swap3A_2857 = vector.shape_cast %get3A_2852 : vector<16xf32> to vector<1x16xf32>
      tpu.vector_store %arg8[%swap3A_2853, %swap3A_2854], %swap3A_2857 {strides = array<i32>} : memref<512x64xf32, #tpu.memory_space<vmem>>, vector<1x16xf32>,
      %get3A_2858 = arith.constant 2 : i32
      %get3A_2859 = arith.index_cast %get3A_2858 : i32 to index
      %get3A_2860 = arith.index_cast %rem3A_2833 : i32 to index
      %get3A_2861 = arith.constant 30 : index
      %get3A_2862 = tpu.vector_load %arg7[%get3A_2859, %get3A_2860, %get3A_2861] {strides = array<i32>} : memref<8x8x46xf32, #tpu.memory_space<vmem>>, vector<1x1x16xf32>,
      %get3A_2863 = vector.shape_cast %get3A_2862 : vector<1x1x16xf32> to vector<16xf32>
      %swap3A_2864 = arith.index_cast %add3A_2835 : i32 to index
      %swap3A_2865 = arith.constant 30 : index
      %swap3A_2866 = tpu.vector_load %arg8[%swap3A_2864, %swap3A_2865] {strides = array<i32>} : memref<512x64xf32, #tpu.memory_space<vmem>>, vector<1x16xf32>,
      %swap3A_2867 = vector.shape_cast %swap3A_2866 : vector<1x16xf32> to vector<16xf32>
      %swap3A_2868 = vector.shape_cast %get3A_2863 : vector<16xf32> to vector<1x16xf32>
      tpu.vector_store %arg8[%swap3A_2864, %swap3A_2865], %swap3A_2868 {strides = array<i32>} : memref<512x64xf32, #tpu.memory_space<vmem>>, vector<1x16xf32>,
      %swap3A_2869 = arith.index_cast %add3A_2835 : i32 to index
      %swap3A_2870 = arith.constant 46 : index
      %swap3A_2871 = tpu.vector_load %arg8[%swap3A_2869, %swap3A_2870] {strides = array<i32>} : memref<512x64xf32, #tpu.memory_space<vmem>>, vector<1x16xf32>,
      %swap3A_2872 = vector.shape_cast %swap3A_2871 : vector<1x16xf32> to vector<16xf32>
      %swap3A_2873 = vector.shape_cast %broadcast_in_dim3A_2731 : vector<16xf32> to vector<1x16xf32>
      tpu.vector_store %arg8[%swap3A_2869, %swap3A_2870], %swap3A_2873 {strides = array<i32>} : memref<512x64xf32, #tpu.memory_space<vmem>>, vector<1x16xf32>,
      %swap3A_2874 = arith.index_cast %add3A_2835 : i32 to index
      %swap3A_2875 = arith.constant 48 : index
      %swap3A_2876 = tpu.vector_load %arg8[%swap3A_2874, %swap3A_2875] {strides = array<i32>} : memref<512x64xf32, #tpu.memory_space<vmem>>, vector<1x16xf32>,
      %swap3A_2877 = vector.shape_cast %swap3A_2876 : vector<1x16xf32> to vector<16xf32>
      %swap3A_2878 = vector.shape_cast %broadcast_in_dim3A_2731 : vector<16xf32> to vector<1x16xf32>
      tpu.vector_store %arg8[%swap3A_2874, %swap3A_2875], %swap3A_2878 {strides = array<i32>} : memref<512x64xf32, #tpu.memory_space<vmem>>, vector<1x16xf32>,
      %slice3A_2879 = vector.extract_strided_slice %get3A_1752 {offsets = [11], sizes = [1], strides = [1]} : vector<16xi32> to vector<1xi32>
      %squeeze3A_2880 = vector.extract %slice3A_2879[0] : i32 from vector<1xi32>
      %rem3A_2881 = arith.constant 8 : i32
      %rem3A_2882 = arith.remsi %squeeze3A_2880, %rem3A_2881 : i32
      %add3A_2883 = arith.constant 3 : i32
      %add3A_2884 = arith.addi %add3A_2609, %add3A_2883 : i32
      %get3A_2885 = arith.constant 3 : i32
      %get3A_2886 = arith.index_cast %get3A_2885 : i32 to index
      %get3A_2887 = arith.index_cast %rem3A_2882 : i32 to index
      %get3A_2888 = arith.constant 0 : index
      %get3A_2889 = tpu.vector_load %arg7[%get3A_2886, %get3A_2887, %get3A_2888] {strides = array<i32>} : memref<8x8x46xf32, #tpu.memory_space<vmem>>, vector<1x1x16xf32>,
      %get3A_2890 = vector.shape_cast %get3A_2889 : vector<1x1x16xf32> to vector<16xf32>
      %swap3A_2891 = arith.index_cast %add3A_2884 : i32 to index
      %swap3A_2892 = arith.constant 0 : index
      %swap3A_2893 = tpu.vector_load %arg8[%swap3A_2891, %swap3A_2892] {strides = array<i32>} : memref<512x64xf32, #tpu.memory_space<vmem>>, vector<1x16xf32>,
      %swap3A_2894 = vector.shape_cast %swap3A_2893 : vector<1x16xf32> to vector<16xf32>
      %swap3A_2895 = vector.shape_cast %get3A_2890 : vector<16xf32> to vector<1x16xf32>
      tpu.vector_store %arg8[%swap3A_2891, %swap3A_2892], %swap3A_2895 {strides = array<i32>} : memref<512x64xf32, #tpu.memory_space<vmem>>, vector<1x16xf32>,
      %get3A_2896 = arith.constant 3 : i32
      %get3A_2897 = arith.index_cast %get3A_2896 : i32 to index
      %get3A_2898 = arith.index_cast %rem3A_2882 : i32 to index
      %get3A_2899 = arith.constant 16 : index
      %get3A_2900 = tpu.vector_load %arg7[%get3A_2897, %get3A_2898, %get3A_2899] {strides = array<i32>} : memref<8x8x46xf32, #tpu.memory_space<vmem>>, vector<1x1x16xf32>,
      %get3A_2901 = vector.shape_cast %get3A_2900 : vector<1x1x16xf32> to vector<16xf32>
      %swap3A_2902 = arith.index_cast %add3A_2884 : i32 to index
      %swap3A_2903 = arith.constant 16 : index
      %swap3A_2904 = tpu.vector_load %arg8[%swap3A_2902, %swap3A_2903] {strides = array<i32>} : memref<512x64xf32, #tpu.memory_space<vmem>>, vector<1x16xf32>,
      %swap3A_2905 = vector.shape_cast %swap3A_2904 : vector<1x16xf32> to vector<16xf32>
      %swap3A_2906 = vector.shape_cast %get3A_2901 : vector<16xf32> to vector<1x16xf32>
      tpu.vector_store %arg8[%swap3A_2902, %swap3A_2903], %swap3A_2906 {strides = array<i32>} : memref<512x64xf32, #tpu.memory_space<vmem>>, vector<1x16xf32>,
      %get3A_2907 = arith.constant 3 : i32
      %get3A_2908 = arith.index_cast %get3A_2907 : i32 to index
      %get3A_2909 = arith.index_cast %rem3A_2882 : i32 to index
      %get3A_2910 = arith.constant 30 : index
      %get3A_2911 = tpu.vector_load %arg7[%get3A_2908, %get3A_2909, %get3A_2910] {strides = array<i32>} : memref<8x8x46xf32, #tpu.memory_space<vmem>>, vector<1x1x16xf32>,
      %get3A_2912 = vector.shape_cast %get3A_2911 : vector<1x1x16xf32> to vector<16xf32>
      %swap3A_2913 = arith.index_cast %add3A_2884 : i32 to index
      %swap3A_2914 = arith.constant 30 : index
      %swap3A_2915 = tpu.vector_load %arg8[%swap3A_2913, %swap3A_2914] {strides = array<i32>} : memref<512x64xf32, #tpu.memory_space<vmem>>, vector<1x16xf32>,
      %swap3A_2916 = vector.shape_cast %swap3A_2915 : vector<1x16xf32> to vector<16xf32>
      %swap3A_2917 = vector.shape_cast %get3A_2912 : vector<16xf32> to vector<1x16xf32>
      tpu.vector_store %arg8[%swap3A_2913, %swap3A_2914], %swap3A_2917 {strides = array<i32>} : memref<512x64xf32, #tpu.memory_space<vmem>>, vector<1x16xf32>,
      %swap3A_2918 = arith.index_cast %add3A_2884 : i32 to index
      %swap3A_2919 = arith.constant 46 : index
      %swap3A_2920 = tpu.vector_load %arg8[%swap3A_2918, %swap3A_2919] {strides = array<i32>} : memref<512x64xf32, #tpu.memory_space<vmem>>, vector<1x16xf32>,
      %swap3A_2921 = vector.shape_cast %swap3A_2920 : vector<1x16xf32> to vector<16xf32>
      %swap3A_2922 = vector.shape_cast %broadcast_in_dim3A_2731 : vector<16xf32> to vector<1x16xf32>
      tpu.vector_store %arg8[%swap3A_2918, %swap3A_2919], %swap3A_2922 {strides = array<i32>} : memref<512x64xf32, #tpu.memory_space<vmem>>, vector<1x16xf32>,
      %swap3A_2923 = arith.index_cast %add3A_2884 : i32 to index
      %swap3A_2924 = arith.constant 48 : index
      %swap3A_2925 = tpu.vector_load %arg8[%swap3A_2923, %swap3A_2924] {strides = array<i32>} : memref<512x64xf32, #tpu.memory_space<vmem>>, vector<1x16xf32>,
      %swap3A_2926 = vector.shape_cast %swap3A_2925 : vector<1x16xf32> to vector<16xf32>
      %swap3A_2927 = vector.shape_cast %broadcast_in_dim3A_2731 : vector<16xf32> to vector<1x16xf32>
      tpu.vector_store %arg8[%swap3A_2923, %swap3A_2924], %swap3A_2927 {strides = array<i32>} : memref<512x64xf32, #tpu.memory_space<vmem>>, vector<1x16xf32>,
      %slice3A_2928 = vector.extract_strided_slice %get3A_1752 {offsets = [12], sizes = [1], strides = [1]} : vector<16xi32> to vector<1xi32>
      %squeeze3A_2929 = vector.extract %slice3A_2928[0] : i32 from vector<1xi32>
      %rem3A_2930 = arith.constant 8 : i32
      %rem3A_2931 = arith.remsi %squeeze3A_2929, %rem3A_2930 : i32
      %add3A_2932 = arith.constant 4 : i32
      %add3A_2933 = arith.addi %add3A_2609, %add3A_2932 : i32
      %get3A_2934 = arith.constant 4 : i32
      %get3A_2935 = arith.index_cast %get3A_2934 : i32 to index
      %get3A_2936 = arith.index_cast %rem3A_2931 : i32 to index
      %get3A_2937 = arith.constant 0 : index
      %get3A_2938 = tpu.vector_load %arg7[%get3A_2935, %get3A_2936, %get3A_2937] {strides = array<i32>} : memref<8x8x46xf32, #tpu.memory_space<vmem>>, vector<1x1x16xf32>,
      %get3A_2939 = vector.shape_cast %get3A_2938 : vector<1x1x16xf32> to vector<16xf32>
      %swap3A_2940 = arith.index_cast %add3A_2933 : i32 to index
      %swap3A_2941 = arith.constant 0 : index
      %swap3A_2942 = tpu.vector_load %arg8[%swap3A_2940, %swap3A_2941] {strides = array<i32>} : memref<512x64xf32, #tpu.memory_space<vmem>>, vector<1x16xf32>,
      %swap3A_2943 = vector.shape_cast %swap3A_2942 : vector<1x16xf32> to vector<16xf32>
      %swap3A_2944 = vector.shape_cast %get3A_2939 : vector<16xf32> to vector<1x16xf32>
      tpu.vector_store %arg8[%swap3A_2940, %swap3A_2941], %swap3A_2944 {strides = array<i32>} : memref<512x64xf32, #tpu.memory_space<vmem>>, vector<1x16xf32>,
      %get3A_2945 = arith.constant 4 : i32
      %get3A_2946 = arith.index_cast %get3A_2945 : i32 to index
      %get3A_2947 = arith.index_cast %rem3A_2931 : i32 to index
      %get3A_2948 = arith.constant 16 : index
      %get3A_2949 = tpu.vector_load %arg7[%get3A_2946, %get3A_2947, %get3A_2948] {strides = array<i32>} : memref<8x8x46xf32, #tpu.memory_space<vmem>>, vector<1x1x16xf32>,
      %get3A_2950 = vector.shape_cast %get3A_2949 : vector<1x1x16xf32> to vector<16xf32>
      %swap3A_2951 = arith.index_cast %add3A_2933 : i32 to index
      %swap3A_2952 = arith.constant 16 : index
      %swap3A_2953 = tpu.vector_load %arg8[%swap3A_2951, %swap3A_2952] {strides = array<i32>} : memref<512x64xf32, #tpu.memory_space<vmem>>, vector<1x16xf32>,
      %swap3A_2954 = vector.shape_cast %swap3A_2953 : vector<1x16xf32> to vector<16xf32>
      %swap3A_2955 = vector.shape_cast %get3A_2950 : vector<16xf32> to vector<1x16xf32>
      tpu.vector_store %arg8[%swap3A_2951, %swap3A_2952], %swap3A_2955 {strides = array<i32>} : memref<512x64xf32, #tpu.memory_space<vmem>>, vector<1x16xf32>,
      %get3A_2956 = arith.constant 4 : i32
      %get3A_2957 = arith.index_cast %get3A_2956 : i32 to index
      %get3A_2958 = arith.index_cast %rem3A_2931 : i32 to index
      %get3A_2959 = arith.constant 30 : index
      %get3A_2960 = tpu.vector_load %arg7[%get3A_2957, %get3A_2958, %get3A_2959] {strides = array<i32>} : memref<8x8x46xf32, #tpu.memory_space<vmem>>, vector<1x1x16xf32>,
      %get3A_2961 = vector.shape_cast %get3A_2960 : vector<1x1x16xf32> to vector<16xf32>
      %swap3A_2962 = arith.index_cast %add3A_2933 : i32 to index
      %swap3A_2963 = arith.constant 30 : index
      %swap3A_2964 = tpu.vector_load %arg8[%swap3A_2962, %swap3A_2963] {strides = array<i32>} : memref<512x64xf32, #tpu.memory_space<vmem>>, vector<1x16xf32>,
      %swap3A_2965 = vector.shape_cast %swap3A_2964 : vector<1x16xf32> to vector<16xf32>
      %swap3A_2966 = vector.shape_cast %get3A_2961 : vector<16xf32> to vector<1x16xf32>
      tpu.vector_store %arg8[%swap3A_2962, %swap3A_2963], %swap3A_2966 {strides = array<i32>} : memref<512x64xf32, #tpu.memory_space<vmem>>, vector<1x16xf32>,
      %swap3A_2967 = arith.index_cast %add3A_2933 : i32 to index
      %swap3A_2968 = arith.constant 46 : index
      %swap3A_2969 = tpu.vector_load %arg8[%swap3A_2967, %swap3A_2968] {strides = array<i32>} : memref<512x64xf32, #tpu.memory_space<vmem>>, vector<1x16xf32>,
      %swap3A_2970 = vector.shape_cast %swap3A_2969 : vector<1x16xf32> to vector<16xf32>
      %swap3A_2971 = vector.shape_cast %broadcast_in_dim3A_2731 : vector<16xf32> to vector<1x16xf32>
      tpu.vector_store %arg8[%swap3A_2967, %swap3A_2968], %swap3A_2971 {strides = array<i32>} : memref<512x64xf32, #tpu.memory_space<vmem>>, vector<1x16xf32>,
      %swap3A_2972 = arith.index_cast %add3A_2933 : i32 to index
      %swap3A_2973 = arith.constant 48 : index
      %swap3A_2974 = tpu.vector_load %arg8[%swap3A_2972, %swap3A_2973] {strides = array<i32>} : memref<512x64xf32, #tpu.memory_space<vmem>>, vector<1x16xf32>,
      %swap3A_2975 = vector.shape_cast %swap3A_2974 : vector<1x16xf32> to vector<16xf32>
      %swap3A_2976 = vector.shape_cast %broadcast_in_dim3A_2731 : vector<16xf32> to vector<1x16xf32>
      tpu.vector_store %arg8[%swap3A_2972, %swap3A_2973], %swap3A_2976 {strides = array<i32>} : memref<512x64xf32, #tpu.memory_space<vmem>>, vector<1x16xf32>,
      %slice3A_2977 = vector.extract_strided_slice %get3A_1752 {offsets = [13], sizes = [1], strides = [1]} : vector<16xi32> to vector<1xi32>
      %squeeze3A_2978 = vector.extract %slice3A_2977[0] : i32 from vector<1xi32>
      %rem3A_2979 = arith.constant 8 : i32
      %rem3A_2980 = arith.remsi %squeeze3A_2978, %rem3A_2979 : i32
      %add3A_2981 = arith.constant 5 : i32
      %add3A_2982 = arith.addi %add3A_2609, %add3A_2981 : i32
      %get3A_2983 = arith.constant 5 : i32
      %get3A_2984 = arith.index_cast %get3A_2983 : i32 to index
      %get3A_2985 = arith.index_cast %rem3A_2980 : i32 to index
      %get3A_2986 = arith.constant 0 : index
      %get3A_2987 = tpu.vector_load %arg7[%get3A_2984, %get3A_2985, %get3A_2986] {strides = array<i32>} : memref<8x8x46xf32, #tpu.memory_space<vmem>>, vector<1x1x16xf32>,
      %get3A_2988 = vector.shape_cast %get3A_2987 : vector<1x1x16xf32> to vector<16xf32>
      %swap3A_2989 = arith.index_cast %add3A_2982 : i32 to index
      %swap3A_2990 = arith.constant 0 : index
      %swap3A_2991 = tpu.vector_load %arg8[%swap3A_2989, %swap3A_2990] {strides = array<i32>} : memref<512x64xf32, #tpu.memory_space<vmem>>, vector<1x16xf32>,
      %swap3A_2992 = vector.shape_cast %swap3A_2991 : vector<1x16xf32> to vector<16xf32>
      %swap3A_2993 = vector.shape_cast %get3A_2988 : vector<16xf32> to vector<1x16xf32>
      tpu.vector_store %arg8[%swap3A_2989, %swap3A_2990], %swap3A_2993 {strides = array<i32>} : memref<512x64xf32, #tpu.memory_space<vmem>>, vector<1x16xf32>,
      %get3A_2994 = arith.constant 5 : i32
      %get3A_2995 = arith.index_cast %get3A_2994 : i32 to index
      %get3A_2996 = arith.index_cast %rem3A_2980 : i32 to index
      %get3A_2997 = arith.constant 16 : index
      %get3A_2998 = tpu.vector_load %arg7[%get3A_2995, %get3A_2996, %get3A_2997] {strides = array<i32>} : memref<8x8x46xf32, #tpu.memory_space<vmem>>, vector<1x1x16xf32>,
      %get3A_2999 = vector.shape_cast %get3A_2998 : vector<1x1x16xf32> to vector<16xf32>
      %swap3A_3000 = arith.index_cast %add3A_2982 : i32 to index
      %swap3A_3001 = arith.constant 16 : index
      %swap3A_3002 = tpu.vector_load %arg8[%swap3A_3000, %swap3A_3001] {strides = array<i32>} : memref<512x64xf32, #tpu.memory_space<vmem>>, vector<1x16xf32>,
      %swap3A_3003 = vector.shape_cast %swap3A_3002 : vector<1x16xf32> to vector<16xf32>
      %swap3A_3004 = vector.shape_cast %get3A_2999 : vector<16xf32> to vector<1x16xf32>
      tpu.vector_store %arg8[%swap3A_3000, %swap3A_3001], %swap3A_3004 {strides = array<i32>} : memref<512x64xf32, #tpu.memory_space<vmem>>, vector<1x16xf32>,
      %get3A_3005 = arith.constant 5 : i32
      %get3A_3006 = arith.index_cast %get3A_3005 : i32 to index
      %get3A_3007 = arith.index_cast %rem3A_2980 : i32 to index
      %get3A_3008 = arith.constant 30 : index
      %get3A_3009 = tpu.vector_load %arg7[%get3A_3006, %get3A_3007, %get3A_3008] {strides = array<i32>} : memref<8x8x46xf32, #tpu.memory_space<vmem>>, vector<1x1x16xf32>,
      %get3A_3010 = vector.shape_cast %get3A_3009 : vector<1x1x16xf32> to vector<16xf32>
      %swap3A_3011 = arith.index_cast %add3A_2982 : i32 to index
      %swap3A_3012 = arith.constant 30 : index
      %swap3A_3013 = tpu.vector_load %arg8[%swap3A_3011, %swap3A_3012] {strides = array<i32>} : memref<512x64xf32, #tpu.memory_space<vmem>>, vector<1x16xf32>,
      %swap3A_3014 = vector.shape_cast %swap3A_3013 : vector<1x16xf32> to vector<16xf32>
      %swap3A_3015 = vector.shape_cast %get3A_3010 : vector<16xf32> to vector<1x16xf32>
      tpu.vector_store %arg8[%swap3A_3011, %swap3A_3012], %swap3A_3015 {strides = array<i32>} : memref<512x64xf32, #tpu.memory_space<vmem>>, vector<1x16xf32>,
      %swap3A_3016 = arith.index_cast %add3A_2982 : i32 to index
      %swap3A_3017 = arith.constant 46 : index
      %swap3A_3018 = tpu.vector_load %arg8[%swap3A_3016, %swap3A_3017] {strides = array<i32>} : memref<512x64xf32, #tpu.memory_space<vmem>>, vector<1x16xf32>,
      %swap3A_3019 = vector.shape_cast %swap3A_3018 : vector<1x16xf32> to vector<16xf32>
      %swap3A_3020 = vector.shape_cast %broadcast_in_dim3A_2731 : vector<16xf32> to vector<1x16xf32>
      tpu.vector_store %arg8[%swap3A_3016, %swap3A_3017], %swap3A_3020 {strides = array<i32>} : memref<512x64xf32, #tpu.memory_space<vmem>>, vector<1x16xf32>,
      %swap3A_3021 = arith.index_cast %add3A_2982 : i32 to index
      %swap3A_3022 = arith.constant 48 : index
      %swap3A_3023 = tpu.vector_load %arg8[%swap3A_3021, %swap3A_3022] {strides = array<i32>} : memref<512x64xf32, #tpu.memory_space<vmem>>, vector<1x16xf32>,
      %swap3A_3024 = vector.shape_cast %swap3A_3023 : vector<1x16xf32> to vector<16xf32>
      %swap3A_3025 = vector.shape_cast %broadcast_in_dim3A_2731 : vector<16xf32> to vector<1x16xf32>
      tpu.vector_store %arg8[%swap3A_3021, %swap3A_3022], %swap3A_3025 {strides = array<i32>} : memref<512x64xf32, #tpu.memory_space<vmem>>, vector<1x16xf32>,
      %slice3A_3026 = vector.extract_strided_slice %get3A_1752 {offsets = [14], sizes = [1], strides = [1]} : vector<16xi32> to vector<1xi32>
      %squeeze3A_3027 = vector.extract %slice3A_3026[0] : i32 from vector<1xi32>
      %rem3A_3028 = arith.constant 8 : i32
      %rem3A_3029 = arith.remsi %squeeze3A_3027, %rem3A_3028 : i32
      %add3A_3030 = arith.constant 6 : i32
      %add3A_3031 = arith.addi %add3A_2609, %add3A_3030 : i32
      %get3A_3032 = arith.constant 6 : i32
      %get3A_3033 = arith.index_cast %get3A_3032 : i32 to index
      %get3A_3034 = arith.index_cast %rem3A_3029 : i32 to index
      %get3A_3035 = arith.constant 0 : index
      %get3A_3036 = tpu.vector_load %arg7[%get3A_3033, %get3A_3034, %get3A_3035] {strides = array<i32>} : memref<8x8x46xf32, #tpu.memory_space<vmem>>, vector<1x1x16xf32>,
      %get3A_3037 = vector.shape_cast %get3A_3036 : vector<1x1x16xf32> to vector<16xf32>
      %swap3A_3038 = arith.index_cast %add3A_3031 : i32 to index
      %swap3A_3039 = arith.constant 0 : index
      %swap3A_3040 = tpu.vector_load %arg8[%swap3A_3038, %swap3A_3039] {strides = array<i32>} : memref<512x64xf32, #tpu.memory_space<vmem>>, vector<1x16xf32>,
      %swap3A_3041 = vector.shape_cast %swap3A_3040 : vector<1x16xf32> to vector<16xf32>
      %swap3A_3042 = vector.shape_cast %get3A_3037 : vector<16xf32> to vector<1x16xf32>
      tpu.vector_store %arg8[%swap3A_3038, %swap3A_3039], %swap3A_3042 {strides = array<i32>} : memref<512x64xf32, #tpu.memory_space<vmem>>, vector<1x16xf32>,
      %get3A_3043 = arith.constant 6 : i32
      %get3A_3044 = arith.index_cast %get3A_3043 : i32 to index
      %get3A_3045 = arith.index_cast %rem3A_3029 : i32 to index
      %get3A_3046 = arith.constant 16 : index
      %get3A_3047 = tpu.vector_load %arg7[%get3A_3044, %get3A_3045, %get3A_3046] {strides = array<i32>} : memref<8x8x46xf32, #tpu.memory_space<vmem>>, vector<1x1x16xf32>,
      %get3A_3048 = vector.shape_cast %get3A_3047 : vector<1x1x16xf32> to vector<16xf32>
      %swap3A_3049 = arith.index_cast %add3A_3031 : i32 to index
      %swap3A_3050 = arith.constant 16 : index
      %swap3A_3051 = tpu.vector_load %arg8[%swap3A_3049, %swap3A_3050] {strides = array<i32>} : memref<512x64xf32, #tpu.memory_space<vmem>>, vector<1x16xf32>,
      %swap3A_3052 = vector.shape_cast %swap3A_3051 : vector<1x16xf32> to vector<16xf32>
      %swap3A_3053 = vector.shape_cast %get3A_3048 : vector<16xf32> to vector<1x16xf32>
      tpu.vector_store %arg8[%swap3A_3049, %swap3A_3050], %swap3A_3053 {strides = array<i32>} : memref<512x64xf32, #tpu.memory_space<vmem>>, vector<1x16xf32>,
      %get3A_3054 = arith.constant 6 : i32
      %get3A_3055 = arith.index_cast %get3A_3054 : i32 to index
      %get3A_3056 = arith.index_cast %rem3A_3029 : i32 to index
      %get3A_3057 = arith.constant 30 : index
      %get3A_3058 = tpu.vector_load %arg7[%get3A_3055, %get3A_3056, %get3A_3057] {strides = array<i32>} : memref<8x8x46xf32, #tpu.memory_space<vmem>>, vector<1x1x16xf32>,
      %get3A_3059 = vector.shape_cast %get3A_3058 : vector<1x1x16xf32> to vector<16xf32>
      %swap3A_3060 = arith.index_cast %add3A_3031 : i32 to index
      %swap3A_3061 = arith.constant 30 : index
      %swap3A_3062 = tpu.vector_load %arg8[%swap3A_3060, %swap3A_3061] {strides = array<i32>} : memref<512x64xf32, #tpu.memory_space<vmem>>, vector<1x16xf32>,
      %swap3A_3063 = vector.shape_cast %swap3A_3062 : vector<1x16xf32> to vector<16xf32>
      %swap3A_3064 = vector.shape_cast %get3A_3059 : vector<16xf32> to vector<1x16xf32>
      tpu.vector_store %arg8[%swap3A_3060, %swap3A_3061], %swap3A_3064 {strides = array<i32>} : memref<512x64xf32, #tpu.memory_space<vmem>>, vector<1x16xf32>,
      %swap3A_3065 = arith.index_cast %add3A_3031 : i32 to index
      %swap3A_3066 = arith.constant 46 : index
      %swap3A_3067 = tpu.vector_load %arg8[%swap3A_3065, %swap3A_3066] {strides = array<i32>} : memref<512x64xf32, #tpu.memory_space<vmem>>, vector<1x16xf32>,
      %swap3A_3068 = vector.shape_cast %swap3A_3067 : vector<1x16xf32> to vector<16xf32>
      %swap3A_3069 = vector.shape_cast %broadcast_in_dim3A_2731 : vector<16xf32> to vector<1x16xf32>
      tpu.vector_store %arg8[%swap3A_3065, %swap3A_3066], %swap3A_3069 {strides = array<i32>} : memref<512x64xf32, #tpu.memory_space<vmem>>, vector<1x16xf32>,
      %swap3A_3070 = arith.index_cast %add3A_3031 : i32 to index
      %swap3A_3071 = arith.constant 48 : index
      %swap3A_3072 = tpu.vector_load %arg8[%swap3A_3070, %swap3A_3071] {strides = array<i32>} : memref<512x64xf32, #tpu.memory_space<vmem>>, vector<1x16xf32>,
      %swap3A_3073 = vector.shape_cast %swap3A_3072 : vector<1x16xf32> to vector<16xf32>
      %swap3A_3074 = vector.shape_cast %broadcast_in_dim3A_2731 : vector<16xf32> to vector<1x16xf32>
      tpu.vector_store %arg8[%swap3A_3070, %swap3A_3071], %swap3A_3074 {strides = array<i32>} : memref<512x64xf32, #tpu.memory_space<vmem>>, vector<1x16xf32>,
      %slice3A_3075 = vector.extract_strided_slice %get3A_1752 {offsets = [15], sizes = [1], strides = [1]} : vector<16xi32> to vector<1xi32>
      %squeeze3A_3076 = vector.extract %slice3A_3075[0] : i32 from vector<1xi32>
      %rem3A_3077 = arith.constant 8 : i32
      %rem3A_3078 = arith.remsi %squeeze3A_3076, %rem3A_3077 : i32
      %add3A_3079 = arith.constant 7 : i32
      %add3A_3080 = arith.addi %add3A_2609, %add3A_3079 : i32
      %get3A_3081 = arith.constant 7 : i32
      %get3A_3082 = arith.index_cast %get3A_3081 : i32 to index
      %get3A_3083 = arith.index_cast %rem3A_3078 : i32 to index
      %get3A_3084 = arith.constant 0 : index
      %get3A_3085 = tpu.vector_load %arg7[%get3A_3082, %get3A_3083, %get3A_3084] {strides = array<i32>} : memref<8x8x46xf32, #tpu.memory_space<vmem>>, vector<1x1x16xf32>,
      %get3A_3086 = vector.shape_cast %get3A_3085 : vector<1x1x16xf32> to vector<16xf32>
      %swap3A_3087 = arith.index_cast %add3A_3080 : i32 to index
      %swap3A_3088 = arith.constant 0 : index
      %swap3A_3089 = tpu.vector_load %arg8[%swap3A_3087, %swap3A_3088] {strides = array<i32>} : memref<512x64xf32, #tpu.memory_space<vmem>>, vector<1x16xf32>,
      %swap3A_3090 = vector.shape_cast %swap3A_3089 : vector<1x16xf32> to vector<16xf32>
      %swap3A_3091 = vector.shape_cast %get3A_3086 : vector<16xf32> to vector<1x16xf32>
      tpu.vector_store %arg8[%swap3A_3087, %swap3A_3088], %swap3A_3091 {strides = array<i32>} : memref<512x64xf32, #tpu.memory_space<vmem>>, vector<1x16xf32>,
      %get3A_3092 = arith.constant 7 : i32
      %get3A_3093 = arith.index_cast %get3A_3092 : i32 to index
      %get3A_3094 = arith.index_cast %rem3A_3078 : i32 to index
      %get3A_3095 = arith.constant 16 : index
      %get3A_3096 = tpu.vector_load %arg7[%get3A_3093, %get3A_3094, %get3A_3095] {strides = array<i32>} : memref<8x8x46xf32, #tpu.memory_space<vmem>>, vector<1x1x16xf32>,
      %get3A_3097 = vector.shape_cast %get3A_3096 : vector<1x1x16xf32> to vector<16xf32>
      %swap3A_3098 = arith.index_cast %add3A_3080 : i32 to index
      %swap3A_3099 = arith.constant 16 : index
      %swap3A_3100 = tpu.vector_load %arg8[%swap3A_3098, %swap3A_3099] {strides = array<i32>} : memref<512x64xf32, #tpu.memory_space<vmem>>, vector<1x16xf32>,
      %swap3A_3101 = vector.shape_cast %swap3A_3100 : vector<1x16xf32> to vector<16xf32>
      %swap3A_3102 = vector.shape_cast %get3A_3097 : vector<16xf32> to vector<1x16xf32>
      tpu.vector_store %arg8[%swap3A_3098, %swap3A_3099], %swap3A_3102 {strides = array<i32>} : memref<512x64xf32, #tpu.memory_space<vmem>>, vector<1x16xf32>,
      %get3A_3103 = arith.constant 7 : i32
      %get3A_3104 = arith.index_cast %get3A_3103 : i32 to index
      %get3A_3105 = arith.index_cast %rem3A_3078 : i32 to index
      %get3A_3106 = arith.constant 30 : index
      %get3A_3107 = tpu.vector_load %arg7[%get3A_3104, %get3A_3105, %get3A_3106] {strides = array<i32>} : memref<8x8x46xf32, #tpu.memory_space<vmem>>, vector<1x1x16xf32>,
      %get3A_3108 = vector.shape_cast %get3A_3107 : vector<1x1x16xf32> to vector<16xf32>
      %swap3A_3109 = arith.index_cast %add3A_3080 : i32 to index
      %swap3A_3110 = arith.constant 30 : index
      %swap3A_3111 = tpu.vector_load %arg8[%swap3A_3109, %swap3A_3110] {strides = array<i32>} : memref<512x64xf32, #tpu.memory_space<vmem>>, vector<1x16xf32>,
      %swap3A_3112 = vector.shape_cast %swap3A_3111 : vector<1x16xf32> to vector<16xf32>
      %swap3A_3113 = vector.shape_cast %get3A_3108 : vector<16xf32> to vector<1x16xf32>
      tpu.vector_store %arg8[%swap3A_3109, %swap3A_3110], %swap3A_3113 {strides = array<i32>} : memref<512x64xf32, #tpu.memory_space<vmem>>, vector<1x16xf32>,
      %swap3A_3114 = arith.index_cast %add3A_3080 : i32 to index
      %swap3A_3115 = arith.constant 46 : index
      %swap3A_3116 = tpu.vector_load %arg8[%swap3A_3114, %swap3A_3115] {strides = array<i32>} : memref<512x64xf32, #tpu.memory_space<vmem>>, vector<1x16xf32>,
      %swap3A_3117 = vector.shape_cast %swap3A_3116 : vector<1x16xf32> to vector<16xf32>
      %swap3A_3118 = vector.shape_cast %broadcast_in_dim3A_2731 : vector<16xf32> to vector<1x16xf32>
      tpu.vector_store %arg8[%swap3A_3114, %swap3A_3115], %swap3A_3118 {strides = array<i32>} : memref<512x64xf32, #tpu.memory_space<vmem>>, vector<1x16xf32>,
      %swap3A_3119 = arith.index_cast %add3A_3080 : i32 to index
      %swap3A_3120 = arith.constant 48 : index
      %swap3A_3121 = tpu.vector_load %arg8[%swap3A_3119, %swap3A_3120] {strides = array<i32>} : memref<512x64xf32, #tpu.memory_space<vmem>>, vector<1x16xf32>,
      %swap3A_3122 = vector.shape_cast %swap3A_3121 : vector<1x16xf32> to vector<16xf32>
      %swap3A_3123 = vector.shape_cast %broadcast_in_dim3A_2731 : vector<16xf32> to vector<1x16xf32>
      tpu.vector_store %arg8[%swap3A_3119, %swap3A_3120], %swap3A_3123 {strides = array<i32>} : memref<512x64xf32, #tpu.memory_space<vmem>>, vector<1x16xf32>,
      %slice3A_3124 = vector.extract_strided_slice %get3A_1757 {offsets = [8], sizes = [1], strides = [1]} : vector<16xi32> to vector<1xi32>
      %squeeze3A_3125 = vector.extract %slice3A_3124[0] : i32 from vector<1xi32>
      %jit3A_3126 = arith.constant 8 : i32
      %div3A_3127 = arith.divsi %squeeze3A_3125, %jit3A_3126 : i32
      %sign3A_3128 = arith.constant 0 : i32
      %sign3A_3129 = arith.cmpi sgt, %squeeze3A_3125, %sign3A_3128 : i32
      %sign3A_3130 = arith.extui %sign3A_3129 : i1 to i32
      %sign3A_3131 = arith.constant 0 : i32
      %sign3A_3132 = arith.cmpi slt, %squeeze3A_3125, %sign3A_3131 : i32
      %sign3A_3133 = arith.extui %sign3A_3132 : i1 to i32
      %sign3A_3134 = arith.subi %sign3A_3130, %sign3A_3133 : i32
      %sign3A_3135 = arith.constant 0 : i32
      %sign3A_3136 = arith.cmpi sgt, %jit3A_3126, %sign3A_3135 : i32
      %sign3A_3137 = arith.extui %sign3A_3136 : i1 to i32
      %sign3A_3138 = arith.constant 0 : i32
      %sign3A_3139 = arith.cmpi slt, %jit3A_3126, %sign3A_3138 : i32
      %sign3A_3140 = arith.extui %sign3A_3139 : i1 to i32
      %sign3A_3141 = arith.subi %sign3A_3137, %sign3A_3140 : i32
      %ne3A_3142 = arith.cmpi ne, %sign3A_3134, %sign3A_3141 : i32
      %rem3A_3143 = arith.remsi %squeeze3A_3125, %jit3A_3126 : i32
      %ne3A_3144 = arith.constant 0 : i32
      %ne3A_3145 = arith.cmpi ne, %rem3A_3143, %ne3A_3144 : i32
      %and3A_3146 = arith.andi %ne3A_3142, %ne3A_3145 : i1
      %sub3A_3147 = arith.constant 1 : i32
      %sub3A_3148 = arith.subi %div3A_3127, %sub3A_3147 : i32
      %select_n3A_3149 = arith.select %and3A_3146, %sub3A_3148, %div3A_3127 : i32
      %mul3A_3150 = arith.constant 8 : i32
      %mul3A_3151 = arith.muli %select_n3A_3149, %mul3A_3150 : i32
      %multiple_of3A_3152 = tpu.assume_multiple %mul3A_3151, 8 : i32
      %dma_start3A_3153 = arith.constant 0 : i32
      %dma_start3A_3154 = arith.constant 0 : i32
      %dma_start3A_3155 = arith.constant 0 : i32
      %dma_start3A_3156 = tpu.memref_slice %arg7[%dma_start3A_3153, %dma_start3A_3154, %dma_start3A_3155] : memref<8x8x46xf32, #tpu.memory_space<vmem>> -> memref<1x8x46xf32, #tpu.memory_space<vmem>>
      %dma_start3A_3157 = tpu.memref_squeeze %dma_start3A_3156 : memref<1x8x46xf32, #tpu.memory_space<vmem>> -> memref<8x46xf32, #tpu.memory_space<vmem>>
      %dma_start3A_3158 = arith.constant 0 : i32
      %dma_start3A_3159 = tpu.memref_slice %arg3[%multiple_of3A_3152, %dma_start3A_3158] : memref<1000000x46xf32, #tpu.memory_space<hbm>> -> memref<8x46xf32, #tpu.memory_space<hbm>>
      %dma_start3A_3160 = arith.constant 0 : i32
      %dma_start3A_3161 = arith.constant 0 : i32
      %dma_start3A_3162 = tpu.memref_slice %arg7[%dma_start3A_3153, %dma_start3A_3160, %dma_start3A_3161] : memref<8x8x46xf32, #tpu.memory_space<vmem>> -> memref<1x8x46xf32, #tpu.memory_space<vmem>>
      %dma_start3A_3163 = tpu.memref_squeeze %dma_start3A_3162 : memref<1x8x46xf32, #tpu.memory_space<vmem>> -> memref<8x46xf32, #tpu.memory_space<vmem>>
      %dma_start3A_3164 = arith.constant 0 : i32
      %dma_start3A_3165 = tpu.memref_slice %arg3[%multiple_of3A_3152, %dma_start3A_3164] : memref<1000000x46xf32, #tpu.memory_space<hbm>> -> memref<8x46xf32, #tpu.memory_space<hbm>>
      tpu.enqueue_dma source(%dma_start3A_3165 : memref<8x46xf32, #tpu.memory_space<hbm>>) target(%dma_start3A_3163 : memref<8x46xf32, #tpu.memory_space<vmem>>) target_semaphore(%arg10 : memref<!tpu.dma_semaphore, #tpu.memory_space<semaphore_mem>>)
      %slice3A_3166 = vector.extract_strided_slice %get3A_1757 {offsets = [9], sizes = [1], strides = [1]} : vector<16xi32> to vector<1xi32>
      %squeeze3A_3167 = vector.extract %slice3A_3166[0] : i32 from vector<1xi32>
      %jit3A_3168 = arith.constant 8 : i32
      %div3A_3169 = arith.divsi %squeeze3A_3167, %jit3A_3168 : i32
      %sign3A_3170 = arith.constant 0 : i32
      %sign3A_3171 = arith.cmpi sgt, %squeeze3A_3167, %sign3A_3170 : i32
      %sign3A_3172 = arith.extui %sign3A_3171 : i1 to i32
      %sign3A_3173 = arith.constant 0 : i32
      %sign3A_3174 = arith.cmpi slt, %squeeze3A_3167, %sign3A_3173 : i32
      %sign3A_3175 = arith.extui %sign3A_3174 : i1 to i32
      %sign3A_3176 = arith.subi %sign3A_3172, %sign3A_3175 : i32
      %sign3A_3177 = arith.constant 0 : i32
      %sign3A_3178 = arith.cmpi sgt, %jit3A_3168, %sign3A_3177 : i32
      %sign3A_3179 = arith.extui %sign3A_3178 : i1 to i32
      %sign3A_3180 = arith.constant 0 : i32
      %sign3A_3181 = arith.cmpi slt, %jit3A_3168, %sign3A_3180 : i32
      %sign3A_3182 = arith.extui %sign3A_3181 : i1 to i32
      %sign3A_3183 = arith.subi %sign3A_3179, %sign3A_3182 : i32
      %ne3A_3184 = arith.cmpi ne, %sign3A_3176, %sign3A_3183 : i32
      %rem3A_3185 = arith.remsi %squeeze3A_3167, %jit3A_3168 : i32
      %ne3A_3186 = arith.constant 0 : i32
      %ne3A_3187 = arith.cmpi ne, %rem3A_3185, %ne3A_3186 : i32
      %and3A_3188 = arith.andi %ne3A_3184, %ne3A_3187 : i1
      %sub3A_3189 = arith.constant 1 : i32
      %sub3A_3190 = arith.subi %div3A_3169, %sub3A_3189 : i32
      %select_n3A_3191 = arith.select %and3A_3188, %sub3A_3190, %div3A_3169 : i32
      %mul3A_3192 = arith.constant 8 : i32
      %mul3A_3193 = arith.muli %select_n3A_3191, %mul3A_3192 : i32
      %multiple_of3A_3194 = tpu.assume_multiple %mul3A_3193, 8 : i32
      %dma_start3A_3195 = arith.constant 1 : i32
      %dma_start3A_3196 = arith.constant 0 : i32
      %dma_start3A_3197 = arith.constant 0 : i32
      %dma_start3A_3198 = tpu.memref_slice %arg7[%dma_start3A_3195, %dma_start3A_3196, %dma_start3A_3197] : memref<8x8x46xf32, #tpu.memory_space<vmem>> -> memref<1x8x46xf32, #tpu.memory_space<vmem>>
      %dma_start3A_3199 = tpu.memref_squeeze %dma_start3A_3198 : memref<1x8x46xf32, #tpu.memory_space<vmem>> -> memref<8x46xf32, #tpu.memory_space<vmem>>
      %dma_start3A_3200 = arith.constant 0 : i32
      %dma_start3A_3201 = tpu.memref_slice %arg3[%multiple_of3A_3194, %dma_start3A_3200] : memref<1000000x46xf32, #tpu.memory_space<hbm>> -> memref<8x46xf32, #tpu.memory_space<hbm>>
      %dma_start3A_3202 = arith.constant 0 : i32
      %dma_start3A_3203 = arith.constant 0 : i32
      %dma_start3A_3204 = tpu.memref_slice %arg7[%dma_start3A_3195, %dma_start3A_3202, %dma_start3A_3203] : memref<8x8x46xf32, #tpu.memory_space<vmem>> -> memref<1x8x46xf32, #tpu.memory_space<vmem>>
      %dma_start3A_3205 = tpu.memref_squeeze %dma_start3A_3204 : memref<1x8x46xf32, #tpu.memory_space<vmem>> -> memref<8x46xf32, #tpu.memory_space<vmem>>
      %dma_start3A_3206 = arith.constant 0 : i32
      %dma_start3A_3207 = tpu.memref_slice %arg3[%multiple_of3A_3194, %dma_start3A_3206] : memref<1000000x46xf32, #tpu.memory_space<hbm>> -> memref<8x46xf32, #tpu.memory_space<hbm>>
      tpu.enqueue_dma source(%dma_start3A_3207 : memref<8x46xf32, #tpu.memory_space<hbm>>) target(%dma_start3A_3205 : memref<8x46xf32, #tpu.memory_space<vmem>>) target_semaphore(%arg10 : memref<!tpu.dma_semaphore, #tpu.memory_space<semaphore_mem>>)
      %slice3A_3208 = vector.extract_strided_slice %get3A_1757 {offsets = [10], sizes = [1], strides = [1]} : vector<16xi32> to vector<1xi32>
      %squeeze3A_3209 = vector.extract %slice3A_3208[0] : i32 from vector<1xi32>
      %jit3A_3210 = arith.constant 8 : i32
      %div3A_3211 = arith.divsi %squeeze3A_3209, %jit3A_3210 : i32
      %sign3A_3212 = arith.constant 0 : i32
      %sign3A_3213 = arith.cmpi sgt, %squeeze3A_3209, %sign3A_3212 : i32
      %sign3A_3214 = arith.extui %sign3A_3213 : i1 to i32
      %sign3A_3215 = arith.constant 0 : i32
      %sign3A_3216 = arith.cmpi slt, %squeeze3A_3209, %sign3A_3215 : i32
      %sign3A_3217 = arith.extui %sign3A_3216 : i1 to i32
      %sign3A_3218 = arith.subi %sign3A_3214, %sign3A_3217 : i32
      %sign3A_3219 = arith.constant 0 : i32
      %sign3A_3220 = arith.cmpi sgt, %jit3A_3210, %sign3A_3219 : i32
      %sign3A_3221 = arith.extui %sign3A_3220 : i1 to i32
      %sign3A_3222 = arith.constant 0 : i32
      %sign3A_3223 = arith.cmpi slt, %jit3A_3210, %sign3A_3222 : i32
      %sign3A_3224 = arith.extui %sign3A_3223 : i1 to i32
      %sign3A_3225 = arith.subi %sign3A_3221, %sign3A_3224 : i32
      %ne3A_3226 = arith.cmpi ne, %sign3A_3218, %sign3A_3225 : i32
      %rem3A_3227 = arith.remsi %squeeze3A_3209, %jit3A_3210 : i32
      %ne3A_3228 = arith.constant 0 : i32
      %ne3A_3229 = arith.cmpi ne, %rem3A_3227, %ne3A_3228 : i32
      %and3A_3230 = arith.andi %ne3A_3226, %ne3A_3229 : i1
      %sub3A_3231 = arith.constant 1 : i32
      %sub3A_3232 = arith.subi %div3A_3211, %sub3A_3231 : i32
      %select_n3A_3233 = arith.select %and3A_3230, %sub3A_3232, %div3A_3211 : i32
      %mul3A_3234 = arith.constant 8 : i32
      %mul3A_3235 = arith.muli %select_n3A_3233, %mul3A_3234 : i32
      %multiple_of3A_3236 = tpu.assume_multiple %mul3A_3235, 8 : i32
      %dma_start3A_3237 = arith.constant 2 : i32
      %dma_start3A_3238 = arith.constant 0 : i32
      %dma_start3A_3239 = arith.constant 0 : i32
      %dma_start3A_3240 = tpu.memref_slice %arg7[%dma_start3A_3237, %dma_start3A_3238, %dma_start3A_3239] : memref<8x8x46xf32, #tpu.memory_space<vmem>> -> memref<1x8x46xf32, #tpu.memory_space<vmem>>
      %dma_start3A_3241 = tpu.memref_squeeze %dma_start3A_3240 : memref<1x8x46xf32, #tpu.memory_space<vmem>> -> memref<8x46xf32, #tpu.memory_space<vmem>>
      %dma_start3A_3242 = arith.constant 0 : i32
      %dma_start3A_3243 = tpu.memref_slice %arg3[%multiple_of3A_3236, %dma_start3A_3242] : memref<1000000x46xf32, #tpu.memory_space<hbm>> -> memref<8x46xf32, #tpu.memory_space<hbm>>
      %dma_start3A_3244 = arith.constant 0 : i32
      %dma_start3A_3245 = arith.constant 0 : i32
      %dma_start3A_3246 = tpu.memref_slice %arg7[%dma_start3A_3237, %dma_start3A_3244, %dma_start3A_3245] : memref<8x8x46xf32, #tpu.memory_space<vmem>> -> memref<1x8x46xf32, #tpu.memory_space<vmem>>
      %dma_start3A_3247 = tpu.memref_squeeze %dma_start3A_3246 : memref<1x8x46xf32, #tpu.memory_space<vmem>> -> memref<8x46xf32, #tpu.memory_space<vmem>>
      %dma_start3A_3248 = arith.constant 0 : i32
      %dma_start3A_3249 = tpu.memref_slice %arg3[%multiple_of3A_3236, %dma_start3A_3248] : memref<1000000x46xf32, #tpu.memory_space<hbm>> -> memref<8x46xf32, #tpu.memory_space<hbm>>
      tpu.enqueue_dma source(%dma_start3A_3249 : memref<8x46xf32, #tpu.memory_space<hbm>>) target(%dma_start3A_3247 : memref<8x46xf32, #tpu.memory_space<vmem>>) target_semaphore(%arg10 : memref<!tpu.dma_semaphore, #tpu.memory_space<semaphore_mem>>)
      %slice3A_3250 = vector.extract_strided_slice %get3A_1757 {offsets = [11], sizes = [1], strides = [1]} : vector<16xi32> to vector<1xi32>
      %squeeze3A_3251 = vector.extract %slice3A_3250[0] : i32 from vector<1xi32>
      %jit3A_3252 = arith.constant 8 : i32
      %div3A_3253 = arith.divsi %squeeze3A_3251, %jit3A_3252 : i32
      %sign3A_3254 = arith.constant 0 : i32
      %sign3A_3255 = arith.cmpi sgt, %squeeze3A_3251, %sign3A_3254 : i32
      %sign3A_3256 = arith.extui %sign3A_3255 : i1 to i32
      %sign3A_3257 = arith.constant 0 : i32
      %sign3A_3258 = arith.cmpi slt, %squeeze3A_3251, %sign3A_3257 : i32
      %sign3A_3259 = arith.extui %sign3A_3258 : i1 to i32
      %sign3A_3260 = arith.subi %sign3A_3256, %sign3A_3259 : i32
      %sign3A_3261 = arith.constant 0 : i32
      %sign3A_3262 = arith.cmpi sgt, %jit3A_3252, %sign3A_3261 : i32
      %sign3A_3263 = arith.extui %sign3A_3262 : i1 to i32
      %sign3A_3264 = arith.constant 0 : i32
      %sign3A_3265 = arith.cmpi slt, %jit3A_3252, %sign3A_3264 : i32
      %sign3A_3266 = arith.extui %sign3A_3265 : i1 to i32
      %sign3A_3267 = arith.subi %sign3A_3263, %sign3A_3266 : i32
      %ne3A_3268 = arith.cmpi ne, %sign3A_3260, %sign3A_3267 : i32
      %rem3A_3269 = arith.remsi %squeeze3A_3251, %jit3A_3252 : i32
      %ne3A_3270 = arith.constant 0 : i32
      %ne3A_3271 = arith.cmpi ne, %rem3A_3269, %ne3A_3270 : i32
      %and3A_3272 = arith.andi %ne3A_3268, %ne3A_3271 : i1
      %sub3A_3273 = arith.constant 1 : i32
      %sub3A_3274 = arith.subi %div3A_3253, %sub3A_3273 : i32
      %select_n3A_3275 = arith.select %and3A_3272, %sub3A_3274, %div3A_3253 : i32
      %mul3A_3276 = arith.constant 8 : i32
      %mul3A_3277 = arith.muli %select_n3A_3275, %mul3A_3276 : i32
      %multiple_of3A_3278 = tpu.assume_multiple %mul3A_3277, 8 : i32
      %dma_start3A_3279 = arith.constant 3 : i32
      %dma_start3A_3280 = arith.constant 0 : i32
      %dma_start3A_3281 = arith.constant 0 : i32
      %dma_start3A_3282 = tpu.memref_slice %arg7[%dma_start3A_3279, %dma_start3A_3280, %dma_start3A_3281] : memref<8x8x46xf32, #tpu.memory_space<vmem>> -> memref<1x8x46xf32, #tpu.memory_space<vmem>>
      %dma_start3A_3283 = tpu.memref_squeeze %dma_start3A_3282 : memref<1x8x46xf32, #tpu.memory_space<vmem>> -> memref<8x46xf32, #tpu.memory_space<vmem>>
      %dma_start3A_3284 = arith.constant 0 : i32
      %dma_start3A_3285 = tpu.memref_slice %arg3[%multiple_of3A_3278, %dma_start3A_3284] : memref<1000000x46xf32, #tpu.memory_space<hbm>> -> memref<8x46xf32, #tpu.memory_space<hbm>>
      %dma_start3A_3286 = arith.constant 0 : i32
      %dma_start3A_3287 = arith.constant 0 : i32
      %dma_start3A_3288 = tpu.memref_slice %arg7[%dma_start3A_3279, %dma_start3A_3286, %dma_start3A_3287] : memref<8x8x46xf32, #tpu.memory_space<vmem>> -> memref<1x8x46xf32, #tpu.memory_space<vmem>>
      %dma_start3A_3289 = tpu.memref_squeeze %dma_start3A_3288 : memref<1x8x46xf32, #tpu.memory_space<vmem>> -> memref<8x46xf32, #tpu.memory_space<vmem>>
      %dma_start3A_3290 = arith.constant 0 : i32
      %dma_start3A_3291 = tpu.memref_slice %arg3[%multiple_of3A_3278, %dma_start3A_3290] : memref<1000000x46xf32, #tpu.memory_space<hbm>> -> memref<8x46xf32, #tpu.memory_space<hbm>>
      tpu.enqueue_dma source(%dma_start3A_3291 : memref<8x46xf32, #tpu.memory_space<hbm>>) target(%dma_start3A_3289 : memref<8x46xf32, #tpu.memory_space<vmem>>) target_semaphore(%arg10 : memref<!tpu.dma_semaphore, #tpu.memory_space<semaphore_mem>>)
      %slice3A_3292 = vector.extract_strided_slice %get3A_1757 {offsets = [12], sizes = [1], strides = [1]} : vector<16xi32> to vector<1xi32>
      %squeeze3A_3293 = vector.extract %slice3A_3292[0] : i32 from vector<1xi32>
      %jit3A_3294 = arith.constant 8 : i32
      %div3A_3295 = arith.divsi %squeeze3A_3293, %jit3A_3294 : i32
      %sign3A_3296 = arith.constant 0 : i32
      %sign3A_3297 = arith.cmpi sgt, %squeeze3A_3293, %sign3A_3296 : i32
      %sign3A_3298 = arith.extui %sign3A_3297 : i1 to i32
      %sign3A_3299 = arith.constant 0 : i32
      %sign3A_3300 = arith.cmpi slt, %squeeze3A_3293, %sign3A_3299 : i32
      %sign3A_3301 = arith.extui %sign3A_3300 : i1 to i32
      %sign3A_3302 = arith.subi %sign3A_3298, %sign3A_3301 : i32
      %sign3A_3303 = arith.constant 0 : i32
      %sign3A_3304 = arith.cmpi sgt, %jit3A_3294, %sign3A_3303 : i32
      %sign3A_3305 = arith.extui %sign3A_3304 : i1 to i32
      %sign3A_3306 = arith.constant 0 : i32
      %sign3A_3307 = arith.cmpi slt, %jit3A_3294, %sign3A_3306 : i32
      %sign3A_3308 = arith.extui %sign3A_3307 : i1 to i32
      %sign3A_3309 = arith.subi %sign3A_3305, %sign3A_3308 : i32
      %ne3A_3310 = arith.cmpi ne, %sign3A_3302, %sign3A_3309 : i32
      %rem3A_3311 = arith.remsi %squeeze3A_3293, %jit3A_3294 : i32
      %ne3A_3312 = arith.constant 0 : i32
      %ne3A_3313 = arith.cmpi ne, %rem3A_3311, %ne3A_3312 : i32
      %and3A_3314 = arith.andi %ne3A_3310, %ne3A_3313 : i1
      %sub3A_3315 = arith.constant 1 : i32
      %sub3A_3316 = arith.subi %div3A_3295, %sub3A_3315 : i32
      %select_n3A_3317 = arith.select %and3A_3314, %sub3A_3316, %div3A_3295 : i32
      %mul3A_3318 = arith.constant 8 : i32
      %mul3A_3319 = arith.muli %select_n3A_3317, %mul3A_3318 : i32
      %multiple_of3A_3320 = tpu.assume_multiple %mul3A_3319, 8 : i32
      %dma_start3A_3321 = arith.constant 4 : i32
      %dma_start3A_3322 = arith.constant 0 : i32
      %dma_start3A_3323 = arith.constant 0 : i32
      %dma_start3A_3324 = tpu.memref_slice %arg7[%dma_start3A_3321, %dma_start3A_3322, %dma_start3A_3323] : memref<8x8x46xf32, #tpu.memory_space<vmem>> -> memref<1x8x46xf32, #tpu.memory_space<vmem>>
      %dma_start3A_3325 = tpu.memref_squeeze %dma_start3A_3324 : memref<1x8x46xf32, #tpu.memory_space<vmem>> -> memref<8x46xf32, #tpu.memory_space<vmem>>
      %dma_start3A_3326 = arith.constant 0 : i32
      %dma_start3A_3327 = tpu.memref_slice %arg3[%multiple_of3A_3320, %dma_start3A_3326] : memref<1000000x46xf32, #tpu.memory_space<hbm>> -> memref<8x46xf32, #tpu.memory_space<hbm>>
      %dma_start3A_3328 = arith.constant 0 : i32
      %dma_start3A_3329 = arith.constant 0 : i32
      %dma_start3A_3330 = tpu.memref_slice %arg7[%dma_start3A_3321, %dma_start3A_3328, %dma_start3A_3329] : memref<8x8x46xf32, #tpu.memory_space<vmem>> -> memref<1x8x46xf32, #tpu.memory_space<vmem>>
      %dma_start3A_3331 = tpu.memref_squeeze %dma_start3A_3330 : memref<1x8x46xf32, #tpu.memory_space<vmem>> -> memref<8x46xf32, #tpu.memory_space<vmem>>
      %dma_start3A_3332 = arith.constant 0 : i32
      %dma_start3A_3333 = tpu.memref_slice %arg3[%multiple_of3A_3320, %dma_start3A_3332] : memref<1000000x46xf32, #tpu.memory_space<hbm>> -> memref<8x46xf32, #tpu.memory_space<hbm>>
      tpu.enqueue_dma source(%dma_start3A_3333 : memref<8x46xf32, #tpu.memory_space<hbm>>) target(%dma_start3A_3331 : memref<8x46xf32, #tpu.memory_space<vmem>>) target_semaphore(%arg10 : memref<!tpu.dma_semaphore, #tpu.memory_space<semaphore_mem>>)
      %slice3A_3334 = vector.extract_strided_slice %get3A_1757 {offsets = [13], sizes = [1], strides = [1]} : vector<16xi32> to vector<1xi32>
      %squeeze3A_3335 = vector.extract %slice3A_3334[0] : i32 from vector<1xi32>
      %jit3A_3336 = arith.constant 8 : i32
      %div3A_3337 = arith.divsi %squeeze3A_3335, %jit3A_3336 : i32
      %sign3A_3338 = arith.constant 0 : i32
      %sign3A_3339 = arith.cmpi sgt, %squeeze3A_3335, %sign3A_3338 : i32
      %sign3A_3340 = arith.extui %sign3A_3339 : i1 to i32
      %sign3A_3341 = arith.constant 0 : i32
      %sign3A_3342 = arith.cmpi slt, %squeeze3A_3335, %sign3A_3341 : i32
      %sign3A_3343 = arith.extui %sign3A_3342 : i1 to i32
      %sign3A_3344 = arith.subi %sign3A_3340, %sign3A_3343 : i32
      %sign3A_3345 = arith.constant 0 : i32
      %sign3A_3346 = arith.cmpi sgt, %jit3A_3336, %sign3A_3345 : i32
      %sign3A_3347 = arith.extui %sign3A_3346 : i1 to i32
      %sign3A_3348 = arith.constant 0 : i32
      %sign3A_3349 = arith.cmpi slt, %jit3A_3336, %sign3A_3348 : i32
      %sign3A_3350 = arith.extui %sign3A_3349 : i1 to i32
      %sign3A_3351 = arith.subi %sign3A_3347, %sign3A_3350 : i32
      %ne3A_3352 = arith.cmpi ne, %sign3A_3344, %sign3A_3351 : i32
      %rem3A_3353 = arith.remsi %squeeze3A_3335, %jit3A_3336 : i32
      %ne3A_3354 = arith.constant 0 : i32
      %ne3A_3355 = arith.cmpi ne, %rem3A_3353, %ne3A_3354 : i32
      %and3A_3356 = arith.andi %ne3A_3352, %ne3A_3355 : i1
      %sub3A_3357 = arith.constant 1 : i32
      %sub3A_3358 = arith.subi %div3A_3337, %sub3A_3357 : i32
      %select_n3A_3359 = arith.select %and3A_3356, %sub3A_3358, %div3A_3337 : i32
      %mul3A_3360 = arith.constant 8 : i32
      %mul3A_3361 = arith.muli %select_n3A_3359, %mul3A_3360 : i32
      %multiple_of3A_3362 = tpu.assume_multiple %mul3A_3361, 8 : i32
      %dma_start3A_3363 = arith.constant 5 : i32
      %dma_start3A_3364 = arith.constant 0 : i32
      %dma_start3A_3365 = arith.constant 0 : i32
      %dma_start3A_3366 = tpu.memref_slice %arg7[%dma_start3A_3363, %dma_start3A_3364, %dma_start3A_3365] : memref<8x8x46xf32, #tpu.memory_space<vmem>> -> memref<1x8x46xf32, #tpu.memory_space<vmem>>
      %dma_start3A_3367 = tpu.memref_squeeze %dma_start3A_3366 : memref<1x8x46xf32, #tpu.memory_space<vmem>> -> memref<8x46xf32, #tpu.memory_space<vmem>>
      %dma_start3A_3368 = arith.constant 0 : i32
      %dma_start3A_3369 = tpu.memref_slice %arg3[%multiple_of3A_3362, %dma_start3A_3368] : memref<1000000x46xf32, #tpu.memory_space<hbm>> -> memref<8x46xf32, #tpu.memory_space<hbm>>
      %dma_start3A_3370 = arith.constant 0 : i32
      %dma_start3A_3371 = arith.constant 0 : i32
      %dma_start3A_3372 = tpu.memref_slice %arg7[%dma_start3A_3363, %dma_start3A_3370, %dma_start3A_3371] : memref<8x8x46xf32, #tpu.memory_space<vmem>> -> memref<1x8x46xf32, #tpu.memory_space<vmem>>
      %dma_start3A_3373 = tpu.memref_squeeze %dma_start3A_3372 : memref<1x8x46xf32, #tpu.memory_space<vmem>> -> memref<8x46xf32, #tpu.memory_space<vmem>>
      %dma_start3A_3374 = arith.constant 0 : i32
      %dma_start3A_3375 = tpu.memref_slice %arg3[%multiple_of3A_3362, %dma_start3A_3374] : memref<1000000x46xf32, #tpu.memory_space<hbm>> -> memref<8x46xf32, #tpu.memory_space<hbm>>
      tpu.enqueue_dma source(%dma_start3A_3375 : memref<8x46xf32, #tpu.memory_space<hbm>>) target(%dma_start3A_3373 : memref<8x46xf32, #tpu.memory_space<vmem>>) target_semaphore(%arg10 : memref<!tpu.dma_semaphore, #tpu.memory_space<semaphore_mem>>)
      %slice3A_3376 = vector.extract_strided_slice %get3A_1757 {offsets = [14], sizes = [1], strides = [1]} : vector<16xi32> to vector<1xi32>
      %squeeze3A_3377 = vector.extract %slice3A_3376[0] : i32 from vector<1xi32>
      %jit3A_3378 = arith.constant 8 : i32
      %div3A_3379 = arith.divsi %squeeze3A_3377, %jit3A_3378 : i32
      %sign3A_3380 = arith.constant 0 : i32
      %sign3A_3381 = arith.cmpi sgt, %squeeze3A_3377, %sign3A_3380 : i32
      %sign3A_3382 = arith.extui %sign3A_3381 : i1 to i32
      %sign3A_3383 = arith.constant 0 : i32
      %sign3A_3384 = arith.cmpi slt, %squeeze3A_3377, %sign3A_3383 : i32
      %sign3A_3385 = arith.extui %sign3A_3384 : i1 to i32
      %sign3A_3386 = arith.subi %sign3A_3382, %sign3A_3385 : i32
      %sign3A_3387 = arith.constant 0 : i32
      %sign3A_3388 = arith.cmpi sgt, %jit3A_3378, %sign3A_3387 : i32
      %sign3A_3389 = arith.extui %sign3A_3388 : i1 to i32
      %sign3A_3390 = arith.constant 0 : i32
      %sign3A_3391 = arith.cmpi slt, %jit3A_3378, %sign3A_3390 : i32
      %sign3A_3392 = arith.extui %sign3A_3391 : i1 to i32
      %sign3A_3393 = arith.subi %sign3A_3389, %sign3A_3392 : i32
      %ne3A_3394 = arith.cmpi ne, %sign3A_3386, %sign3A_3393 : i32
      %rem3A_3395 = arith.remsi %squeeze3A_3377, %jit3A_3378 : i32
      %ne3A_3396 = arith.constant 0 : i32
      %ne3A_3397 = arith.cmpi ne, %rem3A_3395, %ne3A_3396 : i32
      %and3A_3398 = arith.andi %ne3A_3394, %ne3A_3397 : i1
      %sub3A_3399 = arith.constant 1 : i32
      %sub3A_3400 = arith.subi %div3A_3379, %sub3A_3399 : i32
      %select_n3A_3401 = arith.select %and3A_3398, %sub3A_3400, %div3A_3379 : i32
      %mul3A_3402 = arith.constant 8 : i32
      %mul3A_3403 = arith.muli %select_n3A_3401, %mul3A_3402 : i32
      %multiple_of3A_3404 = tpu.assume_multiple %mul3A_3403, 8 : i32
      %dma_start3A_3405 = arith.constant 6 : i32
      %dma_start3A_3406 = arith.constant 0 : i32
      %dma_start3A_3407 = arith.constant 0 : i32
      %dma_start3A_3408 = tpu.memref_slice %arg7[%dma_start3A_3405, %dma_start3A_3406, %dma_start3A_3407] : memref<8x8x46xf32, #tpu.memory_space<vmem>> -> memref<1x8x46xf32, #tpu.memory_space<vmem>>
      %dma_start3A_3409 = tpu.memref_squeeze %dma_start3A_3408 : memref<1x8x46xf32, #tpu.memory_space<vmem>> -> memref<8x46xf32, #tpu.memory_space<vmem>>
      %dma_start3A_3410 = arith.constant 0 : i32
      %dma_start3A_3411 = tpu.memref_slice %arg3[%multiple_of3A_3404, %dma_start3A_3410] : memref<1000000x46xf32, #tpu.memory_space<hbm>> -> memref<8x46xf32, #tpu.memory_space<hbm>>
      %dma_start3A_3412 = arith.constant 0 : i32
      %dma_start3A_3413 = arith.constant 0 : i32
      %dma_start3A_3414 = tpu.memref_slice %arg7[%dma_start3A_3405, %dma_start3A_3412, %dma_start3A_3413] : memref<8x8x46xf32, #tpu.memory_space<vmem>> -> memref<1x8x46xf32, #tpu.memory_space<vmem>>
      %dma_start3A_3415 = tpu.memref_squeeze %dma_start3A_3414 : memref<1x8x46xf32, #tpu.memory_space<vmem>> -> memref<8x46xf32, #tpu.memory_space<vmem>>
      %dma_start3A_3416 = arith.constant 0 : i32
      %dma_start3A_3417 = tpu.memref_slice %arg3[%multiple_of3A_3404, %dma_start3A_3416] : memref<1000000x46xf32, #tpu.memory_space<hbm>> -> memref<8x46xf32, #tpu.memory_space<hbm>>
      tpu.enqueue_dma source(%dma_start3A_3417 : memref<8x46xf32, #tpu.memory_space<hbm>>) target(%dma_start3A_3415 : memref<8x46xf32, #tpu.memory_space<vmem>>) target_semaphore(%arg10 : memref<!tpu.dma_semaphore, #tpu.memory_space<semaphore_mem>>)
      %slice3A_3418 = vector.extract_strided_slice %get3A_1757 {offsets = [15], sizes = [1], strides = [1]} : vector<16xi32> to vector<1xi32>
      %squeeze3A_3419 = vector.extract %slice3A_3418[0] : i32 from vector<1xi32>
      %jit3A_3420 = arith.constant 8 : i32
      %div3A_3421 = arith.divsi %squeeze3A_3419, %jit3A_3420 : i32
      %sign3A_3422 = arith.constant 0 : i32
      %sign3A_3423 = arith.cmpi sgt, %squeeze3A_3419, %sign3A_3422 : i32
      %sign3A_3424 = arith.extui %sign3A_3423 : i1 to i32
      %sign3A_3425 = arith.constant 0 : i32
      %sign3A_3426 = arith.cmpi slt, %squeeze3A_3419, %sign3A_3425 : i32
      %sign3A_3427 = arith.extui %sign3A_3426 : i1 to i32
      %sign3A_3428 = arith.subi %sign3A_3424, %sign3A_3427 : i32
      %sign3A_3429 = arith.constant 0 : i32
      %sign3A_3430 = arith.cmpi sgt, %jit3A_3420, %sign3A_3429 : i32
      %sign3A_3431 = arith.extui %sign3A_3430 : i1 to i32
      %sign3A_3432 = arith.constant 0 : i32
      %sign3A_3433 = arith.cmpi slt, %jit3A_3420, %sign3A_3432 : i32
      %sign3A_3434 = arith.extui %sign3A_3433 : i1 to i32
      %sign3A_3435 = arith.subi %sign3A_3431, %sign3A_3434 : i32
      %ne3A_3436 = arith.cmpi ne, %sign3A_3428, %sign3A_3435 : i32
      %rem3A_3437 = arith.remsi %squeeze3A_3419, %jit3A_3420 : i32
      %ne3A_3438 = arith.constant 0 : i32
      %ne3A_3439 = arith.cmpi ne, %rem3A_3437, %ne3A_3438 : i32
      %and3A_3440 = arith.andi %ne3A_3436, %ne3A_3439 : i1
      %sub3A_3441 = arith.constant 1 : i32
      %sub3A_3442 = arith.subi %div3A_3421, %sub3A_3441 : i32
      %select_n3A_3443 = arith.select %and3A_3440, %sub3A_3442, %div3A_3421 : i32
      %mul3A_3444 = arith.constant 8 : i32
      %mul3A_3445 = arith.muli %select_n3A_3443, %mul3A_3444 : i32
      %multiple_of3A_3446 = tpu.assume_multiple %mul3A_3445, 8 : i32
      %dma_start3A_3447 = arith.constant 7 : i32
      %dma_start3A_3448 = arith.constant 0 : i32
      %dma_start3A_3449 = arith.constant 0 : i32
      %dma_start3A_3450 = tpu.memref_slice %arg7[%dma_start3A_3447, %dma_start3A_3448, %dma_start3A_3449] : memref<8x8x46xf32, #tpu.memory_space<vmem>> -> memref<1x8x46xf32, #tpu.memory_space<vmem>>
      %dma_start3A_3451 = tpu.memref_squeeze %dma_start3A_3450 : memref<1x8x46xf32, #tpu.memory_space<vmem>> -> memref<8x46xf32, #tpu.memory_space<vmem>>
      %dma_start3A_3452 = arith.constant 0 : i32
      %dma_start3A_3453 = tpu.memref_slice %arg3[%multiple_of3A_3446, %dma_start3A_3452] : memref<1000000x46xf32, #tpu.memory_space<hbm>> -> memref<8x46xf32, #tpu.memory_space<hbm>>
      %dma_start3A_3454 = arith.constant 0 : i32
      %dma_start3A_3455 = arith.constant 0 : i32
      %dma_start3A_3456 = tpu.memref_slice %arg7[%dma_start3A_3447, %dma_start3A_3454, %dma_start3A_3455] : memref<8x8x46xf32, #tpu.memory_space<vmem>> -> memref<1x8x46xf32, #tpu.memory_space<vmem>>
      %dma_start3A_3457 = tpu.memref_squeeze %dma_start3A_3456 : memref<1x8x46xf32, #tpu.memory_space<vmem>> -> memref<8x46xf32, #tpu.memory_space<vmem>>
      %dma_start3A_3458 = arith.constant 0 : i32
      %dma_start3A_3459 = tpu.memref_slice %arg3[%multiple_of3A_3446, %dma_start3A_3458] : memref<1000000x46xf32, #tpu.memory_space<hbm>> -> memref<8x46xf32, #tpu.memory_space<hbm>>
      tpu.enqueue_dma source(%dma_start3A_3459 : memref<8x46xf32, #tpu.memory_space<hbm>>) target(%dma_start3A_3457 : memref<8x46xf32, #tpu.memory_space<vmem>>) target_semaphore(%arg10 : memref<!tpu.dma_semaphore, #tpu.memory_space<semaphore_mem>>)
    }
    %scan3A_670 = arith.constant 31 : i32
    %get3A_671 = arith.constant 496 : index
    %get3A_672 = tpu.vector_load %arg5[%get3A_671] {strides = array<i32>} : memref<512xi32, #tpu.memory_space<vmem>>, vector<16xi32>,
    %get3A_673 = vector.shape_cast %get3A_672 : vector<16xi32> to vector<16xi32>
    %dma_wait3A = arith.constant 0 : i32
    %dma_wait3A_674 = arith.constant 0 : i32
    %dma_wait3A_675 = arith.constant 0 : i32
    %dma_wait3A_676 = tpu.memref_slice %arg6[%dma_wait3A, %dma_wait3A_674, %dma_wait3A_675] : memref<8x8x46xf32, #tpu.memory_space<vmem>> -> memref<1x8x46xf32, #tpu.memory_space<vmem>>
    %dma_wait3A_677 = tpu.memref_squeeze %dma_wait3A_676 : memref<1x8x46xf32, #tpu.memory_space<vmem>> -> memref<8x46xf32, #tpu.memory_space<vmem>>
    %dma_wait3A_678 = arith.constant 0 : i32
    %dma_wait3A_679 = arith.constant 0 : i32
    %dma_wait3A_680 = tpu.memref_slice %arg3[%dma_wait3A_678, %dma_wait3A_679] : memref<1000000x46xf32, #tpu.memory_space<hbm>> -> memref<8x46xf32, #tpu.memory_space<hbm>>
    %dma_wait3A_681 = arith.constant 0 : i32
    %dma_wait3A_682 = arith.constant 0 : i32
    %dma_wait3A_683 = tpu.memref_slice %arg6[%dma_wait3A, %dma_wait3A_681, %dma_wait3A_682] : memref<8x8x46xf32, #tpu.memory_space<vmem>> -> memref<1x8x46xf32, #tpu.memory_space<vmem>>
    %dma_wait3A_684 = tpu.memref_squeeze %dma_wait3A_683 : memref<1x8x46xf32, #tpu.memory_space<vmem>> -> memref<8x46xf32, #tpu.memory_space<vmem>>
    %dma_wait3A_685 = arith.constant 0 : i32
    %dma_wait3A_686 = arith.constant 0 : i32
    %dma_wait3A_687 = tpu.memref_slice %arg3[%dma_wait3A_685, %dma_wait3A_686] : memref<1000000x46xf32, #tpu.memory_space<hbm>> -> memref<8x46xf32, #tpu.memory_space<hbm>>
    tpu.wait_dma2 semaphore(%arg9 : memref<!tpu.dma_semaphore, #tpu.memory_space<semaphore_mem>>) src(%dma_wait3A_687 : memref<8x46xf32, #tpu.memory_space<hbm>>) dst(%dma_wait3A_684 : memref<8x46xf32, #tpu.memory_space<vmem>>)
    %dma_wait3A_688 = arith.constant 1 : i32
    %dma_wait3A_689 = arith.constant 0 : i32
    %dma_wait3A_690 = arith.constant 0 : i32
    %dma_wait3A_691 = tpu.memref_slice %arg6[%dma_wait3A_688, %dma_wait3A_689, %dma_wait3A_690] : memref<8x8x46xf32, #tpu.memory_space<vmem>> -> memref<1x8x46xf32, #tpu.memory_space<vmem>>
    %dma_wait3A_692 = tpu.memref_squeeze %dma_wait3A_691 : memref<1x8x46xf32, #tpu.memory_space<vmem>> -> memref<8x46xf32, #tpu.memory_space<vmem>>
    %dma_wait3A_693 = arith.constant 0 : i32
    %dma_wait3A_694 = arith.constant 0 : i32
    %dma_wait3A_695 = tpu.memref_slice %arg3[%dma_wait3A_693, %dma_wait3A_694] : memref<1000000x46xf32, #tpu.memory_space<hbm>> -> memref<8x46xf32, #tpu.memory_space<hbm>>
    %dma_wait3A_696 = arith.constant 0 : i32
    %dma_wait3A_697 = arith.constant 0 : i32
    %dma_wait3A_698 = tpu.memref_slice %arg6[%dma_wait3A_688, %dma_wait3A_696, %dma_wait3A_697] : memref<8x8x46xf32, #tpu.memory_space<vmem>> -> memref<1x8x46xf32, #tpu.memory_space<vmem>>
    %dma_wait3A_699 = tpu.memref_squeeze %dma_wait3A_698 : memref<1x8x46xf32, #tpu.memory_space<vmem>> -> memref<8x46xf32, #tpu.memory_space<vmem>>
    %dma_wait3A_700 = arith.constant 0 : i32
    %dma_wait3A_701 = arith.constant 0 : i32
    %dma_wait3A_702 = tpu.memref_slice %arg3[%dma_wait3A_700, %dma_wait3A_701] : memref<1000000x46xf32, #tpu.memory_space<hbm>> -> memref<8x46xf32, #tpu.memory_space<hbm>>
    tpu.wait_dma2 semaphore(%arg9 : memref<!tpu.dma_semaphore, #tpu.memory_space<semaphore_mem>>) src(%dma_wait3A_702 : memref<8x46xf32, #tpu.memory_space<hbm>>) dst(%dma_wait3A_699 : memref<8x46xf32, #tpu.memory_space<vmem>>)
    %dma_wait3A_703 = arith.constant 2 : i32
    %dma_wait3A_704 = arith.constant 0 : i32
    %dma_wait3A_705 = arith.constant 0 : i32
    %dma_wait3A_706 = tpu.memref_slice %arg6[%dma_wait3A_703, %dma_wait3A_704, %dma_wait3A_705] : memref<8x8x46xf32, #tpu.memory_space<vmem>> -> memref<1x8x46xf32, #tpu.memory_space<vmem>>
    %dma_wait3A_707 = tpu.memref_squeeze %dma_wait3A_706 : memref<1x8x46xf32, #tpu.memory_space<vmem>> -> memref<8x46xf32, #tpu.memory_space<vmem>>
    %dma_wait3A_708 = arith.constant 0 : i32
    %dma_wait3A_709 = arith.constant 0 : i32
    %dma_wait3A_710 = tpu.memref_slice %arg3[%dma_wait3A_708, %dma_wait3A_709] : memref<1000000x46xf32, #tpu.memory_space<hbm>> -> memref<8x46xf32, #tpu.memory_space<hbm>>
    %dma_wait3A_711 = arith.constant 0 : i32
    %dma_wait3A_712 = arith.constant 0 : i32
    %dma_wait3A_713 = tpu.memref_slice %arg6[%dma_wait3A_703, %dma_wait3A_711, %dma_wait3A_712] : memref<8x8x46xf32, #tpu.memory_space<vmem>> -> memref<1x8x46xf32, #tpu.memory_space<vmem>>
    %dma_wait3A_714 = tpu.memref_squeeze %dma_wait3A_713 : memref<1x8x46xf32, #tpu.memory_space<vmem>> -> memref<8x46xf32, #tpu.memory_space<vmem>>
    %dma_wait3A_715 = arith.constant 0 : i32
    %dma_wait3A_716 = arith.constant 0 : i32
    %dma_wait3A_717 = tpu.memref_slice %arg3[%dma_wait3A_715, %dma_wait3A_716] : memref<1000000x46xf32, #tpu.memory_space<hbm>> -> memref<8x46xf32, #tpu.memory_space<hbm>>
    tpu.wait_dma2 semaphore(%arg9 : memref<!tpu.dma_semaphore, #tpu.memory_space<semaphore_mem>>) src(%dma_wait3A_717 : memref<8x46xf32, #tpu.memory_space<hbm>>) dst(%dma_wait3A_714 : memref<8x46xf32, #tpu.memory_space<vmem>>)
    %dma_wait3A_718 = arith.constant 3 : i32
    %dma_wait3A_719 = arith.constant 0 : i32
    %dma_wait3A_720 = arith.constant 0 : i32
    %dma_wait3A_721 = tpu.memref_slice %arg6[%dma_wait3A_718, %dma_wait3A_719, %dma_wait3A_720] : memref<8x8x46xf32, #tpu.memory_space<vmem>> -> memref<1x8x46xf32, #tpu.memory_space<vmem>>
    %dma_wait3A_722 = tpu.memref_squeeze %dma_wait3A_721 : memref<1x8x46xf32, #tpu.memory_space<vmem>> -> memref<8x46xf32, #tpu.memory_space<vmem>>
    %dma_wait3A_723 = arith.constant 0 : i32
    %dma_wait3A_724 = arith.constant 0 : i32
    %dma_wait3A_725 = tpu.memref_slice %arg3[%dma_wait3A_723, %dma_wait3A_724] : memref<1000000x46xf32, #tpu.memory_space<hbm>> -> memref<8x46xf32, #tpu.memory_space<hbm>>
    %dma_wait3A_726 = arith.constant 0 : i32
    %dma_wait3A_727 = arith.constant 0 : i32
    %dma_wait3A_728 = tpu.memref_slice %arg6[%dma_wait3A_718, %dma_wait3A_726, %dma_wait3A_727] : memref<8x8x46xf32, #tpu.memory_space<vmem>> -> memref<1x8x46xf32, #tpu.memory_space<vmem>>
    %dma_wait3A_729 = tpu.memref_squeeze %dma_wait3A_728 : memref<1x8x46xf32, #tpu.memory_space<vmem>> -> memref<8x46xf32, #tpu.memory_space<vmem>>
    %dma_wait3A_730 = arith.constant 0 : i32
    %dma_wait3A_731 = arith.constant 0 : i32
    %dma_wait3A_732 = tpu.memref_slice %arg3[%dma_wait3A_730, %dma_wait3A_731] : memref<1000000x46xf32, #tpu.memory_space<hbm>> -> memref<8x46xf32, #tpu.memory_space<hbm>>
    tpu.wait_dma2 semaphore(%arg9 : memref<!tpu.dma_semaphore, #tpu.memory_space<semaphore_mem>>) src(%dma_wait3A_732 : memref<8x46xf32, #tpu.memory_space<hbm>>) dst(%dma_wait3A_729 : memref<8x46xf32, #tpu.memory_space<vmem>>)
    %dma_wait3A_733 = arith.constant 4 : i32
    %dma_wait3A_734 = arith.constant 0 : i32
    %dma_wait3A_735 = arith.constant 0 : i32
    %dma_wait3A_736 = tpu.memref_slice %arg6[%dma_wait3A_733, %dma_wait3A_734, %dma_wait3A_735] : memref<8x8x46xf32, #tpu.memory_space<vmem>> -> memref<1x8x46xf32, #tpu.memory_space<vmem>>
    %dma_wait3A_737 = tpu.memref_squeeze %dma_wait3A_736 : memref<1x8x46xf32, #tpu.memory_space<vmem>> -> memref<8x46xf32, #tpu.memory_space<vmem>>
    %dma_wait3A_738 = arith.constant 0 : i32
    %dma_wait3A_739 = arith.constant 0 : i32
    %dma_wait3A_740 = tpu.memref_slice %arg3[%dma_wait3A_738, %dma_wait3A_739] : memref<1000000x46xf32, #tpu.memory_space<hbm>> -> memref<8x46xf32, #tpu.memory_space<hbm>>
    %dma_wait3A_741 = arith.constant 0 : i32
    %dma_wait3A_742 = arith.constant 0 : i32
    %dma_wait3A_743 = tpu.memref_slice %arg6[%dma_wait3A_733, %dma_wait3A_741, %dma_wait3A_742] : memref<8x8x46xf32, #tpu.memory_space<vmem>> -> memref<1x8x46xf32, #tpu.memory_space<vmem>>
    %dma_wait3A_744 = tpu.memref_squeeze %dma_wait3A_743 : memref<1x8x46xf32, #tpu.memory_space<vmem>> -> memref<8x46xf32, #tpu.memory_space<vmem>>
    %dma_wait3A_745 = arith.constant 0 : i32
    %dma_wait3A_746 = arith.constant 0 : i32
    %dma_wait3A_747 = tpu.memref_slice %arg3[%dma_wait3A_745, %dma_wait3A_746] : memref<1000000x46xf32, #tpu.memory_space<hbm>> -> memref<8x46xf32, #tpu.memory_space<hbm>>
    tpu.wait_dma2 semaphore(%arg9 : memref<!tpu.dma_semaphore, #tpu.memory_space<semaphore_mem>>) src(%dma_wait3A_747 : memref<8x46xf32, #tpu.memory_space<hbm>>) dst(%dma_wait3A_744 : memref<8x46xf32, #tpu.memory_space<vmem>>)
    %dma_wait3A_748 = arith.constant 5 : i32
    %dma_wait3A_749 = arith.constant 0 : i32
    %dma_wait3A_750 = arith.constant 0 : i32
    %dma_wait3A_751 = tpu.memref_slice %arg6[%dma_wait3A_748, %dma_wait3A_749, %dma_wait3A_750] : memref<8x8x46xf32, #tpu.memory_space<vmem>> -> memref<1x8x46xf32, #tpu.memory_space<vmem>>
    %dma_wait3A_752 = tpu.memref_squeeze %dma_wait3A_751 : memref<1x8x46xf32, #tpu.memory_space<vmem>> -> memref<8x46xf32, #tpu.memory_space<vmem>>
    %dma_wait3A_753 = arith.constant 0 : i32
    %dma_wait3A_754 = arith.constant 0 : i32
    %dma_wait3A_755 = tpu.memref_slice %arg3[%dma_wait3A_753, %dma_wait3A_754] : memref<1000000x46xf32, #tpu.memory_space<hbm>> -> memref<8x46xf32, #tpu.memory_space<hbm>>
    %dma_wait3A_756 = arith.constant 0 : i32
    %dma_wait3A_757 = arith.constant 0 : i32
    %dma_wait3A_758 = tpu.memref_slice %arg6[%dma_wait3A_748, %dma_wait3A_756, %dma_wait3A_757] : memref<8x8x46xf32, #tpu.memory_space<vmem>> -> memref<1x8x46xf32, #tpu.memory_space<vmem>>
    %dma_wait3A_759 = tpu.memref_squeeze %dma_wait3A_758 : memref<1x8x46xf32, #tpu.memory_space<vmem>> -> memref<8x46xf32, #tpu.memory_space<vmem>>
    %dma_wait3A_760 = arith.constant 0 : i32
    %dma_wait3A_761 = arith.constant 0 : i32
    %dma_wait3A_762 = tpu.memref_slice %arg3[%dma_wait3A_760, %dma_wait3A_761] : memref<1000000x46xf32, #tpu.memory_space<hbm>> -> memref<8x46xf32, #tpu.memory_space<hbm>>
    tpu.wait_dma2 semaphore(%arg9 : memref<!tpu.dma_semaphore, #tpu.memory_space<semaphore_mem>>) src(%dma_wait3A_762 : memref<8x46xf32, #tpu.memory_space<hbm>>) dst(%dma_wait3A_759 : memref<8x46xf32, #tpu.memory_space<vmem>>)
    %dma_wait3A_763 = arith.constant 6 : i32
    %dma_wait3A_764 = arith.constant 0 : i32
    %dma_wait3A_765 = arith.constant 0 : i32
    %dma_wait3A_766 = tpu.memref_slice %arg6[%dma_wait3A_763, %dma_wait3A_764, %dma_wait3A_765] : memref<8x8x46xf32, #tpu.memory_space<vmem>> -> memref<1x8x46xf32, #tpu.memory_space<vmem>>
    %dma_wait3A_767 = tpu.memref_squeeze %dma_wait3A_766 : memref<1x8x46xf32, #tpu.memory_space<vmem>> -> memref<8x46xf32, #tpu.memory_space<vmem>>
    %dma_wait3A_768 = arith.constant 0 : i32
    %dma_wait3A_769 = arith.constant 0 : i32
    %dma_wait3A_770 = tpu.memref_slice %arg3[%dma_wait3A_768, %dma_wait3A_769] : memref<1000000x46xf32, #tpu.memory_space<hbm>> -> memref<8x46xf32, #tpu.memory_space<hbm>>
    %dma_wait3A_771 = arith.constant 0 : i32
    %dma_wait3A_772 = arith.constant 0 : i32
    %dma_wait3A_773 = tpu.memref_slice %arg6[%dma_wait3A_763, %dma_wait3A_771, %dma_wait3A_772] : memref<8x8x46xf32, #tpu.memory_space<vmem>> -> memref<1x8x46xf32, #tpu.memory_space<vmem>>
    %dma_wait3A_774 = tpu.memref_squeeze %dma_wait3A_773 : memref<1x8x46xf32, #tpu.memory_space<vmem>> -> memref<8x46xf32, #tpu.memory_space<vmem>>
    %dma_wait3A_775 = arith.constant 0 : i32
    %dma_wait3A_776 = arith.constant 0 : i32
    %dma_wait3A_777 = tpu.memref_slice %arg3[%dma_wait3A_775, %dma_wait3A_776] : memref<1000000x46xf32, #tpu.memory_space<hbm>> -> memref<8x46xf32, #tpu.memory_space<hbm>>
    tpu.wait_dma2 semaphore(%arg9 : memref<!tpu.dma_semaphore, #tpu.memory_space<semaphore_mem>>) src(%dma_wait3A_777 : memref<8x46xf32, #tpu.memory_space<hbm>>) dst(%dma_wait3A_774 : memref<8x46xf32, #tpu.memory_space<vmem>>)
    %dma_wait3A_778 = arith.constant 7 : i32
    %dma_wait3A_779 = arith.constant 0 : i32
    %dma_wait3A_780 = arith.constant 0 : i32
    %dma_wait3A_781 = tpu.memref_slice %arg6[%dma_wait3A_778, %dma_wait3A_779, %dma_wait3A_780] : memref<8x8x46xf32, #tpu.memory_space<vmem>> -> memref<1x8x46xf32, #tpu.memory_space<vmem>>
    %dma_wait3A_782 = tpu.memref_squeeze %dma_wait3A_781 : memref<1x8x46xf32, #tpu.memory_space<vmem>> -> memref<8x46xf32, #tpu.memory_space<vmem>>
    %dma_wait3A_783 = arith.constant 0 : i32
    %dma_wait3A_784 = arith.constant 0 : i32
    %dma_wait3A_785 = tpu.memref_slice %arg3[%dma_wait3A_783, %dma_wait3A_784] : memref<1000000x46xf32, #tpu.memory_space<hbm>> -> memref<8x46xf32, #tpu.memory_space<hbm>>
    %dma_wait3A_786 = arith.constant 0 : i32
    %dma_wait3A_787 = arith.constant 0 : i32
    %dma_wait3A_788 = tpu.memref_slice %arg6[%dma_wait3A_778, %dma_wait3A_786, %dma_wait3A_787] : memref<8x8x46xf32, #tpu.memory_space<vmem>> -> memref<1x8x46xf32, #tpu.memory_space<vmem>>
    %dma_wait3A_789 = tpu.memref_squeeze %dma_wait3A_788 : memref<1x8x46xf32, #tpu.memory_space<vmem>> -> memref<8x46xf32, #tpu.memory_space<vmem>>
    %dma_wait3A_790 = arith.constant 0 : i32
    %dma_wait3A_791 = arith.constant 0 : i32
    %dma_wait3A_792 = tpu.memref_slice %arg3[%dma_wait3A_790, %dma_wait3A_791] : memref<1000000x46xf32, #tpu.memory_space<hbm>> -> memref<8x46xf32, #tpu.memory_space<hbm>>
    tpu.wait_dma2 semaphore(%arg9 : memref<!tpu.dma_semaphore, #tpu.memory_space<semaphore_mem>>) src(%dma_wait3A_792 : memref<8x46xf32, #tpu.memory_space<hbm>>) dst(%dma_wait3A_789 : memref<8x46xf32, #tpu.memory_space<vmem>>)
    %broadcast_in_dim3A = arith.constant 0.000000e+00 : f32
    %broadcast_in_dim3A_793 = vector.broadcast %broadcast_in_dim3A : f32 to vector<16xf32>
    %slice3A_794 = vector.extract_strided_slice %get3A_673 {offsets = [0], sizes = [1], strides = [1]} : vector<16xi32> to vector<1xi32>
    %squeeze3A_795 = vector.extract %slice3A_794[0] : i32 from vector<1xi32>
    %rem3A_796 = arith.constant 8 : i32
    %rem3A_797 = arith.remsi %squeeze3A_795, %rem3A_796 : i32
    %get3A_798 = arith.constant 0 : i32
    %get3A_799 = arith.index_cast %get3A_798 : i32 to index
    %get3A_800 = arith.index_cast %rem3A_797 : i32 to index
    %get3A_801 = arith.constant 0 : index
    %get3A_802 = tpu.vector_load %arg6[%get3A_799, %get3A_800, %get3A_801] {strides = array<i32>} : memref<8x8x46xf32, #tpu.memory_space<vmem>>, vector<1x1x16xf32>,
    %get3A_803 = vector.shape_cast %get3A_802 : vector<1x1x16xf32> to vector<16xf32>
    %swap3A = arith.constant 496 : i32
    %swap3A_804 = arith.index_cast %swap3A : i32 to index
    %swap3A_805 = arith.constant 0 : index
    %swap3A_806 = tpu.vector_load %arg8[%swap3A_804, %swap3A_805] {strides = array<i32>} : memref<512x64xf32, #tpu.memory_space<vmem>>, vector<1x16xf32>,
    %swap3A_807 = vector.shape_cast %swap3A_806 : vector<1x16xf32> to vector<16xf32>
    %swap3A_808 = vector.shape_cast %get3A_803 : vector<16xf32> to vector<1x16xf32>
    tpu.vector_store %arg8[%swap3A_804, %swap3A_805], %swap3A_808 {strides = array<i32>} : memref<512x64xf32, #tpu.memory_space<vmem>>, vector<1x16xf32>,
    %get3A_809 = arith.constant 0 : i32
    %get3A_810 = arith.index_cast %get3A_809 : i32 to index
    %get3A_811 = arith.index_cast %rem3A_797 : i32 to index
    %get3A_812 = arith.constant 16 : index
    %get3A_813 = tpu.vector_load %arg6[%get3A_810, %get3A_811, %get3A_812] {strides = array<i32>} : memref<8x8x46xf32, #tpu.memory_space<vmem>>, vector<1x1x16xf32>,
    %get3A_814 = vector.shape_cast %get3A_813 : vector<1x1x16xf32> to vector<16xf32>
    %swap3A_815 = arith.constant 496 : i32
    %swap3A_816 = arith.index_cast %swap3A_815 : i32 to index
    %swap3A_817 = arith.constant 16 : index
    %swap3A_818 = tpu.vector_load %arg8[%swap3A_816, %swap3A_817] {strides = array<i32>} : memref<512x64xf32, #tpu.memory_space<vmem>>, vector<1x16xf32>,
    %swap3A_819 = vector.shape_cast %swap3A_818 : vector<1x16xf32> to vector<16xf32>
    %swap3A_820 = vector.shape_cast %get3A_814 : vector<16xf32> to vector<1x16xf32>
    tpu.vector_store %arg8[%swap3A_816, %swap3A_817], %swap3A_820 {strides = array<i32>} : memref<512x64xf32, #tpu.memory_space<vmem>>, vector<1x16xf32>,
    %get3A_821 = arith.constant 0 : i32
    %get3A_822 = arith.index_cast %get3A_821 : i32 to index
    %get3A_823 = arith.index_cast %rem3A_797 : i32 to index
    %get3A_824 = arith.constant 30 : index
    %get3A_825 = tpu.vector_load %arg6[%get3A_822, %get3A_823, %get3A_824] {strides = array<i32>} : memref<8x8x46xf32, #tpu.memory_space<vmem>>, vector<1x1x16xf32>,
    %get3A_826 = vector.shape_cast %get3A_825 : vector<1x1x16xf32> to vector<16xf32>
    %swap3A_827 = arith.constant 496 : i32
    %swap3A_828 = arith.index_cast %swap3A_827 : i32 to index
    %swap3A_829 = arith.constant 30 : index
    %swap3A_830 = tpu.vector_load %arg8[%swap3A_828, %swap3A_829] {strides = array<i32>} : memref<512x64xf32, #tpu.memory_space<vmem>>, vector<1x16xf32>,
    %swap3A_831 = vector.shape_cast %swap3A_830 : vector<1x16xf32> to vector<16xf32>
    %swap3A_832 = vector.shape_cast %get3A_826 : vector<16xf32> to vector<1x16xf32>
    tpu.vector_store %arg8[%swap3A_828, %swap3A_829], %swap3A_832 {strides = array<i32>} : memref<512x64xf32, #tpu.memory_space<vmem>>, vector<1x16xf32>,
    %swap3A_833 = arith.constant 496 : i32
    %swap3A_834 = arith.index_cast %swap3A_833 : i32 to index
    %swap3A_835 = arith.constant 46 : index
    %swap3A_836 = tpu.vector_load %arg8[%swap3A_834, %swap3A_835] {strides = array<i32>} : memref<512x64xf32, #tpu.memory_space<vmem>>, vector<1x16xf32>,
    %swap3A_837 = vector.shape_cast %swap3A_836 : vector<1x16xf32> to vector<16xf32>
    %swap3A_838 = vector.shape_cast %broadcast_in_dim3A_793 : vector<16xf32> to vector<1x16xf32>
    tpu.vector_store %arg8[%swap3A_834, %swap3A_835], %swap3A_838 {strides = array<i32>} : memref<512x64xf32, #tpu.memory_space<vmem>>, vector<1x16xf32>,
    %swap3A_839 = arith.constant 496 : i32
    %swap3A_840 = arith.index_cast %swap3A_839 : i32 to index
    %swap3A_841 = arith.constant 48 : index
    %swap3A_842 = tpu.vector_load %arg8[%swap3A_840, %swap3A_841] {strides = array<i32>} : memref<512x64xf32, #tpu.memory_space<vmem>>, vector<1x16xf32>,
    %swap3A_843 = vector.shape_cast %swap3A_842 : vector<1x16xf32> to vector<16xf32>
    %swap3A_844 = vector.shape_cast %broadcast_in_dim3A_793 : vector<16xf32> to vector<1x16xf32>
    tpu.vector_store %arg8[%swap3A_840, %swap3A_841], %swap3A_844 {strides = array<i32>} : memref<512x64xf32, #tpu.memory_space<vmem>>, vector<1x16xf32>,
    %slice3A_845 = vector.extract_strided_slice %get3A_673 {offsets = [1], sizes = [1], strides = [1]} : vector<16xi32> to vector<1xi32>
    %squeeze3A_846 = vector.extract %slice3A_845[0] : i32 from vector<1xi32>
    %rem3A_847 = arith.constant 8 : i32
    %rem3A_848 = arith.remsi %squeeze3A_846, %rem3A_847 : i32
    %get3A_849 = arith.constant 1 : i32
    %get3A_850 = arith.index_cast %get3A_849 : i32 to index
    %get3A_851 = arith.index_cast %rem3A_848 : i32 to index
    %get3A_852 = arith.constant 0 : index
    %get3A_853 = tpu.vector_load %arg6[%get3A_850, %get3A_851, %get3A_852] {strides = array<i32>} : memref<8x8x46xf32, #tpu.memory_space<vmem>>, vector<1x1x16xf32>,
    %get3A_854 = vector.shape_cast %get3A_853 : vector<1x1x16xf32> to vector<16xf32>
    %swap3A_855 = arith.constant 497 : i32
    %swap3A_856 = arith.index_cast %swap3A_855 : i32 to index
    %swap3A_857 = arith.constant 0 : index
    %swap3A_858 = tpu.vector_load %arg8[%swap3A_856, %swap3A_857] {strides = array<i32>} : memref<512x64xf32, #tpu.memory_space<vmem>>, vector<1x16xf32>,
    %swap3A_859 = vector.shape_cast %swap3A_858 : vector<1x16xf32> to vector<16xf32>
    %swap3A_860 = vector.shape_cast %get3A_854 : vector<16xf32> to vector<1x16xf32>
    tpu.vector_store %arg8[%swap3A_856, %swap3A_857], %swap3A_860 {strides = array<i32>} : memref<512x64xf32, #tpu.memory_space<vmem>>, vector<1x16xf32>,
    %get3A_861 = arith.constant 1 : i32
    %get3A_862 = arith.index_cast %get3A_861 : i32 to index
    %get3A_863 = arith.index_cast %rem3A_848 : i32 to index
    %get3A_864 = arith.constant 16 : index
    %get3A_865 = tpu.vector_load %arg6[%get3A_862, %get3A_863, %get3A_864] {strides = array<i32>} : memref<8x8x46xf32, #tpu.memory_space<vmem>>, vector<1x1x16xf32>,
    %get3A_866 = vector.shape_cast %get3A_865 : vector<1x1x16xf32> to vector<16xf32>
    %swap3A_867 = arith.constant 497 : i32
    %swap3A_868 = arith.index_cast %swap3A_867 : i32 to index
    %swap3A_869 = arith.constant 16 : index
    %swap3A_870 = tpu.vector_load %arg8[%swap3A_868, %swap3A_869] {strides = array<i32>} : memref<512x64xf32, #tpu.memory_space<vmem>>, vector<1x16xf32>,
    %swap3A_871 = vector.shape_cast %swap3A_870 : vector<1x16xf32> to vector<16xf32>
    %swap3A_872 = vector.shape_cast %get3A_866 : vector<16xf32> to vector<1x16xf32>
    tpu.vector_store %arg8[%swap3A_868, %swap3A_869], %swap3A_872 {strides = array<i32>} : memref<512x64xf32, #tpu.memory_space<vmem>>, vector<1x16xf32>,
    %get3A_873 = arith.constant 1 : i32
    %get3A_874 = arith.index_cast %get3A_873 : i32 to index
    %get3A_875 = arith.index_cast %rem3A_848 : i32 to index
    %get3A_876 = arith.constant 30 : index
    %get3A_877 = tpu.vector_load %arg6[%get3A_874, %get3A_875, %get3A_876] {strides = array<i32>} : memref<8x8x46xf32, #tpu.memory_space<vmem>>, vector<1x1x16xf32>,
    %get3A_878 = vector.shape_cast %get3A_877 : vector<1x1x16xf32> to vector<16xf32>
    %swap3A_879 = arith.constant 497 : i32
    %swap3A_880 = arith.index_cast %swap3A_879 : i32 to index
    %swap3A_881 = arith.constant 30 : index
    %swap3A_882 = tpu.vector_load %arg8[%swap3A_880, %swap3A_881] {strides = array<i32>} : memref<512x64xf32, #tpu.memory_space<vmem>>, vector<1x16xf32>,
    %swap3A_883 = vector.shape_cast %swap3A_882 : vector<1x16xf32> to vector<16xf32>
    %swap3A_884 = vector.shape_cast %get3A_878 : vector<16xf32> to vector<1x16xf32>
    tpu.vector_store %arg8[%swap3A_880, %swap3A_881], %swap3A_884 {strides = array<i32>} : memref<512x64xf32, #tpu.memory_space<vmem>>, vector<1x16xf32>,
    %swap3A_885 = arith.constant 497 : i32
    %swap3A_886 = arith.index_cast %swap3A_885 : i32 to index
    %swap3A_887 = arith.constant 46 : index
    %swap3A_888 = tpu.vector_load %arg8[%swap3A_886, %swap3A_887] {strides = array<i32>} : memref<512x64xf32, #tpu.memory_space<vmem>>, vector<1x16xf32>,
    %swap3A_889 = vector.shape_cast %swap3A_888 : vector<1x16xf32> to vector<16xf32>
    %swap3A_890 = vector.shape_cast %broadcast_in_dim3A_793 : vector<16xf32> to vector<1x16xf32>
    tpu.vector_store %arg8[%swap3A_886, %swap3A_887], %swap3A_890 {strides = array<i32>} : memref<512x64xf32, #tpu.memory_space<vmem>>, vector<1x16xf32>,
    %swap3A_891 = arith.constant 497 : i32
    %swap3A_892 = arith.index_cast %swap3A_891 : i32 to index
    %swap3A_893 = arith.constant 48 : index
    %swap3A_894 = tpu.vector_load %arg8[%swap3A_892, %swap3A_893] {strides = array<i32>} : memref<512x64xf32, #tpu.memory_space<vmem>>, vector<1x16xf32>,
    %swap3A_895 = vector.shape_cast %swap3A_894 : vector<1x16xf32> to vector<16xf32>
    %swap3A_896 = vector.shape_cast %broadcast_in_dim3A_793 : vector<16xf32> to vector<1x16xf32>
    tpu.vector_store %arg8[%swap3A_892, %swap3A_893], %swap3A_896 {strides = array<i32>} : memref<512x64xf32, #tpu.memory_space<vmem>>, vector<1x16xf32>,
    %slice3A_897 = vector.extract_strided_slice %get3A_673 {offsets = [2], sizes = [1], strides = [1]} : vector<16xi32> to vector<1xi32>
    %squeeze3A_898 = vector.extract %slice3A_897[0] : i32 from vector<1xi32>
    %rem3A_899 = arith.constant 8 : i32
    %rem3A_900 = arith.remsi %squeeze3A_898, %rem3A_899 : i32
    %get3A_901 = arith.constant 2 : i32
    %get3A_902 = arith.index_cast %get3A_901 : i32 to index
    %get3A_903 = arith.index_cast %rem3A_900 : i32 to index
    %get3A_904 = arith.constant 0 : index
    %get3A_905 = tpu.vector_load %arg6[%get3A_902, %get3A_903, %get3A_904] {strides = array<i32>} : memref<8x8x46xf32, #tpu.memory_space<vmem>>, vector<1x1x16xf32>,
    %get3A_906 = vector.shape_cast %get3A_905 : vector<1x1x16xf32> to vector<16xf32>
    %swap3A_907 = arith.constant 498 : i32
    %swap3A_908 = arith.index_cast %swap3A_907 : i32 to index
    %swap3A_909 = arith.constant 0 : index
    %swap3A_910 = tpu.vector_load %arg8[%swap3A_908, %swap3A_909] {strides = array<i32>} : memref<512x64xf32, #tpu.memory_space<vmem>>, vector<1x16xf32>,
    %swap3A_911 = vector.shape_cast %swap3A_910 : vector<1x16xf32> to vector<16xf32>
    %swap3A_912 = vector.shape_cast %get3A_906 : vector<16xf32> to vector<1x16xf32>
    tpu.vector_store %arg8[%swap3A_908, %swap3A_909], %swap3A_912 {strides = array<i32>} : memref<512x64xf32, #tpu.memory_space<vmem>>, vector<1x16xf32>,
    %get3A_913 = arith.constant 2 : i32
    %get3A_914 = arith.index_cast %get3A_913 : i32 to index
    %get3A_915 = arith.index_cast %rem3A_900 : i32 to index
    %get3A_916 = arith.constant 16 : index
    %get3A_917 = tpu.vector_load %arg6[%get3A_914, %get3A_915, %get3A_916] {strides = array<i32>} : memref<8x8x46xf32, #tpu.memory_space<vmem>>, vector<1x1x16xf32>,
    %get3A_918 = vector.shape_cast %get3A_917 : vector<1x1x16xf32> to vector<16xf32>
    %swap3A_919 = arith.constant 498 : i32
    %swap3A_920 = arith.index_cast %swap3A_919 : i32 to index
    %swap3A_921 = arith.constant 16 : index
    %swap3A_922 = tpu.vector_load %arg8[%swap3A_920, %swap3A_921] {strides = array<i32>} : memref<512x64xf32, #tpu.memory_space<vmem>>, vector<1x16xf32>,
    %swap3A_923 = vector.shape_cast %swap3A_922 : vector<1x16xf32> to vector<16xf32>
    %swap3A_924 = vector.shape_cast %get3A_918 : vector<16xf32> to vector<1x16xf32>
    tpu.vector_store %arg8[%swap3A_920, %swap3A_921], %swap3A_924 {strides = array<i32>} : memref<512x64xf32, #tpu.memory_space<vmem>>, vector<1x16xf32>,
    %get3A_925 = arith.constant 2 : i32
    %get3A_926 = arith.index_cast %get3A_925 : i32 to index
    %get3A_927 = arith.index_cast %rem3A_900 : i32 to index
    %get3A_928 = arith.constant 30 : index
    %get3A_929 = tpu.vector_load %arg6[%get3A_926, %get3A_927, %get3A_928] {strides = array<i32>} : memref<8x8x46xf32, #tpu.memory_space<vmem>>, vector<1x1x16xf32>,
    %get3A_930 = vector.shape_cast %get3A_929 : vector<1x1x16xf32> to vector<16xf32>
    %swap3A_931 = arith.constant 498 : i32
    %swap3A_932 = arith.index_cast %swap3A_931 : i32 to index
    %swap3A_933 = arith.constant 30 : index
    %swap3A_934 = tpu.vector_load %arg8[%swap3A_932, %swap3A_933] {strides = array<i32>} : memref<512x64xf32, #tpu.memory_space<vmem>>, vector<1x16xf32>,
    %swap3A_935 = vector.shape_cast %swap3A_934 : vector<1x16xf32> to vector<16xf32>
    %swap3A_936 = vector.shape_cast %get3A_930 : vector<16xf32> to vector<1x16xf32>
    tpu.vector_store %arg8[%swap3A_932, %swap3A_933], %swap3A_936 {strides = array<i32>} : memref<512x64xf32, #tpu.memory_space<vmem>>, vector<1x16xf32>,
    %swap3A_937 = arith.constant 498 : i32
    %swap3A_938 = arith.index_cast %swap3A_937 : i32 to index
    %swap3A_939 = arith.constant 46 : index
    %swap3A_940 = tpu.vector_load %arg8[%swap3A_938, %swap3A_939] {strides = array<i32>} : memref<512x64xf32, #tpu.memory_space<vmem>>, vector<1x16xf32>,
    %swap3A_941 = vector.shape_cast %swap3A_940 : vector<1x16xf32> to vector<16xf32>
    %swap3A_942 = vector.shape_cast %broadcast_in_dim3A_793 : vector<16xf32> to vector<1x16xf32>
    tpu.vector_store %arg8[%swap3A_938, %swap3A_939], %swap3A_942 {strides = array<i32>} : memref<512x64xf32, #tpu.memory_space<vmem>>, vector<1x16xf32>,
    %swap3A_943 = arith.constant 498 : i32
    %swap3A_944 = arith.index_cast %swap3A_943 : i32 to index
    %swap3A_945 = arith.constant 48 : index
    %swap3A_946 = tpu.vector_load %arg8[%swap3A_944, %swap3A_945] {strides = array<i32>} : memref<512x64xf32, #tpu.memory_space<vmem>>, vector<1x16xf32>,
    %swap3A_947 = vector.shape_cast %swap3A_946 : vector<1x16xf32> to vector<16xf32>
    %swap3A_948 = vector.shape_cast %broadcast_in_dim3A_793 : vector<16xf32> to vector<1x16xf32>
    tpu.vector_store %arg8[%swap3A_944, %swap3A_945], %swap3A_948 {strides = array<i32>} : memref<512x64xf32, #tpu.memory_space<vmem>>, vector<1x16xf32>,
    %slice3A_949 = vector.extract_strided_slice %get3A_673 {offsets = [3], sizes = [1], strides = [1]} : vector<16xi32> to vector<1xi32>
    %squeeze3A_950 = vector.extract %slice3A_949[0] : i32 from vector<1xi32>
    %rem3A_951 = arith.constant 8 : i32
    %rem3A_952 = arith.remsi %squeeze3A_950, %rem3A_951 : i32
    %get3A_953 = arith.constant 3 : i32
    %get3A_954 = arith.index_cast %get3A_953 : i32 to index
    %get3A_955 = arith.index_cast %rem3A_952 : i32 to index
    %get3A_956 = arith.constant 0 : index
    %get3A_957 = tpu.vector_load %arg6[%get3A_954, %get3A_955, %get3A_956] {strides = array<i32>} : memref<8x8x46xf32, #tpu.memory_space<vmem>>, vector<1x1x16xf32>,
    %get3A_958 = vector.shape_cast %get3A_957 : vector<1x1x16xf32> to vector<16xf32>
    %swap3A_959 = arith.constant 499 : i32
    %swap3A_960 = arith.index_cast %swap3A_959 : i32 to index
    %swap3A_961 = arith.constant 0 : index
    %swap3A_962 = tpu.vector_load %arg8[%swap3A_960, %swap3A_961] {strides = array<i32>} : memref<512x64xf32, #tpu.memory_space<vmem>>, vector<1x16xf32>,
    %swap3A_963 = vector.shape_cast %swap3A_962 : vector<1x16xf32> to vector<16xf32>
    %swap3A_964 = vector.shape_cast %get3A_958 : vector<16xf32> to vector<1x16xf32>
    tpu.vector_store %arg8[%swap3A_960, %swap3A_961], %swap3A_964 {strides = array<i32>} : memref<512x64xf32, #tpu.memory_space<vmem>>, vector<1x16xf32>,
    %get3A_965 = arith.constant 3 : i32
    %get3A_966 = arith.index_cast %get3A_965 : i32 to index
    %get3A_967 = arith.index_cast %rem3A_952 : i32 to index
    %get3A_968 = arith.constant 16 : index
    %get3A_969 = tpu.vector_load %arg6[%get3A_966, %get3A_967, %get3A_968] {strides = array<i32>} : memref<8x8x46xf32, #tpu.memory_space<vmem>>, vector<1x1x16xf32>,
    %get3A_970 = vector.shape_cast %get3A_969 : vector<1x1x16xf32> to vector<16xf32>
    %swap3A_971 = arith.constant 499 : i32
    %swap3A_972 = arith.index_cast %swap3A_971 : i32 to index
    %swap3A_973 = arith.constant 16 : index
    %swap3A_974 = tpu.vector_load %arg8[%swap3A_972, %swap3A_973] {strides = array<i32>} : memref<512x64xf32, #tpu.memory_space<vmem>>, vector<1x16xf32>,
    %swap3A_975 = vector.shape_cast %swap3A_974 : vector<1x16xf32> to vector<16xf32>
    %swap3A_976 = vector.shape_cast %get3A_970 : vector<16xf32> to vector<1x16xf32>
    tpu.vector_store %arg8[%swap3A_972, %swap3A_973], %swap3A_976 {strides = array<i32>} : memref<512x64xf32, #tpu.memory_space<vmem>>, vector<1x16xf32>,
    %get3A_977 = arith.constant 3 : i32
    %get3A_978 = arith.index_cast %get3A_977 : i32 to index
    %get3A_979 = arith.index_cast %rem3A_952 : i32 to index
    %get3A_980 = arith.constant 30 : index
    %get3A_981 = tpu.vector_load %arg6[%get3A_978, %get3A_979, %get3A_980] {strides = array<i32>} : memref<8x8x46xf32, #tpu.memory_space<vmem>>, vector<1x1x16xf32>,
    %get3A_982 = vector.shape_cast %get3A_981 : vector<1x1x16xf32> to vector<16xf32>
    %swap3A_983 = arith.constant 499 : i32
    %swap3A_984 = arith.index_cast %swap3A_983 : i32 to index
    %swap3A_985 = arith.constant 30 : index
    %swap3A_986 = tpu.vector_load %arg8[%swap3A_984, %swap3A_985] {strides = array<i32>} : memref<512x64xf32, #tpu.memory_space<vmem>>, vector<1x16xf32>,
    %swap3A_987 = vector.shape_cast %swap3A_986 : vector<1x16xf32> to vector<16xf32>
    %swap3A_988 = vector.shape_cast %get3A_982 : vector<16xf32> to vector<1x16xf32>
    tpu.vector_store %arg8[%swap3A_984, %swap3A_985], %swap3A_988 {strides = array<i32>} : memref<512x64xf32, #tpu.memory_space<vmem>>, vector<1x16xf32>,
    %swap3A_989 = arith.constant 499 : i32
    %swap3A_990 = arith.index_cast %swap3A_989 : i32 to index
    %swap3A_991 = arith.constant 46 : index
    %swap3A_992 = tpu.vector_load %arg8[%swap3A_990, %swap3A_991] {strides = array<i32>} : memref<512x64xf32, #tpu.memory_space<vmem>>, vector<1x16xf32>,
    %swap3A_993 = vector.shape_cast %swap3A_992 : vector<1x16xf32> to vector<16xf32>
    %swap3A_994 = vector.shape_cast %broadcast_in_dim3A_793 : vector<16xf32> to vector<1x16xf32>
    tpu.vector_store %arg8[%swap3A_990, %swap3A_991], %swap3A_994 {strides = array<i32>} : memref<512x64xf32, #tpu.memory_space<vmem>>, vector<1x16xf32>,
    %swap3A_995 = arith.constant 499 : i32
    %swap3A_996 = arith.index_cast %swap3A_995 : i32 to index
    %swap3A_997 = arith.constant 48 : index
    %swap3A_998 = tpu.vector_load %arg8[%swap3A_996, %swap3A_997] {strides = array<i32>} : memref<512x64xf32, #tpu.memory_space<vmem>>, vector<1x16xf32>,
    %swap3A_999 = vector.shape_cast %swap3A_998 : vector<1x16xf32> to vector<16xf32>
    %swap3A_1000 = vector.shape_cast %broadcast_in_dim3A_793 : vector<16xf32> to vector<1x16xf32>
    tpu.vector_store %arg8[%swap3A_996, %swap3A_997], %swap3A_1000 {strides = array<i32>} : memref<512x64xf32, #tpu.memory_space<vmem>>, vector<1x16xf32>,
    %slice3A_1001 = vector.extract_strided_slice %get3A_673 {offsets = [4], sizes = [1], strides = [1]} : vector<16xi32> to vector<1xi32>
    %squeeze3A_1002 = vector.extract %slice3A_1001[0] : i32 from vector<1xi32>
    %rem3A_1003 = arith.constant 8 : i32
    %rem3A_1004 = arith.remsi %squeeze3A_1002, %rem3A_1003 : i32
    %get3A_1005 = arith.constant 4 : i32
    %get3A_1006 = arith.index_cast %get3A_1005 : i32 to index
    %get3A_1007 = arith.index_cast %rem3A_1004 : i32 to index
    %get3A_1008 = arith.constant 0 : index
    %get3A_1009 = tpu.vector_load %arg6[%get3A_1006, %get3A_1007, %get3A_1008] {strides = array<i32>} : memref<8x8x46xf32, #tpu.memory_space<vmem>>, vector<1x1x16xf32>,
    %get3A_1010 = vector.shape_cast %get3A_1009 : vector<1x1x16xf32> to vector<16xf32>
    %swap3A_1011 = arith.constant 500 : i32
    %swap3A_1012 = arith.index_cast %swap3A_1011 : i32 to index
    %swap3A_1013 = arith.constant 0 : index
    %swap3A_1014 = tpu.vector_load %arg8[%swap3A_1012, %swap3A_1013] {strides = array<i32>} : memref<512x64xf32, #tpu.memory_space<vmem>>, vector<1x16xf32>,
    %swap3A_1015 = vector.shape_cast %swap3A_1014 : vector<1x16xf32> to vector<16xf32>
    %swap3A_1016 = vector.shape_cast %get3A_1010 : vector<16xf32> to vector<1x16xf32>
    tpu.vector_store %arg8[%swap3A_1012, %swap3A_1013], %swap3A_1016 {strides = array<i32>} : memref<512x64xf32, #tpu.memory_space<vmem>>, vector<1x16xf32>,
    %get3A_1017 = arith.constant 4 : i32
    %get3A_1018 = arith.index_cast %get3A_1017 : i32 to index
    %get3A_1019 = arith.index_cast %rem3A_1004 : i32 to index
    %get3A_1020 = arith.constant 16 : index
    %get3A_1021 = tpu.vector_load %arg6[%get3A_1018, %get3A_1019, %get3A_1020] {strides = array<i32>} : memref<8x8x46xf32, #tpu.memory_space<vmem>>, vector<1x1x16xf32>,
    %get3A_1022 = vector.shape_cast %get3A_1021 : vector<1x1x16xf32> to vector<16xf32>
    %swap3A_1023 = arith.constant 500 : i32
    %swap3A_1024 = arith.index_cast %swap3A_1023 : i32 to index
    %swap3A_1025 = arith.constant 16 : index
    %swap3A_1026 = tpu.vector_load %arg8[%swap3A_1024, %swap3A_1025] {strides = array<i32>} : memref<512x64xf32, #tpu.memory_space<vmem>>, vector<1x16xf32>,
    %swap3A_1027 = vector.shape_cast %swap3A_1026 : vector<1x16xf32> to vector<16xf32>
    %swap3A_1028 = vector.shape_cast %get3A_1022 : vector<16xf32> to vector<1x16xf32>
    tpu.vector_store %arg8[%swap3A_1024, %swap3A_1025], %swap3A_1028 {strides = array<i32>} : memref<512x64xf32, #tpu.memory_space<vmem>>, vector<1x16xf32>,
    %get3A_1029 = arith.constant 4 : i32
    %get3A_1030 = arith.index_cast %get3A_1029 : i32 to index
    %get3A_1031 = arith.index_cast %rem3A_1004 : i32 to index
    %get3A_1032 = arith.constant 30 : index
    %get3A_1033 = tpu.vector_load %arg6[%get3A_1030, %get3A_1031, %get3A_1032] {strides = array<i32>} : memref<8x8x46xf32, #tpu.memory_space<vmem>>, vector<1x1x16xf32>,
    %get3A_1034 = vector.shape_cast %get3A_1033 : vector<1x1x16xf32> to vector<16xf32>
    %swap3A_1035 = arith.constant 500 : i32
    %swap3A_1036 = arith.index_cast %swap3A_1035 : i32 to index
    %swap3A_1037 = arith.constant 30 : index
    %swap3A_1038 = tpu.vector_load %arg8[%swap3A_1036, %swap3A_1037] {strides = array<i32>} : memref<512x64xf32, #tpu.memory_space<vmem>>, vector<1x16xf32>,
    %swap3A_1039 = vector.shape_cast %swap3A_1038 : vector<1x16xf32> to vector<16xf32>
    %swap3A_1040 = vector.shape_cast %get3A_1034 : vector<16xf32> to vector<1x16xf32>
    tpu.vector_store %arg8[%swap3A_1036, %swap3A_1037], %swap3A_1040 {strides = array<i32>} : memref<512x64xf32, #tpu.memory_space<vmem>>, vector<1x16xf32>,
    %swap3A_1041 = arith.constant 500 : i32
    %swap3A_1042 = arith.index_cast %swap3A_1041 : i32 to index
    %swap3A_1043 = arith.constant 46 : index
    %swap3A_1044 = tpu.vector_load %arg8[%swap3A_1042, %swap3A_1043] {strides = array<i32>} : memref<512x64xf32, #tpu.memory_space<vmem>>, vector<1x16xf32>,
    %swap3A_1045 = vector.shape_cast %swap3A_1044 : vector<1x16xf32> to vector<16xf32>
    %swap3A_1046 = vector.shape_cast %broadcast_in_dim3A_793 : vector<16xf32> to vector<1x16xf32>
    tpu.vector_store %arg8[%swap3A_1042, %swap3A_1043], %swap3A_1046 {strides = array<i32>} : memref<512x64xf32, #tpu.memory_space<vmem>>, vector<1x16xf32>,
    %swap3A_1047 = arith.constant 500 : i32
    %swap3A_1048 = arith.index_cast %swap3A_1047 : i32 to index
    %swap3A_1049 = arith.constant 48 : index
    %swap3A_1050 = tpu.vector_load %arg8[%swap3A_1048, %swap3A_1049] {strides = array<i32>} : memref<512x64xf32, #tpu.memory_space<vmem>>, vector<1x16xf32>,
    %swap3A_1051 = vector.shape_cast %swap3A_1050 : vector<1x16xf32> to vector<16xf32>
    %swap3A_1052 = vector.shape_cast %broadcast_in_dim3A_793 : vector<16xf32> to vector<1x16xf32>
    tpu.vector_store %arg8[%swap3A_1048, %swap3A_1049], %swap3A_1052 {strides = array<i32>} : memref<512x64xf32, #tpu.memory_space<vmem>>, vector<1x16xf32>,
    %slice3A_1053 = vector.extract_strided_slice %get3A_673 {offsets = [5], sizes = [1], strides = [1]} : vector<16xi32> to vector<1xi32>
    %squeeze3A_1054 = vector.extract %slice3A_1053[0] : i32 from vector<1xi32>
    %rem3A_1055 = arith.constant 8 : i32
    %rem3A_1056 = arith.remsi %squeeze3A_1054, %rem3A_1055 : i32
    %get3A_1057 = arith.constant 5 : i32
    %get3A_1058 = arith.index_cast %get3A_1057 : i32 to index
    %get3A_1059 = arith.index_cast %rem3A_1056 : i32 to index
    %get3A_1060 = arith.constant 0 : index
    %get3A_1061 = tpu.vector_load %arg6[%get3A_1058, %get3A_1059, %get3A_1060] {strides = array<i32>} : memref<8x8x46xf32, #tpu.memory_space<vmem>>, vector<1x1x16xf32>,
    %get3A_1062 = vector.shape_cast %get3A_1061 : vector<1x1x16xf32> to vector<16xf32>
    %swap3A_1063 = arith.constant 501 : i32
    %swap3A_1064 = arith.index_cast %swap3A_1063 : i32 to index
    %swap3A_1065 = arith.constant 0 : index
    %swap3A_1066 = tpu.vector_load %arg8[%swap3A_1064, %swap3A_1065] {strides = array<i32>} : memref<512x64xf32, #tpu.memory_space<vmem>>, vector<1x16xf32>,
    %swap3A_1067 = vector.shape_cast %swap3A_1066 : vector<1x16xf32> to vector<16xf32>
    %swap3A_1068 = vector.shape_cast %get3A_1062 : vector<16xf32> to vector<1x16xf32>
    tpu.vector_store %arg8[%swap3A_1064, %swap3A_1065], %swap3A_1068 {strides = array<i32>} : memref<512x64xf32, #tpu.memory_space<vmem>>, vector<1x16xf32>,
    %get3A_1069 = arith.constant 5 : i32
    %get3A_1070 = arith.index_cast %get3A_1069 : i32 to index
    %get3A_1071 = arith.index_cast %rem3A_1056 : i32 to index
    %get3A_1072 = arith.constant 16 : index
    %get3A_1073 = tpu.vector_load %arg6[%get3A_1070, %get3A_1071, %get3A_1072] {strides = array<i32>} : memref<8x8x46xf32, #tpu.memory_space<vmem>>, vector<1x1x16xf32>,
    %get3A_1074 = vector.shape_cast %get3A_1073 : vector<1x1x16xf32> to vector<16xf32>
    %swap3A_1075 = arith.constant 501 : i32
    %swap3A_1076 = arith.index_cast %swap3A_1075 : i32 to index
    %swap3A_1077 = arith.constant 16 : index
    %swap3A_1078 = tpu.vector_load %arg8[%swap3A_1076, %swap3A_1077] {strides = array<i32>} : memref<512x64xf32, #tpu.memory_space<vmem>>, vector<1x16xf32>,
    %swap3A_1079 = vector.shape_cast %swap3A_1078 : vector<1x16xf32> to vector<16xf32>
    %swap3A_1080 = vector.shape_cast %get3A_1074 : vector<16xf32> to vector<1x16xf32>
    tpu.vector_store %arg8[%swap3A_1076, %swap3A_1077], %swap3A_1080 {strides = array<i32>} : memref<512x64xf32, #tpu.memory_space<vmem>>, vector<1x16xf32>,
    %get3A_1081 = arith.constant 5 : i32
    %get3A_1082 = arith.index_cast %get3A_1081 : i32 to index
    %get3A_1083 = arith.index_cast %rem3A_1056 : i32 to index
    %get3A_1084 = arith.constant 30 : index
    %get3A_1085 = tpu.vector_load %arg6[%get3A_1082, %get3A_1083, %get3A_1084] {strides = array<i32>} : memref<8x8x46xf32, #tpu.memory_space<vmem>>, vector<1x1x16xf32>,
    %get3A_1086 = vector.shape_cast %get3A_1085 : vector<1x1x16xf32> to vector<16xf32>
    %swap3A_1087 = arith.constant 501 : i32
    %swap3A_1088 = arith.index_cast %swap3A_1087 : i32 to index
    %swap3A_1089 = arith.constant 30 : index
    %swap3A_1090 = tpu.vector_load %arg8[%swap3A_1088, %swap3A_1089] {strides = array<i32>} : memref<512x64xf32, #tpu.memory_space<vmem>>, vector<1x16xf32>,
    %swap3A_1091 = vector.shape_cast %swap3A_1090 : vector<1x16xf32> to vector<16xf32>
    %swap3A_1092 = vector.shape_cast %get3A_1086 : vector<16xf32> to vector<1x16xf32>
    tpu.vector_store %arg8[%swap3A_1088, %swap3A_1089], %swap3A_1092 {strides = array<i32>} : memref<512x64xf32, #tpu.memory_space<vmem>>, vector<1x16xf32>,
    %swap3A_1093 = arith.constant 501 : i32
    %swap3A_1094 = arith.index_cast %swap3A_1093 : i32 to index
    %swap3A_1095 = arith.constant 46 : index
    %swap3A_1096 = tpu.vector_load %arg8[%swap3A_1094, %swap3A_1095] {strides = array<i32>} : memref<512x64xf32, #tpu.memory_space<vmem>>, vector<1x16xf32>,
    %swap3A_1097 = vector.shape_cast %swap3A_1096 : vector<1x16xf32> to vector<16xf32>
    %swap3A_1098 = vector.shape_cast %broadcast_in_dim3A_793 : vector<16xf32> to vector<1x16xf32>
    tpu.vector_store %arg8[%swap3A_1094, %swap3A_1095], %swap3A_1098 {strides = array<i32>} : memref<512x64xf32, #tpu.memory_space<vmem>>, vector<1x16xf32>,
    %swap3A_1099 = arith.constant 501 : i32
    %swap3A_1100 = arith.index_cast %swap3A_1099 : i32 to index
    %swap3A_1101 = arith.constant 48 : index
    %swap3A_1102 = tpu.vector_load %arg8[%swap3A_1100, %swap3A_1101] {strides = array<i32>} : memref<512x64xf32, #tpu.memory_space<vmem>>, vector<1x16xf32>,
    %swap3A_1103 = vector.shape_cast %swap3A_1102 : vector<1x16xf32> to vector<16xf32>
    %swap3A_1104 = vector.shape_cast %broadcast_in_dim3A_793 : vector<16xf32> to vector<1x16xf32>
    tpu.vector_store %arg8[%swap3A_1100, %swap3A_1101], %swap3A_1104 {strides = array<i32>} : memref<512x64xf32, #tpu.memory_space<vmem>>, vector<1x16xf32>,
    %slice3A_1105 = vector.extract_strided_slice %get3A_673 {offsets = [6], sizes = [1], strides = [1]} : vector<16xi32> to vector<1xi32>
    %squeeze3A_1106 = vector.extract %slice3A_1105[0] : i32 from vector<1xi32>
    %rem3A_1107 = arith.constant 8 : i32
    %rem3A_1108 = arith.remsi %squeeze3A_1106, %rem3A_1107 : i32
    %get3A_1109 = arith.constant 6 : i32
    %get3A_1110 = arith.index_cast %get3A_1109 : i32 to index
    %get3A_1111 = arith.index_cast %rem3A_1108 : i32 to index
    %get3A_1112 = arith.constant 0 : index
    %get3A_1113 = tpu.vector_load %arg6[%get3A_1110, %get3A_1111, %get3A_1112] {strides = array<i32>} : memref<8x8x46xf32, #tpu.memory_space<vmem>>, vector<1x1x16xf32>,
    %get3A_1114 = vector.shape_cast %get3A_1113 : vector<1x1x16xf32> to vector<16xf32>
    %swap3A_1115 = arith.constant 502 : i32
    %swap3A_1116 = arith.index_cast %swap3A_1115 : i32 to index
    %swap3A_1117 = arith.constant 0 : index
    %swap3A_1118 = tpu.vector_load %arg8[%swap3A_1116, %swap3A_1117] {strides = array<i32>} : memref<512x64xf32, #tpu.memory_space<vmem>>, vector<1x16xf32>,
    %swap3A_1119 = vector.shape_cast %swap3A_1118 : vector<1x16xf32> to vector<16xf32>
    %swap3A_1120 = vector.shape_cast %get3A_1114 : vector<16xf32> to vector<1x16xf32>
    tpu.vector_store %arg8[%swap3A_1116, %swap3A_1117], %swap3A_1120 {strides = array<i32>} : memref<512x64xf32, #tpu.memory_space<vmem>>, vector<1x16xf32>,
    %get3A_1121 = arith.constant 6 : i32
    %get3A_1122 = arith.index_cast %get3A_1121 : i32 to index
    %get3A_1123 = arith.index_cast %rem3A_1108 : i32 to index
    %get3A_1124 = arith.constant 16 : index
    %get3A_1125 = tpu.vector_load %arg6[%get3A_1122, %get3A_1123, %get3A_1124] {strides = array<i32>} : memref<8x8x46xf32, #tpu.memory_space<vmem>>, vector<1x1x16xf32>,
    %get3A_1126 = vector.shape_cast %get3A_1125 : vector<1x1x16xf32> to vector<16xf32>
    %swap3A_1127 = arith.constant 502 : i32
    %swap3A_1128 = arith.index_cast %swap3A_1127 : i32 to index
    %swap3A_1129 = arith.constant 16 : index
    %swap3A_1130 = tpu.vector_load %arg8[%swap3A_1128, %swap3A_1129] {strides = array<i32>} : memref<512x64xf32, #tpu.memory_space<vmem>>, vector<1x16xf32>,
    %swap3A_1131 = vector.shape_cast %swap3A_1130 : vector<1x16xf32> to vector<16xf32>
    %swap3A_1132 = vector.shape_cast %get3A_1126 : vector<16xf32> to vector<1x16xf32>
    tpu.vector_store %arg8[%swap3A_1128, %swap3A_1129], %swap3A_1132 {strides = array<i32>} : memref<512x64xf32, #tpu.memory_space<vmem>>, vector<1x16xf32>,
    %get3A_1133 = arith.constant 6 : i32
    %get3A_1134 = arith.index_cast %get3A_1133 : i32 to index
    %get3A_1135 = arith.index_cast %rem3A_1108 : i32 to index
    %get3A_1136 = arith.constant 30 : index
    %get3A_1137 = tpu.vector_load %arg6[%get3A_1134, %get3A_1135, %get3A_1136] {strides = array<i32>} : memref<8x8x46xf32, #tpu.memory_space<vmem>>, vector<1x1x16xf32>,
    %get3A_1138 = vector.shape_cast %get3A_1137 : vector<1x1x16xf32> to vector<16xf32>
    %swap3A_1139 = arith.constant 502 : i32
    %swap3A_1140 = arith.index_cast %swap3A_1139 : i32 to index
    %swap3A_1141 = arith.constant 30 : index
    %swap3A_1142 = tpu.vector_load %arg8[%swap3A_1140, %swap3A_1141] {strides = array<i32>} : memref<512x64xf32, #tpu.memory_space<vmem>>, vector<1x16xf32>,
    %swap3A_1143 = vector.shape_cast %swap3A_1142 : vector<1x16xf32> to vector<16xf32>
    %swap3A_1144 = vector.shape_cast %get3A_1138 : vector<16xf32> to vector<1x16xf32>
    tpu.vector_store %arg8[%swap3A_1140, %swap3A_1141], %swap3A_1144 {strides = array<i32>} : memref<512x64xf32, #tpu.memory_space<vmem>>, vector<1x16xf32>,
    %swap3A_1145 = arith.constant 502 : i32
    %swap3A_1146 = arith.index_cast %swap3A_1145 : i32 to index
    %swap3A_1147 = arith.constant 46 : index
    %swap3A_1148 = tpu.vector_load %arg8[%swap3A_1146, %swap3A_1147] {strides = array<i32>} : memref<512x64xf32, #tpu.memory_space<vmem>>, vector<1x16xf32>,
    %swap3A_1149 = vector.shape_cast %swap3A_1148 : vector<1x16xf32> to vector<16xf32>
    %swap3A_1150 = vector.shape_cast %broadcast_in_dim3A_793 : vector<16xf32> to vector<1x16xf32>
    tpu.vector_store %arg8[%swap3A_1146, %swap3A_1147], %swap3A_1150 {strides = array<i32>} : memref<512x64xf32, #tpu.memory_space<vmem>>, vector<1x16xf32>,
    %swap3A_1151 = arith.constant 502 : i32
    %swap3A_1152 = arith.index_cast %swap3A_1151 : i32 to index
    %swap3A_1153 = arith.constant 48 : index
    %swap3A_1154 = tpu.vector_load %arg8[%swap3A_1152, %swap3A_1153] {strides = array<i32>} : memref<512x64xf32, #tpu.memory_space<vmem>>, vector<1x16xf32>,
    %swap3A_1155 = vector.shape_cast %swap3A_1154 : vector<1x16xf32> to vector<16xf32>
    %swap3A_1156 = vector.shape_cast %broadcast_in_dim3A_793 : vector<16xf32> to vector<1x16xf32>
    tpu.vector_store %arg8[%swap3A_1152, %swap3A_1153], %swap3A_1156 {strides = array<i32>} : memref<512x64xf32, #tpu.memory_space<vmem>>, vector<1x16xf32>,
    %slice3A_1157 = vector.extract_strided_slice %get3A_673 {offsets = [7], sizes = [1], strides = [1]} : vector<16xi32> to vector<1xi32>
    %squeeze3A_1158 = vector.extract %slice3A_1157[0] : i32 from vector<1xi32>
    %rem3A_1159 = arith.constant 8 : i32
    %rem3A_1160 = arith.remsi %squeeze3A_1158, %rem3A_1159 : i32
    %get3A_1161 = arith.constant 7 : i32
    %get3A_1162 = arith.index_cast %get3A_1161 : i32 to index
    %get3A_1163 = arith.index_cast %rem3A_1160 : i32 to index
    %get3A_1164 = arith.constant 0 : index
    %get3A_1165 = tpu.vector_load %arg6[%get3A_1162, %get3A_1163, %get3A_1164] {strides = array<i32>} : memref<8x8x46xf32, #tpu.memory_space<vmem>>, vector<1x1x16xf32>,
    %get3A_1166 = vector.shape_cast %get3A_1165 : vector<1x1x16xf32> to vector<16xf32>
    %swap3A_1167 = arith.constant 503 : i32
    %swap3A_1168 = arith.index_cast %swap3A_1167 : i32 to index
    %swap3A_1169 = arith.constant 0 : index
    %swap3A_1170 = tpu.vector_load %arg8[%swap3A_1168, %swap3A_1169] {strides = array<i32>} : memref<512x64xf32, #tpu.memory_space<vmem>>, vector<1x16xf32>,
    %swap3A_1171 = vector.shape_cast %swap3A_1170 : vector<1x16xf32> to vector<16xf32>
    %swap3A_1172 = vector.shape_cast %get3A_1166 : vector<16xf32> to vector<1x16xf32>
    tpu.vector_store %arg8[%swap3A_1168, %swap3A_1169], %swap3A_1172 {strides = array<i32>} : memref<512x64xf32, #tpu.memory_space<vmem>>, vector<1x16xf32>,
    %get3A_1173 = arith.constant 7 : i32
    %get3A_1174 = arith.index_cast %get3A_1173 : i32 to index
    %get3A_1175 = arith.index_cast %rem3A_1160 : i32 to index
    %get3A_1176 = arith.constant 16 : index
    %get3A_1177 = tpu.vector_load %arg6[%get3A_1174, %get3A_1175, %get3A_1176] {strides = array<i32>} : memref<8x8x46xf32, #tpu.memory_space<vmem>>, vector<1x1x16xf32>,
    %get3A_1178 = vector.shape_cast %get3A_1177 : vector<1x1x16xf32> to vector<16xf32>
    %swap3A_1179 = arith.constant 503 : i32
    %swap3A_1180 = arith.index_cast %swap3A_1179 : i32 to index
    %swap3A_1181 = arith.constant 16 : index
    %swap3A_1182 = tpu.vector_load %arg8[%swap3A_1180, %swap3A_1181] {strides = array<i32>} : memref<512x64xf32, #tpu.memory_space<vmem>>, vector<1x16xf32>,
    %swap3A_1183 = vector.shape_cast %swap3A_1182 : vector<1x16xf32> to vector<16xf32>
    %swap3A_1184 = vector.shape_cast %get3A_1178 : vector<16xf32> to vector<1x16xf32>
    tpu.vector_store %arg8[%swap3A_1180, %swap3A_1181], %swap3A_1184 {strides = array<i32>} : memref<512x64xf32, #tpu.memory_space<vmem>>, vector<1x16xf32>,
    %get3A_1185 = arith.constant 7 : i32
    %get3A_1186 = arith.index_cast %get3A_1185 : i32 to index
    %get3A_1187 = arith.index_cast %rem3A_1160 : i32 to index
    %get3A_1188 = arith.constant 30 : index
    %get3A_1189 = tpu.vector_load %arg6[%get3A_1186, %get3A_1187, %get3A_1188] {strides = array<i32>} : memref<8x8x46xf32, #tpu.memory_space<vmem>>, vector<1x1x16xf32>,
    %get3A_1190 = vector.shape_cast %get3A_1189 : vector<1x1x16xf32> to vector<16xf32>
    %swap3A_1191 = arith.constant 503 : i32
    %swap3A_1192 = arith.index_cast %swap3A_1191 : i32 to index
    %swap3A_1193 = arith.constant 30 : index
    %swap3A_1194 = tpu.vector_load %arg8[%swap3A_1192, %swap3A_1193] {strides = array<i32>} : memref<512x64xf32, #tpu.memory_space<vmem>>, vector<1x16xf32>,
    %swap3A_1195 = vector.shape_cast %swap3A_1194 : vector<1x16xf32> to vector<16xf32>
    %swap3A_1196 = vector.shape_cast %get3A_1190 : vector<16xf32> to vector<1x16xf32>
    tpu.vector_store %arg8[%swap3A_1192, %swap3A_1193], %swap3A_1196 {strides = array<i32>} : memref<512x64xf32, #tpu.memory_space<vmem>>, vector<1x16xf32>,
    %swap3A_1197 = arith.constant 503 : i32
    %swap3A_1198 = arith.index_cast %swap3A_1197 : i32 to index
    %swap3A_1199 = arith.constant 46 : index
    %swap3A_1200 = tpu.vector_load %arg8[%swap3A_1198, %swap3A_1199] {strides = array<i32>} : memref<512x64xf32, #tpu.memory_space<vmem>>, vector<1x16xf32>,
    %swap3A_1201 = vector.shape_cast %swap3A_1200 : vector<1x16xf32> to vector<16xf32>
    %swap3A_1202 = vector.shape_cast %broadcast_in_dim3A_793 : vector<16xf32> to vector<1x16xf32>
    tpu.vector_store %arg8[%swap3A_1198, %swap3A_1199], %swap3A_1202 {strides = array<i32>} : memref<512x64xf32, #tpu.memory_space<vmem>>, vector<1x16xf32>,
    %swap3A_1203 = arith.constant 503 : i32
    %swap3A_1204 = arith.index_cast %swap3A_1203 : i32 to index
    %swap3A_1205 = arith.constant 48 : index
    %swap3A_1206 = tpu.vector_load %arg8[%swap3A_1204, %swap3A_1205] {strides = array<i32>} : memref<512x64xf32, #tpu.memory_space<vmem>>, vector<1x16xf32>,
    %swap3A_1207 = vector.shape_cast %swap3A_1206 : vector<1x16xf32> to vector<16xf32>
    %swap3A_1208 = vector.shape_cast %broadcast_in_dim3A_793 : vector<16xf32> to vector<1x16xf32>
    tpu.vector_store %arg8[%swap3A_1204, %swap3A_1205], %swap3A_1208 {strides = array<i32>} : memref<512x64xf32, #tpu.memory_space<vmem>>, vector<1x16xf32>,
    %dma_wait3A_1209 = arith.constant 0 : i32
    %dma_wait3A_1210 = arith.constant 0 : i32
    %dma_wait3A_1211 = arith.constant 0 : i32
    %dma_wait3A_1212 = tpu.memref_slice %arg7[%dma_wait3A_1209, %dma_wait3A_1210, %dma_wait3A_1211] : memref<8x8x46xf32, #tpu.memory_space<vmem>> -> memref<1x8x46xf32, #tpu.memory_space<vmem>>
    %dma_wait3A_1213 = tpu.memref_squeeze %dma_wait3A_1212 : memref<1x8x46xf32, #tpu.memory_space<vmem>> -> memref<8x46xf32, #tpu.memory_space<vmem>>
    %dma_wait3A_1214 = arith.constant 0 : i32
    %dma_wait3A_1215 = arith.constant 0 : i32
    %dma_wait3A_1216 = tpu.memref_slice %arg3[%dma_wait3A_1214, %dma_wait3A_1215] : memref<1000000x46xf32, #tpu.memory_space<hbm>> -> memref<8x46xf32, #tpu.memory_space<hbm>>
    %dma_wait3A_1217 = arith.constant 0 : i32
    %dma_wait3A_1218 = arith.constant 0 : i32
    %dma_wait3A_1219 = tpu.memref_slice %arg7[%dma_wait3A_1209, %dma_wait3A_1217, %dma_wait3A_1218] : memref<8x8x46xf32, #tpu.memory_space<vmem>> -> memref<1x8x46xf32, #tpu.memory_space<vmem>>
    %dma_wait3A_1220 = tpu.memref_squeeze %dma_wait3A_1219 : memref<1x8x46xf32, #tpu.memory_space<vmem>> -> memref<8x46xf32, #tpu.memory_space<vmem>>
    %dma_wait3A_1221 = arith.constant 0 : i32
    %dma_wait3A_1222 = arith.constant 0 : i32
    %dma_wait3A_1223 = tpu.memref_slice %arg3[%dma_wait3A_1221, %dma_wait3A_1222] : memref<1000000x46xf32, #tpu.memory_space<hbm>> -> memref<8x46xf32, #tpu.memory_space<hbm>>
    tpu.wait_dma2 semaphore(%arg10 : memref<!tpu.dma_semaphore, #tpu.memory_space<semaphore_mem>>) src(%dma_wait3A_1223 : memref<8x46xf32, #tpu.memory_space<hbm>>) dst(%dma_wait3A_1220 : memref<8x46xf32, #tpu.memory_space<vmem>>)
    %dma_wait3A_1224 = arith.constant 1 : i32
    %dma_wait3A_1225 = arith.constant 0 : i32
    %dma_wait3A_1226 = arith.constant 0 : i32
    %dma_wait3A_1227 = tpu.memref_slice %arg7[%dma_wait3A_1224, %dma_wait3A_1225, %dma_wait3A_1226] : memref<8x8x46xf32, #tpu.memory_space<vmem>> -> memref<1x8x46xf32, #tpu.memory_space<vmem>>
    %dma_wait3A_1228 = tpu.memref_squeeze %dma_wait3A_1227 : memref<1x8x46xf32, #tpu.memory_space<vmem>> -> memref<8x46xf32, #tpu.memory_space<vmem>>
    %dma_wait3A_1229 = arith.constant 0 : i32
    %dma_wait3A_1230 = arith.constant 0 : i32
    %dma_wait3A_1231 = tpu.memref_slice %arg3[%dma_wait3A_1229, %dma_wait3A_1230] : memref<1000000x46xf32, #tpu.memory_space<hbm>> -> memref<8x46xf32, #tpu.memory_space<hbm>>
    %dma_wait3A_1232 = arith.constant 0 : i32
    %dma_wait3A_1233 = arith.constant 0 : i32
    %dma_wait3A_1234 = tpu.memref_slice %arg7[%dma_wait3A_1224, %dma_wait3A_1232, %dma_wait3A_1233] : memref<8x8x46xf32, #tpu.memory_space<vmem>> -> memref<1x8x46xf32, #tpu.memory_space<vmem>>
    %dma_wait3A_1235 = tpu.memref_squeeze %dma_wait3A_1234 : memref<1x8x46xf32, #tpu.memory_space<vmem>> -> memref<8x46xf32, #tpu.memory_space<vmem>>
    %dma_wait3A_1236 = arith.constant 0 : i32
    %dma_wait3A_1237 = arith.constant 0 : i32
    %dma_wait3A_1238 = tpu.memref_slice %arg3[%dma_wait3A_1236, %dma_wait3A_1237] : memref<1000000x46xf32, #tpu.memory_space<hbm>> -> memref<8x46xf32, #tpu.memory_space<hbm>>
    tpu.wait_dma2 semaphore(%arg10 : memref<!tpu.dma_semaphore, #tpu.memory_space<semaphore_mem>>) src(%dma_wait3A_1238 : memref<8x46xf32, #tpu.memory_space<hbm>>) dst(%dma_wait3A_1235 : memref<8x46xf32, #tpu.memory_space<vmem>>)
    %dma_wait3A_1239 = arith.constant 2 : i32
    %dma_wait3A_1240 = arith.constant 0 : i32
    %dma_wait3A_1241 = arith.constant 0 : i32
    %dma_wait3A_1242 = tpu.memref_slice %arg7[%dma_wait3A_1239, %dma_wait3A_1240, %dma_wait3A_1241] : memref<8x8x46xf32, #tpu.memory_space<vmem>> -> memref<1x8x46xf32, #tpu.memory_space<vmem>>
    %dma_wait3A_1243 = tpu.memref_squeeze %dma_wait3A_1242 : memref<1x8x46xf32, #tpu.memory_space<vmem>> -> memref<8x46xf32, #tpu.memory_space<vmem>>
    %dma_wait3A_1244 = arith.constant 0 : i32
    %dma_wait3A_1245 = arith.constant 0 : i32
    %dma_wait3A_1246 = tpu.memref_slice %arg3[%dma_wait3A_1244, %dma_wait3A_1245] : memref<1000000x46xf32, #tpu.memory_space<hbm>> -> memref<8x46xf32, #tpu.memory_space<hbm>>
    %dma_wait3A_1247 = arith.constant 0 : i32
    %dma_wait3A_1248 = arith.constant 0 : i32
    %dma_wait3A_1249 = tpu.memref_slice %arg7[%dma_wait3A_1239, %dma_wait3A_1247, %dma_wait3A_1248] : memref<8x8x46xf32, #tpu.memory_space<vmem>> -> memref<1x8x46xf32, #tpu.memory_space<vmem>>
    %dma_wait3A_1250 = tpu.memref_squeeze %dma_wait3A_1249 : memref<1x8x46xf32, #tpu.memory_space<vmem>> -> memref<8x46xf32, #tpu.memory_space<vmem>>
    %dma_wait3A_1251 = arith.constant 0 : i32
    %dma_wait3A_1252 = arith.constant 0 : i32
    %dma_wait3A_1253 = tpu.memref_slice %arg3[%dma_wait3A_1251, %dma_wait3A_1252] : memref<1000000x46xf32, #tpu.memory_space<hbm>> -> memref<8x46xf32, #tpu.memory_space<hbm>>
    tpu.wait_dma2 semaphore(%arg10 : memref<!tpu.dma_semaphore, #tpu.memory_space<semaphore_mem>>) src(%dma_wait3A_1253 : memref<8x46xf32, #tpu.memory_space<hbm>>) dst(%dma_wait3A_1250 : memref<8x46xf32, #tpu.memory_space<vmem>>)
    %dma_wait3A_1254 = arith.constant 3 : i32
    %dma_wait3A_1255 = arith.constant 0 : i32
    %dma_wait3A_1256 = arith.constant 0 : i32
    %dma_wait3A_1257 = tpu.memref_slice %arg7[%dma_wait3A_1254, %dma_wait3A_1255, %dma_wait3A_1256] : memref<8x8x46xf32, #tpu.memory_space<vmem>> -> memref<1x8x46xf32, #tpu.memory_space<vmem>>
    %dma_wait3A_1258 = tpu.memref_squeeze %dma_wait3A_1257 : memref<1x8x46xf32, #tpu.memory_space<vmem>> -> memref<8x46xf32, #tpu.memory_space<vmem>>
    %dma_wait3A_1259 = arith.constant 0 : i32
    %dma_wait3A_1260 = arith.constant 0 : i32
    %dma_wait3A_1261 = tpu.memref_slice %arg3[%dma_wait3A_1259, %dma_wait3A_1260] : memref<1000000x46xf32, #tpu.memory_space<hbm>> -> memref<8x46xf32, #tpu.memory_space<hbm>>
    %dma_wait3A_1262 = arith.constant 0 : i32
    %dma_wait3A_1263 = arith.constant 0 : i32
    %dma_wait3A_1264 = tpu.memref_slice %arg7[%dma_wait3A_1254, %dma_wait3A_1262, %dma_wait3A_1263] : memref<8x8x46xf32, #tpu.memory_space<vmem>> -> memref<1x8x46xf32, #tpu.memory_space<vmem>>
    %dma_wait3A_1265 = tpu.memref_squeeze %dma_wait3A_1264 : memref<1x8x46xf32, #tpu.memory_space<vmem>> -> memref<8x46xf32, #tpu.memory_space<vmem>>
    %dma_wait3A_1266 = arith.constant 0 : i32
    %dma_wait3A_1267 = arith.constant 0 : i32
    %dma_wait3A_1268 = tpu.memref_slice %arg3[%dma_wait3A_1266, %dma_wait3A_1267] : memref<1000000x46xf32, #tpu.memory_space<hbm>> -> memref<8x46xf32, #tpu.memory_space<hbm>>
    tpu.wait_dma2 semaphore(%arg10 : memref<!tpu.dma_semaphore, #tpu.memory_space<semaphore_mem>>) src(%dma_wait3A_1268 : memref<8x46xf32, #tpu.memory_space<hbm>>) dst(%dma_wait3A_1265 : memref<8x46xf32, #tpu.memory_space<vmem>>)
    %dma_wait3A_1269 = arith.constant 4 : i32
    %dma_wait3A_1270 = arith.constant 0 : i32
    %dma_wait3A_1271 = arith.constant 0 : i32
    %dma_wait3A_1272 = tpu.memref_slice %arg7[%dma_wait3A_1269, %dma_wait3A_1270, %dma_wait3A_1271] : memref<8x8x46xf32, #tpu.memory_space<vmem>> -> memref<1x8x46xf32, #tpu.memory_space<vmem>>
    %dma_wait3A_1273 = tpu.memref_squeeze %dma_wait3A_1272 : memref<1x8x46xf32, #tpu.memory_space<vmem>> -> memref<8x46xf32, #tpu.memory_space<vmem>>
    %dma_wait3A_1274 = arith.constant 0 : i32
    %dma_wait3A_1275 = arith.constant 0 : i32
    %dma_wait3A_1276 = tpu.memref_slice %arg3[%dma_wait3A_1274, %dma_wait3A_1275] : memref<1000000x46xf32, #tpu.memory_space<hbm>> -> memref<8x46xf32, #tpu.memory_space<hbm>>
    %dma_wait3A_1277 = arith.constant 0 : i32
    %dma_wait3A_1278 = arith.constant 0 : i32
    %dma_wait3A_1279 = tpu.memref_slice %arg7[%dma_wait3A_1269, %dma_wait3A_1277, %dma_wait3A_1278] : memref<8x8x46xf32, #tpu.memory_space<vmem>> -> memref<1x8x46xf32, #tpu.memory_space<vmem>>
    %dma_wait3A_1280 = tpu.memref_squeeze %dma_wait3A_1279 : memref<1x8x46xf32, #tpu.memory_space<vmem>> -> memref<8x46xf32, #tpu.memory_space<vmem>>
    %dma_wait3A_1281 = arith.constant 0 : i32
    %dma_wait3A_1282 = arith.constant 0 : i32
    %dma_wait3A_1283 = tpu.memref_slice %arg3[%dma_wait3A_1281, %dma_wait3A_1282] : memref<1000000x46xf32, #tpu.memory_space<hbm>> -> memref<8x46xf32, #tpu.memory_space<hbm>>
    tpu.wait_dma2 semaphore(%arg10 : memref<!tpu.dma_semaphore, #tpu.memory_space<semaphore_mem>>) src(%dma_wait3A_1283 : memref<8x46xf32, #tpu.memory_space<hbm>>) dst(%dma_wait3A_1280 : memref<8x46xf32, #tpu.memory_space<vmem>>)
    %dma_wait3A_1284 = arith.constant 5 : i32
    %dma_wait3A_1285 = arith.constant 0 : i32
    %dma_wait3A_1286 = arith.constant 0 : i32
    %dma_wait3A_1287 = tpu.memref_slice %arg7[%dma_wait3A_1284, %dma_wait3A_1285, %dma_wait3A_1286] : memref<8x8x46xf32, #tpu.memory_space<vmem>> -> memref<1x8x46xf32, #tpu.memory_space<vmem>>
    %dma_wait3A_1288 = tpu.memref_squeeze %dma_wait3A_1287 : memref<1x8x46xf32, #tpu.memory_space<vmem>> -> memref<8x46xf32, #tpu.memory_space<vmem>>
    %dma_wait3A_1289 = arith.constant 0 : i32
    %dma_wait3A_1290 = arith.constant 0 : i32
    %dma_wait3A_1291 = tpu.memref_slice %arg3[%dma_wait3A_1289, %dma_wait3A_1290] : memref<1000000x46xf32, #tpu.memory_space<hbm>> -> memref<8x46xf32, #tpu.memory_space<hbm>>
    %dma_wait3A_1292 = arith.constant 0 : i32
    %dma_wait3A_1293 = arith.constant 0 : i32
    %dma_wait3A_1294 = tpu.memref_slice %arg7[%dma_wait3A_1284, %dma_wait3A_1292, %dma_wait3A_1293] : memref<8x8x46xf32, #tpu.memory_space<vmem>> -> memref<1x8x46xf32, #tpu.memory_space<vmem>>
    %dma_wait3A_1295 = tpu.memref_squeeze %dma_wait3A_1294 : memref<1x8x46xf32, #tpu.memory_space<vmem>> -> memref<8x46xf32, #tpu.memory_space<vmem>>
    %dma_wait3A_1296 = arith.constant 0 : i32
    %dma_wait3A_1297 = arith.constant 0 : i32
    %dma_wait3A_1298 = tpu.memref_slice %arg3[%dma_wait3A_1296, %dma_wait3A_1297] : memref<1000000x46xf32, #tpu.memory_space<hbm>> -> memref<8x46xf32, #tpu.memory_space<hbm>>
    tpu.wait_dma2 semaphore(%arg10 : memref<!tpu.dma_semaphore, #tpu.memory_space<semaphore_mem>>) src(%dma_wait3A_1298 : memref<8x46xf32, #tpu.memory_space<hbm>>) dst(%dma_wait3A_1295 : memref<8x46xf32, #tpu.memory_space<vmem>>)
    %dma_wait3A_1299 = arith.constant 6 : i32
    %dma_wait3A_1300 = arith.constant 0 : i32
    %dma_wait3A_1301 = arith.constant 0 : i32
    %dma_wait3A_1302 = tpu.memref_slice %arg7[%dma_wait3A_1299, %dma_wait3A_1300, %dma_wait3A_1301] : memref<8x8x46xf32, #tpu.memory_space<vmem>> -> memref<1x8x46xf32, #tpu.memory_space<vmem>>
    %dma_wait3A_1303 = tpu.memref_squeeze %dma_wait3A_1302 : memref<1x8x46xf32, #tpu.memory_space<vmem>> -> memref<8x46xf32, #tpu.memory_space<vmem>>
    %dma_wait3A_1304 = arith.constant 0 : i32
    %dma_wait3A_1305 = arith.constant 0 : i32
    %dma_wait3A_1306 = tpu.memref_slice %arg3[%dma_wait3A_1304, %dma_wait3A_1305] : memref<1000000x46xf32, #tpu.memory_space<hbm>> -> memref<8x46xf32, #tpu.memory_space<hbm>>
    %dma_wait3A_1307 = arith.constant 0 : i32
    %dma_wait3A_1308 = arith.constant 0 : i32
    %dma_wait3A_1309 = tpu.memref_slice %arg7[%dma_wait3A_1299, %dma_wait3A_1307, %dma_wait3A_1308] : memref<8x8x46xf32, #tpu.memory_space<vmem>> -> memref<1x8x46xf32, #tpu.memory_space<vmem>>
    %dma_wait3A_1310 = tpu.memref_squeeze %dma_wait3A_1309 : memref<1x8x46xf32, #tpu.memory_space<vmem>> -> memref<8x46xf32, #tpu.memory_space<vmem>>
    %dma_wait3A_1311 = arith.constant 0 : i32
    %dma_wait3A_1312 = arith.constant 0 : i32
    %dma_wait3A_1313 = tpu.memref_slice %arg3[%dma_wait3A_1311, %dma_wait3A_1312] : memref<1000000x46xf32, #tpu.memory_space<hbm>> -> memref<8x46xf32, #tpu.memory_space<hbm>>
    tpu.wait_dma2 semaphore(%arg10 : memref<!tpu.dma_semaphore, #tpu.memory_space<semaphore_mem>>) src(%dma_wait3A_1313 : memref<8x46xf32, #tpu.memory_space<hbm>>) dst(%dma_wait3A_1310 : memref<8x46xf32, #tpu.memory_space<vmem>>)
    %dma_wait3A_1314 = arith.constant 7 : i32
    %dma_wait3A_1315 = arith.constant 0 : i32
    %dma_wait3A_1316 = arith.constant 0 : i32
    %dma_wait3A_1317 = tpu.memref_slice %arg7[%dma_wait3A_1314, %dma_wait3A_1315, %dma_wait3A_1316] : memref<8x8x46xf32, #tpu.memory_space<vmem>> -> memref<1x8x46xf32, #tpu.memory_space<vmem>>
    %dma_wait3A_1318 = tpu.memref_squeeze %dma_wait3A_1317 : memref<1x8x46xf32, #tpu.memory_space<vmem>> -> memref<8x46xf32, #tpu.memory_space<vmem>>
    %dma_wait3A_1319 = arith.constant 0 : i32
    %dma_wait3A_1320 = arith.constant 0 : i32
    %dma_wait3A_1321 = tpu.memref_slice %arg3[%dma_wait3A_1319, %dma_wait3A_1320] : memref<1000000x46xf32, #tpu.memory_space<hbm>> -> memref<8x46xf32, #tpu.memory_space<hbm>>
    %dma_wait3A_1322 = arith.constant 0 : i32
    %dma_wait3A_1323 = arith.constant 0 : i32
    %dma_wait3A_1324 = tpu.memref_slice %arg7[%dma_wait3A_1314, %dma_wait3A_1322, %dma_wait3A_1323] : memref<8x8x46xf32, #tpu.memory_space<vmem>> -> memref<1x8x46xf32, #tpu.memory_space<vmem>>
    %dma_wait3A_1325 = tpu.memref_squeeze %dma_wait3A_1324 : memref<1x8x46xf32, #tpu.memory_space<vmem>> -> memref<8x46xf32, #tpu.memory_space<vmem>>
    %dma_wait3A_1326 = arith.constant 0 : i32
    %dma_wait3A_1327 = arith.constant 0 : i32
    %dma_wait3A_1328 = tpu.memref_slice %arg3[%dma_wait3A_1326, %dma_wait3A_1327] : memref<1000000x46xf32, #tpu.memory_space<hbm>> -> memref<8x46xf32, #tpu.memory_space<hbm>>
    tpu.wait_dma2 semaphore(%arg10 : memref<!tpu.dma_semaphore, #tpu.memory_space<semaphore_mem>>) src(%dma_wait3A_1328 : memref<8x46xf32, #tpu.memory_space<hbm>>) dst(%dma_wait3A_1325 : memref<8x46xf32, #tpu.memory_space<vmem>>)
    %broadcast_in_dim3A_1329 = arith.constant 0.000000e+00 : f32
    %broadcast_in_dim3A_1330 = vector.broadcast %broadcast_in_dim3A_1329 : f32 to vector<16xf32>
    %slice3A_1331 = vector.extract_strided_slice %get3A_673 {offsets = [8], sizes = [1], strides = [1]} : vector<16xi32> to vector<1xi32>
    %squeeze3A_1332 = vector.extract %slice3A_1331[0] : i32 from vector<1xi32>
    %rem3A_1333 = arith.constant 8 : i32
    %rem3A_1334 = arith.remsi %squeeze3A_1332, %rem3A_1333 : i32
    %get3A_1335 = arith.constant 0 : i32
    %get3A_1336 = arith.index_cast %get3A_1335 : i32 to index
    %get3A_1337 = arith.index_cast %rem3A_1334 : i32 to index
    %get3A_1338 = arith.constant 0 : index
    %get3A_1339 = tpu.vector_load %arg7[%get3A_1336, %get3A_1337, %get3A_1338] {strides = array<i32>} : memref<8x8x46xf32, #tpu.memory_space<vmem>>, vector<1x1x16xf32>,
    %get3A_1340 = vector.shape_cast %get3A_1339 : vector<1x1x16xf32> to vector<16xf32>
    %swap3A_1341 = arith.constant 504 : i32
    %swap3A_1342 = arith.index_cast %swap3A_1341 : i32 to index
    %swap3A_1343 = arith.constant 0 : index
    %swap3A_1344 = tpu.vector_load %arg8[%swap3A_1342, %swap3A_1343] {strides = array<i32>} : memref<512x64xf32, #tpu.memory_space<vmem>>, vector<1x16xf32>,
    %swap3A_1345 = vector.shape_cast %swap3A_1344 : vector<1x16xf32> to vector<16xf32>
    %swap3A_1346 = vector.shape_cast %get3A_1340 : vector<16xf32> to vector<1x16xf32>
    tpu.vector_store %arg8[%swap3A_1342, %swap3A_1343], %swap3A_1346 {strides = array<i32>} : memref<512x64xf32, #tpu.memory_space<vmem>>, vector<1x16xf32>,
    %get3A_1347 = arith.constant 0 : i32
    %get3A_1348 = arith.index_cast %get3A_1347 : i32 to index
    %get3A_1349 = arith.index_cast %rem3A_1334 : i32 to index
    %get3A_1350 = arith.constant 16 : index
    %get3A_1351 = tpu.vector_load %arg7[%get3A_1348, %get3A_1349, %get3A_1350] {strides = array<i32>} : memref<8x8x46xf32, #tpu.memory_space<vmem>>, vector<1x1x16xf32>,
    %get3A_1352 = vector.shape_cast %get3A_1351 : vector<1x1x16xf32> to vector<16xf32>
    %swap3A_1353 = arith.constant 504 : i32
    %swap3A_1354 = arith.index_cast %swap3A_1353 : i32 to index
    %swap3A_1355 = arith.constant 16 : index
    %swap3A_1356 = tpu.vector_load %arg8[%swap3A_1354, %swap3A_1355] {strides = array<i32>} : memref<512x64xf32, #tpu.memory_space<vmem>>, vector<1x16xf32>,
    %swap3A_1357 = vector.shape_cast %swap3A_1356 : vector<1x16xf32> to vector<16xf32>
    %swap3A_1358 = vector.shape_cast %get3A_1352 : vector<16xf32> to vector<1x16xf32>
    tpu.vector_store %arg8[%swap3A_1354, %swap3A_1355], %swap3A_1358 {strides = array<i32>} : memref<512x64xf32, #tpu.memory_space<vmem>>, vector<1x16xf32>,
    %get3A_1359 = arith.constant 0 : i32
    %get3A_1360 = arith.index_cast %get3A_1359 : i32 to index
    %get3A_1361 = arith.index_cast %rem3A_1334 : i32 to index
    %get3A_1362 = arith.constant 30 : index
    %get3A_1363 = tpu.vector_load %arg7[%get3A_1360, %get3A_1361, %get3A_1362] {strides = array<i32>} : memref<8x8x46xf32, #tpu.memory_space<vmem>>, vector<1x1x16xf32>,
    %get3A_1364 = vector.shape_cast %get3A_1363 : vector<1x1x16xf32> to vector<16xf32>
    %swap3A_1365 = arith.constant 504 : i32
    %swap3A_1366 = arith.index_cast %swap3A_1365 : i32 to index
    %swap3A_1367 = arith.constant 30 : index
    %swap3A_1368 = tpu.vector_load %arg8[%swap3A_1366, %swap3A_1367] {strides = array<i32>} : memref<512x64xf32, #tpu.memory_space<vmem>>, vector<1x16xf32>,
    %swap3A_1369 = vector.shape_cast %swap3A_1368 : vector<1x16xf32> to vector<16xf32>
    %swap3A_1370 = vector.shape_cast %get3A_1364 : vector<16xf32> to vector<1x16xf32>
    tpu.vector_store %arg8[%swap3A_1366, %swap3A_1367], %swap3A_1370 {strides = array<i32>} : memref<512x64xf32, #tpu.memory_space<vmem>>, vector<1x16xf32>,
    %swap3A_1371 = arith.constant 504 : i32
    %swap3A_1372 = arith.index_cast %swap3A_1371 : i32 to index
    %swap3A_1373 = arith.constant 46 : index
    %swap3A_1374 = tpu.vector_load %arg8[%swap3A_1372, %swap3A_1373] {strides = array<i32>} : memref<512x64xf32, #tpu.memory_space<vmem>>, vector<1x16xf32>,
    %swap3A_1375 = vector.shape_cast %swap3A_1374 : vector<1x16xf32> to vector<16xf32>
    %swap3A_1376 = vector.shape_cast %broadcast_in_dim3A_1330 : vector<16xf32> to vector<1x16xf32>
    tpu.vector_store %arg8[%swap3A_1372, %swap3A_1373], %swap3A_1376 {strides = array<i32>} : memref<512x64xf32, #tpu.memory_space<vmem>>, vector<1x16xf32>,
    %swap3A_1377 = arith.constant 504 : i32
    %swap3A_1378 = arith.index_cast %swap3A_1377 : i32 to index
    %swap3A_1379 = arith.constant 48 : index
    %swap3A_1380 = tpu.vector_load %arg8[%swap3A_1378, %swap3A_1379] {strides = array<i32>} : memref<512x64xf32, #tpu.memory_space<vmem>>, vector<1x16xf32>,
    %swap3A_1381 = vector.shape_cast %swap3A_1380 : vector<1x16xf32> to vector<16xf32>
    %swap3A_1382 = vector.shape_cast %broadcast_in_dim3A_1330 : vector<16xf32> to vector<1x16xf32>
    tpu.vector_store %arg8[%swap3A_1378, %swap3A_1379], %swap3A_1382 {strides = array<i32>} : memref<512x64xf32, #tpu.memory_space<vmem>>, vector<1x16xf32>,
    %slice3A_1383 = vector.extract_strided_slice %get3A_673 {offsets = [9], sizes = [1], strides = [1]} : vector<16xi32> to vector<1xi32>
    %squeeze3A_1384 = vector.extract %slice3A_1383[0] : i32 from vector<1xi32>
    %rem3A_1385 = arith.constant 8 : i32
    %rem3A_1386 = arith.remsi %squeeze3A_1384, %rem3A_1385 : i32
    %get3A_1387 = arith.constant 1 : i32
    %get3A_1388 = arith.index_cast %get3A_1387 : i32 to index
    %get3A_1389 = arith.index_cast %rem3A_1386 : i32 to index
    %get3A_1390 = arith.constant 0 : index
    %get3A_1391 = tpu.vector_load %arg7[%get3A_1388, %get3A_1389, %get3A_1390] {strides = array<i32>} : memref<8x8x46xf32, #tpu.memory_space<vmem>>, vector<1x1x16xf32>,
    %get3A_1392 = vector.shape_cast %get3A_1391 : vector<1x1x16xf32> to vector<16xf32>
    %swap3A_1393 = arith.constant 505 : i32
    %swap3A_1394 = arith.index_cast %swap3A_1393 : i32 to index
    %swap3A_1395 = arith.constant 0 : index
    %swap3A_1396 = tpu.vector_load %arg8[%swap3A_1394, %swap3A_1395] {strides = array<i32>} : memref<512x64xf32, #tpu.memory_space<vmem>>, vector<1x16xf32>,
    %swap3A_1397 = vector.shape_cast %swap3A_1396 : vector<1x16xf32> to vector<16xf32>
    %swap3A_1398 = vector.shape_cast %get3A_1392 : vector<16xf32> to vector<1x16xf32>
    tpu.vector_store %arg8[%swap3A_1394, %swap3A_1395], %swap3A_1398 {strides = array<i32>} : memref<512x64xf32, #tpu.memory_space<vmem>>, vector<1x16xf32>,
    %get3A_1399 = arith.constant 1 : i32
    %get3A_1400 = arith.index_cast %get3A_1399 : i32 to index
    %get3A_1401 = arith.index_cast %rem3A_1386 : i32 to index
    %get3A_1402 = arith.constant 16 : index
    %get3A_1403 = tpu.vector_load %arg7[%get3A_1400, %get3A_1401, %get3A_1402] {strides = array<i32>} : memref<8x8x46xf32, #tpu.memory_space<vmem>>, vector<1x1x16xf32>,
    %get3A_1404 = vector.shape_cast %get3A_1403 : vector<1x1x16xf32> to vector<16xf32>
    %swap3A_1405 = arith.constant 505 : i32
    %swap3A_1406 = arith.index_cast %swap3A_1405 : i32 to index
    %swap3A_1407 = arith.constant 16 : index
    %swap3A_1408 = tpu.vector_load %arg8[%swap3A_1406, %swap3A_1407] {strides = array<i32>} : memref<512x64xf32, #tpu.memory_space<vmem>>, vector<1x16xf32>,
    %swap3A_1409 = vector.shape_cast %swap3A_1408 : vector<1x16xf32> to vector<16xf32>
    %swap3A_1410 = vector.shape_cast %get3A_1404 : vector<16xf32> to vector<1x16xf32>
    tpu.vector_store %arg8[%swap3A_1406, %swap3A_1407], %swap3A_1410 {strides = array<i32>} : memref<512x64xf32, #tpu.memory_space<vmem>>, vector<1x16xf32>,
    %get3A_1411 = arith.constant 1 : i32
    %get3A_1412 = arith.index_cast %get3A_1411 : i32 to index
    %get3A_1413 = arith.index_cast %rem3A_1386 : i32 to index
    %get3A_1414 = arith.constant 30 : index
    %get3A_1415 = tpu.vector_load %arg7[%get3A_1412, %get3A_1413, %get3A_1414] {strides = array<i32>} : memref<8x8x46xf32, #tpu.memory_space<vmem>>, vector<1x1x16xf32>,
    %get3A_1416 = vector.shape_cast %get3A_1415 : vector<1x1x16xf32> to vector<16xf32>
    %swap3A_1417 = arith.constant 505 : i32
    %swap3A_1418 = arith.index_cast %swap3A_1417 : i32 to index
    %swap3A_1419 = arith.constant 30 : index
    %swap3A_1420 = tpu.vector_load %arg8[%swap3A_1418, %swap3A_1419] {strides = array<i32>} : memref<512x64xf32, #tpu.memory_space<vmem>>, vector<1x16xf32>,
    %swap3A_1421 = vector.shape_cast %swap3A_1420 : vector<1x16xf32> to vector<16xf32>
    %swap3A_1422 = vector.shape_cast %get3A_1416 : vector<16xf32> to vector<1x16xf32>
    tpu.vector_store %arg8[%swap3A_1418, %swap3A_1419], %swap3A_1422 {strides = array<i32>} : memref<512x64xf32, #tpu.memory_space<vmem>>, vector<1x16xf32>,
    %swap3A_1423 = arith.constant 505 : i32
    %swap3A_1424 = arith.index_cast %swap3A_1423 : i32 to index
    %swap3A_1425 = arith.constant 46 : index
    %swap3A_1426 = tpu.vector_load %arg8[%swap3A_1424, %swap3A_1425] {strides = array<i32>} : memref<512x64xf32, #tpu.memory_space<vmem>>, vector<1x16xf32>,
    %swap3A_1427 = vector.shape_cast %swap3A_1426 : vector<1x16xf32> to vector<16xf32>
    %swap3A_1428 = vector.shape_cast %broadcast_in_dim3A_1330 : vector<16xf32> to vector<1x16xf32>
    tpu.vector_store %arg8[%swap3A_1424, %swap3A_1425], %swap3A_1428 {strides = array<i32>} : memref<512x64xf32, #tpu.memory_space<vmem>>, vector<1x16xf32>,
    %swap3A_1429 = arith.constant 505 : i32
    %swap3A_1430 = arith.index_cast %swap3A_1429 : i32 to index
    %swap3A_1431 = arith.constant 48 : index
    %swap3A_1432 = tpu.vector_load %arg8[%swap3A_1430, %swap3A_1431] {strides = array<i32>} : memref<512x64xf32, #tpu.memory_space<vmem>>, vector<1x16xf32>,
    %swap3A_1433 = vector.shape_cast %swap3A_1432 : vector<1x16xf32> to vector<16xf32>
    %swap3A_1434 = vector.shape_cast %broadcast_in_dim3A_1330 : vector<16xf32> to vector<1x16xf32>
    tpu.vector_store %arg8[%swap3A_1430, %swap3A_1431], %swap3A_1434 {strides = array<i32>} : memref<512x64xf32, #tpu.memory_space<vmem>>, vector<1x16xf32>,
    %slice3A_1435 = vector.extract_strided_slice %get3A_673 {offsets = [10], sizes = [1], strides = [1]} : vector<16xi32> to vector<1xi32>
    %squeeze3A_1436 = vector.extract %slice3A_1435[0] : i32 from vector<1xi32>
    %rem3A_1437 = arith.constant 8 : i32
    %rem3A_1438 = arith.remsi %squeeze3A_1436, %rem3A_1437 : i32
    %get3A_1439 = arith.constant 2 : i32
    %get3A_1440 = arith.index_cast %get3A_1439 : i32 to index
    %get3A_1441 = arith.index_cast %rem3A_1438 : i32 to index
    %get3A_1442 = arith.constant 0 : index
    %get3A_1443 = tpu.vector_load %arg7[%get3A_1440, %get3A_1441, %get3A_1442] {strides = array<i32>} : memref<8x8x46xf32, #tpu.memory_space<vmem>>, vector<1x1x16xf32>,
    %get3A_1444 = vector.shape_cast %get3A_1443 : vector<1x1x16xf32> to vector<16xf32>
    %swap3A_1445 = arith.constant 506 : i32
    %swap3A_1446 = arith.index_cast %swap3A_1445 : i32 to index
    %swap3A_1447 = arith.constant 0 : index
    %swap3A_1448 = tpu.vector_load %arg8[%swap3A_1446, %swap3A_1447] {strides = array<i32>} : memref<512x64xf32, #tpu.memory_space<vmem>>, vector<1x16xf32>,
    %swap3A_1449 = vector.shape_cast %swap3A_1448 : vector<1x16xf32> to vector<16xf32>
    %swap3A_1450 = vector.shape_cast %get3A_1444 : vector<16xf32> to vector<1x16xf32>
    tpu.vector_store %arg8[%swap3A_1446, %swap3A_1447], %swap3A_1450 {strides = array<i32>} : memref<512x64xf32, #tpu.memory_space<vmem>>, vector<1x16xf32>,
    %get3A_1451 = arith.constant 2 : i32
    %get3A_1452 = arith.index_cast %get3A_1451 : i32 to index
    %get3A_1453 = arith.index_cast %rem3A_1438 : i32 to index
    %get3A_1454 = arith.constant 16 : index
    %get3A_1455 = tpu.vector_load %arg7[%get3A_1452, %get3A_1453, %get3A_1454] {strides = array<i32>} : memref<8x8x46xf32, #tpu.memory_space<vmem>>, vector<1x1x16xf32>,
    %get3A_1456 = vector.shape_cast %get3A_1455 : vector<1x1x16xf32> to vector<16xf32>
    %swap3A_1457 = arith.constant 506 : i32
    %swap3A_1458 = arith.index_cast %swap3A_1457 : i32 to index
    %swap3A_1459 = arith.constant 16 : index
    %swap3A_1460 = tpu.vector_load %arg8[%swap3A_1458, %swap3A_1459] {strides = array<i32>} : memref<512x64xf32, #tpu.memory_space<vmem>>, vector<1x16xf32>,
    %swap3A_1461 = vector.shape_cast %swap3A_1460 : vector<1x16xf32> to vector<16xf32>
    %swap3A_1462 = vector.shape_cast %get3A_1456 : vector<16xf32> to vector<1x16xf32>
    tpu.vector_store %arg8[%swap3A_1458, %swap3A_1459], %swap3A_1462 {strides = array<i32>} : memref<512x64xf32, #tpu.memory_space<vmem>>, vector<1x16xf32>,
    %get3A_1463 = arith.constant 2 : i32
    %get3A_1464 = arith.index_cast %get3A_1463 : i32 to index
    %get3A_1465 = arith.index_cast %rem3A_1438 : i32 to index
    %get3A_1466 = arith.constant 30 : index
    %get3A_1467 = tpu.vector_load %arg7[%get3A_1464, %get3A_1465, %get3A_1466] {strides = array<i32>} : memref<8x8x46xf32, #tpu.memory_space<vmem>>, vector<1x1x16xf32>,
    %get3A_1468 = vector.shape_cast %get3A_1467 : vector<1x1x16xf32> to vector<16xf32>
    %swap3A_1469 = arith.constant 506 : i32
    %swap3A_1470 = arith.index_cast %swap3A_1469 : i32 to index
    %swap3A_1471 = arith.constant 30 : index
    %swap3A_1472 = tpu.vector_load %arg8[%swap3A_1470, %swap3A_1471] {strides = array<i32>} : memref<512x64xf32, #tpu.memory_space<vmem>>, vector<1x16xf32>,
    %swap3A_1473 = vector.shape_cast %swap3A_1472 : vector<1x16xf32> to vector<16xf32>
    %swap3A_1474 = vector.shape_cast %get3A_1468 : vector<16xf32> to vector<1x16xf32>
    tpu.vector_store %arg8[%swap3A_1470, %swap3A_1471], %swap3A_1474 {strides = array<i32>} : memref<512x64xf32, #tpu.memory_space<vmem>>, vector<1x16xf32>,
    %swap3A_1475 = arith.constant 506 : i32
    %swap3A_1476 = arith.index_cast %swap3A_1475 : i32 to index
    %swap3A_1477 = arith.constant 46 : index
    %swap3A_1478 = tpu.vector_load %arg8[%swap3A_1476, %swap3A_1477] {strides = array<i32>} : memref<512x64xf32, #tpu.memory_space<vmem>>, vector<1x16xf32>,
    %swap3A_1479 = vector.shape_cast %swap3A_1478 : vector<1x16xf32> to vector<16xf32>
    %swap3A_1480 = vector.shape_cast %broadcast_in_dim3A_1330 : vector<16xf32> to vector<1x16xf32>
    tpu.vector_store %arg8[%swap3A_1476, %swap3A_1477], %swap3A_1480 {strides = array<i32>} : memref<512x64xf32, #tpu.memory_space<vmem>>, vector<1x16xf32>,
    %swap3A_1481 = arith.constant 506 : i32
    %swap3A_1482 = arith.index_cast %swap3A_1481 : i32 to index
    %swap3A_1483 = arith.constant 48 : index
    %swap3A_1484 = tpu.vector_load %arg8[%swap3A_1482, %swap3A_1483] {strides = array<i32>} : memref<512x64xf32, #tpu.memory_space<vmem>>, vector<1x16xf32>,
    %swap3A_1485 = vector.shape_cast %swap3A_1484 : vector<1x16xf32> to vector<16xf32>
    %swap3A_1486 = vector.shape_cast %broadcast_in_dim3A_1330 : vector<16xf32> to vector<1x16xf32>
    tpu.vector_store %arg8[%swap3A_1482, %swap3A_1483], %swap3A_1486 {strides = array<i32>} : memref<512x64xf32, #tpu.memory_space<vmem>>, vector<1x16xf32>,
    %slice3A_1487 = vector.extract_strided_slice %get3A_673 {offsets = [11], sizes = [1], strides = [1]} : vector<16xi32> to vector<1xi32>
    %squeeze3A_1488 = vector.extract %slice3A_1487[0] : i32 from vector<1xi32>
    %rem3A_1489 = arith.constant 8 : i32
    %rem3A_1490 = arith.remsi %squeeze3A_1488, %rem3A_1489 : i32
    %get3A_1491 = arith.constant 3 : i32
    %get3A_1492 = arith.index_cast %get3A_1491 : i32 to index
    %get3A_1493 = arith.index_cast %rem3A_1490 : i32 to index
    %get3A_1494 = arith.constant 0 : index
    %get3A_1495 = tpu.vector_load %arg7[%get3A_1492, %get3A_1493, %get3A_1494] {strides = array<i32>} : memref<8x8x46xf32, #tpu.memory_space<vmem>>, vector<1x1x16xf32>,
    %get3A_1496 = vector.shape_cast %get3A_1495 : vector<1x1x16xf32> to vector<16xf32>
    %swap3A_1497 = arith.constant 507 : i32
    %swap3A_1498 = arith.index_cast %swap3A_1497 : i32 to index
    %swap3A_1499 = arith.constant 0 : index
    %swap3A_1500 = tpu.vector_load %arg8[%swap3A_1498, %swap3A_1499] {strides = array<i32>} : memref<512x64xf32, #tpu.memory_space<vmem>>, vector<1x16xf32>,
    %swap3A_1501 = vector.shape_cast %swap3A_1500 : vector<1x16xf32> to vector<16xf32>
    %swap3A_1502 = vector.shape_cast %get3A_1496 : vector<16xf32> to vector<1x16xf32>
    tpu.vector_store %arg8[%swap3A_1498, %swap3A_1499], %swap3A_1502 {strides = array<i32>} : memref<512x64xf32, #tpu.memory_space<vmem>>, vector<1x16xf32>,
    %get3A_1503 = arith.constant 3 : i32
    %get3A_1504 = arith.index_cast %get3A_1503 : i32 to index
    %get3A_1505 = arith.index_cast %rem3A_1490 : i32 to index
    %get3A_1506 = arith.constant 16 : index
    %get3A_1507 = tpu.vector_load %arg7[%get3A_1504, %get3A_1505, %get3A_1506] {strides = array<i32>} : memref<8x8x46xf32, #tpu.memory_space<vmem>>, vector<1x1x16xf32>,
    %get3A_1508 = vector.shape_cast %get3A_1507 : vector<1x1x16xf32> to vector<16xf32>
    %swap3A_1509 = arith.constant 507 : i32
    %swap3A_1510 = arith.index_cast %swap3A_1509 : i32 to index
    %swap3A_1511 = arith.constant 16 : index
    %swap3A_1512 = tpu.vector_load %arg8[%swap3A_1510, %swap3A_1511] {strides = array<i32>} : memref<512x64xf32, #tpu.memory_space<vmem>>, vector<1x16xf32>,
    %swap3A_1513 = vector.shape_cast %swap3A_1512 : vector<1x16xf32> to vector<16xf32>
    %swap3A_1514 = vector.shape_cast %get3A_1508 : vector<16xf32> to vector<1x16xf32>
    tpu.vector_store %arg8[%swap3A_1510, %swap3A_1511], %swap3A_1514 {strides = array<i32>} : memref<512x64xf32, #tpu.memory_space<vmem>>, vector<1x16xf32>,
    %get3A_1515 = arith.constant 3 : i32
    %get3A_1516 = arith.index_cast %get3A_1515 : i32 to index
    %get3A_1517 = arith.index_cast %rem3A_1490 : i32 to index
    %get3A_1518 = arith.constant 30 : index
    %get3A_1519 = tpu.vector_load %arg7[%get3A_1516, %get3A_1517, %get3A_1518] {strides = array<i32>} : memref<8x8x46xf32, #tpu.memory_space<vmem>>, vector<1x1x16xf32>,
    %get3A_1520 = vector.shape_cast %get3A_1519 : vector<1x1x16xf32> to vector<16xf32>
    %swap3A_1521 = arith.constant 507 : i32
    %swap3A_1522 = arith.index_cast %swap3A_1521 : i32 to index
    %swap3A_1523 = arith.constant 30 : index
    %swap3A_1524 = tpu.vector_load %arg8[%swap3A_1522, %swap3A_1523] {strides = array<i32>} : memref<512x64xf32, #tpu.memory_space<vmem>>, vector<1x16xf32>,
    %swap3A_1525 = vector.shape_cast %swap3A_1524 : vector<1x16xf32> to vector<16xf32>
    %swap3A_1526 = vector.shape_cast %get3A_1520 : vector<16xf32> to vector<1x16xf32>
    tpu.vector_store %arg8[%swap3A_1522, %swap3A_1523], %swap3A_1526 {strides = array<i32>} : memref<512x64xf32, #tpu.memory_space<vmem>>, vector<1x16xf32>,
    %swap3A_1527 = arith.constant 507 : i32
    %swap3A_1528 = arith.index_cast %swap3A_1527 : i32 to index
    %swap3A_1529 = arith.constant 46 : index
    %swap3A_1530 = tpu.vector_load %arg8[%swap3A_1528, %swap3A_1529] {strides = array<i32>} : memref<512x64xf32, #tpu.memory_space<vmem>>, vector<1x16xf32>,
    %swap3A_1531 = vector.shape_cast %swap3A_1530 : vector<1x16xf32> to vector<16xf32>
    %swap3A_1532 = vector.shape_cast %broadcast_in_dim3A_1330 : vector<16xf32> to vector<1x16xf32>
    tpu.vector_store %arg8[%swap3A_1528, %swap3A_1529], %swap3A_1532 {strides = array<i32>} : memref<512x64xf32, #tpu.memory_space<vmem>>, vector<1x16xf32>,
    %swap3A_1533 = arith.constant 507 : i32
    %swap3A_1534 = arith.index_cast %swap3A_1533 : i32 to index
    %swap3A_1535 = arith.constant 48 : index
    %swap3A_1536 = tpu.vector_load %arg8[%swap3A_1534, %swap3A_1535] {strides = array<i32>} : memref<512x64xf32, #tpu.memory_space<vmem>>, vector<1x16xf32>,
    %swap3A_1537 = vector.shape_cast %swap3A_1536 : vector<1x16xf32> to vector<16xf32>
    %swap3A_1538 = vector.shape_cast %broadcast_in_dim3A_1330 : vector<16xf32> to vector<1x16xf32>
    tpu.vector_store %arg8[%swap3A_1534, %swap3A_1535], %swap3A_1538 {strides = array<i32>} : memref<512x64xf32, #tpu.memory_space<vmem>>, vector<1x16xf32>,
    %slice3A_1539 = vector.extract_strided_slice %get3A_673 {offsets = [12], sizes = [1], strides = [1]} : vector<16xi32> to vector<1xi32>
    %squeeze3A_1540 = vector.extract %slice3A_1539[0] : i32 from vector<1xi32>
    %rem3A_1541 = arith.constant 8 : i32
    %rem3A_1542 = arith.remsi %squeeze3A_1540, %rem3A_1541 : i32
    %get3A_1543 = arith.constant 4 : i32
    %get3A_1544 = arith.index_cast %get3A_1543 : i32 to index
    %get3A_1545 = arith.index_cast %rem3A_1542 : i32 to index
    %get3A_1546 = arith.constant 0 : index
    %get3A_1547 = tpu.vector_load %arg7[%get3A_1544, %get3A_1545, %get3A_1546] {strides = array<i32>} : memref<8x8x46xf32, #tpu.memory_space<vmem>>, vector<1x1x16xf32>,
    %get3A_1548 = vector.shape_cast %get3A_1547 : vector<1x1x16xf32> to vector<16xf32>
    %swap3A_1549 = arith.constant 508 : i32
    %swap3A_1550 = arith.index_cast %swap3A_1549 : i32 to index
    %swap3A_1551 = arith.constant 0 : index
    %swap3A_1552 = tpu.vector_load %arg8[%swap3A_1550, %swap3A_1551] {strides = array<i32>} : memref<512x64xf32, #tpu.memory_space<vmem>>, vector<1x16xf32>,
    %swap3A_1553 = vector.shape_cast %swap3A_1552 : vector<1x16xf32> to vector<16xf32>
    %swap3A_1554 = vector.shape_cast %get3A_1548 : vector<16xf32> to vector<1x16xf32>
    tpu.vector_store %arg8[%swap3A_1550, %swap3A_1551], %swap3A_1554 {strides = array<i32>} : memref<512x64xf32, #tpu.memory_space<vmem>>, vector<1x16xf32>,
    %get3A_1555 = arith.constant 4 : i32
    %get3A_1556 = arith.index_cast %get3A_1555 : i32 to index
    %get3A_1557 = arith.index_cast %rem3A_1542 : i32 to index
    %get3A_1558 = arith.constant 16 : index
    %get3A_1559 = tpu.vector_load %arg7[%get3A_1556, %get3A_1557, %get3A_1558] {strides = array<i32>} : memref<8x8x46xf32, #tpu.memory_space<vmem>>, vector<1x1x16xf32>,
    %get3A_1560 = vector.shape_cast %get3A_1559 : vector<1x1x16xf32> to vector<16xf32>
    %swap3A_1561 = arith.constant 508 : i32
    %swap3A_1562 = arith.index_cast %swap3A_1561 : i32 to index
    %swap3A_1563 = arith.constant 16 : index
    %swap3A_1564 = tpu.vector_load %arg8[%swap3A_1562, %swap3A_1563] {strides = array<i32>} : memref<512x64xf32, #tpu.memory_space<vmem>>, vector<1x16xf32>,
    %swap3A_1565 = vector.shape_cast %swap3A_1564 : vector<1x16xf32> to vector<16xf32>
    %swap3A_1566 = vector.shape_cast %get3A_1560 : vector<16xf32> to vector<1x16xf32>
    tpu.vector_store %arg8[%swap3A_1562, %swap3A_1563], %swap3A_1566 {strides = array<i32>} : memref<512x64xf32, #tpu.memory_space<vmem>>, vector<1x16xf32>,
    %get3A_1567 = arith.constant 4 : i32
    %get3A_1568 = arith.index_cast %get3A_1567 : i32 to index
    %get3A_1569 = arith.index_cast %rem3A_1542 : i32 to index
    %get3A_1570 = arith.constant 30 : index
    %get3A_1571 = tpu.vector_load %arg7[%get3A_1568, %get3A_1569, %get3A_1570] {strides = array<i32>} : memref<8x8x46xf32, #tpu.memory_space<vmem>>, vector<1x1x16xf32>,
    %get3A_1572 = vector.shape_cast %get3A_1571 : vector<1x1x16xf32> to vector<16xf32>
    %swap3A_1573 = arith.constant 508 : i32
    %swap3A_1574 = arith.index_cast %swap3A_1573 : i32 to index
    %swap3A_1575 = arith.constant 30 : index
    %swap3A_1576 = tpu.vector_load %arg8[%swap3A_1574, %swap3A_1575] {strides = array<i32>} : memref<512x64xf32, #tpu.memory_space<vmem>>, vector<1x16xf32>,
    %swap3A_1577 = vector.shape_cast %swap3A_1576 : vector<1x16xf32> to vector<16xf32>
    %swap3A_1578 = vector.shape_cast %get3A_1572 : vector<16xf32> to vector<1x16xf32>
    tpu.vector_store %arg8[%swap3A_1574, %swap3A_1575], %swap3A_1578 {strides = array<i32>} : memref<512x64xf32, #tpu.memory_space<vmem>>, vector<1x16xf32>,
    %swap3A_1579 = arith.constant 508 : i32
    %swap3A_1580 = arith.index_cast %swap3A_1579 : i32 to index
    %swap3A_1581 = arith.constant 46 : index
    %swap3A_1582 = tpu.vector_load %arg8[%swap3A_1580, %swap3A_1581] {strides = array<i32>} : memref<512x64xf32, #tpu.memory_space<vmem>>, vector<1x16xf32>,
    %swap3A_1583 = vector.shape_cast %swap3A_1582 : vector<1x16xf32> to vector<16xf32>
    %swap3A_1584 = vector.shape_cast %broadcast_in_dim3A_1330 : vector<16xf32> to vector<1x16xf32>
    tpu.vector_store %arg8[%swap3A_1580, %swap3A_1581], %swap3A_1584 {strides = array<i32>} : memref<512x64xf32, #tpu.memory_space<vmem>>, vector<1x16xf32>,
    %swap3A_1585 = arith.constant 508 : i32
    %swap3A_1586 = arith.index_cast %swap3A_1585 : i32 to index
    %swap3A_1587 = arith.constant 48 : index
    %swap3A_1588 = tpu.vector_load %arg8[%swap3A_1586, %swap3A_1587] {strides = array<i32>} : memref<512x64xf32, #tpu.memory_space<vmem>>, vector<1x16xf32>,
    %swap3A_1589 = vector.shape_cast %swap3A_1588 : vector<1x16xf32> to vector<16xf32>
    %swap3A_1590 = vector.shape_cast %broadcast_in_dim3A_1330 : vector<16xf32> to vector<1x16xf32>
    tpu.vector_store %arg8[%swap3A_1586, %swap3A_1587], %swap3A_1590 {strides = array<i32>} : memref<512x64xf32, #tpu.memory_space<vmem>>, vector<1x16xf32>,
    %slice3A_1591 = vector.extract_strided_slice %get3A_673 {offsets = [13], sizes = [1], strides = [1]} : vector<16xi32> to vector<1xi32>
    %squeeze3A_1592 = vector.extract %slice3A_1591[0] : i32 from vector<1xi32>
    %rem3A_1593 = arith.constant 8 : i32
    %rem3A_1594 = arith.remsi %squeeze3A_1592, %rem3A_1593 : i32
    %get3A_1595 = arith.constant 5 : i32
    %get3A_1596 = arith.index_cast %get3A_1595 : i32 to index
    %get3A_1597 = arith.index_cast %rem3A_1594 : i32 to index
    %get3A_1598 = arith.constant 0 : index
    %get3A_1599 = tpu.vector_load %arg7[%get3A_1596, %get3A_1597, %get3A_1598] {strides = array<i32>} : memref<8x8x46xf32, #tpu.memory_space<vmem>>, vector<1x1x16xf32>,
    %get3A_1600 = vector.shape_cast %get3A_1599 : vector<1x1x16xf32> to vector<16xf32>
    %swap3A_1601 = arith.constant 509 : i32
    %swap3A_1602 = arith.index_cast %swap3A_1601 : i32 to index
    %swap3A_1603 = arith.constant 0 : index
    %swap3A_1604 = tpu.vector_load %arg8[%swap3A_1602, %swap3A_1603] {strides = array<i32>} : memref<512x64xf32, #tpu.memory_space<vmem>>, vector<1x16xf32>,
    %swap3A_1605 = vector.shape_cast %swap3A_1604 : vector<1x16xf32> to vector<16xf32>
    %swap3A_1606 = vector.shape_cast %get3A_1600 : vector<16xf32> to vector<1x16xf32>
    tpu.vector_store %arg8[%swap3A_1602, %swap3A_1603], %swap3A_1606 {strides = array<i32>} : memref<512x64xf32, #tpu.memory_space<vmem>>, vector<1x16xf32>,
    %get3A_1607 = arith.constant 5 : i32
    %get3A_1608 = arith.index_cast %get3A_1607 : i32 to index
    %get3A_1609 = arith.index_cast %rem3A_1594 : i32 to index
    %get3A_1610 = arith.constant 16 : index
    %get3A_1611 = tpu.vector_load %arg7[%get3A_1608, %get3A_1609, %get3A_1610] {strides = array<i32>} : memref<8x8x46xf32, #tpu.memory_space<vmem>>, vector<1x1x16xf32>,
    %get3A_1612 = vector.shape_cast %get3A_1611 : vector<1x1x16xf32> to vector<16xf32>
    %swap3A_1613 = arith.constant 509 : i32
    %swap3A_1614 = arith.index_cast %swap3A_1613 : i32 to index
    %swap3A_1615 = arith.constant 16 : index
    %swap3A_1616 = tpu.vector_load %arg8[%swap3A_1614, %swap3A_1615] {strides = array<i32>} : memref<512x64xf32, #tpu.memory_space<vmem>>, vector<1x16xf32>,
    %swap3A_1617 = vector.shape_cast %swap3A_1616 : vector<1x16xf32> to vector<16xf32>
    %swap3A_1618 = vector.shape_cast %get3A_1612 : vector<16xf32> to vector<1x16xf32>
    tpu.vector_store %arg8[%swap3A_1614, %swap3A_1615], %swap3A_1618 {strides = array<i32>} : memref<512x64xf32, #tpu.memory_space<vmem>>, vector<1x16xf32>,
    %get3A_1619 = arith.constant 5 : i32
    %get3A_1620 = arith.index_cast %get3A_1619 : i32 to index
    %get3A_1621 = arith.index_cast %rem3A_1594 : i32 to index
    %get3A_1622 = arith.constant 30 : index
    %get3A_1623 = tpu.vector_load %arg7[%get3A_1620, %get3A_1621, %get3A_1622] {strides = array<i32>} : memref<8x8x46xf32, #tpu.memory_space<vmem>>, vector<1x1x16xf32>,
    %get3A_1624 = vector.shape_cast %get3A_1623 : vector<1x1x16xf32> to vector<16xf32>
    %swap3A_1625 = arith.constant 509 : i32
    %swap3A_1626 = arith.index_cast %swap3A_1625 : i32 to index
    %swap3A_1627 = arith.constant 30 : index
    %swap3A_1628 = tpu.vector_load %arg8[%swap3A_1626, %swap3A_1627] {strides = array<i32>} : memref<512x64xf32, #tpu.memory_space<vmem>>, vector<1x16xf32>,
    %swap3A_1629 = vector.shape_cast %swap3A_1628 : vector<1x16xf32> to vector<16xf32>
    %swap3A_1630 = vector.shape_cast %get3A_1624 : vector<16xf32> to vector<1x16xf32>
    tpu.vector_store %arg8[%swap3A_1626, %swap3A_1627], %swap3A_1630 {strides = array<i32>} : memref<512x64xf32, #tpu.memory_space<vmem>>, vector<1x16xf32>,
    %swap3A_1631 = arith.constant 509 : i32
    %swap3A_1632 = arith.index_cast %swap3A_1631 : i32 to index
    %swap3A_1633 = arith.constant 46 : index
    %swap3A_1634 = tpu.vector_load %arg8[%swap3A_1632, %swap3A_1633] {strides = array<i32>} : memref<512x64xf32, #tpu.memory_space<vmem>>, vector<1x16xf32>,
    %swap3A_1635 = vector.shape_cast %swap3A_1634 : vector<1x16xf32> to vector<16xf32>
    %swap3A_1636 = vector.shape_cast %broadcast_in_dim3A_1330 : vector<16xf32> to vector<1x16xf32>
    tpu.vector_store %arg8[%swap3A_1632, %swap3A_1633], %swap3A_1636 {strides = array<i32>} : memref<512x64xf32, #tpu.memory_space<vmem>>, vector<1x16xf32>,
    %swap3A_1637 = arith.constant 509 : i32
    %swap3A_1638 = arith.index_cast %swap3A_1637 : i32 to index
    %swap3A_1639 = arith.constant 48 : index
    %swap3A_1640 = tpu.vector_load %arg8[%swap3A_1638, %swap3A_1639] {strides = array<i32>} : memref<512x64xf32, #tpu.memory_space<vmem>>, vector<1x16xf32>,
    %swap3A_1641 = vector.shape_cast %swap3A_1640 : vector<1x16xf32> to vector<16xf32>
    %swap3A_1642 = vector.shape_cast %broadcast_in_dim3A_1330 : vector<16xf32> to vector<1x16xf32>
    tpu.vector_store %arg8[%swap3A_1638, %swap3A_1639], %swap3A_1642 {strides = array<i32>} : memref<512x64xf32, #tpu.memory_space<vmem>>, vector<1x16xf32>,
    %slice3A_1643 = vector.extract_strided_slice %get3A_673 {offsets = [14], sizes = [1], strides = [1]} : vector<16xi32> to vector<1xi32>
    %squeeze3A_1644 = vector.extract %slice3A_1643[0] : i32 from vector<1xi32>
    %rem3A_1645 = arith.constant 8 : i32
    %rem3A_1646 = arith.remsi %squeeze3A_1644, %rem3A_1645 : i32
    %get3A_1647 = arith.constant 6 : i32
    %get3A_1648 = arith.index_cast %get3A_1647 : i32 to index
    %get3A_1649 = arith.index_cast %rem3A_1646 : i32 to index
    %get3A_1650 = arith.constant 0 : index
    %get3A_1651 = tpu.vector_load %arg7[%get3A_1648, %get3A_1649, %get3A_1650] {strides = array<i32>} : memref<8x8x46xf32, #tpu.memory_space<vmem>>, vector<1x1x16xf32>,
    %get3A_1652 = vector.shape_cast %get3A_1651 : vector<1x1x16xf32> to vector<16xf32>
    %swap3A_1653 = arith.constant 510 : i32
    %swap3A_1654 = arith.index_cast %swap3A_1653 : i32 to index
    %swap3A_1655 = arith.constant 0 : index
    %swap3A_1656 = tpu.vector_load %arg8[%swap3A_1654, %swap3A_1655] {strides = array<i32>} : memref<512x64xf32, #tpu.memory_space<vmem>>, vector<1x16xf32>,
    %swap3A_1657 = vector.shape_cast %swap3A_1656 : vector<1x16xf32> to vector<16xf32>
    %swap3A_1658 = vector.shape_cast %get3A_1652 : vector<16xf32> to vector<1x16xf32>
    tpu.vector_store %arg8[%swap3A_1654, %swap3A_1655], %swap3A_1658 {strides = array<i32>} : memref<512x64xf32, #tpu.memory_space<vmem>>, vector<1x16xf32>,
    %get3A_1659 = arith.constant 6 : i32
    %get3A_1660 = arith.index_cast %get3A_1659 : i32 to index
    %get3A_1661 = arith.index_cast %rem3A_1646 : i32 to index
    %get3A_1662 = arith.constant 16 : index
    %get3A_1663 = tpu.vector_load %arg7[%get3A_1660, %get3A_1661, %get3A_1662] {strides = array<i32>} : memref<8x8x46xf32, #tpu.memory_space<vmem>>, vector<1x1x16xf32>,
    %get3A_1664 = vector.shape_cast %get3A_1663 : vector<1x1x16xf32> to vector<16xf32>
    %swap3A_1665 = arith.constant 510 : i32
    %swap3A_1666 = arith.index_cast %swap3A_1665 : i32 to index
    %swap3A_1667 = arith.constant 16 : index
    %swap3A_1668 = tpu.vector_load %arg8[%swap3A_1666, %swap3A_1667] {strides = array<i32>} : memref<512x64xf32, #tpu.memory_space<vmem>>, vector<1x16xf32>,
    %swap3A_1669 = vector.shape_cast %swap3A_1668 : vector<1x16xf32> to vector<16xf32>
    %swap3A_1670 = vector.shape_cast %get3A_1664 : vector<16xf32> to vector<1x16xf32>
    tpu.vector_store %arg8[%swap3A_1666, %swap3A_1667], %swap3A_1670 {strides = array<i32>} : memref<512x64xf32, #tpu.memory_space<vmem>>, vector<1x16xf32>,
    %get3A_1671 = arith.constant 6 : i32
    %get3A_1672 = arith.index_cast %get3A_1671 : i32 to index
    %get3A_1673 = arith.index_cast %rem3A_1646 : i32 to index
    %get3A_1674 = arith.constant 30 : index
    %get3A_1675 = tpu.vector_load %arg7[%get3A_1672, %get3A_1673, %get3A_1674] {strides = array<i32>} : memref<8x8x46xf32, #tpu.memory_space<vmem>>, vector<1x1x16xf32>,
    %get3A_1676 = vector.shape_cast %get3A_1675 : vector<1x1x16xf32> to vector<16xf32>
    %swap3A_1677 = arith.constant 510 : i32
    %swap3A_1678 = arith.index_cast %swap3A_1677 : i32 to index
    %swap3A_1679 = arith.constant 30 : index
    %swap3A_1680 = tpu.vector_load %arg8[%swap3A_1678, %swap3A_1679] {strides = array<i32>} : memref<512x64xf32, #tpu.memory_space<vmem>>, vector<1x16xf32>,
    %swap3A_1681 = vector.shape_cast %swap3A_1680 : vector<1x16xf32> to vector<16xf32>
    %swap3A_1682 = vector.shape_cast %get3A_1676 : vector<16xf32> to vector<1x16xf32>
    tpu.vector_store %arg8[%swap3A_1678, %swap3A_1679], %swap3A_1682 {strides = array<i32>} : memref<512x64xf32, #tpu.memory_space<vmem>>, vector<1x16xf32>,
    %swap3A_1683 = arith.constant 510 : i32
    %swap3A_1684 = arith.index_cast %swap3A_1683 : i32 to index
    %swap3A_1685 = arith.constant 46 : index
    %swap3A_1686 = tpu.vector_load %arg8[%swap3A_1684, %swap3A_1685] {strides = array<i32>} : memref<512x64xf32, #tpu.memory_space<vmem>>, vector<1x16xf32>,
    %swap3A_1687 = vector.shape_cast %swap3A_1686 : vector<1x16xf32> to vector<16xf32>
    %swap3A_1688 = vector.shape_cast %broadcast_in_dim3A_1330 : vector<16xf32> to vector<1x16xf32>
    tpu.vector_store %arg8[%swap3A_1684, %swap3A_1685], %swap3A_1688 {strides = array<i32>} : memref<512x64xf32, #tpu.memory_space<vmem>>, vector<1x16xf32>,
    %swap3A_1689 = arith.constant 510 : i32
    %swap3A_1690 = arith.index_cast %swap3A_1689 : i32 to index
    %swap3A_1691 = arith.constant 48 : index
    %swap3A_1692 = tpu.vector_load %arg8[%swap3A_1690, %swap3A_1691] {strides = array<i32>} : memref<512x64xf32, #tpu.memory_space<vmem>>, vector<1x16xf32>,
    %swap3A_1693 = vector.shape_cast %swap3A_1692 : vector<1x16xf32> to vector<16xf32>
    %swap3A_1694 = vector.shape_cast %broadcast_in_dim3A_1330 : vector<16xf32> to vector<1x16xf32>
    tpu.vector_store %arg8[%swap3A_1690, %swap3A_1691], %swap3A_1694 {strides = array<i32>} : memref<512x64xf32, #tpu.memory_space<vmem>>, vector<1x16xf32>,
    %slice3A_1695 = vector.extract_strided_slice %get3A_673 {offsets = [15], sizes = [1], strides = [1]} : vector<16xi32> to vector<1xi32>
    %squeeze3A_1696 = vector.extract %slice3A_1695[0] : i32 from vector<1xi32>
    %rem3A_1697 = arith.constant 8 : i32
    %rem3A_1698 = arith.remsi %squeeze3A_1696, %rem3A_1697 : i32
    %get3A_1699 = arith.constant 7 : i32
    %get3A_1700 = arith.index_cast %get3A_1699 : i32 to index
    %get3A_1701 = arith.index_cast %rem3A_1698 : i32 to index
    %get3A_1702 = arith.constant 0 : index
    %get3A_1703 = tpu.vector_load %arg7[%get3A_1700, %get3A_1701, %get3A_1702] {strides = array<i32>} : memref<8x8x46xf32, #tpu.memory_space<vmem>>, vector<1x1x16xf32>,
    %get3A_1704 = vector.shape_cast %get3A_1703 : vector<1x1x16xf32> to vector<16xf32>
    %swap3A_1705 = arith.constant 511 : i32
    %swap3A_1706 = arith.index_cast %swap3A_1705 : i32 to index
    %swap3A_1707 = arith.constant 0 : index
    %swap3A_1708 = tpu.vector_load %arg8[%swap3A_1706, %swap3A_1707] {strides = array<i32>} : memref<512x64xf32, #tpu.memory_space<vmem>>, vector<1x16xf32>,
    %swap3A_1709 = vector.shape_cast %swap3A_1708 : vector<1x16xf32> to vector<16xf32>
    %swap3A_1710 = vector.shape_cast %get3A_1704 : vector<16xf32> to vector<1x16xf32>
    tpu.vector_store %arg8[%swap3A_1706, %swap3A_1707], %swap3A_1710 {strides = array<i32>} : memref<512x64xf32, #tpu.memory_space<vmem>>, vector<1x16xf32>,
    %get3A_1711 = arith.constant 7 : i32
    %get3A_1712 = arith.index_cast %get3A_1711 : i32 to index
    %get3A_1713 = arith.index_cast %rem3A_1698 : i32 to index
    %get3A_1714 = arith.constant 16 : index
    %get3A_1715 = tpu.vector_load %arg7[%get3A_1712, %get3A_1713, %get3A_1714] {strides = array<i32>} : memref<8x8x46xf32, #tpu.memory_space<vmem>>, vector<1x1x16xf32>,
    %get3A_1716 = vector.shape_cast %get3A_1715 : vector<1x1x16xf32> to vector<16xf32>
    %swap3A_1717 = arith.constant 511 : i32
    %swap3A_1718 = arith.index_cast %swap3A_1717 : i32 to index
    %swap3A_1719 = arith.constant 16 : index
    %swap3A_1720 = tpu.vector_load %arg8[%swap3A_1718, %swap3A_1719] {strides = array<i32>} : memref<512x64xf32, #tpu.memory_space<vmem>>, vector<1x16xf32>,
    %swap3A_1721 = vector.shape_cast %swap3A_1720 : vector<1x16xf32> to vector<16xf32>
    %swap3A_1722 = vector.shape_cast %get3A_1716 : vector<16xf32> to vector<1x16xf32>
    tpu.vector_store %arg8[%swap3A_1718, %swap3A_1719], %swap3A_1722 {strides = array<i32>} : memref<512x64xf32, #tpu.memory_space<vmem>>, vector<1x16xf32>,
    %get3A_1723 = arith.constant 7 : i32
    %get3A_1724 = arith.index_cast %get3A_1723 : i32 to index
    %get3A_1725 = arith.index_cast %rem3A_1698 : i32 to index
    %get3A_1726 = arith.constant 30 : index
    %get3A_1727 = tpu.vector_load %arg7[%get3A_1724, %get3A_1725, %get3A_1726] {strides = array<i32>} : memref<8x8x46xf32, #tpu.memory_space<vmem>>, vector<1x1x16xf32>,
    %get3A_1728 = vector.shape_cast %get3A_1727 : vector<1x1x16xf32> to vector<16xf32>
    %swap3A_1729 = arith.constant 511 : i32
    %swap3A_1730 = arith.index_cast %swap3A_1729 : i32 to index
    %swap3A_1731 = arith.constant 30 : index
    %swap3A_1732 = tpu.vector_load %arg8[%swap3A_1730, %swap3A_1731] {strides = array<i32>} : memref<512x64xf32, #tpu.memory_space<vmem>>, vector<1x16xf32>,
    %swap3A_1733 = vector.shape_cast %swap3A_1732 : vector<1x16xf32> to vector<16xf32>
    %swap3A_1734 = vector.shape_cast %get3A_1728 : vector<16xf32> to vector<1x16xf32>
    tpu.vector_store %arg8[%swap3A_1730, %swap3A_1731], %swap3A_1734 {strides = array<i32>} : memref<512x64xf32, #tpu.memory_space<vmem>>, vector<1x16xf32>,
    %swap3A_1735 = arith.constant 511 : i32
    %swap3A_1736 = arith.index_cast %swap3A_1735 : i32 to index
    %swap3A_1737 = arith.constant 46 : index
    %swap3A_1738 = tpu.vector_load %arg8[%swap3A_1736, %swap3A_1737] {strides = array<i32>} : memref<512x64xf32, #tpu.memory_space<vmem>>, vector<1x16xf32>,
    %swap3A_1739 = vector.shape_cast %swap3A_1738 : vector<1x16xf32> to vector<16xf32>
    %swap3A_1740 = vector.shape_cast %broadcast_in_dim3A_1330 : vector<16xf32> to vector<1x16xf32>
    tpu.vector_store %arg8[%swap3A_1736, %swap3A_1737], %swap3A_1740 {strides = array<i32>} : memref<512x64xf32, #tpu.memory_space<vmem>>, vector<1x16xf32>,
    %swap3A_1741 = arith.constant 511 : i32
    %swap3A_1742 = arith.index_cast %swap3A_1741 : i32 to index
    %swap3A_1743 = arith.constant 48 : index
    %swap3A_1744 = tpu.vector_load %arg8[%swap3A_1742, %swap3A_1743] {strides = array<i32>} : memref<512x64xf32, #tpu.memory_space<vmem>>, vector<1x16xf32>,
    %swap3A_1745 = vector.shape_cast %swap3A_1744 : vector<1x16xf32> to vector<16xf32>
    %swap3A_1746 = vector.shape_cast %broadcast_in_dim3A_1330 : vector<16xf32> to vector<1x16xf32>
    tpu.vector_store %arg8[%swap3A_1742, %swap3A_1743], %swap3A_1746 {strides = array<i32>} : memref<512x64xf32, #tpu.memory_space<vmem>>, vector<1x16xf32>,
    "tpu.region"() ({
      %run_scoped3A = tpu.sem_alloc : memref<!tpu.dma_semaphore, #tpu.memory_space<semaphore_mem>>
      %dma_start3A_1747 = arith.constant 0 : i32
      %dma_start3A_1748 = tpu.memref_slice %arg4[%multiple_of3A, %dma_start3A_1747] : memref<16384x64xf32, #tpu.memory_space<hbm>> -> memref<512x64xf32, #tpu.memory_space<hbm>>
      %dma_start3A_1749 = arith.constant 0 : i32
      %dma_start3A_1750 = tpu.memref_slice %arg4[%multiple_of3A, %dma_start3A_1749] : memref<16384x64xf32, #tpu.memory_space<hbm>> -> memref<512x64xf32, #tpu.memory_space<hbm>>
      tpu.enqueue_dma source(%arg8 : memref<512x64xf32, #tpu.memory_space<vmem>>) target(%dma_start3A_1750 : memref<512x64xf32, #tpu.memory_space<hbm>>) target_semaphore(%run_scoped3A : memref<!tpu.dma_semaphore, #tpu.memory_space<semaphore_mem>>)
      %dma_wait3A_1751 = arith.constant 0 : i32
      %dma_wait3A_1752 = tpu.memref_slice %arg4[%multiple_of3A, %dma_wait3A_1751] : memref<16384x64xf32, #tpu.memory_space<hbm>> -> memref<512x64xf32, #tpu.memory_space<hbm>>
      %dma_wait3A_1753 = arith.constant 0 : i32
      %dma_wait3A_1754 = tpu.memref_slice %arg4[%multiple_of3A, %dma_wait3A_1753] : memref<16384x64xf32, #tpu.memory_space<hbm>> -> memref<512x64xf32, #tpu.memory_space<hbm>>
      tpu.wait_dma2 semaphore(%run_scoped3A : memref<!tpu.dma_semaphore, #tpu.memory_space<semaphore_mem>>) src(%arg8 : memref<512x64xf32, #tpu.memory_space<vmem>>) dst(%dma_wait3A_1754 : memref<512x64xf32, #tpu.memory_space<hbm>>)
      tpu.yield
    }) : () -> ()
    return
  }
}

</mosaic_0001>

<sc_bundles>
// kernel: kernel.3.cloned.1.call-start
scs
__scs_entry_jumppad:
0x0: {  	(pc) =	sbr.rel $0x88, $3  }
0x1: {  	(tag) =	ssettag $0x0;
	lr =	simm.s32 $0x1  }
0x2: {  	[smem:$0x3F9F] =	sst lr;
	_ =	strace $0xD0000000  }
0x3: {  	_ = 	snop  }
0x4: {  	_ = 	snop  }
0x5: {  	_ = 	snop  }
0x6: {  	_ = 	snop  }
0x7: {  	_ = 	snop  }
__scs_overlays_trampoline_lowered:
0x8: {  	[smem:$0x3FAE] =	sst s0  }
0x9: {  	[smem:$0x3FAF] =	sst s1  }
0xa: {  	[smem:$0x3FB0] =	sst s2  }
0xb: {  	[smem:$0x3FB1] =	sst s3  }
0xc: {  	[smem:$0x3FB2] =	sst s4  }
0xd: {  	[smem:$0x3FB3] =	sst s5  }
0xe: {  	[smem:$0x3FB4] =	sst s6  }
0xf: {  	[smem:$0x3FB5] =	sst s7  }
0x10: {  	[smem:$0x3FB6] =	sst s8  }
0x11: {  	[smem:$0x3FB7] =	sst s9;
	s0 =	simm.s32 @!p0 $0x0  }
0x12: {  	s1 =	sld [smem:$0x3F9D];
	s0 =	simm.s32 @p0 $0x1  }
0x13: {  	[smem:$0x3FB8] =	sst s0;
	s0 =	simm.s32 @!p1 $0x0  }
0x14: {  	s2 =	sld [smem:$0x3F9C];
	s0 =	simm.s32 @p1 $0x1  }
0x15: {  	[smem:$0x3FB9] =	sst s0;
	s0 =	simm.s32 @!p2 $0x0  }
0x16: {  	s3 =	sld [smem:$0x3FDB];
	s0 =	simm.s32 @p2 $0x1  }
0x17: {  	s4 =	simm.s32 $0x1BF5;
	[smem:$0x3FBB] =	sst s0  }
0x18: {  	s0 =	sld [smem:$0x3F9E];
	_ =	swait.ge [sflag:s4], $0x0  }
0x19: {  	s7 =	sld [smem:$0x3F9F]  }
0x1a: {  	s8 =	sadd.s32 $0xFFFFE003, lr  }
0x1b: {  	s9 =	sadd.s32 $0xFFFFFEF7, lr;
	s5 =	simm.s32 $0xFFFFFFFF;
	p2 =	slt.u32 s8, $0xFFFFF086  }
0x1c: {  	p1 =	slt.u32 s9, $0xF7A;
	s5 =	simm.s32 @!p2 $0x0  }
0x1d: {  	s5 =	simm.s32 @p1 $0x1;
	p0 =	seq.s32 s7, s2  }
0x1e: {  	s7 =	smul.u32 @!p0 $0xF7A, s2;
	p2 =	seq.s32 @!p0 s5, $0x0  }
0x1f: {  	s9 =	smul.u32 $0xF7A, s1;
	s8 =	simm.s32 @!p0 $0x1BF5;
	p2 =	por !p2, p0  }
0x20: {  	[sflag:s8] =	ssyncset.s32 @!p0 $0xFFFFF086;
	s6 =	sadd.s32 @!p0 s3, s7;
	s7 =	simm.s32 @!p0 $0x108  }
0x21: {  	s3 =	sadd.s32 s3, s9;
	s6 =	sadd.s32 @!p0 $0x88, s6;
	s7 =	simm.s32 @p2 $0x1082  }
0x22: {  	[simem:s7], [sflag:s8] =	dma.local @!p0 [hbm:s6], $0xF7A  }
0x23: {  	s9 =	sor.u32 $0xD0000000, s2;
	s6 =	simm.s32 $0x108;
	_ =	swait.ge @!p0 [sflag:s8], $0x0  }
0x24: {  	s3 =	sadd.s32 $0x88, s3;
	s6 =	simm.s32 @!p1 $0x1082;
	[sflag:s4] =	ssyncset.s32 $0xFFFFF086  }
0x25: {  	[simem:s6], [sflag:s4] =	dma.local [hbm:s3], $0xF7A  }
0x26: {  	[smem:$0x3F9F] =	sst s1;
	(tag) =	ssettag s2;
	_ =	strace s9  }
0x27: {  	s1 =	sld [smem:$0x3FAF]  }
0x28: {  	s2 =	sld [smem:$0x3FB0]  }
0x29: {  	s4 =	sld [smem:$0x3FB2]  }
0x2a: {  	p0 =	seq.s32 s5, $0x0;
	s5 =	sld [smem:$0x3FB3]  }
0x2b: {  	s6 =	sld [smem:$0x3FB4]  }
0x2c: {  	s7 =	sld [smem:$0x3FB5]  }
0x2d: {  	s3 =	simm.s32 $0x108;
	s8 =	sld [smem:$0x3FB6]  }
0x2e: {  	s3 =	simm.s32 @!p0 $0x1082;
	s9 =	sld [smem:$0x3FB7]  }
0x2f: {  	lr =	sadd.s32 s0, s3;
	s0 =	sld [smem:$0x3FAE]  }
0x30: {  	s3 =	sld [smem:$0x3FB1]  }
0x31: {  	[smem:$0x3FBA] =	sst s10  }
0x32: {  	s10 =	sld [smem:$0x3FB8];
	_ =	sdelay $0x3  }
0x33: {  	p0 =	seq.s32 s10, $0x1;
	s10 =	sld [smem:$0x3FBA];
	_ =	sdelay $0x3  }
0x34: {  	[smem:$0x3FBA] =	sst s10  }
0x35: {  	s10 =	sld [smem:$0x3FB9];
	_ =	sdelay $0x3  }
0x36: {  	p1 =	seq.s32 s10, $0x1;
	s10 =	sld [smem:$0x3FBA];
	_ =	sdelay $0x3  }
0x37: {  	[smem:$0x3FBA] =	sst s10  }
0x38: {  	s10 =	sld [smem:$0x3FBB]  }
0x39: {  	_ = 	snop;
	(pc) =	sbr.ind lr, $3  }
0x3a: {  	_ = 	snop  }
0x3b: {  	_ = 	snop  }
0x3c: {  	p2 =	seq.s32 s10, $0x1;
	s10 =	sld [smem:$0x3FBA]  }
0x3d: {  	_ =	shalt  }
0x3e: {  	_ =	shalt  }
0x3f: {  	_ =	shalt  }
0x40: {  	_ =	shalt  }
0x41: {  	_ =	shalt  }
0x42: {  	_ =	shalt  }
0x43: {  	_ =	shalt  }
0x44: {  	_ =	shalt  }
0x45: {  	_ =	shalt  }
0x46: {  	_ =	shalt  }
0x47: {  	_ =	shalt  }
0x48: {  	_ =	shalt  }
0x49: {  	_ =	shalt  }
0x4a: {  	_ =	shalt  }
0x4b: {  	_ =	shalt  }
0x4c: {  	_ =	shalt  }
0x4d: {  	_ =	shalt  }
0x4e: {  	_ =	shalt  }
0x4f: {  	_ =	shalt  }
0x50: {  	_ =	shalt  }
0x51: {  	_ =	shalt  }
0x52: {  	_ =	shalt  }
0x53: {  	_ =	shalt  }
0x54: {  	_ =	shalt  }
0x55: {  	_ =	shalt  }
0x56: {  	_ =	shalt  }
0x57: {  	_ =	shalt  }
0x58: {  	_ =	shalt  }
0x59: {  	_ =	shalt  }
0x5a: {  	_ =	shalt  }
0x5b: {  	_ =	shalt  }
0x5c: {  	_ =	shalt  }
0x5d: {  	_ =	shalt  }
0x5e: {  	_ =	shalt  }
0x5f: {  	_ =	shalt  }
0x60: {  	_ =	shalt  }
0x61: {  	_ =	shalt  }
0x62: {  	_ =	shalt  }
0x63: {  	_ =	shalt  }
0x64: {  	_ =	shalt  }
0x65: {  	_ =	shalt  }
0x66: {  	_ =	shalt  }
0x67: {  	_ =	shalt  }
0x68: {  	_ =	shalt  }
0x69: {  	_ =	shalt  }
0x6a: {  	_ =	shalt  }
0x6b: {  	_ =	shalt  }
0x6c: {  	_ =	shalt  }
0x6d: {  	_ =	shalt  }
0x6e: {  	_ =	shalt  }
0x6f: {  	_ =	shalt  }
0x70: {  	_ =	shalt  }
0x71: {  	_ =	shalt  }
0x72: {  	_ =	shalt  }
0x73: {  	_ =	shalt  }
0x74: {  	_ =	shalt  }
0x75: {  	_ =	shalt  }
0x76: {  	_ =	shalt  }
0x77: {  	_ =	shalt  }
0x78: {  	_ =	shalt  }
0x79: {  	_ =	shalt  }
0x7a: {  	_ =	shalt  }
0x7b: {  	_ =	shalt  }
0x7c: {  	_ =	shalt  }
0x7d: {  	_ =	shalt  }
0x7e: {  	_ =	shalt  }
0x7f: {  	_ =	shalt  }
0x80: {  	_ =	shalt  }
0x81: {  	_ =	shalt  }
0x82: {  	_ =	shalt  }
0x83: {  	_ =	shalt  }
0x84: {  	_ =	shalt  }
0x85: {  	_ =	shalt  }
0x86: {  	_ =	shalt  }
0x87: {  	_ =	shalt  }
.Lfunc_end0:
.L_simem_size_0:
called_computation_lowered:
.L_overlay_start_0:
0x88: {  	s2 =	sld [smem:$0x3FD9]  }
0x89: {  	s3 =	sld [smem:$0x3FFE];
	_ =	sdelay $0x1  }
0x8a: {  	s1 =	srdreg.scid  }
0x8b: {  	s0 =	sand.u32 $0x1, s1  }
0x8c: {  	s17 =	sshll.u32 s0, $0xA;
	s2 =	sadd.s32 s3, s2  }
0x8d: {  	s2 =	sadd.s32 s2, s17  }
0x8e: {  	[smem:$0x3FC6] =	sst s2  }
0x8f: {  	_ = 	snop  }
0x90: {  	s2 =	sld [smem:$0x3FC9];
	(tm) =	ssettm $0x1  }
0x91: {  	s18 =	sld [smem:$0x3FFB];
	_ =	sdelay $0x3  }
0x92: {  	_ =	strace s18  }
0x93: {  	s3 =	sld [smem:$0x3FFC];
	_ =	sdelay $0x3  }
0x94: {  	_ =	strace s3  }
0x95: {  	s3 =	sld [smem:$0x3FFD];
	_ =	sdelay $0x3  }
0x96: {  	_ =	strace s3  }
0x97: {  	_ =	strace $0x8FFFFFFF  }
0x98: {  	s19 =	sld [smem:$0x3FDB];
	_ =	sdelay $0x1  }
0x99: {  	s4 =	simm.s32 $_scs_section_size  }
0x9a: {  	s5 =	simm.s32 $_size__tile_overlayer_lowered;
	s6 =	simm.s32 $_tile_overlayer_lowered  }
0x9b: {  	s22 =	simm.s32 $0x1BFF;
	s21 =	sshll.u32 s6, $0x1;
	s3 =	sadd.s32 s4, s19  }
0x9c: {  	s7 =	simm.s32 $0x0;
	s20 =	sshll.u32 s5, $0x1;
	s5 =	sadd.s32 s21, s3  }
0x9d: {  	[timem:s7], [sflag:s22] =	dma.local [hbm:s5], s20  }
0x9e: {  	_ =	swait.ge [sflag:s22], s20  }
0x9f: {  	s4 =	ssub.s32 $0x0, s20;
	[sflag:s22] =	ssyncset.done $0x0  }
0xa0: {  	[sflag:s22] =	ssyncadd.s32 s4;
	_ =	sdelay $0x1  }
0xa1: {  	s23 =	simm.s32 $0x1B8B  }
0xa2: {  	_ =	swait.ge [sflag:s23], $0x1  }
0xa3: {  	[sflag:s23] =	ssyncset.done $0x0  }
0xa4: {  	s25 =	simm.s32 $0x1B8E;
	s24 =	sld [smem:$0x3FFE];
	[sflag:s23] =	ssyncadd.s32 $0xFFFFFFFF  }
0xa5: {  	s26 =	simm.s32 $execute0_lowered;
	[smem:$0x3FD2] =	sst s25  }
0xa6: {  	s5 =	sshll.u32 s26, $0x1;
	_ =	strace $0x80000046;
	[dreg:$0x1] =	wrdreg $0xFFFFFFFF  }
0xa7: {  	s28 =	simm.s32 $_size_execute0_lowered;
	s3 =	sadd.s32 s3, s5;
	[dreg:$0x0] =	wrdreg $0x0  }
0xa8: {  	s5 =	sshll.u32 s28, $0x1;
	[dreg:$0x2] =	wrdreg s3  }
0xa9: {  	[dreg:$0x3] =	wrdreg s5  }
0xaa: {  	[dreg:$0x4] =	wrdreg $0xC0  }
0xab: {  	_ =	task [dreg:s7], $0x5FFFF  }
0xac: {  	[dreg:$0x1] =	wrdreg $0xFFFFFFFF  }
0xad: {  	[dreg:$0x0] =	wrdreg $0x60  }
0xae: {  	[dreg:$0x2] =	wrdreg s2  }
0xaf: {  	[dreg:$0x3] =	wrdreg s24  }
0xb0: {  	[dreg:$0x4] =	wrdreg $0x9  }
0xb1: {  	_ =	task.clear_ibuf [dreg:s7], $0x5FFFF;
	_ =	strace $0x90000046  }
0xb2: {  	s29 =	simm.s32 $0x9;
	_ =	strace $0x80000048  }
0xb3: {  	_ =	swait.ge [sflag:s29], $0x1  }
0xb4: {  	[sflag:s29] =	ssyncadd.s32 $0xFFFFFFFF  }
0xb5: {  	_ =	strace $0x90000048  }
0xb6: {  	_ =	sfence  }
0xb7: {  	s30 =	sld [smem:$0x0];
	_ =	sdelay $0x2  }
0xb8: {  	s31 =	sshll.u32 s1, $0xD;
	s1 =	sshrl.u32 s1, $0x2  }
0xb9: {  	s3 =	sand.u32 $0x4000, s31;
	s1 =	sadd.s32 s1, s30  }
0xba: {  	s0 =	sor.u32 s3, s0;
	s1 =	sshll.u32 s1, $0x11  }
0xbb: {  	s0 =	sor.u32 s1, s0  }
0xbc: {  	s0 =	sadd.s32 $0x8F2B, s0  }
0xbd: {  	[sflag:s0] =	ssyncadd.remote.s32 $0x1  }
0xbe: {  	_ =	sfence.sel $0xFFFF  }
0xbf: {  	[dreg:$0x0] =	wrdreg $0xFFFFFFFF;
	(pc) =	sbr.abs _section_cstart, $3  }
0xc0: {  	[dreg:$0x1] =	wrdreg $0xFFFFFFFF  }
0xc1: {  	_ =	task.clear_ibuf [dreg:s7], $0x2FFFF;
	_ =	strace $0x9FFFFFFF  }
0xc2: {  	(tm) =	ssettm $0x7FFFFFFF  }
0xc3: {  	_ =	shalt  }
tec
execute0_lowered:
.L_overlay_start_1:
0x0: {  	(tag) =	ssettag $0x1  }
0x1: {  	s0 =	rddreg [dreg:$0x0]  }
0x2: {  	s1 =	rddreg [dreg:$0x1];
	s3 =	srdreg.scid;
	s4 =	simm.s32 $0x0  }
0x3: {  	s2 =	stileid.u32;
	s28 =	simm.s32 $0x1;
	s8 =	simm.s32 $0x200  }
0x4: {  	s22 =	simm.s32 $0x600;
	s23 =	simm.s32 $0xA00;
	s30 =	simm.s32 $0x1600  }
0x5: {  	s31 =	simm.s32 $0x1A00;
	s10 =	simm.s32 $0x2600;
	s12 =	simm.s32 $0x2A00  }
0x6: {  	s3 =	sand.u32 $0x1, s3;
	[smem:$0x7FF] =	sst s4;
	s24 =	sshll.u32 s2, $0xA  }
0x7: {  	s2 =	simm.s32 $0x0;
	s5 =	sshll.u32 s3, $0x9;
	_ =	strace $0x80000047  }
0x8: {  	s25 =	ssub.s32 $0x2, s3;
	s3 =	sadd.s32 $0x400, s1;
	s4 =	sor.u32 s5, s24  }
0x9: {  	s7 =	sshrl.u32 s25, $0x1;
	s24 =	simm.s32 $0xE00;
	s6 =	sshll.u32 s4, $0x4  }
0xa: {  	s5 =	ssub.s32 s25, s7;
	s4 =	sshrl.u32 s4, $0x3;
	s7 =	simm.s32 $0x2200  }
0xb: {  	s25 =	simm.s32 $0x2;
	s1 =	sadd.s32 s6, s1;
	s0 =	sadd.s32 s0, s4  }
0xc: {  	s29 =	smax.u32 s5, $0x1;
	s5 =	simm.s32 $0x1E00;
	[dreg:$0x6] =	wrdreg s0  }
0xd: {  	s6 =	simm.s32 $0x2E00;
	s26 =	sadd.s32 $0xF42800, s1;
	[dreg:$0x8] =	wrdreg s29  }
0xe: {  	v0 =	vimm.f32 $0.0e+00;
	s1 =	simm.s32 $0x3;
	[dreg:$0x7] =	wrdreg s26;
	s26 =	simm.s32 $0x1200  }
.LBB2_1:
0xf: {  	[dreg:$0x9] =	wrdreg s2  }
0x10: {  	s2 =	simm.s32 $0x0;
	s0 =	rddreg [dreg:$0x6]  }
0x11: {  	[tilespmem:s2], [sflag:$0x3] =	stream.linear.gather [hbm4b:s0+s2], $0x200, $0x38;
	[tilespmem:$0x14200] =	vst v63  }
0x12: {  	_ =	swait.ge [sflag:s1], $0x200  }
0x13: {  	[sflag:s1] =	ssyncset.done $0x0  }
0x14: {  	[sflag:s1] =	ssyncadd.s32 $0xFFFFFE00  }
0x15: {  	v1 =	vld [tilespmem:$0x0];
	_ =	sdelay $0x4  }
0x16: {  	(v2sf) =	vpush v1, $0x0;
	_ =	sdelay $0x5  }
0x17: {  	(v2sf) =	vpush v1, $0x1;
	_ =	sdelay $0x6  }
0x18: {  	(v2sf) =	vpush v1, $0x2;
	_ =	sdelay $0x1  }
0x19: {  	s21 =	spop (v2sf)  }
0x1a: {  	s9 =	sand.u32 $0x7, s21  }
0x1b: {  	s4 =	sshra.s32 s21, $0x1F;
	p0 =	slt.s32 s21, $0x1;
	p1 =	sne.s32 s9, $0x0  }
0x1c: {  	s11 =	sshrl.u32 s4, $0x1D;
	p0 =	por !p0, !p1  }
0x1d: {  	s1 =	simm.s32 $0x1;
	s0 =	sadd.s32 s11, s21;
	p0 =	por !p0, !p0  }
0x1e: {  	(v2sf) =	vpush v1, $0x3;
	s0 =	sshrl.u32 s0, $0x3;
	s1 =	simm.s32 @!p0 $0x0  }
0x1f: {  	s13 =	spop (v2sf);
	s0 =	ssub.s32 s0, s1  }
0x20: {  	s14 =	sand.u32 $0x7, s13;
	s15 =	sshra.s32 s13, $0x1F;
	s0 =	sshll.u32 s0, $0x7  }
0x21: {  	p3 =	slt.s32 s13, $0x1;
	p4 =	sne.s32 s14, $0x0;
	s0 =	sand.u32 $0x1FFFFF80, s0  }
0x22: {  	s16 =	sshrl.u32 s15, $0x1D;
	p0 =	por !p3, !p4;
	s0 =	sadd.s32 s3, s0  }
0x23: {  	[tilespmem:s8], [sflag:$0x1] =	stream.linear.gather [hbm4b:s0+s2], $0x400, $0x38;
	[tilespmem:$0x14200] =	vst v63  }
0x24: {  	p0 =	por !p0, !p0;
	s1 =	simm.s32 $0x1;
	s0 =	sadd.s32 s16, s13  }
0x25: {  	(v2sf) =	vpush v1, $0x4;
	s1 =	simm.s32 @!p0 $0x0;
	s0 =	sshrl.u32 s0, $0x3  }
0x26: {  	s17 =	spop (v2sf);
	s0 =	ssub.s32 s0, s1  }
0x27: {  	s18 =	sand.u32 $0x7, s17;
	s19 =	sshra.s32 s17, $0x1F;
	s0 =	sshll.u32 s0, $0x7  }
0x28: {  	p5 =	slt.s32 s17, $0x1;
	p6 =	sne.s32 s18, $0x0;
	s0 =	sand.u32 $0x1FFFFF80, s0  }
0x29: {  	s20 =	sshrl.u32 s19, $0x1D;
	p0 =	por !p5, !p6;
	s0 =	sadd.s32 s3, s0  }
0x2a: {  	[tilespmem:s22], [sflag:$0x1] =	stream.linear.gather [hbm4b:s0+s2], $0x400, $0x38;
	[tilespmem:$0x14200] =	vst v63  }
0x2b: {  	p0 =	por !p0, !p0;
	s1 =	simm.s32 $0x1;
	s0 =	sadd.s32 s20, s17  }
0x2c: {  	(v2sf) =	vpush v1, $0x5;
	s1 =	simm.s32 @!p0 $0x0;
	s0 =	sshrl.u32 s0, $0x3  }
0x2d: {  	s21 =	spop (v2sf);
	s0 =	ssub.s32 s0, s1  }
0x2e: {  	s4 =	sand.u32 $0x7, s21;
	s9 =	sshra.s32 s21, $0x1F;
	s0 =	sshll.u32 s0, $0x7  }
0x2f: {  	p1 =	slt.s32 s21, $0x1;
	p2 =	sne.s32 s4, $0x0;
	s0 =	sand.u32 $0x1FFFFF80, s0  }
0x30: {  	s11 =	sshrl.u32 s9, $0x1D;
	p0 =	por !p1, !p2;
	s0 =	sadd.s32 s3, s0  }
0x31: {  	[tilespmem:s23], [sflag:$0x1] =	stream.linear.gather [hbm4b:s0+s2], $0x400, $0x38;
	[tilespmem:$0x14200] =	vst v63  }
0x32: {  	p0 =	por !p0, !p0;
	s1 =	simm.s32 $0x1;
	s0 =	sadd.s32 s11, s21  }
0x33: {  	(v2sf) =	vpush v1, $0x6;
	s1 =	simm.s32 @!p0 $0x0;
	s0 =	sshrl.u32 s0, $0x3  }
0x34: {  	s13 =	spop (v2sf);
	s0 =	ssub.s32 s0, s1  }
0x35: {  	s14 =	sand.u32 $0x7, s13;
	s15 =	sshra.s32 s13, $0x1F;
	s0 =	sshll.u32 s0, $0x7  }
0x36: {  	p3 =	slt.s32 s13, $0x1;
	p4 =	sne.s32 s14, $0x0;
	s0 =	sand.u32 $0x1FFFFF80, s0  }
0x37: {  	s16 =	sshrl.u32 s15, $0x1D;
	p0 =	por !p3, !p4;
	s0 =	sadd.s32 s3, s0  }
0x38: {  	[tilespmem:s24], [sflag:$0x1] =	stream.linear.gather [hbm4b:s0+s2], $0x400, $0x38;
	[tilespmem:$0x14200] =	vst v63  }
0x39: {  	p0 =	por !p0, !p0;
	s1 =	simm.s32 $0x1;
	s0 =	sadd.s32 s16, s13  }
0x3a: {  	(v2sf) =	vpush v1, $0x7;
	s1 =	simm.s32 @!p0 $0x0;
	s0 =	sshrl.u32 s0, $0x3  }
0x3b: {  	s17 =	spop (v2sf);
	s0 =	ssub.s32 s0, s1  }
0x3c: {  	s18 =	sand.u32 $0x7, s17;
	s19 =	sshra.s32 s17, $0x1F;
	s0 =	sshll.u32 s0, $0x7  }
0x3d: {  	p5 =	slt.s32 s17, $0x1;
	p6 =	sne.s32 s18, $0x0;
	s0 =	sand.u32 $0x1FFFFF80, s0  }
0x3e: {  	s20 =	sshrl.u32 s19, $0x1D;
	p0 =	por !p5, !p6;
	s0 =	sadd.s32 s3, s0  }
0x3f: {  	[tilespmem:s26], [sflag:$0x1] =	stream.linear.gather [hbm4b:s0+s2], $0x400, $0x38;
	[tilespmem:$0x14200] =	vst v63  }
0x40: {  	p0 =	por !p0, !p0;
	s1 =	simm.s32 $0x1;
	s0 =	sadd.s32 s20, s17  }
0x41: {  	(v2sf) =	vpush v1, $0x8;
	s1 =	simm.s32 @!p0 $0x0;
	s0 =	sshrl.u32 s0, $0x3  }
0x42: {  	s21 =	spop (v2sf);
	s0 =	ssub.s32 s0, s1  }
0x43: {  	s4 =	sand.u32 $0x7, s21;
	s9 =	sshra.s32 s21, $0x1F;
	s0 =	sshll.u32 s0, $0x7  }
0x44: {  	p1 =	slt.s32 s21, $0x1;
	p2 =	sne.s32 s4, $0x0;
	s0 =	sand.u32 $0x1FFFFF80, s0  }
0x45: {  	s11 =	sshrl.u32 s9, $0x1D;
	p0 =	por !p1, !p2;
	s0 =	sadd.s32 s3, s0  }
0x46: {  	[tilespmem:s30], [sflag:$0x1] =	stream.linear.gather [hbm4b:s0+s2], $0x400, $0x38;
	[tilespmem:$0x14200] =	vst v63  }
0x47: {  	p0 =	por !p0, !p0;
	s1 =	simm.s32 $0x1;
	s0 =	sadd.s32 s11, s21  }
0x48: {  	s1 =	simm.s32 @!p0 $0x0;
	s0 =	sshrl.u32 s0, $0x3  }
0x49: {  	s13 =	spop (v2sf);
	s0 =	ssub.s32 s0, s1  }
0x4a: {  	(v2sf) =	vpush v1, $0x9;
	s14 =	sand.u32 $0x7, s13;
	s15 =	sshra.s32 s13, $0x1F;
	s0 =	sshll.u32 s0, $0x7  }
0x4b: {  	p3 =	slt.s32 s13, $0x1;
	p4 =	sne.s32 s14, $0x0;
	s0 =	sand.u32 $0x1FFFFF80, s0  }
0x4c: {  	s16 =	sshrl.u32 s15, $0x1D;
	p0 =	por !p3, !p4;
	s0 =	sadd.s32 s3, s0  }
0x4d: {  	[tilespmem:s31], [sflag:$0x1] =	stream.linear.gather [hbm4b:s0+s2], $0x400, $0x38;
	[tilespmem:$0x14200] =	vst v63  }
0x4e: {  	p0 =	por !p0, !p0;
	s1 =	simm.s32 $0x1;
	s0 =	sadd.s32 s16, s13  }
0x4f: {  	s1 =	simm.s32 @!p0 $0x0;
	s0 =	sshrl.u32 s0, $0x3  }
0x50: {  	s17 =	spop (v2sf);
	s0 =	ssub.s32 s0, s1  }
0x51: {  	s18 =	sand.u32 $0x7, s17;
	s19 =	sshra.s32 s17, $0x1F;
	s0 =	sshll.u32 s0, $0x7  }
0x52: {  	p5 =	slt.s32 s17, $0x1;
	p6 =	sne.s32 s18, $0x0;
	s0 =	sand.u32 $0x1FFFFF80, s0  }
0x53: {  	s20 =	sshrl.u32 s19, $0x1D;
	p0 =	por !p5, !p6;
	s0 =	sadd.s32 s3, s0  }
0x54: {  	[tilespmem:s5], [sflag:$0x1] =	stream.linear.gather [hbm4b:s0+s2], $0x400, $0x38;
	[tilespmem:$0x14200] =	vst v63  }
0x55: {  	p0 =	por !p0, !p0;
	s1 =	simm.s32 $0x1;
	s0 =	sadd.s32 s20, s17  }
0x56: {  	(v2sf) =	vpush v1, $0xA;
	s1 =	simm.s32 @!p0 $0x0;
	s0 =	sshrl.u32 s0, $0x3  }
0x57: {  	s0 =	ssub.s32 s0, s1  }
0x58: {  	s0 =	sshll.u32 s0, $0x7  }
0x59: {  	s21 =	spop (v2sf);
	s0 =	sand.u32 $0x1FFFFF80, s0  }
0x5a: {  	s5 =	sand.u32 $0x7, s21;
	s0 =	sadd.s32 s3, s0  }
0x5b: {  	[tilespmem:s7], [sflag:$0x2] =	stream.linear.gather [hbm4b:s0+s2], $0x400, $0x38;
	[tilespmem:$0x14200] =	vst v63  }
0x5c: {  	(v2sf) =	vpush v1, $0xB;
	p1 =	slt.s32 s21, $0x1;
	p2 =	sne.s32 s5, $0x0;
	s7 =	sshra.s32 s21, $0x1F  }
0x5d: {  	p0 =	por !p1, !p2;
	s9 =	sshrl.u32 s7, $0x1D  }
0x5e: {  	s1 =	simm.s32 $0x1;
	p0 =	por !p0, !p0;
	s0 =	sadd.s32 s9, s21  }
0x5f: {  	s1 =	simm.s32 @!p0 $0x0;
	s0 =	sshrl.u32 s0, $0x3  }
0x60: {  	s0 =	ssub.s32 s0, s1  }
0x61: {  	s0 =	sshll.u32 s0, $0x7  }
0x62: {  	s0 =	sand.u32 $0x1FFFFF80, s0  }
0x63: {  	(v2sf) =	vpush v1, $0xC;
	s0 =	sadd.s32 s3, s0  }
0x64: {  	[tilespmem:s10], [sflag:$0x2] =	stream.linear.gather [hbm4b:s0+s2], $0x400, $0x38;
	[tilespmem:$0x14200] =	vst v63  }
0x65: {  	s10 =	spop (v2sf)  }
0x66: {  	s11 =	sand.u32 $0x7, s10  }
0x67: {  	s13 =	sshra.s32 s10, $0x1F;
	p3 =	slt.s32 s10, $0x1;
	p4 =	sne.s32 s11, $0x0  }
0x68: {  	s14 =	sshrl.u32 s13, $0x1D;
	p0 =	por !p3, !p4  }
0x69: {  	(v2sf) =	vpush v1, $0xD;
	s1 =	simm.s32 $0x1;
	s0 =	sadd.s32 s14, s10;
	p0 =	por !p0, !p0  }
0x6a: {  	s0 =	sshrl.u32 s0, $0x3;
	s1 =	simm.s32 @!p0 $0x0  }
0x6b: {  	s15 =	spop (v2sf);
	s0 =	ssub.s32 s0, s1  }
0x6c: {  	s16 =	sand.u32 $0x7, s15;
	s17 =	sshra.s32 s15, $0x1F;
	s0 =	sshll.u32 s0, $0x7  }
0x6d: {  	p5 =	slt.s32 s15, $0x1;
	p6 =	sne.s32 s16, $0x0;
	s0 =	sand.u32 $0x1FFFFF80, s0  }
0x6e: {  	s18 =	sshrl.u32 s17, $0x1D;
	p0 =	por !p5, !p6;
	s0 =	sadd.s32 s3, s0  }
0x6f: {  	[tilespmem:s12], [sflag:$0x2] =	stream.linear.gather [hbm4b:s0+s2], $0x400, $0x38;
	[tilespmem:$0x14200] =	vst v63  }
0x70: {  	(v2sf) =	vpush v1, $0xE;
	p0 =	por !p0, !p0;
	s1 =	simm.s32 $0x1;
	s0 =	sadd.s32 s18, s15  }
0x71: {  	s1 =	simm.s32 @!p0 $0x0;
	s0 =	sshrl.u32 s0, $0x3  }
0x72: {  	s19 =	spop (v2sf);
	s0 =	ssub.s32 s0, s1  }
0x73: {  	s20 =	sand.u32 $0x7, s19;
	s21 =	sshra.s32 s19, $0x1F;
	s0 =	sshll.u32 s0, $0x7  }
0x74: {  	p1 =	slt.s32 s19, $0x1;
	p2 =	sne.s32 s20, $0x0;
	s0 =	sand.u32 $0x1FFFFF80, s0  }
0x75: {  	s5 =	sshrl.u32 s21, $0x1D;
	p0 =	por !p1, !p2;
	s0 =	sadd.s32 s3, s0  }
0x76: {  	[tilespmem:s6], [sflag:$0x2] =	stream.linear.gather [hbm4b:s0+s2], $0x400, $0x38;
	[tilespmem:$0x14200] =	vst v63  }
0x77: {  	p0 =	por !p0, !p0;
	s1 =	simm.s32 $0x1;
	s0 =	sadd.s32 s5, s19  }
0x78: {  	(v2sf) =	vpush v1, $0xF;
	s7 =	spop (v2sf);
	s1 =	simm.s32 @!p0 $0x0;
	s0 =	sshrl.u32 s0, $0x3  }
0x79: {  	s9 =	sand.u32 $0x7, s7;
	s0 =	ssub.s32 s0, s1  }
0x7a: {  	s10 =	sshra.s32 s7, $0x1F;
	p3 =	slt.s32 s7, $0x1;
	s0 =	sshll.u32 s0, $0x7  }
0x7b: {  	p4 =	sne.s32 s9, $0x0;
	s11 =	sshrl.u32 s10, $0x1D;
	s0 =	sand.u32 $0x1FFFFF80, s0  }
0x7c: {  	p0 =	por !p3, !p4;
	s6 =	simm.s32 $0x3200;
	s0 =	sadd.s32 s3, s0  }
0x7d: {  	[tilespmem:s6], [sflag:$0x2] =	stream.linear.gather [hbm4b:s0+s2], $0x400, $0x38;
	[tilespmem:$0x14200] =	vst v63  }
0x7e: {  	p0 =	por !p0, !p0;
	s1 =	simm.s32 $0x1;
	s0 =	sadd.s32 s11, s7  }
0x7f: {  	s13 =	spop (v2sf);
	s1 =	simm.s32 @!p0 $0x0;
	s0 =	sshrl.u32 s0, $0x3  }
0x80: {  	s14 =	sand.u32 $0x7, s13;
	s0 =	ssub.s32 s0, s1  }
0x81: {  	p5 =	slt.s32 s13, $0x1;
	p6 =	sne.s32 s14, $0x0;
	s0 =	sshll.u32 s0, $0x7  }
0x82: {  	s12 =	simm.s32 $0x3600;
	s15 =	sshra.s32 s13, $0x1F;
	s0 =	sand.u32 $0x1FFFFF80, s0  }
0x83: {  	s16 =	sshrl.u32 s15, $0x1D;
	p0 =	por !p5, !p6;
	s0 =	sadd.s32 s3, s0  }
0x84: {  	[tilespmem:s12], [sflag:$0x2] =	stream.linear.gather [hbm4b:s0+s2], $0x400, $0x38;
	[tilespmem:$0x14200] =	vst v63  }
0x85: {  	p0 =	por !p0, !p0;
	s1 =	simm.s32 $0x1;
	s0 =	sadd.s32 s16, s13  }
0x86: {  	s1 =	simm.s32 @!p0 $0x0;
	s0 =	sshrl.u32 s0, $0x3  }
0x87: {  	s17 =	simm.s32 $0x3A00;
	s18 =	spop (v2sf);
	s0 =	ssub.s32 s0, s1  }
0x88: {  	s19 =	sand.u32 $0x7, s18;
	s20 =	sshra.s32 s18, $0x1F;
	s0 =	sshll.u32 s0, $0x7  }
0x89: {  	p2 =	slt.s32 s18, $0x1;
	p3 =	sne.s32 s19, $0x0;
	s0 =	sand.u32 $0x1FFFFF80, s0  }
0x8a: {  	s21 =	sshrl.u32 s20, $0x1D;
	p0 =	por !p2, !p3;
	s0 =	sadd.s32 s3, s0  }
0x8b: {  	[tilespmem:s17], [sflag:$0x2] =	stream.linear.gather [hbm4b:s0+s2], $0x400, $0x38;
	[tilespmem:$0x14200] =	vst v63  }
0x8c: {  	p0 =	por !p0, !p0;
	s1 =	simm.s32 $0x1;
	s0 =	sadd.s32 s21, s18  }
0x8d: {  	s1 =	simm.s32 @!p0 $0x0;
	s0 =	sshrl.u32 s0, $0x3  }
0x8e: {  	s0 =	ssub.s32 s0, s1  }
0x8f: {  	s0 =	sshll.u32 s0, $0x7  }
0x90: {  	s0 =	sand.u32 $0x1FFFFF80, s0  }
0x91: {  	s4 =	simm.s32 $0x3E00;
	s5 =	simm.s32 $0x10;
	s0 =	sadd.s32 s3, s0  }
0x92: {  	[tilespmem:s4], [sflag:$0x2] =	stream.linear.gather [hbm4b:s0+s2], $0x400, $0x38;
	[tilespmem:$0x14200] =	vst v63  }
0x93: {  	v2 =	vld [tilespmem:s5+$0xFFFFFFF0]  }
0x94: {  	v1 =	vld [tilespmem:s5+$0x0];
	_ =	swait.ge [sflag:s28], $0x400  }
0x95: {  	[sflag:s28] =	ssyncset.done $0x0  }
0x96: {  	[sflag:s28] =	ssyncadd.s32 $0xFFFFFC00  }
0x97: {  	_ =	swait.ge [sflag:s28], $0x400  }
0x98: {  	[sflag:s28] =	ssyncset.done $0x0;
	(v2sf) =	vpush v2, $0x0  }
0x99: {  	[sflag:s28] =	ssyncadd.s32 $0xFFFFFC00;
	(v2sf) =	vpush v2, $0x1  }
0x9a: {  	_ =	swait.ge [sflag:s28], $0x400  }
0x9b: {  	[sflag:s28] =	ssyncset.done $0x0  }
0x9c: {  	(v2sf) =	vpush v2, $0x2;
	[sflag:s28] =	ssyncadd.s32 $0xFFFFFC00  }
0x9d: {  	_ =	swait.ge [sflag:s28], $0x400  }
0x9e: {  	[sflag:s28] =	ssyncset.done $0x0  }
0x9f: {  	(v2sf) =	vpush v2, $0x3;
	[sflag:s28] =	ssyncadd.s32 $0xFFFFFC00  }
0xa0: {  	_ =	swait.ge [sflag:s28], $0x400  }
0xa1: {  	[sflag:s28] =	ssyncset.done $0x0  }
0xa2: {  	(v2sf) =	vpush v2, $0x4;
	[sflag:s28] =	ssyncadd.s32 $0xFFFFFC00  }
0xa3: {  	_ =	swait.ge [sflag:s28], $0x400  }
0xa4: {  	[sflag:s28] =	ssyncset.done $0x0  }
0xa5: {  	(v2sf) =	vpush v2, $0x5;
	[sflag:s28] =	ssyncadd.s32 $0xFFFFFC00  }
0xa6: {  	_ =	swait.ge [sflag:s28], $0x400  }
0xa7: {  	s6 =	spop (v2sf)  }
0xa8: {  	s7 =	sshra.s32 s6, $0x1F  }
0xa9: {  	s1 =	sshrl.u32 s7, $0x1D  }
0xaa: {  	(v2sf) =	vpush v2, $0x6;
	[sflag:s28] =	ssyncset.done $0x0;
	s9 =	spop (v2sf);
	s1 =	sadd.s32 s1, s6  }
0xab: {  	(v2sf) =	vpush v2, $0x7;
	[sflag:s28] =	ssyncadd.s32 $0xFFFFFC00;
	s10 =	spop (v2sf);
	s1 =	sand.u32 $0x7FFFF8, s1  }
0xac: {  	_ =	swait.ge [sflag:s28], $0x400;
	s0 =	ssub.s32 s6, s1  }
0xad: {  	[sflag:s28] =	ssyncset.done $0x0;
	s0 =	sshll.u32 s0, $0x9  }
0xae: {  	[sflag:s28] =	ssyncadd.s32 $0xFFFFFC00;
	s0 =	sshra.s32 s0, $0x2  }
0xaf: {  	v3 =	vld [tilespmem:s0+$0x200];
	_ =	sdelay $0x3  }
0xb0: {  	s29 =	simm.s32 $0x4600  }
0xb1: {  	[tilespmem:s29+$0xFFFFFC00] =	vst v3  }
0xb2: {  	v3 =	vld [tilespmem:s0+$0x210];
	_ =	sdelay $0x4  }
0xb3: {  	s11 =	sshra.s32 s9, $0x1F;
	[tilespmem:s29+$0xFFFFFC10] =	vst v3  }
0xb4: {  	s12 =	sshrl.u32 s11, $0x1D;
	v3 =	vld [tilespmem:s0+$0x21E]  }
0xb5: {  	s0 =	sadd.s32 s12, s9  }
0xb6: {  	s0 =	sand.u32 $0x7FFFF8, s0  }
0xb7: {  	[tilespmem:s29+$0xFFFFFC2E] =	vst v0;
	s0 =	ssub.s32 s9, s0  }
0xb8: {  	[tilespmem:s29+$0xFFFFFC30] =	vst v0;
	s0 =	sshll.u32 s0, $0x9  }
0xb9: {  	s0 =	sshra.s32 s0, $0x2;
	[tilespmem:s29+$0xFFFFFC1E] =	vst v3  }
0xba: {  	v3 =	vld [tilespmem:s0+$0x600];
	_ =	sdelay $0x4  }
0xbb: {  	[tilespmem:s29+$0xFFFFFC80] =	vst v3  }
0xbc: {  	v3 =	vld [tilespmem:s0+$0x610];
	_ =	sdelay $0x4  }
0xbd: {  	s13 =	sshra.s32 s10, $0x1F;
	[tilespmem:s29+$0xFFFFFC90] =	vst v3  }
0xbe: {  	s1 =	sshrl.u32 s13, $0x1D;
	v3 =	vld [tilespmem:s0+$0x61E]  }
0xbf: {  	s14 =	sadd.s32 s1, s10  }
0xc0: {  	s0 =	sand.u32 $0x7FFFF8, s14  }
0xc1: {  	[tilespmem:s29+$0xFFFFFCAE] =	vst v0;
	s0 =	ssub.s32 s10, s0  }
0xc2: {  	[tilespmem:s29+$0xFFFFFCB0] =	vst v0;
	s0 =	sshll.u32 s0, $0x9  }
0xc3: {  	s0 =	sshra.s32 s0, $0x2;
	[tilespmem:s29+$0xFFFFFC9E] =	vst v3  }
0xc4: {  	v3 =	vld [tilespmem:s0+$0xA00];
	_ =	sdelay $0x4  }
0xc5: {  	[tilespmem:s29+$0xFFFFFD00] =	vst v3  }
0xc6: {  	v3 =	vld [tilespmem:s0+$0xA10];
	_ =	sdelay $0x3  }
0xc7: {  	s15 =	spop (v2sf)  }
0xc8: {  	s16 =	sshra.s32 s15, $0x1F;
	[tilespmem:s29+$0xFFFFFD10] =	vst v3  }
0xc9: {  	s4 =	sshrl.u32 s16, $0x1D;
	v3 =	vld [tilespmem:s0+$0xA1E]  }
0xca: {  	s17 =	sadd.s32 s4, s15  }
0xcb: {  	s0 =	sand.u32 $0x7FFFF8, s17  }
0xcc: {  	[tilespmem:s29+$0xFFFFFD2E] =	vst v0;
	s0 =	ssub.s32 s15, s0  }
0xcd: {  	[tilespmem:s29+$0xFFFFFD30] =	vst v0;
	s0 =	sshll.u32 s0, $0x9  }
0xce: {  	s0 =	sshra.s32 s0, $0x2;
	[tilespmem:s29+$0xFFFFFD1E] =	vst v3  }
0xcf: {  	v3 =	vld [tilespmem:s0+$0xE00];
	_ =	sdelay $0x4  }
0xd0: {  	[tilespmem:s29+$0xFFFFFD80] =	vst v3  }
0xd1: {  	v3 =	vld [tilespmem:s0+$0xE10];
	_ =	sdelay $0x3  }
0xd2: {  	s18 =	spop (v2sf)  }
0xd3: {  	s19 =	sshra.s32 s18, $0x1F;
	[tilespmem:s29+$0xFFFFFD90] =	vst v3  }
0xd4: {  	s4 =	sshrl.u32 s19, $0x1D;
	v3 =	vld [tilespmem:s0+$0xE1E]  }
0xd5: {  	s20 =	sadd.s32 s4, s18  }
0xd6: {  	s0 =	sand.u32 $0x7FFFF8, s20  }
0xd7: {  	[tilespmem:s29+$0xFFFFFDAE] =	vst v0;
	s0 =	ssub.s32 s18, s0  }
0xd8: {  	[tilespmem:s29+$0xFFFFFDB0] =	vst v0;
	s0 =	sshll.u32 s0, $0x9  }
0xd9: {  	s0 =	sshra.s32 s0, $0x2;
	[tilespmem:s29+$0xFFFFFD9E] =	vst v3  }
0xda: {  	v3 =	vld [tilespmem:s0+$0x1200];
	_ =	sdelay $0x4  }
0xdb: {  	[tilespmem:s29+$0xFFFFFE00] =	vst v3  }
0xdc: {  	v3 =	vld [tilespmem:s0+$0x1210];
	_ =	sdelay $0x3  }
0xdd: {  	s21 =	spop (v2sf)  }
0xde: {  	s5 =	sshra.s32 s21, $0x1F;
	[tilespmem:s29+$0xFFFFFE10] =	vst v3  }
0xdf: {  	s4 =	sshrl.u32 s5, $0x1D;
	v3 =	vld [tilespmem:s0+$0x121E]  }
0xe0: {  	(v2sf) =	vpush v1, $0x0;
	s6 =	sadd.s32 s4, s21  }
0xe1: {  	s0 =	sand.u32 $0x7FFFF8, s6  }
0xe2: {  	[tilespmem:s29+$0xFFFFFE2E] =	vst v0;
	s0 =	ssub.s32 s21, s0  }
0xe3: {  	(v2sf) =	vpush v1, $0x1;
	[tilespmem:s29+$0xFFFFFE30] =	vst v0;
	s0 =	sshll.u32 s0, $0x9  }
0xe4: {  	s0 =	sshra.s32 s0, $0x2;
	[tilespmem:s29+$0xFFFFFE1E] =	vst v3  }
0xe5: {  	v3 =	vld [tilespmem:s0+$0x1600];
	_ =	sdelay $0x2  }
0xe6: {  	(v2sf) =	vpush v1, $0x2;
	_ =	sdelay $0x1  }
0xe7: {  	s7 =	spop (v2sf);
	(v2sf) =	vpush v1, $0x3;
	[tilespmem:s29+$0xFFFFFE80] =	vst v3  }
0xe8: {  	v3 =	vld [tilespmem:s0+$0x1610];
	_ =	sdelay $0x1  }
0xe9: {  	s9 =	sshra.s32 s7, $0x1F  }
0xea: {  	s4 =	sshrl.u32 s9, $0x1D;
	s10 =	spop (v2sf);
	(v2sf) =	vpush v1, $0x4  }
0xeb: {  	s4 =	sadd.s32 s4, s7;
	(v2sf) =	vpush v1, $0x5;
	s15 =	spop (v2sf)  }
0xec: {  	s12 =	sand.u32 $0x7FFFF8, s4;
	s17 =	sand.u32 $0x7, s15;
	[tilespmem:s29+$0xFFFFFE90] =	vst v3  }
0xed: {  	s4 =	simm.s32 $0x1;
	(v2sf) =	vpush v1, $0x6;
	p5 =	slt.s32 s15, $0x1;
	p4 =	sne.s32 s17, $0x0;
	v3 =	vld [tilespmem:s0+$0x161E]  }
0xee: {  	s11 =	sshra.s32 s10, $0x1F;
	p0 =	por !p5, !p4;
	s18 =	spop (v2sf)  }
0xef: {  	s16 =	sshra.s32 s15, $0x1F;
	p0 =	por !p0, !p0;
	s19 =	sand.u32 $0x7, s18  }
0xf0: {  	p6 =	slt.s32 s18, $0x1;
	p2 =	sne.s32 s19, $0x0;
	s0 =	ssub.s32 s7, s12;
	[tilespmem:s29+$0xFFFFFEAE] =	vst v0  }
0xf1: {  	s4 =	simm.s32 @!p0 $0x0;
	p1 =	por !p6, !p2;
	s0 =	sshll.u32 s0, $0x9;
	[tilespmem:s29+$0xFFFFFEB0] =	vst v0  }
0xf2: {  	p1 =	por !p1, !p1;
	s6 =	sshrl.u32 s11, $0x1D;
	s9 =	sshra.s32 s0, $0x2;
	[tilespmem:s29+$0xFFFFFE9E] =	vst v3  }
0xf3: {  	s13 =	sadd.s32 s6, s10;
	s6 =	sshrl.u32 s16, $0x1D;
	s21 =	spop (v2sf);
	v3 =	vld [tilespmem:s9+$0x1A00]  }
0xf4: {  	s14 =	sand.u32 $0x7FFFF8, s13;
	s20 =	sadd.s32 s6, s15;
	s11 =	sshra.s32 s21, $0x1F  }
0xf5: {  	(v2sf) =	vpush v1, $0x7;
	s13 =	sand.u32 $0x7, s21;
	p2 =	slt.s32 s21, $0x1;
	s17 =	spop (v2sf)  }
0xf6: {  	s1 =	ssub.s32 s10, s14;
	s6 =	sshrl.u32 s11, $0x1D;
	p3 =	sne.s32 s13, $0x0  }
0xf7: {  	(v2sf) =	vpush v2, $0x8;
	s19 =	sand.u32 $0x7, s17;
	p4 =	slt.s32 s17, $0x1;
	s5 =	sshll.u32 s1, $0x9  }
0xf8: {  	(v2sf) =	vpush v2, $0x9;
	s1 =	sshrl.u32 s20, $0x3;
	s6 =	sadd.s32 s6, s21;
	p0 =	por !p2, !p3;
	[tilespmem:s29+$0xFFFFFF00] =	vst v3  }
0xf9: {  	p5 =	sne.s32 s19, $0x0;
	s20 =	spop (v2sf);
	s14 =	ssub.s32 s1, s4;
	v3 =	vld [tilespmem:s9+$0x1A10]  }
0xfa: {  	p0 =	por !p0, !p0;
	s16 =	sshrl.u32 s6, $0x3;
	s21 =	spop (v2sf)  }
0xfb: {  	p6 =	slt.s32 s20, $0x1;
	s4 =	sshll.u32 s14, $0x7;
	s12 =	sshra.s32 s18, $0x1F  }
0xfc: {  	s11 =	spop (v2sf);
	s14 =	sand.u32 $0x7, s20;
	s10 =	sshrl.u32 s12, $0x1D  }
0xfd: {  	(v2sf) =	vpush v2, $0xA;
	p3 =	slt.s32 s21, $0x1;
	s7 =	sadd.s32 s10, s18;
	s10 =	simm.s32 $0x1  }
0xfe: {  	s19 =	sand.u32 $0x7, s21;
	s7 =	sshrl.u32 s7, $0x3;
	s10 =	simm.s32 @!p1 $0x0;
	[tilespmem:s29+$0xFFFFFF10] =	vst v3  }
0xff: {  	(v2sf) =	vpush v2, $0xB;
	s4 =	sand.u32 $0x1FFFFF80, s4;
	p2 =	sne.s32 s14, $0x0;
	s7 =	ssub.s32 s7, s10;
	v3 =	vld [tilespmem:s9+$0x1A1E]  }
0x100: {  	s4 =	sadd.s32 s3, s4;
	s15 =	sshll.u32 s7, $0x7;
	s7 =	simm.s32 $0x1  }
0x101: {  	(v2sf) =	vpush v2, $0xC;
	s12 =	sshra.s32 s5, $0x2;
	s18 =	sshra.s32 s17, $0x1F;
	s7 =	simm.s32 @!p0 $0x0  }
0x102: {  	(v2sf) =	vpush v2, $0xD;
	p0 =	por !p4, !p5;
	s1 =	ssub.s32 s16, s7;
	s7 =	sshrl.u32 s18, $0x1D;
	[tilespmem:s29+$0xFFFFFF2E] =	vst v0  }
0x103: {  	s10 =	simm.s32 $0x1;
	p0 =	por !p0, !p0;
	s6 =	sadd.s32 s7, s17;
	[tilespmem:s29+$0xFFFFFF30] =	vst v0  }
0x104: {  	s5 =	spop (v2sf);
	(v2sf) =	vpush v2, $0xE;
	s10 =	simm.s32 @!p0 $0x0;
	s13 =	sshrl.u32 s6, $0x3;
	[tilespmem:s29+$0xFFFFFF1E] =	vst v3  }
0x105: {  	s0 =	sand.u32 $0x1FFFFF80, s15;
	s10 =	ssub.s32 s13, s10;
	s13 =	sshra.s32 s20, $0x1F;
	v3 =	vld [tilespmem:s12+$0x1E00]  }
0x106: {  	p4 =	sne.s32 s19, $0x0;
	s18 =	spop (v2sf);
	(v2sf) =	vpush v2, $0xF;
	s16 =	sshrl.u32 s13, $0x1D  }
0x107: {  	p5 =	slt.s32 s11, $0x1;
	s9 =	sadd.s32 s16, s20;
	s16 =	spop (v2sf);
	(v2sf) =	vpush v1, $0x8  }
0x108: {  	s0 =	sadd.s32 s3, s0;
	s1 =	sshll.u32 s1, $0x7;
	p0 =	por !p6, !p2  }
0x109: {  	p0 =	por !p0, !p0;
	s15 =	sshll.u32 s10, $0x7;
	s10 =	simm.s32 $0x1  }
0x10a: {  	s17 =	sshra.s32 s21, $0x1F;
	p2 =	slt.s32 s5, $0x1;
	s10 =	simm.s32 @!p0 $0x0;
	[tilespmem:s29+$0xFFFFFF80] =	vst v3  }
0x10b: {  	s6 =	sand.u32 $0x1FFFFF80, s15;
	p0 =	por !p3, !p4;
	s9 =	sshrl.u32 s9, $0x3;
	v2 =	vld [tilespmem:s12+$0x1E10]  }
0x10c: {  	s9 =	ssub.s32 s9, s10;
	s10 =	sshrl.u32 s17, $0x1D;
	s17 =	spop (v2sf);
	(v2sf) =	vpush v1, $0x9  }
0x10d: {  	s1 =	sand.u32 $0x1FFFFF80, s1;
	p0 =	por !p0, !p0;
	s6 =	sadd.s32 s3, s6  }
0x10e: {  	s20 =	sshra.s32 s11, $0x1F;
	s9 =	sshll.u32 s9, $0x7;
	s15 =	spop (v2sf);
	(v2sf) =	vpush v1, $0xA  }
0x10f: {  	s7 =	sadd.s32 s10, s21;
	s21 =	sand.u32 $0x7, s11;
	s10 =	sshrl.u32 s20, $0x1D  }
0x110: {  	s19 =	sand.u32 $0x1FFFFF80, s9;
	s7 =	sshrl.u32 s7, $0x3;
	s14 =	spop (v2sf);
	(v2sf) =	vpush v1, $0xB;
	[tilespmem:s29+$0xFFFFFF90] =	vst v2  }
0x111: {  	s9 =	simm.s32 $0x1;
	p6 =	sne.s32 s21, $0x0;
	s13 =	spop (v2sf);
	(v2sf) =	vpush v1, $0xC;
	v2 =	vld [tilespmem:s12+$0x1E1E]  }
0x112: {  	s9 =	simm.s32 @!p0 $0x0;
	p0 =	por !p5, !p6;
	s12 =	sadd.s32 s10, s11  }
0x113: {  	s7 =	ssub.s32 s7, s9;
	s9 =	sshrl.u32 s12, $0x3;
	s12 =	spop (v2sf);
	(v2sf) =	vpush v1, $0xD  }
0x114: {  	p0 =	por !p0, !p0;
	s7 =	sshll.u32 s7, $0x7;
	[tilespmem:s29+$0xFFFFFFAE] =	vst v0;
	s10 =	simm.s32 $0x1  }
0x115: {  	s20 =	sand.u32 $0x1FFFFF80, s7;
	[tilespmem:s29+$0xFFFFFFB0] =	vst v0;
	s10 =	simm.s32 @!p0 $0x0;
	s7 =	spop (v2sf);
	(v2sf) =	vpush v1, $0xE  }
0x116: {  	s21 =	ssub.s32 s9, s10;
	s9 =	sshra.s32 s5, $0x1F;
	s11 =	spop (v2sf);
	[tilespmem:s29+$0xFFFFFF9E] =	vst v2  }
0x117: {  	(v2sf) =	vpush v1, $0xF;
	[tilespmem:s8], [sflag:$0x1] =	stream.linear.gather [hbm4b:s4+s2], $0x400, $0x38;
	[tilespmem:$0x14200] =	vst v63  }
0x118: {  	s10 =	sshrl.u32 s9, $0x1D;
	s8 =	sand.u32 $0x7, s5;
	s4 =	sshll.u32 s21, $0x7  }
0x119: {  	p1 =	sne.s32 s8, $0x0;
	s21 =	sand.u32 $0x1FFFFF80, s4;
	s4 =	sadd.s32 s10, s5  }
0x11a: {  	[tilespmem:s22], [sflag:$0x1] =	stream.linear.gather [hbm4b:s0+s2], $0x400, $0x38;
	[tilespmem:$0x14200] =	vst v63  }
0x11b: {  	s10 =	spop (v2sf);
	s5 =	sadd.s32 s3, s1;
	p0 =	por !p2, !p1  }
0x11c: {  	[tilespmem:s23], [sflag:$0x1] =	stream.linear.gather [hbm4b:s5+s2], $0x400, $0x38;
	[tilespmem:$0x14200] =	vst v63  }
0x11d: {  	s0 =	simm.s32 $0x1;
	s9 =	spop (v2sf);
	p0 =	por !p0, !p0  }
0x11e: {  	[tilespmem:s24], [sflag:$0x1] =	stream.linear.gather [hbm4b:s6+s2], $0x400, $0x38;
	[tilespmem:$0x14200] =	vst v63  }
0x11f: {  	s8 =	sshrl.u32 s4, $0x3;
	s0 =	simm.s32 @!p0 $0x0;
	s6 =	spop (v2sf)  }
0x120: {  	s22 =	sadd.s32 s3, s19;
	s0 =	ssub.s32 s8, s0;
	s5 =	spop (v2sf)  }
0x121: {  	[tilespmem:s26], [sflag:$0x1] =	stream.linear.gather [hbm4b:s22+s2], $0x400, $0x38;
	[tilespmem:$0x14200] =	vst v63  }
0x122: {  	s23 =	sadd.s32 s3, s20;
	s0 =	sshll.u32 s0, $0x7;
	s4 =	spop (v2sf)  }
0x123: {  	[tilespmem:s30], [sflag:$0x1] =	stream.linear.gather [hbm4b:s23+s2], $0x400, $0x38;
	[tilespmem:$0x14200] =	vst v63  }
0x124: {  	s24 =	sand.u32 $0x1FFFFF80, s0;
	s26 =	sadd.s32 s3, s21;
	s1 =	spop (v2sf)  }
0x125: {  	[tilespmem:s31], [sflag:$0x1] =	stream.linear.gather [hbm4b:s26+s2], $0x400, $0x38;
	[tilespmem:$0x14200] =	vst v63  }
0x126: {  	s19 =	sadd.s32 s3, s24;
	s0 =	spop (v2sf);
	s31 =	simm.s32 $0x1E00  }
0x127: {  	[tilespmem:s31], [sflag:$0x1] =	stream.linear.gather [hbm4b:s19+s2], $0x400, $0x38;
	[tilespmem:$0x14200] =	vst v63  }
0x128: {  	_ =	swait.ge [sflag:s25], $0x400  }
0x129: {  	[sflag:s25] =	ssyncset.done $0x0  }
0x12a: {  	[sflag:s25] =	ssyncadd.s32 $0xFFFFFC00  }
0x12b: {  	_ =	swait.ge [sflag:s25], $0x400  }
0x12c: {  	[sflag:s25] =	ssyncset.done $0x0  }
0x12d: {  	[sflag:s25] =	ssyncadd.s32 $0xFFFFFC00  }
0x12e: {  	_ =	swait.ge [sflag:s25], $0x400  }
0x12f: {  	[sflag:s25] =	ssyncset.done $0x0  }
0x130: {  	[sflag:s25] =	ssyncadd.s32 $0xFFFFFC00  }
0x131: {  	_ =	swait.ge [sflag:s25], $0x400  }
0x132: {  	[sflag:s25] =	ssyncset.done $0x0  }
0x133: {  	[sflag:s25] =	ssyncadd.s32 $0xFFFFFC00  }
0x134: {  	_ =	swait.ge [sflag:s25], $0x400  }
0x135: {  	[sflag:s25] =	ssyncset.done $0x0  }
0x136: {  	[sflag:s25] =	ssyncadd.s32 $0xFFFFFC00  }
0x137: {  	_ =	swait.ge [sflag:s25], $0x400  }
0x138: {  	[sflag:s25] =	ssyncset.done $0x0  }
0x139: {  	s8 =	sshra.s32 s18, $0x1F;
	[sflag:s25] =	ssyncadd.s32 $0xFFFFFC00  }
0x13a: {  	s19 =	sshrl.u32 s8, $0x1D;
	_ =	swait.ge [sflag:s25], $0x400  }
0x13b: {  	s19 =	sadd.s32 s19, s18;
	[sflag:s25] =	ssyncset.done $0x0  }
0x13c: {  	s19 =	sand.u32 $0x7FFFF8, s19;
	[sflag:s25] =	ssyncadd.s32 $0xFFFFFC00  }
0x13d: {  	s18 =	ssub.s32 s18, s19;
	_ =	swait.ge [sflag:s25], $0x400  }
0x13e: {  	s18 =	sshll.u32 s18, $0x9;
	[sflag:s25] =	ssyncset.done $0x0  }
0x13f: {  	s18 =	sshra.s32 s18, $0x2;
	[sflag:s25] =	ssyncadd.s32 $0xFFFFFC00  }
0x140: {  	v1 =	vld [tilespmem:s18+$0x2200];
	_ =	sdelay $0x4  }
0x141: {  	[tilespmem:s29+$0x0] =	vst v1  }
0x142: {  	v1 =	vld [tilespmem:s18+$0x2210];
	_ =	sdelay $0x4  }
0x143: {  	s20 =	sshra.s32 s16, $0x1F;
	[tilespmem:s29+$0x10] =	vst v1  }
0x144: {  	v1 =	vld [tilespmem:s18+$0x221E];
	s18 =	sshrl.u32 s20, $0x1D  }
0x145: {  	s18 =	sadd.s32 s18, s16  }
0x146: {  	s18 =	sand.u32 $0x7FFFF8, s18  }
0x147: {  	[tilespmem:s29+$0x2E] =	vst v0;
	s16 =	ssub.s32 s16, s18  }
0x148: {  	[tilespmem:s29+$0x30] =	vst v0;
	s16 =	sshll.u32 s16, $0x9  }
0x149: {  	[tilespmem:s29+$0x1E] =	vst v1;
	s16 =	sshra.s32 s16, $0x2  }
0x14a: {  	v1 =	vld [tilespmem:s16+$0x2600];
	_ =	sdelay $0x4  }
0x14b: {  	[tilespmem:s29+$0x80] =	vst v1  }
0x14c: {  	v1 =	vld [tilespmem:s16+$0x2610];
	_ =	sdelay $0x4  }
0x14d: {  	s21 =	sshra.s32 s17, $0x1F;
	[tilespmem:s29+$0x90] =	vst v1  }
0x14e: {  	s22 =	sshrl.u32 s21, $0x1D;
	v1 =	vld [tilespmem:s16+$0x261E]  }
0x14f: {  	s16 =	sadd.s32 s22, s17  }
0x150: {  	s16 =	sand.u32 $0x7FFFF8, s16  }
0x151: {  	[tilespmem:s29+$0xAE] =	vst v0;
	s16 =	ssub.s32 s17, s16  }
0x152: {  	[tilespmem:s29+$0xB0] =	vst v0;
	s16 =	sshll.u32 s16, $0x9  }
0x153: {  	s16 =	sshra.s32 s16, $0x2;
	[tilespmem:s29+$0x9E] =	vst v1  }
0x154: {  	v1 =	vld [tilespmem:s16+$0x2A00];
	_ =	sdelay $0x4  }
0x155: {  	[tilespmem:s29+$0x100] =	vst v1  }
0x156: {  	v1 =	vld [tilespmem:s16+$0x2A10];
	_ =	sdelay $0x4  }
0x157: {  	s23 =	sshra.s32 s15, $0x1F;
	[tilespmem:s29+$0x110] =	vst v1  }
0x158: {  	s24 =	sshrl.u32 s23, $0x1D;
	v1 =	vld [tilespmem:s16+$0x2A1E]  }
0x159: {  	s16 =	sadd.s32 s24, s15  }
0x15a: {  	s16 =	sand.u32 $0x7FFFF8, s16  }
0x15b: {  	[tilespmem:s29+$0x12E] =	vst v0;
	s15 =	ssub.s32 s15, s16  }
0x15c: {  	[tilespmem:s29+$0x130] =	vst v0;
	s15 =	sshll.u32 s15, $0x9  }
0x15d: {  	s15 =	sshra.s32 s15, $0x2;
	[tilespmem:s29+$0x11E] =	vst v1  }
0x15e: {  	v1 =	vld [tilespmem:s15+$0x2E00];
	_ =	sdelay $0x4  }
0x15f: {  	[tilespmem:s29+$0x180] =	vst v1  }
0x160: {  	v1 =	vld [tilespmem:s15+$0x2E10];
	_ =	sdelay $0x4  }
0x161: {  	s26 =	sshra.s32 s14, $0x1F;
	[tilespmem:s29+$0x190] =	vst v1  }
0x162: {  	s31 =	sshrl.u32 s26, $0x1D;
	v1 =	vld [tilespmem:s15+$0x2E1E]  }
0x163: {  	s15 =	sadd.s32 s31, s14  }
0x164: {  	s15 =	sand.u32 $0x7FFFF8, s15  }
0x165: {  	[tilespmem:s29+$0x1AE] =	vst v0;
	s14 =	ssub.s32 s14, s15  }
0x166: {  	[tilespmem:s29+$0x1B0] =	vst v0;
	s14 =	sshll.u32 s14, $0x9  }
0x167: {  	s14 =	sshra.s32 s14, $0x2;
	[tilespmem:s29+$0x19E] =	vst v1  }
0x168: {  	v1 =	vld [tilespmem:s14+$0x3200];
	_ =	sdelay $0x4  }
0x169: {  	[tilespmem:s29+$0x200] =	vst v1  }
0x16a: {  	v1 =	vld [tilespmem:s14+$0x3210];
	_ =	sdelay $0x4  }
0x16b: {  	s8 =	sshra.s32 s13, $0x1F;
	[tilespmem:s29+$0x210] =	vst v1  }
0x16c: {  	s16 =	sshrl.u32 s8, $0x1D;
	v1 =	vld [tilespmem:s14+$0x321E]  }
0x16d: {  	s14 =	sadd.s32 s16, s13  }
0x16e: {  	s14 =	sand.u32 $0x7FFFF8, s14  }
0x16f: {  	[tilespmem:s29+$0x22E] =	vst v0;
	s13 =	ssub.s32 s13, s14  }
0x170: {  	[tilespmem:s29+$0x230] =	vst v0;
	s13 =	sshll.u32 s13, $0x9  }
0x171: {  	s13 =	sshra.s32 s13, $0x2;
	[tilespmem:s29+$0x21E] =	vst v1  }
0x172: {  	v1 =	vld [tilespmem:s13+$0x3600];
	_ =	sdelay $0x4  }
0x173: {  	[tilespmem:s29+$0x280] =	vst v1  }
0x174: {  	v1 =	vld [tilespmem:s13+$0x3610];
	_ =	sdelay $0x4  }
0x175: {  	s17 =	sshra.s32 s12, $0x1F;
	[tilespmem:s29+$0x290] =	vst v1  }
0x176: {  	s14 =	sshrl.u32 s17, $0x1D;
	v1 =	vld [tilespmem:s13+$0x361E]  }
0x177: {  	s18 =	sadd.s32 s14, s12  }
0x178: {  	s13 =	sand.u32 $0x7FFFF8, s18  }
0x179: {  	[tilespmem:s29+$0x2AE] =	vst v0;
	s12 =	ssub.s32 s12, s13  }
0x17a: {  	p3 =	slt.s32 s11, $0x1;
	p6 =	slt.s32 s10, $0x1;
	[tilespmem:s29+$0x2B0] =	vst v0;
	s12 =	sshll.u32 s12, $0x9  }
0x17b: {  	s21 =	sshra.s32 s11, $0x1F;
	s30 =	simm.s32 $0x4E00;
	s12 =	sshra.s32 s12, $0x2;
	[tilespmem:s29+$0x29E] =	vst v1  }
0x17c: {  	s23 =	sshra.s32 s10, $0x1F;
	s26 =	sshra.s32 s9, $0x1F;
	s20 =	sand.u32 $0x7, s11;
	v1 =	vld [tilespmem:s12+$0x3A00]  }
0x17d: {  	s19 =	sshra.s32 s7, $0x1F;
	p4 =	sne.s32 s20, $0x0;
	s20 =	simm.s32 $0x2600  }
0x17e: {  	p0 =	por !p3, !p4;
	p3 =	slt.s32 s9, $0x1;
	s22 =	sand.u32 $0x7, s10  }
0x17f: {  	p0 =	por !p0, !p0;
	p5 =	sne.s32 s22, $0x0;
	s24 =	sand.u32 $0x7, s9  }
0x180: {  	s22 =	sand.u32 $0x7, s0;
	p2 =	sne.s32 s24, $0x0;
	s24 =	simm.s32 $0x2A00  }
0x181: {  	p4 =	por !p3, !p2;
	s8 =	sshra.s32 s6, $0x1F;
	p3 =	slt.s32 s5, $0x1;
	[tilespmem:s29+$0x300] =	vst v1  }
0x182: {  	s31 =	sand.u32 $0x7, s6;
	s15 =	sshra.s32 s5, $0x1F;
	s14 =	sshrl.u32 s21, $0x1D;
	v1 =	vld [tilespmem:s12+$0x3A10]  }
0x183: {  	s16 =	sand.u32 $0x7, s4;
	s17 =	sshra.s32 s4, $0x1F;
	s11 =	sadd.s32 s14, s11  }
0x184: {  	s21 =	simm.s32 $0x2200;
	s14 =	simm.s32 $0x1;
	s11 =	sshrl.u32 s11, $0x3  }
0x185: {  	s14 =	simm.s32 @!p0 $0x0;
	p0 =	por !p6, !p5;
	p5 =	sne.s32 s31, $0x0  }
0x186: {  	p6 =	slt.s32 s6, $0x1;
	s31 =	simm.s32 $0x2E00;
	s13 =	sshrl.u32 s19, $0x1D  }
0x187: {  	p0 =	por !p0, !p0;
	p1 =	por !p6, !p5;
	s13 =	sadd.s32 s13, s7;
	[tilespmem:s29+$0x310] =	vst v1  }
0x188: {  	p5 =	sne.s32 s16, $0x0;
	p6 =	slt.s32 s4, $0x1;
	s13 =	sand.u32 $0x7FFFF8, s13;
	v1 =	vld [tilespmem:s12+$0x3A1E]  }
0x189: {  	s18 =	sshra.s32 s1, $0x1F;
	s19 =	sand.u32 $0x7, s1;
	s13 =	ssub.s32 s7, s13  }
0x18a: {  	s7 =	ssub.s32 s11, s14;
	s11 =	sshrl.u32 s23, $0x1D;
	s14 =	sand.u32 $0x7, s5  }
0x18b: {  	s23 =	sshra.s32 s0, $0x1F;
	s13 =	sshll.u32 s13, $0x9;
	s10 =	sadd.s32 s11, s10;
	[tilespmem:s29+$0x32E] =	vst v0  }
0x18c: {  	s11 =	simm.s32 $0x1;
	p2 =	sne.s32 s14, $0x0;
	s7 =	sshll.u32 s7, $0x7;
	[tilespmem:s29+$0x330] =	vst v0  }
0x18d: {  	s10 =	sshrl.u32 s10, $0x3;
	s11 =	simm.s32 @!p0 $0x0;
	s13 =	sshra.s32 s13, $0x2;
	[tilespmem:s29+$0x31E] =	vst v1  }
0x18e: {  	p0 =	por !p4, !p4;
	p4 =	por !p3, !p2;
	p2 =	por !p6, !p5;
	v1 =	vld [tilespmem:s13+$0x3E00]  }
0x18f: {  	p3 =	sne.s32 s19, $0x0;
	p5 =	sne.s32 s22, $0x0;
	s7 =	sand.u32 $0x1FFFFF80, s7  }
0x190: {  	p6 =	slt.s32 s0, $0x1;
	s10 =	ssub.s32 s10, s11;
	s11 =	simm.s32 $0x1  }
0x191: {  	s7 =	sadd.s32 s3, s7;
	s11 =	simm.s32 @!p0 $0x0;
	s10 =	sshll.u32 s10, $0x7  }
0x192: {  	p0 =	por !p1, !p1;
	s10 =	sand.u32 $0x1FFFFF80, s10;
	s12 =	sshrl.u32 s26, $0x1D  }
0x193: {  	s10 =	sadd.s32 s3, s10;
	s9 =	sadd.s32 s12, s9;
	s12 =	sshrl.u32 s8, $0x1D;
	[tilespmem:s29+$0x380] =	vst v1  }
0x194: {  	s9 =	sshrl.u32 s9, $0x3;
	s6 =	sadd.s32 s12, s6;
	s12 =	sshrl.u32 s15, $0x1D;
	v1 =	vld [tilespmem:s13+$0x3E10]  }
0x195: {  	s9 =	ssub.s32 s9, s11;
	s6 =	sshrl.u32 s6, $0x3;
	s11 =	simm.s32 $0x1  }
0x196: {  	s5 =	sadd.s32 s12, s5;
	s12 =	simm.s32 $0x1;
	s11 =	simm.s32 @!p0 $0x0  }
0x197: {  	p0 =	por !p4, !p4;
	s5 =	sshrl.u32 s5, $0x3;
	p4 =	slt.s32 s1, $0x1  }
0x198: {  	s9 =	sshll.u32 s9, $0x7;
	s6 =	ssub.s32 s6, s11;
	s12 =	simm.s32 @!p0 $0x0  }
0x199: {  	s11 =	sshrl.u32 s17, $0x1D;
	p0 =	por !p2, !p2;
	p1 =	por !p4, !p3;
	[tilespmem:s29+$0x390] =	vst v1  }
0x19a: {  	s26 =	sand.u32 $0x1FFFFF80, s9;
	s4 =	sadd.s32 s11, s4;
	s11 =	simm.s32 $0x1;
	v1 =	vld [tilespmem:s13+$0x3E1E]  }
0x19b: {  	s5 =	ssub.s32 s5, s12;
	p1 =	por !p1, !p1;
	s6 =	sshll.u32 s6, $0x7  }
0x19c: {  	s4 =	sshrl.u32 s4, $0x3;
	s11 =	simm.s32 @!p0 $0x0;
	p0 =	por !p6, !p5  }
0x19d: {  	s5 =	sshll.u32 s5, $0x7;
	s6 =	sand.u32 $0x1FFFFF80, s6;
	s4 =	ssub.s32 s4, s11;
	[tilespmem:s29+$0x3AE] =	vst v0  }
0x19e: {  	s11 =	sshrl.u32 s18, $0x1D;
	p0 =	por !p0, !p0;
	s5 =	sand.u32 $0x1FFFFF80, s5;
	[tilespmem:s29+$0x3B0] =	vst v0  }
0x19f: {  	s6 =	sadd.s32 s3, s6;
	s1 =	sadd.s32 s11, s1;
	s4 =	sshll.u32 s4, $0x7;
	[tilespmem:s29+$0x39E] =	vst v1  }
0x1a0: {  	[tilespmem:s21], [sflag:$0x2] =	stream.linear.gather [hbm4b:s7+s2], $0x400, $0x38;
	[tilespmem:$0x14200] =	vst v63  }
0x1a1: {  	s1 =	sshrl.u32 s1, $0x3;
	s14 =	sand.u32 $0x1FFFFF80, s4;
	s7 =	sshrl.u32 s23, $0x1D  }
0x1a2: {  	[tilespmem:s20], [sflag:$0x2] =	stream.linear.gather [hbm4b:s10+s2], $0x400, $0x38;
	[tilespmem:$0x14200] =	vst v63  }
0x1a3: {  	s0 =	sadd.s32 s7, s0;
	s7 =	simm.s32 $0x1;
	s10 =	simm.s32 $0x1  }
0x1a4: {  	s0 =	sshrl.u32 s0, $0x3;
	s7 =	simm.s32 @!p0 $0x0;
	s10 =	simm.s32 @!p1 $0x0  }
0x1a5: {  	s0 =	ssub.s32 s0, s7;
	s7 =	sadd.s32 s3, s26;
	s1 =	ssub.s32 s1, s10  }
0x1a6: {  	[tilespmem:s24], [sflag:$0x2] =	stream.linear.gather [hbm4b:s7+s2], $0x400, $0x38;
	[tilespmem:$0x14200] =	vst v63  }
0x1a7: {  	s29 =	simm.s32 $0x80;
	s0 =	sshll.u32 s0, $0x7;
	s1 =	sshll.u32 s1, $0x7  }
0x1a8: {  	[tilespmem:s31], [sflag:$0x2] =	stream.linear.gather [hbm4b:s6+s2], $0x400, $0x38;
	[tilespmem:$0x14200] =	vst v63  }
0x1a9: {  	s20 =	sand.u32 $0x1FFFFF80, s0;
	s0 =	sadd.s32 s3, s5;
	s9 =	sand.u32 $0x1FFFFF80, s1  }
.LBB2_2:
0x1aa: {  	s31 =	simm.s32 $0x0;
	s1 =	simm.s32 $0x3200  }
0x1ab: {  	[tilespmem:s1], [sflag:$0x2] =	stream.linear.gather [hbm4b:s0+s31], $0x400, $0x38;
	[tilespmem:$0x14200] =	vst v63  }
0x1ac: {  	s18 =	sadd.s32 s3, s14;
	s2 =	simm.s32 $0x3600  }
0x1ad: {  	[tilespmem:s2], [sflag:$0x2] =	stream.linear.gather [hbm4b:s18+s31], $0x400, $0x38;
	[tilespmem:$0x14200] =	vst v63  }
0x1ae: {  	s17 =	smov.u32 s29;
	s19 =	sadd.s32 s3, s9;
	s21 =	simm.s32 $0x3A00  }
0x1af: {  	[tilespmem:s21], [sflag:$0x2] =	stream.linear.gather [hbm4b:s19+s31], $0x400, $0x38;
	[tilespmem:$0x14200] =	vst v63  }
0x1b0: {  	s22 =	sadd.s32 s3, s20;
	s23 =	simm.s32 $0x3E00;
	s0 =	sshra.s32 s17, $0x2  }
0x1b1: {  	[tilespmem:s23], [sflag:$0x2] =	stream.linear.gather [hbm4b:s22+s31], $0x400, $0x38;
	[tilespmem:$0x14200] =	vst v63  }
0x1b2: {  	v2 =	vld [tilespmem:s0+$0xFFFFFFF0]  }
0x1b3: {  	v1 =	vld [tilespmem:s0+$0x0];
	_ =	swait.ge [sflag:s28], $0x400  }
0x1b4: {  	[sflag:s28] =	ssyncset.done $0x0  }
0x1b5: {  	[sflag:s28] =	ssyncadd.s32 $0xFFFFFC00  }
0x1b6: {  	_ =	swait.ge [sflag:s28], $0x400  }
0x1b7: {  	[sflag:s28] =	ssyncset.done $0x0;
	(v2sf) =	vpush v2, $0x0  }
0x1b8: {  	[sflag:s28] =	ssyncadd.s32 $0xFFFFFC00;
	(v2sf) =	vpush v2, $0x1  }
0x1b9: {  	_ =	swait.ge [sflag:s28], $0x400  }
0x1ba: {  	(v2sf) =	vpush v2, $0x2;
	[sflag:s28] =	ssyncset.done $0x0  }
0x1bb: {  	[sflag:s28] =	ssyncadd.s32 $0xFFFFFC00  }
0x1bc: {  	_ =	swait.ge [sflag:s28], $0x400  }
0x1bd: {  	[sflag:s28] =	ssyncset.done $0x0  }
0x1be: {  	(v2sf) =	vpush v2, $0x3;
	[sflag:s28] =	ssyncadd.s32 $0xFFFFFC00  }
0x1bf: {  	_ =	swait.ge [sflag:s28], $0x400  }
0x1c0: {  	[sflag:s28] =	ssyncset.done $0x0  }
0x1c1: {  	(v2sf) =	vpush v2, $0x4;
	[sflag:s28] =	ssyncadd.s32 $0xFFFFFC00  }
0x1c2: {  	_ =	swait.ge [sflag:s28], $0x400  }
0x1c3: {  	[sflag:s28] =	ssyncset.done $0x0  }
0x1c4: {  	(v2sf) =	vpush v2, $0x5;
	[sflag:s28] =	ssyncadd.s32 $0xFFFFFC00  }
0x1c5: {  	_ =	swait.ge [sflag:s28], $0x400  }
0x1c6: {  	s24 =	spop (v2sf)  }
0x1c7: {  	(v2sf) =	vpush v2, $0x6;
	[sflag:s28] =	ssyncset.done $0x0;
	s26 =	sshra.s32 s24, $0x1F;
	s4 =	spop (v2sf)  }
0x1c8: {  	(v2sf) =	vpush v2, $0x7;
	[sflag:s28] =	ssyncadd.s32 $0xFFFFFC00;
	s1 =	sshrl.u32 s26, $0x1D;
	s5 =	sshra.s32 s4, $0x1F  }
0x1c9: {  	s1 =	sadd.s32 s1, s24;
	s5 =	sshrl.u32 s5, $0x1D;
	s7 =	spop (v2sf)  }
0x1ca: {  	s1 =	sand.u32 $0x7FFFF8, s1;
	s5 =	sadd.s32 s5, s4;
	s2 =	sshra.s32 s7, $0x1F  }
0x1cb: {  	_ =	swait.ge [sflag:s28], $0x400;
	s0 =	ssub.s32 s24, s1;
	s6 =	sand.u32 $0x7FFFF8, s5  }
0x1cc: {  	(v2sf) =	vpush v1, $0x0;
	[sflag:s28] =	ssyncset.done $0x0;
	s11 =	sshrl.u32 s2, $0x1D;
	s0 =	sshll.u32 s0, $0x9  }
0x1cd: {  	s1 =	ssub.s32 s4, s6;
	[sflag:s28] =	ssyncadd.s32 $0xFFFFFC00;
	s12 =	spop (v2sf)  }
0x1ce: {  	(v2sf) =	vpush v1, $0x1;
	s8 =	sshra.s32 s0, $0x2;
	s0 =	sadd.s32 s11, s7;
	s13 =	sshra.s32 s12, $0x1F  }
0x1cf: {  	s6 =	sshll.u32 s1, $0x9;
	v3 =	vld [tilespmem:s8+$0x200];
	s0 =	sand.u32 $0x7FFFF8, s0;
	s5 =	sshrl.u32 s13, $0x1D  }
0x1d0: {  	s6 =	sshra.s32 s6, $0x2;
	s14 =	spop (v2sf);
	s15 =	sadd.s32 s5, s12  }
0x1d1: {  	s0 =	ssub.s32 s7, s0;
	s10 =	sshra.s32 s14, $0x1F;
	s16 =	sand.u32 $0x7FFFF8, s15  }
0x1d2: {  	(v2sf) =	vpush v1, $0x2;
	s5 =	sshll.u32 s0, $0x9;
	s10 =	sshrl.u32 s10, $0x1D;
	s0 =	ssub.s32 s12, s16  }
0x1d3: {  	s5 =	sshra.s32 s5, $0x2;
	s17 =	sadd.s32 s10, s14;
	s18 =	spop (v2sf)  }
0x1d4: {  	s1 =	sshll.u32 s0, $0x9;
	s10 =	simm.s32 $0x1;
	[tilespmem:s30+$0xFFFFFC00] =	vst v3;
	s7 =	sand.u32 $0x7FFFF8, s17  }
0x1d5: {  	s20 =	sshra.s32 s18, $0x1F;
	s1 =	sshra.s32 s1, $0x2;
	v3 =	vld [tilespmem:s8+$0x210];
	s19 =	ssub.s32 s14, s7  }
0x1d6: {  	s7 =	sshrl.u32 s20, $0x1D;
	s0 =	sshll.u32 s19, $0x9;
	s21 =	spop (v2sf)  }
0x1d7: {  	s7 =	sadd.s32 s7, s18;
	s11 =	sshra.s32 s21, $0x1F;
	s12 =	spop (v2sf)  }
0x1d8: {  	s7 =	sand.u32 $0x7FFFF8, s7;
	s11 =	sshrl.u32 s11, $0x1D;
	s13 =	sshra.s32 s12, $0x1F  }
0x1d9: {  	s7 =	ssub.s32 s18, s7;
	s22 =	sadd.s32 s11, s21;
	s13 =	sshrl.u32 s13, $0x1D  }
0x1da: {  	s11 =	sshll.u32 s7, $0x9;
	[tilespmem:s30+$0xFFFFFC10] =	vst v3;
	s23 =	sand.u32 $0x7FFFF8, s22;
	s24 =	sadd.s32 s13, s12  }
0x1db: {  	v3 =	vld [tilespmem:s8+$0x21E];
	s26 =	ssub.s32 s21, s23;
	s2 =	sand.u32 $0x7FFFF8, s24;
	s8 =	spop (v2sf);
	(v2sf) =	vpush v1, $0x3  }
0x1dc: {  	s9 =	sshll.u32 s26, $0x9;
	s13 =	ssub.s32 s12, s2;
	s14 =	sshra.s32 s8, $0x1F  }
0x1dd: {  	s16 =	sand.u32 $0x7, s8;
	s17 =	spop (v2sf);
	(v2sf) =	vpush v1, $0x4;
	p2 =	slt.s32 s8, $0x1  }
0x1de: {  	s12 =	simm.s32 $0x1;
	s15 =	sshll.u32 s13, $0x9;
	s7 =	sshrl.u32 s14, $0x1D  }
0x1df: {  	p1 =	sne.s32 s16, $0x0;
	s18 =	sand.u32 $0x7, s17;
	p6 =	slt.s32 s17, $0x1  }
0x1e0: {  	[tilespmem:s30+$0xFFFFFC2E] =	vst v0;
	[dreg:$0x5] =	wrdreg s15;
	s7 =	sadd.s32 s7, s8;
	s15 =	sshra.s32 s17, $0x1F  }
0x1e1: {  	[tilespmem:s30+$0xFFFFFC30] =	vst v0;
	p3 =	sne.s32 s18, $0x0;
	p1 =	por !p2, !p1;
	s19 =	spop (v2sf)  }
0x1e2: {  	s7 =	sshrl.u32 s7, $0x3;
	s15 =	sshrl.u32 s15, $0x1D;
	p1 =	por !p1, !p1;
	(v2sf) =	vpush v1, $0x5;
	[tilespmem:s30+$0xFFFFFC1E] =	vst v3  }
0x1e3: {  	p2 =	por !p6, !p3;
	s20 =	sshra.s32 s19, $0x1F;
	s21 =	sand.u32 $0x7, s19;
	v3 =	vld [tilespmem:s6+$0x600]  }
0x1e4: {  	s13 =	sadd.s32 s15, s17;
	p2 =	por !p2, !p2;
	s15 =	simm.s32 $0x1;
	(v2sf) =	vpush v1, $0x6  }
0x1e5: {  	p3 =	slt.s32 s19, $0x1;
	s10 =	simm.s32 @!p1 $0x0;
	s13 =	sshrl.u32 s13, $0x3  }
0x1e6: {  	s14 =	sshrl.u32 s20, $0x1D;
	s15 =	simm.s32 @!p2 $0x0;
	p4 =	sne.s32 s21, $0x0  }
0x1e7: {  	s7 =	ssub.s32 s7, s10;
	s14 =	sadd.s32 s14, s19;
	s13 =	ssub.s32 s13, s15  }
0x1e8: {  	p1 =	por !p3, !p4;
	s23 =	sshll.u32 s7, $0x7;
	s22 =	sshll.u32 s13, $0x7;
	[tilespmem:s30+$0xFFFFFC80] =	vst v3  }
0x1e9: {  	p1 =	por !p1, !p1;
	s4 =	sand.u32 $0x1FFFFF80, s23;
	s24 =	sshrl.u32 s14, $0x3;
	v3 =	vld [tilespmem:s6+$0x610]  }
0x1ea: {  	s7 =	sand.u32 $0x1FFFFF80, s22;
	s12 =	simm.s32 @!p1 $0x0;
	s26 =	spop (v2sf)  }
0x1eb: {  	s10 =	ssub.s32 s24, s12;
	s12 =	simm.s32 $0x1;
	s2 =	sshra.s32 s26, $0x1F  }
0x1ec: {  	s8 =	sand.u32 $0x7, s26;
	p5 =	slt.s32 s26, $0x1;
	s15 =	spop (v2sf)  }
0x1ed: {  	p6 =	sne.s32 s8, $0x0;
	s13 =	sshrl.u32 s2, $0x1D;
	p3 =	slt.s32 s15, $0x1  }
0x1ee: {  	[tilespmem:s30+$0xFFFFFC90] =	vst v3;
	s17 =	sand.u32 $0x7, s15;
	s18 =	sshra.s32 s15, $0x1F;
	p1 =	por !p5, !p6  }
0x1ef: {  	(v2sf) =	vpush v1, $0x7;
	v3 =	vld [tilespmem:s6+$0x61E];
	s16 =	sadd.s32 s13, s26;
	p4 =	sne.s32 s17, $0x0;
	s13 =	simm.s32 $0x1  }
0x1f0: {  	p2 =	por !p1, !p1;
	s6 =	sshrl.u32 s16, $0x3;
	p1 =	por !p3, !p4  }
0x1f1: {  	(v2sf) =	vpush v2, $0x8;
	s20 =	spop (v2sf);
	s12 =	simm.s32 @!p2 $0x0;
	p1 =	por !p1, !p1  }
0x1f2: {  	[tilespmem:s30+$0xFFFFFCAE] =	vst v0;
	p5 =	slt.s32 s20, $0x1;
	s21 =	sshra.s32 s20, $0x1F;
	s22 =	sand.u32 $0x7, s20  }
0x1f3: {  	[tilespmem:s30+$0xFFFFFCB0] =	vst v0;
	(v2sf) =	vpush v2, $0x9;
	s24 =	spop (v2sf);
	s6 =	ssub.s32 s6, s12;
	s12 =	sshrl.u32 s18, $0x1D  }
0x1f4: {  	(v2sf) =	vpush v2, $0xA;
	s13 =	simm.s32 @!p1 $0x0;
	p6 =	sne.s32 s22, $0x0;
	s26 =	sshra.s32 s24, $0x1F;
	[tilespmem:s30+$0xFFFFFC9E] =	vst v3  }
0x1f5: {  	s2 =	sand.u32 $0x7, s24;
	p3 =	slt.s32 s24, $0x1;
	s6 =	sshll.u32 s6, $0x7;
	v3 =	vld [tilespmem:s5+$0xA00]  }
0x1f6: {  	(v2sf) =	vpush v2, $0xB;
	s19 =	sadd.s32 s12, s15;
	p1 =	por !p5, !p6;
	p4 =	sne.s32 s2, $0x0  }
0x1f7: {  	s8 =	sshrl.u32 s26, $0x1D;
	s17 =	sand.u32 $0x1FFFFF80, s6;
	s6 =	sshrl.u32 s19, $0x3  }
0x1f8: {  	p1 =	por !p1, !p1;
	s6 =	ssub.s32 s6, s13;
	s13 =	sshrl.u32 s21, $0x1D  }
0x1f9: {  	s6 =	sshll.u32 s6, $0x7;
	s23 =	sadd.s32 s13, s20;
	s13 =	simm.s32 $0x1  }
0x1fa: {  	s18 =	sand.u32 $0x1FFFFF80, s6;
	s6 =	sshrl.u32 s23, $0x3;
	s13 =	simm.s32 @!p1 $0x0;
	[tilespmem:s30+$0xFFFFFD00] =	vst v3  }
0x1fb: {  	s12 =	simm.s32 $0x1;
	p1 =	por !p3, !p4;
	s6 =	ssub.s32 s6, s13;
	v3 =	vld [tilespmem:s5+$0xA10]  }
0x1fc: {  	s14 =	sadd.s32 s8, s24;
	p1 =	por !p1, !p1;
	s6 =	sshll.u32 s6, $0x7  }
0x1fd: {  	s12 =	simm.s32 @!p1 $0x0;
	s22 =	sand.u32 $0x1FFFFF80, s6;
	s6 =	sshrl.u32 s14, $0x3  }
0x1fe: {  	s6 =	ssub.s32 s6, s12;
	s12 =	simm.s32 $0x1;
	s15 =	spop (v2sf);
	(v2sf) =	vpush v2, $0xC  }
0x1ff: {  	s6 =	sshll.u32 s6, $0x7;
	s16 =	sshra.s32 s15, $0x1F;
	s19 =	sand.u32 $0x7, s15;
	(v2sf) =	vpush v2, $0xD  }
0x200: {  	p5 =	slt.s32 s15, $0x1;
	s23 =	sand.u32 $0x1FFFFF80, s6;
	s21 =	spop (v2sf);
	(v2sf) =	vpush v2, $0xE;
	[tilespmem:s30+$0xFFFFFD10] =	vst v3  }
0x201: {  	p6 =	sne.s32 s19, $0x0;
	s20 =	sshrl.u32 s16, $0x1D;
	s24 =	sshra.s32 s21, $0x1F;
	v3 =	vld [tilespmem:s5+$0xA1E]  }
0x202: {  	p1 =	por !p5, !p6;
	s26 =	sshrl.u32 s24, $0x1D;
	s13 =	spop (v2sf)  }
0x203: {  	p1 =	por !p1, !p1;
	s8 =	spop (v2sf);
	s14 =	sshra.s32 s13, $0x1F  }
0x204: {  	(v2sf) =	vpush v2, $0xF;
	s5 =	sadd.s32 s20, s15;
	s12 =	simm.s32 @!p1 $0x0;
	[tilespmem:s30+$0xFFFFFD2E] =	vst v0;
	s15 =	sshra.s32 s8, $0x1F  }
0x205: {  	s16 =	sshrl.u32 s14, $0x1D;
	s20 =	spop (v2sf);
	s5 =	sshrl.u32 s5, $0x3;
	[tilespmem:s30+$0xFFFFFD30] =	vst v0  }
0x206: {  	(v2sf) =	vpush v1, $0x8;
	s19 =	sshrl.u32 s15, $0x1D;
	s5 =	ssub.s32 s5, s12;
	s12 =	sadd.s32 s26, s21;
	[tilespmem:s30+$0xFFFFFD1E] =	vst v3  }
0x207: {  	s6 =	sadd.s32 s19, s8;
	s5 =	sshll.u32 s5, $0x7;
	s2 =	sand.u32 $0x7FFFF8, s12;
	v2 =	vld [tilespmem:s1+$0xE00]  }
0x208: {  	(v2sf) =	vpush v1, $0x9;
	s26 =	sshra.s32 s20, $0x1F;
	s24 =	sand.u32 $0x1FFFFF80, s5;
	s5 =	ssub.s32 s21, s2  }
0x209: {  	s6 =	sand.u32 $0x7FFFF8, s6;
	s21 =	sshll.u32 s5, $0x9;
	s5 =	sadd.s32 s16, s13  }
0x20a: {  	s6 =	ssub.s32 s8, s6;
	s2 =	sshrl.u32 s26, $0x1D;
	s5 =	sand.u32 $0x7FFFF8, s5  }
0x20b: {  	s16 =	sshll.u32 s6, $0x9;
	s6 =	sadd.s32 s2, s20;
	s5 =	ssub.s32 s13, s5  }
0x20c: {  	s19 =	sshll.u32 s5, $0x9;
	s5 =	sand.u32 $0x7FFFF8, s6;
	[tilespmem:s30+$0xFFFFFD80] =	vst v2  }
0x20d: {  	s5 =	ssub.s32 s20, s5;
	s8 =	spop (v2sf);
	v2 =	vld [tilespmem:s1+$0xE10]  }
0x20e: {  	s13 =	sshll.u32 s5, $0x9;
	s15 =	sshra.s32 s8, $0x1F;
	s14 =	spop (v2sf)  }
0x20f: {  	s20 =	sshrl.u32 s15, $0x1D;
	s26 =	sshra.s32 s14, $0x1F;
	s15 =	spop (v2sf)  }
0x210: {  	s5 =	sadd.s32 s20, s8;
	s12 =	sshrl.u32 s26, $0x1D;
	s2 =	sshra.s32 s15, $0x1F  }
0x211: {  	(v2sf) =	vpush v1, $0xA;
	s5 =	sand.u32 $0x7FFFF8, s5;
	s12 =	sadd.s32 s12, s14;
	s20 =	sshrl.u32 s2, $0x1D  }
0x212: {  	s5 =	ssub.s32 s8, s5;
	s8 =	sand.u32 $0x7FFFF8, s12;
	s2 =	sadd.s32 s20, s15;
	[tilespmem:s30+$0xFFFFFD90] =	vst v2  }
0x213: {  	s12 =	sshll.u32 s5, $0x9;
	s26 =	ssub.s32 s14, s8;
	s14 =	spop (v2sf);
	v2 =	vld [tilespmem:s1+$0xE1E]  }
0x214: {  	s8 =	sand.u32 $0x7FFFF8, s2;
	s5 =	sshll.u32 s26, $0x9;
	s20 =	sshra.s32 s14, $0x1F  }
0x215: {  	s1 =	ssub.s32 s15, s8;
	s15 =	spop (v2sf);
	(v2sf) =	vpush v1, $0xB;
	s26 =	sshrl.u32 s20, $0x1D  }
0x216: {  	s6 =	sshra.s32 s0, $0x2;
	[tilespmem:s30+$0xFFFFFDAE] =	vst v0;
	p3 =	slt.s32 s15, $0x1;
	s2 =	sadd.s32 s26, s14  }
0x217: {  	[tilespmem:s30+$0xFFFFFDB0] =	vst v0;
	s8 =	sand.u32 $0x7, s15;
	s26 =	sshra.s32 s15, $0x1F;
	s20 =	spop (v2sf)  }
0x218: {  	s0 =	sand.u32 $0x7FFFF8, s2;
	p4 =	sne.s32 s8, $0x0;
	s26 =	sshrl.u32 s26, $0x1D;
	[tilespmem:s30+$0xFFFFFD9E] =	vst v2  }
0x219: {  	s2 =	sshra.s32 s20, $0x1F;
	s0 =	ssub.s32 s14, s0;
	p1 =	por !p3, !p4;
	v2 =	vld [tilespmem:s6+$0x1200]  }
0x21a: {  	s14 =	sadd.s32 s26, s15;
	s15 =	simm.s32 $0x1;
	p1 =	por !p1, !p1  }
0x21b: {  	s8 =	sand.u32 $0x7, s20;
	s14 =	sshrl.u32 s14, $0x3;
	s15 =	simm.s32 @!p1 $0x0  }
0x21c: {  	(v2sf) =	vpush v1, $0xC;
	p5 =	slt.s32 s20, $0x1;
	p6 =	sne.s32 s8, $0x0;
	s14 =	ssub.s32 s14, s15  }
0x21d: {  	s26 =	sshrl.u32 s2, $0x1D;
	s0 =	sshll.u32 s0, $0x9;
	s14 =	sshll.u32 s14, $0x7  }
0x21e: {  	[dreg:$0x4] =	wrdreg s0;
	p1 =	por !p5, !p6;
	s14 =	sand.u32 $0x1FFFFF80, s14;
	[tilespmem:s30+$0xFFFFFE00] =	vst v2  }
0x21f: {  	(v2sf) =	vpush v1, $0xD;
	p1 =	por !p1, !p1;
	[dreg:$0x3] =	wrdreg s14;
	s14 =	sadd.s32 s26, s20;
	v2 =	vld [tilespmem:s6+$0x1210]  }
0x220: {  	s0 =	spop (v2sf);
	s20 =	simm.s32 $0x1;
	s14 =	sshrl.u32 s14, $0x3  }
0x221: {  	s20 =	simm.s32 @!p1 $0x0;
	p3 =	slt.s32 s0, $0x1;
	s2 =	sshra.s32 s0, $0x1F  }
0x222: {  	s8 =	sand.u32 $0x7, s0;
	s14 =	ssub.s32 s14, s20;
	s20 =	sshrl.u32 s2, $0x1D  }
0x223: {  	p4 =	sne.s32 s8, $0x0;
	s14 =	sshll.u32 s14, $0x7;
	s20 =	sadd.s32 s20, s0  }
0x224: {  	p1 =	por !p3, !p4;
	s26 =	sand.u32 $0x1FFFFF80, s14;
	s15 =	spop (v2sf);
	[tilespmem:s30+$0xFFFFFE10] =	vst v2  }
0x225: {  	s14 =	sshrl.u32 s20, $0x3;
	p1 =	por !p1, !p1;
	s0 =	sshra.s32 s15, $0x1F;
	v2 =	vld [tilespmem:s6+$0x121E]  }
0x226: {  	(v2sf) =	vpush v1, $0xE;
	s8 =	sand.u32 $0x7, s15;
	p5 =	slt.s32 s15, $0x1;
	s20 =	sshrl.u32 s0, $0x1D  }
0x227: {  	p6 =	sne.s32 s8, $0x0;
	s6 =	simm.s32 $0x1;
	s0 =	sadd.s32 s20, s15  }
0x228: {  	[tilespmem:s30+$0xFFFFFE2E] =	vst v0;
	s20 =	sshra.s32 s11, $0x2;
	s6 =	simm.s32 @!p1 $0x0;
	p1 =	por !p5, !p6  }
0x229: {  	s11 =	simm.s32 $0x1;
	[tilespmem:s30+$0xFFFFFE30] =	vst v0;
	s6 =	ssub.s32 s14, s6;
	p1 =	por !p1, !p1  }
0x22a: {  	s2 =	sshrl.u32 s0, $0x3;
	s14 =	sshll.u32 s6, $0x7;
	s11 =	simm.s32 @!p1 $0x0;
	[tilespmem:s30+$0xFFFFFE1E] =	vst v2  }
0x22b: {  	(v2sf) =	vpush v1, $0xF;
	s6 =	sand.u32 $0x1FFFFF80, s14;
	s2 =	ssub.s32 s2, s11;
	s14 =	spop (v2sf);
	v1 =	vld [tilespmem:s20+$0x1600]  }
0x22c: {  	s2 =	sshll.u32 s2, $0x7;
	s15 =	sshra.s32 s14, $0x1F;
	s8 =	sand.u32 $0x7, s14  }
0x22d: {  	p3 =	slt.s32 s14, $0x1;
	s11 =	sand.u32 $0x1FFFFF80, s2;
	p4 =	sne.s32 s8, $0x0  }
0x22e: {  	s15 =	sshrl.u32 s15, $0x1D;
	s2 =	spop (v2sf);
	p1 =	por !p3, !p4  }
0x22f: {  	s0 =	sadd.s32 s15, s14;
	s8 =	sand.u32 $0x7, s2;
	s15 =	simm.s32 $0x1  }
0x230: {  	p6 =	slt.s32 s2, $0x1;
	p1 =	por !p1, !p1;
	s0 =	sshrl.u32 s0, $0x3;
	[tilespmem:s30+$0xFFFFFE80] =	vst v1  }
0x231: {  	p5 =	sne.s32 s8, $0x0;
	s8 =	sshra.s32 s2, $0x1F;
	s15 =	simm.s32 @!p1 $0x0;
	v1 =	vld [tilespmem:s20+$0x1610]  }
0x232: {  	s14 =	sshrl.u32 s8, $0x1D;
	p1 =	por !p6, !p5;
	s0 =	ssub.s32 s0, s15  }
0x233: {  	s14 =	sadd.s32 s14, s2;
	p1 =	por !p1, !p1;
	s2 =	simm.s32 $0x1  }
0x234: {  	s0 =	sshll.u32 s0, $0x7;
	s2 =	simm.s32 @!p1 $0x0  }
0x235: {  	s15 =	sand.u32 $0x1FFFFF80, s0;
	s0 =	sshrl.u32 s14, $0x3;
	s8 =	spop (v2sf)  }
0x236: {  	s0 =	ssub.s32 s0, s2;
	s2 =	sshra.s32 s8, $0x1F;
	s14 =	sand.u32 $0x7, s8;
	[tilespmem:s30+$0xFFFFFE90] =	vst v1  }
0x237: {  	p3 =	slt.s32 s8, $0x1;
	s0 =	sshll.u32 s0, $0x7;
	p4 =	sne.s32 s14, $0x0;
	v1 =	vld [tilespmem:s20+$0x161E]  }
0x238: {  	s2 =	sshrl.u32 s2, $0x1D;
	s14 =	sand.u32 $0x1FFFFF80, s0;
	p1 =	por !p3, !p4  }
0x239: {  	s0 =	sadd.s32 s2, s8;
	s8 =	simm.s32 $0x1;
	p1 =	por !p1, !p1  }
0x23a: {  	s2 =	spop (v2sf);
	s0 =	sshrl.u32 s0, $0x3;
	s8 =	simm.s32 @!p1 $0x0;
	[tilespmem:s30+$0xFFFFFEAE] =	vst v0  }
0x23b: {  	s0 =	ssub.s32 s0, s8;
	s8 =	sand.u32 $0x7, s2;
	[tilespmem:s30+$0xFFFFFEB0] =	vst v0  }
0x23c: {  	p6 =	sne.s32 s8, $0x0;
	s8 =	sshra.s32 s9, $0x2;
	[tilespmem:s30+$0xFFFFFE9E] =	vst v1  }
0x23d: {  	v1 =	vld [tilespmem:s8+$0x1A00];
	_ =	sdelay $0x4  }
0x23e: {  	[tilespmem:s30+$0xFFFFFF00] =	vst v1  }
0x23f: {  	v1 =	vld [tilespmem:s8+$0x1A10];
	_ =	sdelay $0x4  }
0x240: {  	p5 =	slt.s32 s2, $0x1;
	s20 =	sshra.s32 s2, $0x1F;
	[tilespmem:s30+$0xFFFFFF10] =	vst v1  }
0x241: {  	s0 =	sshll.u32 s0, $0x7;
	s20 =	sshrl.u32 s20, $0x1D;
	p1 =	por !p5, !p6;
	v1 =	vld [tilespmem:s8+$0x1A1E]  }
0x242: {  	s20 =	sadd.s32 s20, s2;
	s2 =	simm.s32 $0x1;
	p1 =	por !p1, !p1  }
0x243: {  	s9 =	sand.u32 $0x1FFFFF80, s0;
	s0 =	sshrl.u32 s20, $0x3;
	s2 =	simm.s32 @!p1 $0x0  }
0x244: {  	s0 =	ssub.s32 s0, s2;
	[tilespmem:s30+$0xFFFFFF2E] =	vst v0  }
0x245: {  	s2 =	rddreg [dreg:$0x5];
	s0 =	sshll.u32 s0, $0x7;
	[tilespmem:s30+$0xFFFFFF30] =	vst v0  }
0x246: {  	s20 =	sand.u32 $0x1FFFFF80, s0;
	s0 =	sshra.s32 s2, $0x2;
	[tilespmem:s30+$0xFFFFFF1E] =	vst v1  }
0x247: {  	v1 =	vld [tilespmem:s0+$0x1E00];
	_ =	sdelay $0x4  }
0x248: {  	[tilespmem:s30+$0xFFFFFF80] =	vst v1  }
0x249: {  	v1 =	vld [tilespmem:s0+$0x1E10];
	_ =	sdelay $0x4  }
0x24a: {  	[tilespmem:s30+$0xFFFFFF90] =	vst v1  }
0x24b: {  	v1 =	vld [tilespmem:s0+$0x1E1E];
	_ =	sdelay $0x2  }
0x24c: {  	[tilespmem:s30+$0xFFFFFFAE] =	vst v0  }
0x24d: {  	[tilespmem:s30+$0xFFFFFFB0] =	vst v0  }
0x24e: {  	s10 =	sshll.u32 s10, $0x7;
	s2 =	sadd.s32 s3, s4;
	s8 =	simm.s32 $0x200;
	[tilespmem:s30+$0xFFFFFF9E] =	vst v1  }
0x24f: {  	[tilespmem:s8], [sflag:$0x1] =	stream.linear.gather [hbm4b:s2+s31], $0x400, $0x38;
	[tilespmem:$0x14200] =	vst v63  }
0x250: {  	s10 =	sand.u32 $0x1FFFFF80, s10;
	s4 =	sadd.s32 s3, s7;
	s7 =	simm.s32 $0x600  }
0x251: {  	[tilespmem:s7], [sflag:$0x1] =	stream.linear.gather [hbm4b:s4+s31], $0x400, $0x38;
	[tilespmem:$0x14200] =	vst v63  }
0x252: {  	s4 =	sadd.s32 s3, s10;
	s7 =	simm.s32 $0xA00  }
0x253: {  	[tilespmem:s7], [sflag:$0x1] =	stream.linear.gather [hbm4b:s4+s31], $0x400, $0x38;
	[tilespmem:$0x14200] =	vst v63  }
0x254: {  	s10 =	sadd.s32 s3, s17;
	s17 =	simm.s32 $0xE00  }
0x255: {  	[tilespmem:s17], [sflag:$0x1] =	stream.linear.gather [hbm4b:s10+s31], $0x400, $0x38;
	[tilespmem:$0x14200] =	vst v63  }
0x256: {  	s4 =	sadd.s32 s3, s18;
	s7 =	simm.s32 $0x1200  }
0x257: {  	[tilespmem:s7], [sflag:$0x1] =	stream.linear.gather [hbm4b:s4+s31], $0x400, $0x38;
	[tilespmem:$0x14200] =	vst v63  }
0x258: {  	s10 =	sadd.s32 s3, s22;
	s17 =	simm.s32 $0x1600  }
0x259: {  	[tilespmem:s17], [sflag:$0x1] =	stream.linear.gather [hbm4b:s10+s31], $0x400, $0x38;
	[tilespmem:$0x14200] =	vst v63  }
0x25a: {  	s18 =	sadd.s32 s3, s23;
	s22 =	simm.s32 $0x1A00  }
0x25b: {  	[tilespmem:s22], [sflag:$0x1] =	stream.linear.gather [hbm4b:s18+s31], $0x400, $0x38;
	[tilespmem:$0x14200] =	vst v63  }
0x25c: {  	s23 =	sadd.s32 s3, s24;
	s24 =	simm.s32 $0x1E00  }
0x25d: {  	[tilespmem:s24], [sflag:$0x1] =	stream.linear.gather [hbm4b:s23+s31], $0x400, $0x38;
	[tilespmem:$0x14200] =	vst v63  }
0x25e: {  	_ =	swait.ge [sflag:s25], $0x400  }
0x25f: {  	[sflag:s25] =	ssyncset.done $0x0  }
0x260: {  	[sflag:s25] =	ssyncadd.s32 $0xFFFFFC00  }
0x261: {  	_ =	swait.ge [sflag:s25], $0x400  }
0x262: {  	[sflag:s25] =	ssyncset.done $0x0  }
0x263: {  	[sflag:s25] =	ssyncadd.s32 $0xFFFFFC00  }
0x264: {  	_ =	swait.ge [sflag:s25], $0x400  }
0x265: {  	[sflag:s25] =	ssyncset.done $0x0  }
0x266: {  	[sflag:s25] =	ssyncadd.s32 $0xFFFFFC00  }
0x267: {  	_ =	swait.ge [sflag:s25], $0x400  }
0x268: {  	[sflag:s25] =	ssyncset.done $0x0  }
0x269: {  	[sflag:s25] =	ssyncadd.s32 $0xFFFFFC00  }
0x26a: {  	_ =	swait.ge [sflag:s25], $0x400  }
0x26b: {  	[sflag:s25] =	ssyncset.done $0x0  }
0x26c: {  	[sflag:s25] =	ssyncadd.s32 $0xFFFFFC00  }
0x26d: {  	_ =	swait.ge [sflag:s25], $0x400  }
0x26e: {  	[sflag:s25] =	ssyncset.done $0x0  }
0x26f: {  	[sflag:s25] =	ssyncadd.s32 $0xFFFFFC00  }
0x270: {  	_ =	swait.ge [sflag:s25], $0x400  }
0x271: {  	[sflag:s25] =	ssyncset.done $0x0  }
0x272: {  	[sflag:s25] =	ssyncadd.s32 $0xFFFFFC00  }
0x273: {  	_ =	swait.ge [sflag:s25], $0x400  }
0x274: {  	[sflag:s25] =	ssyncset.done $0x0  }
0x275: {  	s4 =	sshra.s32 s21, $0x2;
	[sflag:s25] =	ssyncadd.s32 $0xFFFFFC00  }
0x276: {  	v1 =	vld [tilespmem:s4+$0x2200];
	_ =	sdelay $0x4  }
0x277: {  	[tilespmem:s30+$0x0] =	vst v1  }
0x278: {  	v1 =	vld [tilespmem:s4+$0x2210];
	_ =	sdelay $0x4  }
0x279: {  	[tilespmem:s30+$0x10] =	vst v1  }
0x27a: {  	v1 =	vld [tilespmem:s4+$0x221E];
	_ =	sdelay $0x2  }
0x27b: {  	[tilespmem:s30+$0x2E] =	vst v0  }
0x27c: {  	[tilespmem:s30+$0x30] =	vst v0  }
0x27d: {  	s7 =	sshra.s32 s19, $0x2;
	[tilespmem:s30+$0x1E] =	vst v1  }
0x27e: {  	v1 =	vld [tilespmem:s7+$0x2600];
	_ =	sdelay $0x4  }
0x27f: {  	[tilespmem:s30+$0x80] =	vst v1  }
0x280: {  	v1 =	vld [tilespmem:s7+$0x2610];
	_ =	sdelay $0x4  }
0x281: {  	[tilespmem:s30+$0x90] =	vst v1  }
0x282: {  	v1 =	vld [tilespmem:s7+$0x261E];
	_ =	sdelay $0x2  }
0x283: {  	[tilespmem:s30+$0xAE] =	vst v0  }
0x284: {  	[tilespmem:s30+$0xB0] =	vst v0  }
0x285: {  	s10 =	sshra.s32 s16, $0x2;
	[tilespmem:s30+$0x9E] =	vst v1  }
0x286: {  	v1 =	vld [tilespmem:s10+$0x2A00];
	_ =	sdelay $0x4  }
0x287: {  	[tilespmem:s30+$0x100] =	vst v1  }
0x288: {  	v1 =	vld [tilespmem:s10+$0x2A10];
	_ =	sdelay $0x4  }
0x289: {  	[tilespmem:s30+$0x110] =	vst v1  }
0x28a: {  	v1 =	vld [tilespmem:s10+$0x2A1E];
	_ =	sdelay $0x2  }
0x28b: {  	[tilespmem:s30+$0x12E] =	vst v0  }
0x28c: {  	[tilespmem:s30+$0x130] =	vst v0  }
0x28d: {  	s16 =	sshra.s32 s13, $0x2;
	[tilespmem:s30+$0x11E] =	vst v1  }
0x28e: {  	v1 =	vld [tilespmem:s16+$0x2E00];
	_ =	sdelay $0x4  }
0x28f: {  	[tilespmem:s30+$0x180] =	vst v1  }
0x290: {  	v1 =	vld [tilespmem:s16+$0x2E10];
	_ =	sdelay $0x4  }
0x291: {  	[tilespmem:s30+$0x190] =	vst v1  }
0x292: {  	v1 =	vld [tilespmem:s16+$0x2E1E];
	_ =	sdelay $0x2  }
0x293: {  	[tilespmem:s30+$0x1AE] =	vst v0  }
0x294: {  	[tilespmem:s30+$0x1B0] =	vst v0  }
0x295: {  	s17 =	sshra.s32 s12, $0x2;
	[tilespmem:s30+$0x19E] =	vst v1  }
0x296: {  	v1 =	vld [tilespmem:s17+$0x3200];
	_ =	sdelay $0x4  }
0x297: {  	[tilespmem:s30+$0x200] =	vst v1  }
0x298: {  	v1 =	vld [tilespmem:s17+$0x3210];
	_ =	sdelay $0x4  }
0x299: {  	[tilespmem:s30+$0x210] =	vst v1  }
0x29a: {  	v1 =	vld [tilespmem:s17+$0x321E];
	_ =	sdelay $0x2  }
0x29b: {  	[tilespmem:s30+$0x22E] =	vst v0  }
0x29c: {  	[tilespmem:s30+$0x230] =	vst v0  }
0x29d: {  	s18 =	sshra.s32 s5, $0x2;
	[tilespmem:s30+$0x21E] =	vst v1  }
0x29e: {  	v1 =	vld [tilespmem:s18+$0x3600];
	_ =	sdelay $0x4  }
0x29f: {  	[tilespmem:s30+$0x280] =	vst v1  }
0x2a0: {  	v1 =	vld [tilespmem:s18+$0x3610];
	_ =	sdelay $0x4  }
0x2a1: {  	[tilespmem:s30+$0x290] =	vst v1  }
0x2a2: {  	v1 =	vld [tilespmem:s18+$0x361E];
	_ =	sdelay $0x2  }
0x2a3: {  	[tilespmem:s30+$0x2AE] =	vst v0  }
0x2a4: {  	s1 =	sshll.u32 s1, $0x9;
	[tilespmem:s30+$0x2B0] =	vst v0  }
0x2a5: {  	s19 =	sshra.s32 s1, $0x2;
	[tilespmem:s30+$0x29E] =	vst v1  }
0x2a6: {  	v1 =	vld [tilespmem:s19+$0x3A00];
	_ =	sdelay $0x4  }
0x2a7: {  	[tilespmem:s30+$0x300] =	vst v1  }
0x2a8: {  	v1 =	vld [tilespmem:s19+$0x3A10];
	_ =	sdelay $0x4  }
0x2a9: {  	[tilespmem:s30+$0x310] =	vst v1  }
0x2aa: {  	v1 =	vld [tilespmem:s19+$0x3A1E];
	_ =	sdelay $0x2  }
0x2ab: {  	[tilespmem:s30+$0x32E] =	vst v0  }
0x2ac: {  	s21 =	rddreg [dreg:$0x4];
	[tilespmem:s30+$0x330] =	vst v0  }
0x2ad: {  	s0 =	sshra.s32 s21, $0x2;
	[tilespmem:s30+$0x31E] =	vst v1  }
0x2ae: {  	v1 =	vld [tilespmem:s0+$0x3E00];
	_ =	sdelay $0x4  }
0x2af: {  	[tilespmem:s30+$0x380] =	vst v1  }
0x2b0: {  	v1 =	vld [tilespmem:s0+$0x3E10];
	_ =	sdelay $0x4  }
0x2b1: {  	[tilespmem:s30+$0x390] =	vst v1  }
0x2b2: {  	v1 =	vld [tilespmem:s0+$0x3E1E];
	_ =	sdelay $0x2  }
0x2b3: {  	[tilespmem:s30+$0x3AE] =	vst v0  }
0x2b4: {  	s22 =	rddreg [dreg:$0x3];
	[tilespmem:s30+$0x3B0] =	vst v0  }
0x2b5: {  	s7 =	simm.s32 $0x2200;
	s0 =	sadd.s32 s3, s22;
	[tilespmem:s30+$0x39E] =	vst v1  }
0x2b6: {  	[tilespmem:s7], [sflag:$0x2] =	stream.linear.gather [hbm4b:s0+s31], $0x400, $0x38;
	[tilespmem:$0x14200] =	vst v63  }
0x2b7: {  	p0 =	sne.s32 s29, $0x7C0;
	s23 =	sadd.s32 s3, s26;
	s10 =	simm.s32 $0x2600  }
0x2b8: {  	[tilespmem:s10], [sflag:$0x2] =	stream.linear.gather [hbm4b:s23+s31], $0x400, $0x38;
	[tilespmem:$0x14200] =	vst v63  }
.Ltmp0:
0x2b9: {  	s29 =	sadd.s32 $0x40, s29;
	(pc) =	sbr.rel @p0 .LBB2_2-.Ltmp0, $4  }
0x2ba: {  	s12 =	simm.s32 $0x2A00;
	s24 =	sadd.s32 s3, s6;
	s6 =	simm.s32 $0x2E00  }
0x2bb: {  	[tilespmem:s12], [sflag:$0x2] =	stream.linear.gather [hbm4b:s24+s31], $0x400, $0x38;
	[tilespmem:$0x14200] =	vst v63  }
0x2bc: {  	s26 =	sadd.s32 s3, s11;
	s30 =	sadd.s32 $0x800, s30;
	s0 =	sadd.s32 s3, s15  }
0x2bd: {  	[tilespmem:s6], [sflag:$0x2] =	stream.linear.gather [hbm4b:s26+s31], $0x400, $0x38;
	[tilespmem:$0x14200] =	vst v63  }
0x2be: {  	s2 =	simm.s32 $0x0;
	s1 =	simm.s32 $0x3200  }
0x2bf: {  	[tilespmem:s1], [sflag:$0x2] =	stream.linear.gather [hbm4b:s0+s2], $0x400, $0x38;
	[tilespmem:$0x14200] =	vst v63  }
0x2c0: {  	s21 =	sadd.s32 s3, s14;
	s22 =	simm.s32 $0x3600  }
0x2c1: {  	[tilespmem:s22], [sflag:$0x2] =	stream.linear.gather [hbm4b:s21+s2], $0x400, $0x38;
	[tilespmem:$0x14200] =	vst v63  }
0x2c2: {  	s23 =	sadd.s32 s3, s9;
	s24 =	simm.s32 $0x3A00  }
0x2c3: {  	[tilespmem:s24], [sflag:$0x2] =	stream.linear.gather [hbm4b:s23+s2], $0x400, $0x38;
	[tilespmem:$0x14200] =	vst v63  }
0x2c4: {  	s26 =	sadd.s32 s3, s20;
	s29 =	simm.s32 $0x3E00  }
0x2c5: {  	[tilespmem:s29], [sflag:$0x2] =	stream.linear.gather [hbm4b:s26+s2], $0x400, $0x38;
	[tilespmem:$0x14200] =	vst v63  }
0x2c6: {  	v1 =	vld [tilespmem:$0x1F0];
	_ =	swait.ge [sflag:s28], $0x400  }
0x2c7: {  	[sflag:s28] =	ssyncset.done $0x0  }
0x2c8: {  	[sflag:s28] =	ssyncadd.s32 $0xFFFFFC00  }
0x2c9: {  	_ =	swait.ge [sflag:s28], $0x400  }
0x2ca: {  	[sflag:s28] =	ssyncset.done $0x0  }
0x2cb: {  	[sflag:s28] =	ssyncadd.s32 $0xFFFFFC00  }
0x2cc: {  	_ =	swait.ge [sflag:s28], $0x400  }
0x2cd: {  	[sflag:s28] =	ssyncset.done $0x0  }
0x2ce: {  	[sflag:s28] =	ssyncadd.s32 $0xFFFFFC00  }
0x2cf: {  	_ =	swait.ge [sflag:s28], $0x400  }
0x2d0: {  	[sflag:s28] =	ssyncset.done $0x0  }
0x2d1: {  	[sflag:s28] =	ssyncadd.s32 $0xFFFFFC00  }
0x2d2: {  	_ =	swait.ge [sflag:s28], $0x400  }
0x2d3: {  	[sflag:s28] =	ssyncset.done $0x0  }
0x2d4: {  	[sflag:s28] =	ssyncadd.s32 $0xFFFFFC00  }
0x2d5: {  	_ =	swait.ge [sflag:s28], $0x400  }
0x2d6: {  	[sflag:s28] =	ssyncset.done $0x0  }
0x2d7: {  	[sflag:s28] =	ssyncadd.s32 $0xFFFFFC00  }
0x2d8: {  	_ =	swait.ge [sflag:s28], $0x400  }
0x2d9: {  	[sflag:s28] =	ssyncset.done $0x0  }
0x2da: {  	[sflag:s28] =	ssyncadd.s32 $0xFFFFFC00  }
0x2db: {  	_ =	swait.ge [sflag:s28], $0x400  }
0x2dc: {  	(v2sf) =	vpush v1, $0x0;
	_ =	sdelay $0xe  }
0x2dd: {  	s4 =	spop (v2sf)  }
0x2de: {  	s5 =	sshra.s32 s4, $0x1F  }
0x2df: {  	s1 =	sshrl.u32 s5, $0x1D  }
0x2e0: {  	(v2sf) =	vpush v1, $0x1;
	s1 =	sadd.s32 s1, s4  }
0x2e1: {  	s1 =	sand.u32 $0x7FFFF8, s1  }
0x2e2: {  	s0 =	ssub.s32 s4, s1  }
0x2e3: {  	[sflag:s28] =	ssyncset.done $0x0;
	s0 =	sshll.u32 s0, $0x9  }
0x2e4: {  	[sflag:s28] =	ssyncadd.s32 $0xFFFFFC00;
	s0 =	sshra.s32 s0, $0x2  }
0x2e5: {  	v2 =	vld [tilespmem:s0+$0x200];
	_ =	sdelay $0x4  }
0x2e6: {  	[tilespmem:$0x13A00] =	vst v2  }
0x2e7: {  	v2 =	vld [tilespmem:s0+$0x210];
	_ =	sdelay $0x3  }
0x2e8: {  	s9 =	spop (v2sf)  }
0x2e9: {  	s11 =	sshra.s32 s9, $0x1F;
	[tilespmem:$0x13A10] =	vst v2  }
0x2ea: {  	s1 =	sshrl.u32 s11, $0x1D;
	v2 =	vld [tilespmem:s0+$0x21E]  }
0x2eb: {  	(v2sf) =	vpush v1, $0x2;
	s1 =	sadd.s32 s1, s9  }
0x2ec: {  	s1 =	sand.u32 $0x7FFFF8, s1  }
0x2ed: {  	s0 =	ssub.s32 s9, s1;
	[tilespmem:$0x13A2E] =	vst v0  }
0x2ee: {  	s0 =	sshll.u32 s0, $0x9;
	[tilespmem:$0x13A30] =	vst v0  }
0x2ef: {  	s0 =	sshra.s32 s0, $0x2;
	[tilespmem:$0x13A1E] =	vst v2  }
0x2f0: {  	v2 =	vld [tilespmem:s0+$0x600];
	_ =	sdelay $0x4  }
0x2f1: {  	[tilespmem:$0x13A80] =	vst v2  }
0x2f2: {  	v2 =	vld [tilespmem:s0+$0x610];
	_ =	sdelay $0x3  }
0x2f3: {  	s13 =	spop (v2sf)  }
0x2f4: {  	s14 =	sshra.s32 s13, $0x1F;
	[tilespmem:$0x13A90] =	vst v2  }
0x2f5: {  	s1 =	sshrl.u32 s14, $0x1D;
	v2 =	vld [tilespmem:s0+$0x61E]  }
0x2f6: {  	(v2sf) =	vpush v1, $0x3;
	s1 =	sadd.s32 s1, s13  }
0x2f7: {  	s1 =	sand.u32 $0x7FFFF8, s1  }
0x2f8: {  	s0 =	ssub.s32 s13, s1;
	[tilespmem:$0x13AAE] =	vst v0  }
0x2f9: {  	s0 =	sshll.u32 s0, $0x9;
	[tilespmem:$0x13AB0] =	vst v0  }
0x2fa: {  	s0 =	sshra.s32 s0, $0x2;
	[tilespmem:$0x13A9E] =	vst v2  }
0x2fb: {  	v2 =	vld [tilespmem:s0+$0xA00];
	_ =	sdelay $0x4  }
0x2fc: {  	[tilespmem:$0x13B00] =	vst v2  }
0x2fd: {  	v2 =	vld [tilespmem:s0+$0xA10];
	_ =	sdelay $0x3  }
0x2fe: {  	s15 =	spop (v2sf)  }
0x2ff: {  	s16 =	sshra.s32 s15, $0x1F;
	[tilespmem:$0x13B10] =	vst v2  }
0x300: {  	s1 =	sshrl.u32 s16, $0x1D;
	v2 =	vld [tilespmem:s0+$0xA1E]  }
0x301: {  	(v2sf) =	vpush v1, $0x4;
	s1 =	sadd.s32 s1, s15  }
0x302: {  	s1 =	sand.u32 $0x7FFFF8, s1  }
0x303: {  	s0 =	ssub.s32 s15, s1;
	[tilespmem:$0x13B2E] =	vst v0  }
0x304: {  	s0 =	sshll.u32 s0, $0x9;
	[tilespmem:$0x13B30] =	vst v0  }
0x305: {  	s0 =	sshra.s32 s0, $0x2;
	[tilespmem:$0x13B1E] =	vst v2  }
0x306: {  	v2 =	vld [tilespmem:s0+$0xE00];
	_ =	sdelay $0x4  }
0x307: {  	[tilespmem:$0x13B80] =	vst v2  }
0x308: {  	v2 =	vld [tilespmem:s0+$0xE10];
	_ =	sdelay $0x3  }
0x309: {  	s17 =	spop (v2sf)  }
0x30a: {  	s18 =	sshra.s32 s17, $0x1F;
	[tilespmem:$0x13B90] =	vst v2  }
0x30b: {  	s1 =	sshrl.u32 s18, $0x1D;
	v2 =	vld [tilespmem:s0+$0xE1E]  }
0x30c: {  	(v2sf) =	vpush v1, $0x5;
	s1 =	sadd.s32 s1, s17  }
0x30d: {  	s1 =	sand.u32 $0x7FFFF8, s1  }
0x30e: {  	s0 =	ssub.s32 s17, s1;
	[tilespmem:$0x13BAE] =	vst v0  }
0x30f: {  	s0 =	sshll.u32 s0, $0x9;
	[tilespmem:$0x13BB0] =	vst v0  }
0x310: {  	s0 =	sshra.s32 s0, $0x2;
	[tilespmem:$0x13B9E] =	vst v2  }
0x311: {  	v2 =	vld [tilespmem:s0+$0x1200];
	_ =	sdelay $0x4  }
0x312: {  	[tilespmem:$0x13C00] =	vst v2  }
0x313: {  	v2 =	vld [tilespmem:s0+$0x1210];
	_ =	sdelay $0x3  }
0x314: {  	s19 =	spop (v2sf)  }
0x315: {  	s20 =	sshra.s32 s19, $0x1F;
	[tilespmem:$0x13C10] =	vst v2  }
0x316: {  	s1 =	sshrl.u32 s20, $0x1D;
	v2 =	vld [tilespmem:s0+$0x121E]  }
0x317: {  	(v2sf) =	vpush v1, $0x6;
	s1 =	sadd.s32 s1, s19  }
0x318: {  	s1 =	sand.u32 $0x7FFFF8, s1  }
0x319: {  	s0 =	ssub.s32 s19, s1;
	[tilespmem:$0x13C2E] =	vst v0  }
0x31a: {  	s0 =	sshll.u32 s0, $0x9;
	[tilespmem:$0x13C30] =	vst v0  }
0x31b: {  	s0 =	sshra.s32 s0, $0x2;
	[tilespmem:$0x13C1E] =	vst v2  }
0x31c: {  	v2 =	vld [tilespmem:s0+$0x1600];
	_ =	sdelay $0x4  }
0x31d: {  	[tilespmem:$0x13C80] =	vst v2  }
0x31e: {  	v2 =	vld [tilespmem:s0+$0x1610];
	_ =	sdelay $0x3  }
0x31f: {  	s21 =	spop (v2sf)  }
0x320: {  	s22 =	sshra.s32 s21, $0x1F;
	[tilespmem:$0x13C90] =	vst v2  }
0x321: {  	s1 =	sshrl.u32 s22, $0x1D;
	v2 =	vld [tilespmem:s0+$0x161E]  }
0x322: {  	(v2sf) =	vpush v1, $0x7;
	s1 =	sadd.s32 s1, s21  }
0x323: {  	s1 =	sand.u32 $0x7FFFF8, s1  }
0x324: {  	s0 =	ssub.s32 s21, s1;
	[tilespmem:$0x13CAE] =	vst v0  }
0x325: {  	s0 =	sshll.u32 s0, $0x9;
	[tilespmem:$0x13CB0] =	vst v0  }
0x326: {  	s0 =	sshra.s32 s0, $0x2;
	[tilespmem:$0x13C9E] =	vst v2  }
0x327: {  	v2 =	vld [tilespmem:s0+$0x1A00];
	_ =	sdelay $0x4  }
0x328: {  	[tilespmem:$0x13D00] =	vst v2  }
0x329: {  	v2 =	vld [tilespmem:s0+$0x1A10];
	_ =	sdelay $0x3  }
0x32a: {  	s23 =	spop (v2sf)  }
0x32b: {  	s24 =	sshra.s32 s23, $0x1F;
	[tilespmem:$0x13D10] =	vst v2  }
0x32c: {  	s1 =	sshrl.u32 s24, $0x1D;
	v2 =	vld [tilespmem:s0+$0x1A1E]  }
0x32d: {  	s1 =	sadd.s32 s1, s23  }
0x32e: {  	s1 =	sand.u32 $0x7FFFF8, s1  }
0x32f: {  	s0 =	ssub.s32 s23, s1;
	[tilespmem:$0x13D2E] =	vst v0  }
0x330: {  	s0 =	sshll.u32 s0, $0x9;
	[tilespmem:$0x13D30] =	vst v0  }
0x331: {  	s0 =	sshra.s32 s0, $0x2;
	[tilespmem:$0x13D1E] =	vst v2  }
0x332: {  	v2 =	vld [tilespmem:s0+$0x1E00];
	_ =	sdelay $0x4  }
0x333: {  	[tilespmem:$0x13D80] =	vst v2  }
0x334: {  	v2 =	vld [tilespmem:s0+$0x1E10];
	_ =	sdelay $0x4  }
0x335: {  	[tilespmem:$0x13D90] =	vst v2  }
0x336: {  	v2 =	vld [tilespmem:s0+$0x1E1E];
	_ =	sdelay $0x2  }
0x337: {  	[tilespmem:$0x13DAE] =	vst v0  }
0x338: {  	[tilespmem:$0x13DB0] =	vst v0  }
0x339: {  	[tilespmem:$0x13D9E] =	vst v2  }
0x33a: {  	_ =	swait.ge [sflag:s25], $0x400  }
0x33b: {  	[sflag:s25] =	ssyncset.done $0x0  }
0x33c: {  	[sflag:s25] =	ssyncadd.s32 $0xFFFFFC00  }
0x33d: {  	_ =	swait.ge [sflag:s25], $0x400  }
0x33e: {  	[sflag:s25] =	ssyncset.done $0x0  }
0x33f: {  	[sflag:s25] =	ssyncadd.s32 $0xFFFFFC00  }
0x340: {  	_ =	swait.ge [sflag:s25], $0x400  }
0x341: {  	[sflag:s25] =	ssyncset.done $0x0  }
0x342: {  	[sflag:s25] =	ssyncadd.s32 $0xFFFFFC00  }
0x343: {  	_ =	swait.ge [sflag:s25], $0x400  }
0x344: {  	[sflag:s25] =	ssyncset.done $0x0  }
0x345: {  	[sflag:s25] =	ssyncadd.s32 $0xFFFFFC00  }
0x346: {  	_ =	swait.ge [sflag:s25], $0x400  }
0x347: {  	[sflag:s25] =	ssyncset.done $0x0  }
0x348: {  	[sflag:s25] =	ssyncadd.s32 $0xFFFFFC00  }
0x349: {  	_ =	swait.ge [sflag:s25], $0x400  }
0x34a: {  	[sflag:s25] =	ssyncset.done $0x0  }
0x34b: {  	[sflag:s25] =	ssyncadd.s32 $0xFFFFFC00  }
0x34c: {  	_ =	swait.ge [sflag:s25], $0x400  }
0x34d: {  	[sflag:s25] =	ssyncset.done $0x0  }
0x34e: {  	[sflag:s25] =	ssyncadd.s32 $0xFFFFFC00  }
0x34f: {  	_ =	swait.ge [sflag:s25], $0x400  }
0x350: {  	(v2sf) =	vpush v1, $0x8;
	_ =	sdelay $0xe  }
0x351: {  	s26 =	spop (v2sf)  }
0x352: {  	s29 =	sshra.s32 s26, $0x1F  }
0x353: {  	s1 =	sshrl.u32 s29, $0x1D  }
0x354: {  	(v2sf) =	vpush v1, $0x9;
	s1 =	sadd.s32 s1, s26  }
0x355: {  	s1 =	sand.u32 $0x7FFFF8, s1  }
0x356: {  	s0 =	ssub.s32 s26, s1  }
0x357: {  	[sflag:s25] =	ssyncset.done $0x0;
	s0 =	sshll.u32 s0, $0x9  }
0x358: {  	[sflag:s25] =	ssyncadd.s32 $0xFFFFFC00;
	s0 =	sshra.s32 s0, $0x2  }
0x359: {  	v2 =	vld [tilespmem:s0+$0x2200];
	_ =	sdelay $0x4  }
0x35a: {  	[tilespmem:$0x13E00] =	vst v2  }
0x35b: {  	v2 =	vld [tilespmem:s0+$0x2210];
	_ =	sdelay $0x3  }
0x35c: {  	s4 =	spop (v2sf)  }
0x35d: {  	s5 =	sshra.s32 s4, $0x1F;
	[tilespmem:$0x13E10] =	vst v2  }
0x35e: {  	s1 =	sshrl.u32 s5, $0x1D;
	v2 =	vld [tilespmem:s0+$0x221E]  }
0x35f: {  	(v2sf) =	vpush v1, $0xA;
	s1 =	sadd.s32 s1, s4  }
0x360: {  	s1 =	sand.u32 $0x7FFFF8, s1  }
0x361: {  	s0 =	ssub.s32 s4, s1;
	[tilespmem:$0x13E2E] =	vst v0  }
0x362: {  	s0 =	sshll.u32 s0, $0x9;
	[tilespmem:$0x13E30] =	vst v0  }
0x363: {  	s0 =	sshra.s32 s0, $0x2;
	[tilespmem:$0x13E1E] =	vst v2  }
0x364: {  	v2 =	vld [tilespmem:s0+$0x2600];
	_ =	sdelay $0x4  }
0x365: {  	[tilespmem:$0x13E80] =	vst v2  }
0x366: {  	v2 =	vld [tilespmem:s0+$0x2610];
	_ =	sdelay $0x3  }
0x367: {  	s9 =	spop (v2sf)  }
0x368: {  	s11 =	sshra.s32 s9, $0x1F;
	[tilespmem:$0x13E90] =	vst v2  }
0x369: {  	s1 =	sshrl.u32 s11, $0x1D;
	v2 =	vld [tilespmem:s0+$0x261E]  }
0x36a: {  	(v2sf) =	vpush v1, $0xB;
	s1 =	sadd.s32 s1, s9  }
0x36b: {  	s1 =	sand.u32 $0x7FFFF8, s1  }
0x36c: {  	s0 =	ssub.s32 s9, s1;
	[tilespmem:$0x13EAE] =	vst v0  }
0x36d: {  	s0 =	sshll.u32 s0, $0x9;
	[tilespmem:$0x13EB0] =	vst v0  }
0x36e: {  	s0 =	sshra.s32 s0, $0x2;
	[tilespmem:$0x13E9E] =	vst v2  }
0x36f: {  	v2 =	vld [tilespmem:s0+$0x2A00];
	_ =	sdelay $0x4  }
0x370: {  	[tilespmem:$0x13F00] =	vst v2  }
0x371: {  	v2 =	vld [tilespmem:s0+$0x2A10];
	_ =	sdelay $0x3  }
0x372: {  	s13 =	spop (v2sf)  }
0x373: {  	s14 =	sshra.s32 s13, $0x1F;
	[tilespmem:$0x13F10] =	vst v2  }
0x374: {  	s1 =	sshrl.u32 s14, $0x1D;
	v2 =	vld [tilespmem:s0+$0x2A1E]  }
0x375: {  	(v2sf) =	vpush v1, $0xC;
	s1 =	sadd.s32 s1, s13  }
0x376: {  	s1 =	sand.u32 $0x7FFFF8, s1  }
0x377: {  	s0 =	ssub.s32 s13, s1;
	[tilespmem:$0x13F2E] =	vst v0  }
0x378: {  	s0 =	sshll.u32 s0, $0x9;
	[tilespmem:$0x13F30] =	vst v0  }
0x379: {  	s0 =	sshra.s32 s0, $0x2;
	[tilespmem:$0x13F1E] =	vst v2  }
0x37a: {  	v2 =	vld [tilespmem:s0+$0x2E00];
	_ =	sdelay $0x4  }
0x37b: {  	[tilespmem:$0x13F80] =	vst v2  }
0x37c: {  	v2 =	vld [tilespmem:s0+$0x2E10];
	_ =	sdelay $0x3  }
0x37d: {  	s15 =	spop (v2sf)  }
0x37e: {  	s16 =	sshra.s32 s15, $0x1F;
	[tilespmem:$0x13F90] =	vst v2  }
0x37f: {  	s1 =	sshrl.u32 s16, $0x1D;
	v2 =	vld [tilespmem:s0+$0x2E1E]  }
0x380: {  	(v2sf) =	vpush v1, $0xD;
	s1 =	sadd.s32 s1, s15  }
0x381: {  	s1 =	sand.u32 $0x7FFFF8, s1  }
0x382: {  	s0 =	ssub.s32 s15, s1;
	[tilespmem:$0x13FAE] =	vst v0  }
0x383: {  	s0 =	sshll.u32 s0, $0x9;
	[tilespmem:$0x13FB0] =	vst v0  }
0x384: {  	s0 =	sshra.s32 s0, $0x2;
	[tilespmem:$0x13F9E] =	vst v2  }
0x385: {  	v2 =	vld [tilespmem:s0+$0x3200];
	_ =	sdelay $0x4  }
0x386: {  	[tilespmem:$0x14000] =	vst v2  }
0x387: {  	v2 =	vld [tilespmem:s0+$0x3210];
	_ =	sdelay $0x3  }
0x388: {  	s17 =	spop (v2sf)  }
0x389: {  	s18 =	sshra.s32 s17, $0x1F;
	[tilespmem:$0x14010] =	vst v2  }
0x38a: {  	s1 =	sshrl.u32 s18, $0x1D;
	v2 =	vld [tilespmem:s0+$0x321E]  }
0x38b: {  	(v2sf) =	vpush v1, $0xE;
	s1 =	sadd.s32 s1, s17  }
0x38c: {  	s1 =	sand.u32 $0x7FFFF8, s1  }
0x38d: {  	s0 =	ssub.s32 s17, s1;
	[tilespmem:$0x1402E] =	vst v0  }
0x38e: {  	s0 =	sshll.u32 s0, $0x9;
	[tilespmem:$0x14030] =	vst v0  }
0x38f: {  	s0 =	sshra.s32 s0, $0x2;
	[tilespmem:$0x1401E] =	vst v2  }
0x390: {  	v2 =	vld [tilespmem:s0+$0x3600];
	_ =	sdelay $0x4  }
0x391: {  	[tilespmem:$0x14080] =	vst v2  }
0x392: {  	v2 =	vld [tilespmem:s0+$0x3610];
	_ =	sdelay $0x3  }
0x393: {  	s19 =	spop (v2sf)  }
0x394: {  	s20 =	sshra.s32 s19, $0x1F;
	[tilespmem:$0x14090] =	vst v2  }
0x395: {  	s1 =	sshrl.u32 s20, $0x1D;
	v2 =	vld [tilespmem:s0+$0x361E]  }
0x396: {  	(v2sf) =	vpush v1, $0xF;
	s1 =	sadd.s32 s1, s19  }
0x397: {  	s1 =	sand.u32 $0x7FFFF8, s1  }
0x398: {  	s0 =	ssub.s32 s19, s1;
	[tilespmem:$0x140AE] =	vst v0  }
0x399: {  	s0 =	sshll.u32 s0, $0x9;
	[tilespmem:$0x140B0] =	vst v0  }
0x39a: {  	s0 =	sshra.s32 s0, $0x2;
	[tilespmem:$0x1409E] =	vst v2  }
0x39b: {  	v1 =	vld [tilespmem:s0+$0x3A00];
	_ =	sdelay $0x4  }
0x39c: {  	[tilespmem:$0x14100] =	vst v1  }
0x39d: {  	v1 =	vld [tilespmem:s0+$0x3A10];
	_ =	sdelay $0x3  }
0x39e: {  	s21 =	spop (v2sf)  }
0x39f: {  	s22 =	sshra.s32 s21, $0x1F;
	[tilespmem:$0x14110] =	vst v1  }
0x3a0: {  	s1 =	sshrl.u32 s22, $0x1D;
	v1 =	vld [tilespmem:s0+$0x3A1E]  }
0x3a1: {  	s1 =	sadd.s32 s1, s21  }
0x3a2: {  	s1 =	sand.u32 $0x7FFFF8, s1  }
0x3a3: {  	s0 =	ssub.s32 s21, s1;
	[tilespmem:$0x1412E] =	vst v0  }
0x3a4: {  	s0 =	sshll.u32 s0, $0x9;
	[tilespmem:$0x14130] =	vst v0  }
0x3a5: {  	s0 =	sshra.s32 s0, $0x2;
	[tilespmem:$0x1411E] =	vst v1  }
0x3a6: {  	v1 =	vld [tilespmem:s0+$0x3E00];
	_ =	sdelay $0x4  }
0x3a7: {  	[tilespmem:$0x14180] =	vst v1  }
0x3a8: {  	v1 =	vld [tilespmem:s0+$0x3E10];
	_ =	sdelay $0x4  }
0x3a9: {  	[tilespmem:$0x14190] =	vst v1  }
0x3aa: {  	v1 =	vld [tilespmem:s0+$0x3E1E];
	_ =	sdelay $0x2  }
0x3ab: {  	[tilespmem:$0x141AE] =	vst v0  }
0x3ac: {  	[tilespmem:$0x141B0] =	vst v0  }
0x3ad: {  	s24 =	simm.s32 $0x4200;
	s23 =	rddreg [dreg:$0x7];
	s1 =	simm.s32 $0x3;
	[tilespmem:$0x1419E] =	vst v1  }
0x3ae: {  	[hbm4b:s23+s2] =	stream.linear.scatter [tilespmem:s24], [sflag:$0x3], $0x10000, $0x38;
	[tilespmem:$0x14200] =	vst v63  }
0x3af: {  	_ =	swait.ge [sflag:s1], $0x10000  }
0x3b0: {  	s26 =	rddreg [dreg:$0x9]  }
0x3b1: {  	s29 =	rddreg [dreg:$0x8];
	s2 =	sadd.s32 $0x1, s26  }
0x3b2: {  	p0 =	sne.s32 s2, s29  }
.Ltmp1:
0x3b3: {  	_ = 	snop;
	(pc) =	sbr.rel @p0 .LBB2_1-.Ltmp1, $4  }
0x3b4: {  	_ = 	snop  }
0x3b5: {  	s30 =	simm.s32 $0x1600;
	s31 =	simm.s32 $0x1A00;
	s5 =	simm.s32 $0x1E00  }
0x3b6: {  	s22 =	simm.s32 $0x600;
	s23 =	simm.s32 $0xA00;
	[sflag:s1] =	ssyncset.done $0x0  }
0x3b7: {  	s24 =	simm.s32 $0xE00;
	[sflag:s1] =	ssyncadd.s32 $0xFFFF0000;
	s26 =	simm.s32 $0x1200  }
0x3b8: {  	_ =	sfence.sel $0x180000  }
0x3b9: {  	[bflag:$0x0] =	sbarrier.arrive $0xFFFF  }
0x3ba: {  	_ =	strace $0x90000047  }
0x3bb: {  	s0 =	stileid.u32;
	[bflag:$0x2] =	sbarrier.arrive $0xFFFF  }
0x3bc: {  	p0 =	sne.s32 s0, $0x0;
	s0 =	rddreg [dreg:$0x2]  }
0x3bd: {  	s0 =	sadd.s32 @!p0 $0x100000, s0  }
0x3be: {  	[sflag:s0] =	ssyncadd.tile.s32 @!p0 $0x1;
	_ =	shalt  }
.Lfunc_end2:
_tile_overlayer_lowered:
.L_overlay_start_2:
0x3bf: {  	(tag) =	ssettag $0x2  }
0x3c0: {  	s0 =	rddreg [dreg:$0x0];
	s2 =	stileid.u32  }
0x3c1: {  	s1 =	rddreg [dreg:$0x1];
	p0 =	sne.s32 s2, $0x0  }
0x3c2: {  	s3 =	rddreg [dreg:$0x2];
	[bflag:$0x3] =	sbarrier.arrive $0xFFFF;
	s2 =	simm.s32 @!p0 $0x1C03  }
0x3c3: {  	[timem:s3], [sflag:s2] =	dma.local @!p0 [hbm:s0], s1  }
0x3c4: {  	s0 =	simm.s32 @!p0 $0x3  }
0x3c5: {  	_ =	swait.ge @!p0 [sflag:s0], s1  }
0x3c6: {  	s1 =	ssub.s32 @!p0 $0x0, s1;
	[sflag:s0] =	ssyncset.done @!p0 $0x0  }
0x3c7: {  	[sflag:s0] =	ssyncadd.s32 @!p0 s1  }
0x3c8: {  	[bflag:$0x3] =	sbarrier.arrive $0xFFFF  }
0x3c9: {  	_ =	shalt  }

</sc_bundles>
